<compile_context>
chip_gen: v7x
topology: tpu7x:2x2x1
jax: 0.10.2.dev20260603
libtpu: 0.0.44.dev20260713+nightly
codegen_flags: <defaults>
</compile_context>

<pallas_src>
import functools

import jax
import jax.numpy as jnp
from jax import lax
from jax.experimental import pallas as pl
from jax.experimental.pallas import tpu as pltpu
from jax.experimental.pallas import tpu_sc as plsc

N = 10000
E = 320000
D = 128

NC = 2
NS = 16
NW = NC * NS
C = 80
NP = 10240
ROWS_PER_TILE = NP // NS

SEGS = (
    dict(off=0, epw=6000, nchunk=75, ep=94 * 2048),
    dict(off=192000, epw=4000, nchunk=50, ep=63 * 2048),
)

_MESH = plsc.VectorSubcoreMesh(core_axis_name="c", subcore_axis_name="s")


def _stage_a(row, col, curv, x, off, epw, nchunk, ep):
  nsuper = (nchunk - 1) // 2 if nchunk % 2 else (nchunk - 2) // 2

  @functools.partial(
      pl.kernel,
      mesh=_MESH,
      out_type=[
          jax.ShapeDtypeStruct((ep, D), jnp.float32),
          jax.ShapeDtypeStruct((ep,), jnp.float32),
      ],
      scratch_types=[
          pltpu.VMEM((epw,), jnp.int32),
          pltpu.VMEM((epw,), jnp.int32),
          pltpu.VMEM((2, C, D), jnp.float32),
          pltpu.VMEM((2, C), jnp.float32),
          pltpu.VMEM((2, C), jnp.float32),
          pltpu.VMEM((epw,), jnp.float32),
          pltpu.SemaphoreType.DMA,
          pltpu.SemaphoreType.DMA,
      ],
  )
  def a_kernel(row_hbm, col_hbm, curv_hbm, x_hbm, xg_out, dif_out,
               ridx_v, cidx_v, rowsg_v, cr_v, cc_v, dif_v, semA, semB):
    cid = lax.axis_index("c")
    sid = lax.axis_index("s")
    base = (cid * NS + sid) * epw
    sems = (semA, semB)

    pltpu.sync_copy(row_hbm.at[pl.ds(off + base, epw)], ridx_v)
    pltpu.sync_copy(col_hbm.at[pl.ds(off + base, epw)], cidx_v)

    def fire(g, p):
      gb = g * C
      pltpu.async_copy(x_hbm.at[cidx_v.at[pl.ds(gb, C)]], rowsg_v.at[p], sems[p])
      pltpu.async_copy(curv_hbm.at[ridx_v.at[pl.ds(gb, C)]], cr_v.at[p], sems[p])
      pltpu.async_copy(curv_hbm.at[cidx_v.at[pl.ds(gb, C)]], cc_v.at[p], sems[p])

    def wait(p):
      pltpu.make_async_copy(x_hbm.at[cidx_v.at[pl.ds(0, C)]], rowsg_v.at[p], sems[p]).wait()
      pltpu.make_async_copy(curv_hbm.at[ridx_v.at[pl.ds(0, C)]], cr_v.at[p], sems[p]).wait()
      pltpu.make_async_copy(curv_hbm.at[ridx_v.at[pl.ds(0, C)]], cc_v.at[p], sems[p]).wait()

    def emit(g, p):
      gb = g * C
      for o in range(0, C, 16):
        dif_v[pl.ds(gb + o, 16)] = jnp.abs(cr_v[p, pl.ds(o, 16)] - cc_v[p, pl.ds(o, 16)])
      pltpu.sync_copy(rowsg_v.at[p], xg_out.at[pl.ds(base + gb, C)])

    fire(0, 0)

    def superstep(i, _):
      g0 = 2 * i
      fire(g0 + 1, 1)
      wait(0)
      emit(g0, 0)
      fire(g0 + 2, 0)
      wait(1)
      emit(g0 + 1, 1)
      return 0

    lax.fori_loop(0, nsuper, superstep, 0)
    if nchunk % 2:
      wait(0)
      emit(nchunk - 1, 0)
    else:
      fire(nchunk - 1, 1)
      wait(0)
      emit(nchunk - 2, 0)
      wait(1)
      emit(nchunk - 1, 1)
    pltpu.sync_copy(dif_v, dif_out.at[pl.ds(base, epw)])

  return a_kernel(row, col, curv, x)


def _gate_body(xg_ref, dif_ref, wc_ref, bc_ref, out_ref):
  z = dif_ref[...][:, None] * wc_ref[...] + bc_ref[...]
  w = 1.0 / (1.0 + jnp.exp(-z))
  out_ref[...] = xg_ref[...] * w


def _stage_b(xg, dif, wc, bc, ep):
  B = 2048
  grid = ep // B
  return pl.pallas_call(
      _gate_body,
      grid=(grid,),
      in_specs=[
          pl.BlockSpec((B, D), lambda i: (i, 0)),
          pl.BlockSpec((B,), lambda i: (i,)),
          pl.BlockSpec((1, D), lambda i: (0, 0)),
          pl.BlockSpec((1, D), lambda i: (0, 0)),
      ],
      out_specs=pl.BlockSpec((B, D), lambda i: (i, 0)),
      out_shape=jax.ShapeDtypeStruct((ep, D), jnp.float32),
  )(xg, dif, wc[None, :], bc[None, :])


def _stage_c(row, vals, off, epw, nchunk):
  nsuper = (nchunk - 1) // 2 if nchunk % 2 else (nchunk - 2) // 2

  @functools.partial(
      pl.kernel,
      mesh=_MESH,
      out_type=[
          jax.ShapeDtypeStruct((NC, NP, D), jnp.float32),
          jax.ShapeDtypeStruct((NC, NP), jnp.float32),
      ],
      scratch_types=[
          pltpu.VMEM((2, C), jnp.int32),
          pltpu.VMEM((2, C, D), jnp.float32),
          pltpu.VMEM((C,), jnp.float32),
          pltpu.VMEM((ROWS_PER_TILE,), jnp.float32),
          pltpu.VMEM_SHARED((NP, D), jnp.float32),
          pltpu.VMEM_SHARED((NP,), jnp.float32),
          pltpu.SemaphoreType.DMA,
          pltpu.SemaphoreType.DMA,
      ],
  )
  def c_kernel(row_hbm, vals_hbm, acc_out, cnt_out,
               ridx_v, valsb_v, ones_v, zcnt_v, acc_s, cnt_s, semA, semB):
    cid = lax.axis_index("c")
    sid = lax.axis_index("s")
    base = (cid * NS + sid) * epw
    sems = (semA, semB)

    zero16 = jnp.zeros((16,), jnp.float32)
    one16 = jnp.ones((16,), jnp.float32)

    def zfill(i, _):
      for k in range(D // 16):
        valsb_v[0, i, pl.ds(k * 16, 16)] = zero16
      return 0
    lax.fori_loop(0, C, zfill, 0)

    def zcnt_fill(i, _):
      zcnt_v[pl.ds(i * 16, 16)] = zero16
      return 0
    lax.fori_loop(0, ROWS_PER_TILE // 16, zcnt_fill, 0)

    for o in range(0, C, 16):
      ones_v[pl.ds(o, 16)] = one16

    for j in range(ROWS_PER_TILE // C):
      pltpu.sync_copy(valsb_v.at[0], acc_s.at[pl.ds(sid * ROWS_PER_TILE + j * C, C)])
    pltpu.sync_copy(zcnt_v, cnt_s.at[pl.ds(sid * ROWS_PER_TILE, ROWS_PER_TILE)])
    plsc.subcore_barrier()

    def fire(g, p):
      eb = base + g * C
      pltpu.sync_copy(row_hbm.at[pl.ds(off + eb, C)], ridx_v.at[p])
      pltpu.async_copy(vals_hbm.at[pl.ds(eb, C)], valsb_v.at[p], sems[p])

    def wait(p):
      pltpu.make_async_copy(vals_hbm.at[pl.ds(0, C)], valsb_v.at[p], sems[p]).wait()

    def scatter(p):
      pltpu.sync_copy(valsb_v.at[p], acc_s.at[ridx_v.at[p]], add=True)
      pltpu.sync_copy(ones_v, cnt_s.at[ridx_v.at[p]], add=True)

    fire(0, 0)

    def superstep(i, _):
      g0 = 2 * i
      fire(g0 + 1, 1)
      wait(0)
      scatter(0)
      fire(g0 + 2, 0)
      wait(1)
      scatter(1)
      return 0

    lax.fori_loop(0, nsuper, superstep, 0)
    if nchunk % 2:
      wait(0)
      scatter(0)
    else:
      fire(nchunk - 1, 1)
      wait(0)
      scatter(0)
      wait(1)
      scatter(1)
    plsc.subcore_barrier()

    pltpu.sync_copy(acc_s.at[pl.ds(sid * ROWS_PER_TILE, ROWS_PER_TILE)],
                    acc_out.at[cid, pl.ds(sid * ROWS_PER_TILE, ROWS_PER_TILE)])
    pltpu.sync_copy(cnt_s.at[pl.ds(sid * ROWS_PER_TILE, ROWS_PER_TILE)],
                    cnt_out.at[cid, pl.ds(sid * ROWS_PER_TILE, ROWS_PER_TILE)])

  return c_kernel(row, vals)


def _tc_finish_body(acc_ref, cnt_ref, acc2_ref, cnt2_ref, wl_ref, bl_ref, out_ref):
  feat = acc_ref[0] + acc_ref[1] + acc2_ref[0] + acc2_ref[1]
  cnt = cnt_ref[0] + cnt_ref[1] + cnt2_ref[0] + cnt2_ref[1]
  inv = 1.0 / jnp.maximum(cnt, 1.0)
  mean = feat * inv[:, None]
  h = lax.dot_general(mean, wl_ref[...], (((1,), (1,)), ((), ())),
                      preferred_element_type=jnp.float32)
  h = h + bl_ref[...][None, :]
  out_ref[...] = 0.5 * h * (1.0 + lax.erf(h * (2.0 ** -0.5)))


def _tc_finish(acc, cnt, acc2, cnt2, W_lin, b_lin):
  return pl.pallas_call(
      _tc_finish_body,
      out_shape=jax.ShapeDtypeStruct((NP, D), jnp.float32),
  )(acc, cnt, acc2, cnt2, W_lin, b_lin)


@jax.jit
def kernel(x, edge_index, curvature, W_lin, b_lin, W_curv, b_curv):
  row = edge_index[0]
  col = edge_index[1]
  wc = W_curv[:, 0]
  s0, s1 = SEGS
  xg0, d0 = _stage_a(row, col, curvature, x, s0["off"], s0["epw"], s0["nchunk"], s0["ep"])
  v0 = _stage_b(xg0, d0, wc, b_curv, s0["ep"])
  xg1, d1 = _stage_a(row, col, curvature, x, s1["off"], s1["epw"], s1["nchunk"], s1["ep"])
  v1 = _stage_b(xg1, d1, wc, b_curv, s1["ep"])
  acc0, cnt0 = _stage_c(row, v0, s0["off"], s0["epw"], s0["nchunk"])
  acc1, cnt1 = _stage_c(row, v1, s1["off"], s1["epw"], s1["nchunk"])
  return _tc_finish(acc0, cnt0, acc1, cnt1, W_lin, b_lin)[:N]

# --- scband reference (transcript-rebuilt; emitter-appended) ---
"""Pipeline reference for scband-geometric-graph-neural-network-90056874262562 (READ-ONLY COPY).

The authoritative reference and input builder live on the scoring server;
editing this copy changes nothing except your own understanding.
"""

import jax, jax.numpy as jnp
import numpy as np

N, E, D = 10000, 320000, 128

def setup_inputs(seed: int = 0) -> dict:
    key = jax.random.key(seed)
    ks = jax.random.split(key, 6)
    x = jax.random.normal(ks[0], (N, D), dtype=jnp.float32)
    edge_index = jax.random.randint(ks[1], (2, E), 0, N, dtype=jnp.int32)
    curvature = jax.random.normal(ks[2], (N,), dtype=jnp.float32)
    # learned params: linear (in_dim=128 -> out_dim=128) and curvature_weights (1 -> 128)
    W_lin = jax.random.normal(ks[3], (D, D), dtype=jnp.float32) * (1.0 / np.sqrt(D))
    b_lin = jnp.zeros((D,), dtype=jnp.float32)
    W_curv = jax.random.normal(ks[4], (D, 1), dtype=jnp.float32)
    b_curv = jnp.zeros((D,), dtype=jnp.float32)
    return {"x": x, "edge_index": edge_index, "curvature": curvature,
            "W_lin": W_lin, "b_lin": b_lin, "W_curv": W_curv, "b_curv": b_curv}

def reference(x, edge_index, curvature, W_lin, b_lin, W_curv, b_curv):
    row = edge_index[0]
    col = edge_index[1]
    # curvature difference per edge -> [E, 1]
    curvature_diff = jnp.abs(curvature[row] - curvature[col])[:, None]
    # Linear(1, out_dim) then sigmoid -> [E, D]
    curvature_weight = jax.nn.sigmoid(curvature_diff @ W_curv.T + b_curv)
    # gather source node features and modulate
    vals = x[col] * curvature_weight  # [E, D]
    # scatter_mean over destination (row), dim_size = N
    s = jax.ops.segment_sum(vals, row, num_segments=N)
    cnt = jax.ops.segment_sum(jnp.ones((E, 1), dtype=vals.dtype), row, num_segments=N)
    mean = s / jnp.maximum(cnt, 1.0)
    out = mean @ W_lin.T + b_lin
    return jax.nn.gelu(out, approximate=False)

if __name__ == "__main__":
    import jax
    _d = setup_inputs()
    print(jax.jit(kernel)(*tuple(_d.values())))

</pallas_src>

<mosaic_0001>
#map = affine_map<(d0, d1) -> (0)>
#map1 = affine_map<(d0, d1) -> (0, 0)>
#map2 = affine_map<(d0, d1) -> (0, 0, 0)>
module attributes {stable_mosaic.version = 14 : i64} {
  func.func @c_kernel(%arg0: i32, %arg1: i32, %arg2: memref<320000xi32, #tpu.memory_space<hbm>>, %arg3: memref<129024x128xf32, #tpu.memory_space<hbm>>, %arg4: memref<2x10240x128xf32, #tpu.memory_space<hbm>>, %arg5: memref<2x10240xf32, #tpu.memory_space<hbm>>, %arg6: memref<2x80xi32, #tpu.memory_space<vmem>>, %arg7: memref<2x80x128xf32, #tpu.memory_space<vmem>>, %arg8: memref<80xf32, #tpu.memory_space<vmem>>, %arg9: memref<640xf32, #tpu.memory_space<vmem>>, %arg10: memref<10240x128xf32, #tpu.memory_space<vmem_shared>>, %arg11: memref<10240xf32, #tpu.memory_space<vmem_shared>>, %arg12: memref<!tpu.dma_semaphore, #tpu.memory_space<semaphore_mem>>, %arg13: memref<!tpu.dma_semaphore, #tpu.memory_space<semaphore_mem>>) attributes {dimension_semantics = [#tpu.dimension_semantics<core_parallel>, #tpu.dimension_semantics<subcore_parallel>], iteration_bounds = array<i64: 2, 16>, scalar_prefetch = 0 : i64, scratch_operands = 8 : i64, tpu.core_type = #tpu.core_type<sc_vector_subcore>, window_params = [{transform_indices = #map}, {transform_indices = #map1}, {transform_indices = #map2}, {transform_indices = #map1}]} {
    %mul3A = arith.constant 16 : i32
    %mul3A_0 = arith.muli %arg0, %mul3A : i32
    %add3A = arith.addi %mul3A_0, %arg1 : i32
    %mul3A_1 = arith.constant 4000 : i32
    %mul3A_2 = arith.muli %add3A, %mul3A_1 : i32
    %broadcast_in_dim3A = arith.constant 0.000000e+00 : f32
    %broadcast_in_dim3A_3 = vector.broadcast %broadcast_in_dim3A : f32 to vector<16xf32>
    %broadcast_in_dim3A_4 = arith.constant 1.000000e+00 : f32
    %broadcast_in_dim3A_5 = vector.broadcast %broadcast_in_dim3A_4 : f32 to vector<16xf32>
    %scan3A = arith.constant 0 : i32
    %scan3A_6 = arith.constant 0 : i32
    %scan3A_7 = arith.constant 80 : i32
    %scan3A_8 = arith.addi %scan3A_6, %scan3A_7 : i32
    %scan3A_9 = arith.constant 1 : i32
    %scan3A_10 = scf.for %scan3A_165 = %scan3A_6 to %scan3A_8 step %scan3A_9 iter_args(%scan3A_166 = %scan3A) -> (i32)  : i32 {
      %swap3A_167 = arith.constant 0 : i32
      %swap3A_168 = arith.index_cast %swap3A_167 : i32 to index
      %swap3A_169 = arith.index_cast %scan3A_165 : i32 to index
      %swap3A_170 = arith.constant 0 : index
      %swap3A_171 = tpu.vector_load %arg7[%swap3A_168, %swap3A_169, %swap3A_170] {strides = array<i32>} : memref<2x80x128xf32, #tpu.memory_space<vmem>>, vector<1x1x16xf32>,
      %swap3A_172 = vector.shape_cast %swap3A_171 : vector<1x1x16xf32> to vector<16xf32>
      %swap3A_173 = vector.shape_cast %broadcast_in_dim3A_3 : vector<16xf32> to vector<1x1x16xf32>
      tpu.vector_store %arg7[%swap3A_168, %swap3A_169, %swap3A_170], %swap3A_173 {strides = array<i32>} : memref<2x80x128xf32, #tpu.memory_space<vmem>>, vector<1x1x16xf32>,
      %swap3A_174 = arith.constant 0 : i32
      %swap3A_175 = arith.index_cast %swap3A_174 : i32 to index
      %swap3A_176 = arith.index_cast %scan3A_165 : i32 to index
      %swap3A_177 = arith.constant 16 : index
      %swap3A_178 = tpu.vector_load %arg7[%swap3A_175, %swap3A_176, %swap3A_177] {strides = array<i32>} : memref<2x80x128xf32, #tpu.memory_space<vmem>>, vector<1x1x16xf32>,
      %swap3A_179 = vector.shape_cast %swap3A_178 : vector<1x1x16xf32> to vector<16xf32>
      %swap3A_180 = vector.shape_cast %broadcast_in_dim3A_3 : vector<16xf32> to vector<1x1x16xf32>
      tpu.vector_store %arg7[%swap3A_175, %swap3A_176, %swap3A_177], %swap3A_180 {strides = array<i32>} : memref<2x80x128xf32, #tpu.memory_space<vmem>>, vector<1x1x16xf32>,
      %swap3A_181 = arith.constant 0 : i32
      %swap3A_182 = arith.index_cast %swap3A_181 : i32 to index
      %swap3A_183 = arith.index_cast %scan3A_165 : i32 to index
      %swap3A_184 = arith.constant 32 : index
      %swap3A_185 = tpu.vector_load %arg7[%swap3A_182, %swap3A_183, %swap3A_184] {strides = array<i32>} : memref<2x80x128xf32, #tpu.memory_space<vmem>>, vector<1x1x16xf32>,
      %swap3A_186 = vector.shape_cast %swap3A_185 : vector<1x1x16xf32> to vector<16xf32>
      %swap3A_187 = vector.shape_cast %broadcast_in_dim3A_3 : vector<16xf32> to vector<1x1x16xf32>
      tpu.vector_store %arg7[%swap3A_182, %swap3A_183, %swap3A_184], %swap3A_187 {strides = array<i32>} : memref<2x80x128xf32, #tpu.memory_space<vmem>>, vector<1x1x16xf32>,
      %swap3A_188 = arith.constant 0 : i32
      %swap3A_189 = arith.index_cast %swap3A_188 : i32 to index
      %swap3A_190 = arith.index_cast %scan3A_165 : i32 to index
      %swap3A_191 = arith.constant 48 : index
      %swap3A_192 = tpu.vector_load %arg7[%swap3A_189, %swap3A_190, %swap3A_191] {strides = array<i32>} : memref<2x80x128xf32, #tpu.memory_space<vmem>>, vector<1x1x16xf32>,
      %swap3A_193 = vector.shape_cast %swap3A_192 : vector<1x1x16xf32> to vector<16xf32>
      %swap3A_194 = vector.shape_cast %broadcast_in_dim3A_3 : vector<16xf32> to vector<1x1x16xf32>
      tpu.vector_store %arg7[%swap3A_189, %swap3A_190, %swap3A_191], %swap3A_194 {strides = array<i32>} : memref<2x80x128xf32, #tpu.memory_space<vmem>>, vector<1x1x16xf32>,
      %swap3A_195 = arith.constant 0 : i32
      %swap3A_196 = arith.index_cast %swap3A_195 : i32 to index
      %swap3A_197 = arith.index_cast %scan3A_165 : i32 to index
      %swap3A_198 = arith.constant 64 : index
      %swap3A_199 = tpu.vector_load %arg7[%swap3A_196, %swap3A_197, %swap3A_198] {strides = array<i32>} : memref<2x80x128xf32, #tpu.memory_space<vmem>>, vector<1x1x16xf32>,
      %swap3A_200 = vector.shape_cast %swap3A_199 : vector<1x1x16xf32> to vector<16xf32>
      %swap3A_201 = vector.shape_cast %broadcast_in_dim3A_3 : vector<16xf32> to vector<1x1x16xf32>
      tpu.vector_store %arg7[%swap3A_196, %swap3A_197, %swap3A_198], %swap3A_201 {strides = array<i32>} : memref<2x80x128xf32, #tpu.memory_space<vmem>>, vector<1x1x16xf32>,
      %swap3A_202 = arith.constant 0 : i32
      %swap3A_203 = arith.index_cast %swap3A_202 : i32 to index
      %swap3A_204 = arith.index_cast %scan3A_165 : i32 to index
      %swap3A_205 = arith.constant 80 : index
      %swap3A_206 = tpu.vector_load %arg7[%swap3A_203, %swap3A_204, %swap3A_205] {strides = array<i32>} : memref<2x80x128xf32, #tpu.memory_space<vmem>>, vector<1x1x16xf32>,
      %swap3A_207 = vector.shape_cast %swap3A_206 : vector<1x1x16xf32> to vector<16xf32>
      %swap3A_208 = vector.shape_cast %broadcast_in_dim3A_3 : vector<16xf32> to vector<1x1x16xf32>
      tpu.vector_store %arg7[%swap3A_203, %swap3A_204, %swap3A_205], %swap3A_208 {strides = array<i32>} : memref<2x80x128xf32, #tpu.memory_space<vmem>>, vector<1x1x16xf32>,
      %swap3A_209 = arith.constant 0 : i32
      %swap3A_210 = arith.index_cast %swap3A_209 : i32 to index
      %swap3A_211 = arith.index_cast %scan3A_165 : i32 to index
      %swap3A_212 = arith.constant 96 : index
      %swap3A_213 = tpu.vector_load %arg7[%swap3A_210, %swap3A_211, %swap3A_212] {strides = array<i32>} : memref<2x80x128xf32, #tpu.memory_space<vmem>>, vector<1x1x16xf32>,
      %swap3A_214 = vector.shape_cast %swap3A_213 : vector<1x1x16xf32> to vector<16xf32>
      %swap3A_215 = vector.shape_cast %broadcast_in_dim3A_3 : vector<16xf32> to vector<1x1x16xf32>
      tpu.vector_store %arg7[%swap3A_210, %swap3A_211, %swap3A_212], %swap3A_215 {strides = array<i32>} : memref<2x80x128xf32, #tpu.memory_space<vmem>>, vector<1x1x16xf32>,
      %swap3A_216 = arith.constant 0 : i32
      %swap3A_217 = arith.index_cast %swap3A_216 : i32 to index
      %swap3A_218 = arith.index_cast %scan3A_165 : i32 to index
      %swap3A_219 = arith.constant 112 : index
      %swap3A_220 = tpu.vector_load %arg7[%swap3A_217, %swap3A_218, %swap3A_219] {strides = array<i32>} : memref<2x80x128xf32, #tpu.memory_space<vmem>>, vector<1x1x16xf32>,
      %swap3A_221 = vector.shape_cast %swap3A_220 : vector<1x1x16xf32> to vector<16xf32>
      %swap3A_222 = vector.shape_cast %broadcast_in_dim3A_3 : vector<16xf32> to vector<1x1x16xf32>
      tpu.vector_store %arg7[%swap3A_217, %swap3A_218, %swap3A_219], %swap3A_222 {strides = array<i32>} : memref<2x80x128xf32, #tpu.memory_space<vmem>>, vector<1x1x16xf32>,
      %scan3A_223 = arith.constant 0 : i32
      scf.yield %scan3A_223 : i32
    }
    %scan3A_11 = arith.constant 80 : i32
    %scan3A_12 = arith.constant 0 : i32
    %scan3A_13 = arith.constant 0 : i32
    %scan3A_14 = arith.constant 40 : i32
    %scan3A_15 = arith.addi %scan3A_13, %scan3A_14 : i32
    %scan3A_16 = arith.constant 1 : i32
    %scan3A_17 = scf.for %scan3A_165 = %scan3A_13 to %scan3A_15 step %scan3A_16 iter_args(%scan3A_166 = %scan3A_12) -> (i32)  : i32 {
      %mul3A_167 = arith.constant 16 : i32
      %mul3A_168 = arith.muli %scan3A_165, %mul3A_167 : i32
      %swap3A_169 = arith.index_cast %mul3A_168 : i32 to index
      %swap3A_170 = tpu.vector_load %arg9[%swap3A_169] {strides = array<i32>} : memref<640xf32, #tpu.memory_space<vmem>>, vector<16xf32>,
      %swap3A_171 = vector.shape_cast %swap3A_170 : vector<16xf32> to vector<16xf32>
      %swap3A_172 = vector.shape_cast %broadcast_in_dim3A_3 : vector<16xf32> to vector<16xf32>
      tpu.vector_store %arg9[%swap3A_169], %swap3A_172 {strides = array<i32>} : memref<640xf32, #tpu.memory_space<vmem>>, vector<16xf32>,
      %scan3A_173 = arith.constant 0 : i32
      scf.yield %scan3A_173 : i32
    }
    %scan3A_18 = arith.constant 40 : i32
    %swap3A = arith.constant 0 : index
    %swap3A_19 = tpu.vector_load %arg8[%swap3A] {strides = array<i32>} : memref<80xf32, #tpu.memory_space<vmem>>, vector<16xf32>,
    %swap3A_20 = vector.shape_cast %swap3A_19 : vector<16xf32> to vector<16xf32>
    %swap3A_21 = vector.shape_cast %broadcast_in_dim3A_5 : vector<16xf32> to vector<16xf32>
    tpu.vector_store %arg8[%swap3A], %swap3A_21 {strides = array<i32>} : memref<80xf32, #tpu.memory_space<vmem>>, vector<16xf32>,
    %swap3A_22 = arith.constant 16 : index
    %swap3A_23 = tpu.vector_load %arg8[%swap3A_22] {strides = array<i32>} : memref<80xf32, #tpu.memory_space<vmem>>, vector<16xf32>,
    %swap3A_24 = vector.shape_cast %swap3A_23 : vector<16xf32> to vector<16xf32>
    %swap3A_25 = vector.shape_cast %broadcast_in_dim3A_5 : vector<16xf32> to vector<16xf32>
    tpu.vector_store %arg8[%swap3A_22], %swap3A_25 {strides = array<i32>} : memref<80xf32, #tpu.memory_space<vmem>>, vector<16xf32>,
    %swap3A_26 = arith.constant 32 : index
    %swap3A_27 = tpu.vector_load %arg8[%swap3A_26] {strides = array<i32>} : memref<80xf32, #tpu.memory_space<vmem>>, vector<16xf32>,
    %swap3A_28 = vector.shape_cast %swap3A_27 : vector<16xf32> to vector<16xf32>
    %swap3A_29 = vector.shape_cast %broadcast_in_dim3A_5 : vector<16xf32> to vector<16xf32>
    tpu.vector_store %arg8[%swap3A_26], %swap3A_29 {strides = array<i32>} : memref<80xf32, #tpu.memory_space<vmem>>, vector<16xf32>,
    %swap3A_30 = arith.constant 48 : index
    %swap3A_31 = tpu.vector_load %arg8[%swap3A_30] {strides = array<i32>} : memref<80xf32, #tpu.memory_space<vmem>>, vector<16xf32>,
    %swap3A_32 = vector.shape_cast %swap3A_31 : vector<16xf32> to vector<16xf32>
    %swap3A_33 = vector.shape_cast %broadcast_in_dim3A_5 : vector<16xf32> to vector<16xf32>
    tpu.vector_store %arg8[%swap3A_30], %swap3A_33 {strides = array<i32>} : memref<80xf32, #tpu.memory_space<vmem>>, vector<16xf32>,
    %swap3A_34 = arith.constant 64 : index
    %swap3A_35 = tpu.vector_load %arg8[%swap3A_34] {strides = array<i32>} : memref<80xf32, #tpu.memory_space<vmem>>, vector<16xf32>,
    %swap3A_36 = vector.shape_cast %swap3A_35 : vector<16xf32> to vector<16xf32>
    %swap3A_37 = vector.shape_cast %broadcast_in_dim3A_5 : vector<16xf32> to vector<16xf32>
    tpu.vector_store %arg8[%swap3A_34], %swap3A_37 {strides = array<i32>} : memref<80xf32, #tpu.memory_space<vmem>>, vector<16xf32>,
    %mul3A_38 = arith.constant 640 : i32
    %mul3A_39 = arith.muli %arg1, %mul3A_38 : i32
    %add3A_40 = arith.constant 0 : i32
    %add3A_41 = arith.addi %mul3A_39, %add3A_40 : i32
    %run_scoped3A = arith.constant 0 : i32
    "tpu.region"() ({
      %run_scoped3A_165 = tpu.sem_alloc : memref<!tpu.dma_semaphore, #tpu.memory_space<semaphore_mem>>
      %dma_start3A_166 = arith.constant 0 : i32
      %dma_start3A_167 = arith.constant 0 : i32
      %dma_start3A_168 = tpu.memref_slice %arg7[%run_scoped3A, %dma_start3A_166, %dma_start3A_167] : memref<2x80x128xf32, #tpu.memory_space<vmem>> -> memref<1x80x128xf32, #tpu.memory_space<vmem>>
      %dma_start3A_169 = tpu.memref_squeeze %dma_start3A_168 : memref<1x80x128xf32, #tpu.memory_space<vmem>> -> memref<80x128xf32, #tpu.memory_space<vmem>>
      %dma_start3A_170 = arith.constant 0 : i32
      %dma_start3A_171 = tpu.memref_slice %arg10[%add3A_41, %dma_start3A_170] : memref<10240x128xf32, #tpu.memory_space<vmem_shared>> -> memref<80x128xf32, #tpu.memory_space<vmem_shared>>
      %dma_start3A_172 = arith.constant 0 : i32
      %dma_start3A_173 = tpu.memref_slice %arg10[%add3A_41, %dma_start3A_172] : memref<10240x128xf32, #tpu.memory_space<vmem_shared>> -> memref<80x128xf32, #tpu.memory_space<vmem_shared>>
      %dma_start3A_174 = arith.constant 0 : i32
      %dma_start3A_175 = arith.constant 0 : i32
      %dma_start3A_176 = tpu.memref_slice %arg7[%run_scoped3A, %dma_start3A_174, %dma_start3A_175] : memref<2x80x128xf32, #tpu.memory_space<vmem>> -> memref<1x80x128xf32, #tpu.memory_space<vmem>>
      %dma_start3A_177 = tpu.memref_squeeze %dma_start3A_176 : memref<1x80x128xf32, #tpu.memory_space<vmem>> -> memref<80x128xf32, #tpu.memory_space<vmem>>
      tpu.enqueue_dma source(%dma_start3A_177 : memref<80x128xf32, #tpu.memory_space<vmem>>) target(%dma_start3A_173 : memref<80x128xf32, #tpu.memory_space<vmem_shared>>) target_semaphore(%run_scoped3A_165 : memref<!tpu.dma_semaphore, #tpu.memory_space<semaphore_mem>>)
      %dma_wait3A_178 = arith.constant 0 : i32
      %dma_wait3A_179 = arith.constant 0 : i32
      %dma_wait3A_180 = tpu.memref_slice %arg7[%run_scoped3A, %dma_wait3A_178, %dma_wait3A_179] : memref<2x80x128xf32, #tpu.memory_space<vmem>> -> memref<1x80x128xf32, #tpu.memory_space<vmem>>
      %dma_wait3A_181 = tpu.memref_squeeze %dma_wait3A_180 : memref<1x80x128xf32, #tpu.memory_space<vmem>> -> memref<80x128xf32, #tpu.memory_space<vmem>>
      %dma_wait3A_182 = arith.constant 0 : i32
      %dma_wait3A_183 = tpu.memref_slice %arg10[%add3A_41, %dma_wait3A_182] : memref<10240x128xf32, #tpu.memory_space<vmem_shared>> -> memref<80x128xf32, #tpu.memory_space<vmem_shared>>
      %dma_wait3A_184 = arith.constant 0 : i32
      %dma_wait3A_185 = tpu.memref_slice %arg10[%add3A_41, %dma_wait3A_184] : memref<10240x128xf32, #tpu.memory_space<vmem_shared>> -> memref<80x128xf32, #tpu.memory_space<vmem_shared>>
      %dma_wait3A_186 = arith.constant 0 : i32
      %dma_wait3A_187 = arith.constant 0 : i32
      %dma_wait3A_188 = tpu.memref_slice %arg7[%run_scoped3A, %dma_wait3A_186, %dma_wait3A_187] : memref<2x80x128xf32, #tpu.memory_space<vmem>> -> memref<1x80x128xf32, #tpu.memory_space<vmem>>
      %dma_wait3A_189 = tpu.memref_squeeze %dma_wait3A_188 : memref<1x80x128xf32, #tpu.memory_space<vmem>> -> memref<80x128xf32, #tpu.memory_space<vmem>>
      tpu.wait_dma2 semaphore(%run_scoped3A_165 : memref<!tpu.dma_semaphore, #tpu.memory_space<semaphore_mem>>) src(%dma_wait3A_189 : memref<80x128xf32, #tpu.memory_space<vmem>>) dst(%dma_wait3A_185 : memref<80x128xf32, #tpu.memory_space<vmem_shared>>)
      tpu.yield
    }) : () -> ()
    %mul3A_42 = arith.constant 640 : i32
    %mul3A_43 = arith.muli %arg1, %mul3A_42 : i32
    %add3A_44 = arith.constant 80 : i32
    %add3A_45 = arith.addi %mul3A_43, %add3A_44 : i32
    %run_scoped3A_46 = arith.constant 0 : i32
    "tpu.region"() ({
      %run_scoped3A_165 = tpu.sem_alloc : memref<!tpu.dma_semaphore, #tpu.memory_space<semaphore_mem>>
      %dma_start3A_166 = arith.constant 0 : i32
      %dma_start3A_167 = arith.constant 0 : i32
      %dma_start3A_168 = tpu.memref_slice %arg7[%run_scoped3A_46, %dma_start3A_166, %dma_start3A_167] : memref<2x80x128xf32, #tpu.memory_space<vmem>> -> memref<1x80x128xf32, #tpu.memory_space<vmem>>
      %dma_start3A_169 = tpu.memref_squeeze %dma_start3A_168 : memref<1x80x128xf32, #tpu.memory_space<vmem>> -> memref<80x128xf32, #tpu.memory_space<vmem>>
      %dma_start3A_170 = arith.constant 0 : i32
      %dma_start3A_171 = tpu.memref_slice %arg10[%add3A_45, %dma_start3A_170] : memref<10240x128xf32, #tpu.memory_space<vmem_shared>> -> memref<80x128xf32, #tpu.memory_space<vmem_shared>>
      %dma_start3A_172 = arith.constant 0 : i32
      %dma_start3A_173 = tpu.memref_slice %arg10[%add3A_45, %dma_start3A_172] : memref<10240x128xf32, #tpu.memory_space<vmem_shared>> -> memref<80x128xf32, #tpu.memory_space<vmem_shared>>
      %dma_start3A_174 = arith.constant 0 : i32
      %dma_start3A_175 = arith.constant 0 : i32
      %dma_start3A_176 = tpu.memref_slice %arg7[%run_scoped3A_46, %dma_start3A_174, %dma_start3A_175] : memref<2x80x128xf32, #tpu.memory_space<vmem>> -> memref<1x80x128xf32, #tpu.memory_space<vmem>>
      %dma_start3A_177 = tpu.memref_squeeze %dma_start3A_176 : memref<1x80x128xf32, #tpu.memory_space<vmem>> -> memref<80x128xf32, #tpu.memory_space<vmem>>
      tpu.enqueue_dma source(%dma_start3A_177 : memref<80x128xf32, #tpu.memory_space<vmem>>) target(%dma_start3A_173 : memref<80x128xf32, #tpu.memory_space<vmem_shared>>) target_semaphore(%run_scoped3A_165 : memref<!tpu.dma_semaphore, #tpu.memory_space<semaphore_mem>>)
      %dma_wait3A_178 = arith.constant 0 : i32
      %dma_wait3A_179 = arith.constant 0 : i32
      %dma_wait3A_180 = tpu.memref_slice %arg7[%run_scoped3A_46, %dma_wait3A_178, %dma_wait3A_179] : memref<2x80x128xf32, #tpu.memory_space<vmem>> -> memref<1x80x128xf32, #tpu.memory_space<vmem>>
      %dma_wait3A_181 = tpu.memref_squeeze %dma_wait3A_180 : memref<1x80x128xf32, #tpu.memory_space<vmem>> -> memref<80x128xf32, #tpu.memory_space<vmem>>
      %dma_wait3A_182 = arith.constant 0 : i32
      %dma_wait3A_183 = tpu.memref_slice %arg10[%add3A_45, %dma_wait3A_182] : memref<10240x128xf32, #tpu.memory_space<vmem_shared>> -> memref<80x128xf32, #tpu.memory_space<vmem_shared>>
      %dma_wait3A_184 = arith.constant 0 : i32
      %dma_wait3A_185 = tpu.memref_slice %arg10[%add3A_45, %dma_wait3A_184] : memref<10240x128xf32, #tpu.memory_space<vmem_shared>> -> memref<80x128xf32, #tpu.memory_space<vmem_shared>>
      %dma_wait3A_186 = arith.constant 0 : i32
      %dma_wait3A_187 = arith.constant 0 : i32
      %dma_wait3A_188 = tpu.memref_slice %arg7[%run_scoped3A_46, %dma_wait3A_186, %dma_wait3A_187] : memref<2x80x128xf32, #tpu.memory_space<vmem>> -> memref<1x80x128xf32, #tpu.memory_space<vmem>>
      %dma_wait3A_189 = tpu.memref_squeeze %dma_wait3A_188 : memref<1x80x128xf32, #tpu.memory_space<vmem>> -> memref<80x128xf32, #tpu.memory_space<vmem>>
      tpu.wait_dma2 semaphore(%run_scoped3A_165 : memref<!tpu.dma_semaphore, #tpu.memory_space<semaphore_mem>>) src(%dma_wait3A_189 : memref<80x128xf32, #tpu.memory_space<vmem>>) dst(%dma_wait3A_185 : memref<80x128xf32, #tpu.memory_space<vmem_shared>>)
      tpu.yield
    }) : () -> ()
    %mul3A_47 = arith.constant 640 : i32
    %mul3A_48 = arith.muli %arg1, %mul3A_47 : i32
    %add3A_49 = arith.constant 160 : i32
    %add3A_50 = arith.addi %mul3A_48, %add3A_49 : i32
    %run_scoped3A_51 = arith.constant 0 : i32
    "tpu.region"() ({
      %run_scoped3A_165 = tpu.sem_alloc : memref<!tpu.dma_semaphore, #tpu.memory_space<semaphore_mem>>
      %dma_start3A_166 = arith.constant 0 : i32
      %dma_start3A_167 = arith.constant 0 : i32
      %dma_start3A_168 = tpu.memref_slice %arg7[%run_scoped3A_51, %dma_start3A_166, %dma_start3A_167] : memref<2x80x128xf32, #tpu.memory_space<vmem>> -> memref<1x80x128xf32, #tpu.memory_space<vmem>>
      %dma_start3A_169 = tpu.memref_squeeze %dma_start3A_168 : memref<1x80x128xf32, #tpu.memory_space<vmem>> -> memref<80x128xf32, #tpu.memory_space<vmem>>
      %dma_start3A_170 = arith.constant 0 : i32
      %dma_start3A_171 = tpu.memref_slice %arg10[%add3A_50, %dma_start3A_170] : memref<10240x128xf32, #tpu.memory_space<vmem_shared>> -> memref<80x128xf32, #tpu.memory_space<vmem_shared>>
      %dma_start3A_172 = arith.constant 0 : i32
      %dma_start3A_173 = tpu.memref_slice %arg10[%add3A_50, %dma_start3A_172] : memref<10240x128xf32, #tpu.memory_space<vmem_shared>> -> memref<80x128xf32, #tpu.memory_space<vmem_shared>>
      %dma_start3A_174 = arith.constant 0 : i32
      %dma_start3A_175 = arith.constant 0 : i32
      %dma_start3A_176 = tpu.memref_slice %arg7[%run_scoped3A_51, %dma_start3A_174, %dma_start3A_175] : memref<2x80x128xf32, #tpu.memory_space<vmem>> -> memref<1x80x128xf32, #tpu.memory_space<vmem>>
      %dma_start3A_177 = tpu.memref_squeeze %dma_start3A_176 : memref<1x80x128xf32, #tpu.memory_space<vmem>> -> memref<80x128xf32, #tpu.memory_space<vmem>>
      tpu.enqueue_dma source(%dma_start3A_177 : memref<80x128xf32, #tpu.memory_space<vmem>>) target(%dma_start3A_173 : memref<80x128xf32, #tpu.memory_space<vmem_shared>>) target_semaphore(%run_scoped3A_165 : memref<!tpu.dma_semaphore, #tpu.memory_space<semaphore_mem>>)
      %dma_wait3A_178 = arith.constant 0 : i32
      %dma_wait3A_179 = arith.constant 0 : i32
      %dma_wait3A_180 = tpu.memref_slice %arg7[%run_scoped3A_51, %dma_wait3A_178, %dma_wait3A_179] : memref<2x80x128xf32, #tpu.memory_space<vmem>> -> memref<1x80x128xf32, #tpu.memory_space<vmem>>
      %dma_wait3A_181 = tpu.memref_squeeze %dma_wait3A_180 : memref<1x80x128xf32, #tpu.memory_space<vmem>> -> memref<80x128xf32, #tpu.memory_space<vmem>>
      %dma_wait3A_182 = arith.constant 0 : i32
      %dma_wait3A_183 = tpu.memref_slice %arg10[%add3A_50, %dma_wait3A_182] : memref<10240x128xf32, #tpu.memory_space<vmem_shared>> -> memref<80x128xf32, #tpu.memory_space<vmem_shared>>
      %dma_wait3A_184 = arith.constant 0 : i32
      %dma_wait3A_185 = tpu.memref_slice %arg10[%add3A_50, %dma_wait3A_184] : memref<10240x128xf32, #tpu.memory_space<vmem_shared>> -> memref<80x128xf32, #tpu.memory_space<vmem_shared>>
      %dma_wait3A_186 = arith.constant 0 : i32
      %dma_wait3A_187 = arith.constant 0 : i32
      %dma_wait3A_188 = tpu.memref_slice %arg7[%run_scoped3A_51, %dma_wait3A_186, %dma_wait3A_187] : memref<2x80x128xf32, #tpu.memory_space<vmem>> -> memref<1x80x128xf32, #tpu.memory_space<vmem>>
      %dma_wait3A_189 = tpu.memref_squeeze %dma_wait3A_188 : memref<1x80x128xf32, #tpu.memory_space<vmem>> -> memref<80x128xf32, #tpu.memory_space<vmem>>
      tpu.wait_dma2 semaphore(%run_scoped3A_165 : memref<!tpu.dma_semaphore, #tpu.memory_space<semaphore_mem>>) src(%dma_wait3A_189 : memref<80x128xf32, #tpu.memory_space<vmem>>) dst(%dma_wait3A_185 : memref<80x128xf32, #tpu.memory_space<vmem_shared>>)
      tpu.yield
    }) : () -> ()
    %mul3A_52 = arith.constant 640 : i32
    %mul3A_53 = arith.muli %arg1, %mul3A_52 : i32
    %add3A_54 = arith.constant 240 : i32
    %add3A_55 = arith.addi %mul3A_53, %add3A_54 : i32
    %run_scoped3A_56 = arith.constant 0 : i32
    "tpu.region"() ({
      %run_scoped3A_165 = tpu.sem_alloc : memref<!tpu.dma_semaphore, #tpu.memory_space<semaphore_mem>>
      %dma_start3A_166 = arith.constant 0 : i32
      %dma_start3A_167 = arith.constant 0 : i32
      %dma_start3A_168 = tpu.memref_slice %arg7[%run_scoped3A_56, %dma_start3A_166, %dma_start3A_167] : memref<2x80x128xf32, #tpu.memory_space<vmem>> -> memref<1x80x128xf32, #tpu.memory_space<vmem>>
      %dma_start3A_169 = tpu.memref_squeeze %dma_start3A_168 : memref<1x80x128xf32, #tpu.memory_space<vmem>> -> memref<80x128xf32, #tpu.memory_space<vmem>>
      %dma_start3A_170 = arith.constant 0 : i32
      %dma_start3A_171 = tpu.memref_slice %arg10[%add3A_55, %dma_start3A_170] : memref<10240x128xf32, #tpu.memory_space<vmem_shared>> -> memref<80x128xf32, #tpu.memory_space<vmem_shared>>
      %dma_start3A_172 = arith.constant 0 : i32
      %dma_start3A_173 = tpu.memref_slice %arg10[%add3A_55, %dma_start3A_172] : memref<10240x128xf32, #tpu.memory_space<vmem_shared>> -> memref<80x128xf32, #tpu.memory_space<vmem_shared>>
      %dma_start3A_174 = arith.constant 0 : i32
      %dma_start3A_175 = arith.constant 0 : i32
      %dma_start3A_176 = tpu.memref_slice %arg7[%run_scoped3A_56, %dma_start3A_174, %dma_start3A_175] : memref<2x80x128xf32, #tpu.memory_space<vmem>> -> memref<1x80x128xf32, #tpu.memory_space<vmem>>
      %dma_start3A_177 = tpu.memref_squeeze %dma_start3A_176 : memref<1x80x128xf32, #tpu.memory_space<vmem>> -> memref<80x128xf32, #tpu.memory_space<vmem>>
      tpu.enqueue_dma source(%dma_start3A_177 : memref<80x128xf32, #tpu.memory_space<vmem>>) target(%dma_start3A_173 : memref<80x128xf32, #tpu.memory_space<vmem_shared>>) target_semaphore(%run_scoped3A_165 : memref<!tpu.dma_semaphore, #tpu.memory_space<semaphore_mem>>)
      %dma_wait3A_178 = arith.constant 0 : i32
      %dma_wait3A_179 = arith.constant 0 : i32
      %dma_wait3A_180 = tpu.memref_slice %arg7[%run_scoped3A_56, %dma_wait3A_178, %dma_wait3A_179] : memref<2x80x128xf32, #tpu.memory_space<vmem>> -> memref<1x80x128xf32, #tpu.memory_space<vmem>>
      %dma_wait3A_181 = tpu.memref_squeeze %dma_wait3A_180 : memref<1x80x128xf32, #tpu.memory_space<vmem>> -> memref<80x128xf32, #tpu.memory_space<vmem>>
      %dma_wait3A_182 = arith.constant 0 : i32
      %dma_wait3A_183 = tpu.memref_slice %arg10[%add3A_55, %dma_wait3A_182] : memref<10240x128xf32, #tpu.memory_space<vmem_shared>> -> memref<80x128xf32, #tpu.memory_space<vmem_shared>>
      %dma_wait3A_184 = arith.constant 0 : i32
      %dma_wait3A_185 = tpu.memref_slice %arg10[%add3A_55, %dma_wait3A_184] : memref<10240x128xf32, #tpu.memory_space<vmem_shared>> -> memref<80x128xf32, #tpu.memory_space<vmem_shared>>
      %dma_wait3A_186 = arith.constant 0 : i32
      %dma_wait3A_187 = arith.constant 0 : i32
      %dma_wait3A_188 = tpu.memref_slice %arg7[%run_scoped3A_56, %dma_wait3A_186, %dma_wait3A_187] : memref<2x80x128xf32, #tpu.memory_space<vmem>> -> memref<1x80x128xf32, #tpu.memory_space<vmem>>
      %dma_wait3A_189 = tpu.memref_squeeze %dma_wait3A_188 : memref<1x80x128xf32, #tpu.memory_space<vmem>> -> memref<80x128xf32, #tpu.memory_space<vmem>>
      tpu.wait_dma2 semaphore(%run_scoped3A_165 : memref<!tpu.dma_semaphore, #tpu.memory_space<semaphore_mem>>) src(%dma_wait3A_189 : memref<80x128xf32, #tpu.memory_space<vmem>>) dst(%dma_wait3A_185 : memref<80x128xf32, #tpu.memory_space<vmem_shared>>)
      tpu.yield
    }) : () -> ()
    %mul3A_57 = arith.constant 640 : i32
    %mul3A_58 = arith.muli %arg1, %mul3A_57 : i32
    %add3A_59 = arith.constant 320 : i32
    %add3A_60 = arith.addi %mul3A_58, %add3A_59 : i32
    %run_scoped3A_61 = arith.constant 0 : i32
    "tpu.region"() ({
      %run_scoped3A_165 = tpu.sem_alloc : memref<!tpu.dma_semaphore, #tpu.memory_space<semaphore_mem>>
      %dma_start3A_166 = arith.constant 0 : i32
      %dma_start3A_167 = arith.constant 0 : i32
      %dma_start3A_168 = tpu.memref_slice %arg7[%run_scoped3A_61, %dma_start3A_166, %dma_start3A_167] : memref<2x80x128xf32, #tpu.memory_space<vmem>> -> memref<1x80x128xf32, #tpu.memory_space<vmem>>
      %dma_start3A_169 = tpu.memref_squeeze %dma_start3A_168 : memref<1x80x128xf32, #tpu.memory_space<vmem>> -> memref<80x128xf32, #tpu.memory_space<vmem>>
      %dma_start3A_170 = arith.constant 0 : i32
      %dma_start3A_171 = tpu.memref_slice %arg10[%add3A_60, %dma_start3A_170] : memref<10240x128xf32, #tpu.memory_space<vmem_shared>> -> memref<80x128xf32, #tpu.memory_space<vmem_shared>>
      %dma_start3A_172 = arith.constant 0 : i32
      %dma_start3A_173 = tpu.memref_slice %arg10[%add3A_60, %dma_start3A_172] : memref<10240x128xf32, #tpu.memory_space<vmem_shared>> -> memref<80x128xf32, #tpu.memory_space<vmem_shared>>
      %dma_start3A_174 = arith.constant 0 : i32
      %dma_start3A_175 = arith.constant 0 : i32
      %dma_start3A_176 = tpu.memref_slice %arg7[%run_scoped3A_61, %dma_start3A_174, %dma_start3A_175] : memref<2x80x128xf32, #tpu.memory_space<vmem>> -> memref<1x80x128xf32, #tpu.memory_space<vmem>>
      %dma_start3A_177 = tpu.memref_squeeze %dma_start3A_176 : memref<1x80x128xf32, #tpu.memory_space<vmem>> -> memref<80x128xf32, #tpu.memory_space<vmem>>
      tpu.enqueue_dma source(%dma_start3A_177 : memref<80x128xf32, #tpu.memory_space<vmem>>) target(%dma_start3A_173 : memref<80x128xf32, #tpu.memory_space<vmem_shared>>) target_semaphore(%run_scoped3A_165 : memref<!tpu.dma_semaphore, #tpu.memory_space<semaphore_mem>>)
      %dma_wait3A_178 = arith.constant 0 : i32
      %dma_wait3A_179 = arith.constant 0 : i32
      %dma_wait3A_180 = tpu.memref_slice %arg7[%run_scoped3A_61, %dma_wait3A_178, %dma_wait3A_179] : memref<2x80x128xf32, #tpu.memory_space<vmem>> -> memref<1x80x128xf32, #tpu.memory_space<vmem>>
      %dma_wait3A_181 = tpu.memref_squeeze %dma_wait3A_180 : memref<1x80x128xf32, #tpu.memory_space<vmem>> -> memref<80x128xf32, #tpu.memory_space<vmem>>
      %dma_wait3A_182 = arith.constant 0 : i32
      %dma_wait3A_183 = tpu.memref_slice %arg10[%add3A_60, %dma_wait3A_182] : memref<10240x128xf32, #tpu.memory_space<vmem_shared>> -> memref<80x128xf32, #tpu.memory_space<vmem_shared>>
      %dma_wait3A_184 = arith.constant 0 : i32
      %dma_wait3A_185 = tpu.memref_slice %arg10[%add3A_60, %dma_wait3A_184] : memref<10240x128xf32, #tpu.memory_space<vmem_shared>> -> memref<80x128xf32, #tpu.memory_space<vmem_shared>>
      %dma_wait3A_186 = arith.constant 0 : i32
      %dma_wait3A_187 = arith.constant 0 : i32
      %dma_wait3A_188 = tpu.memref_slice %arg7[%run_scoped3A_61, %dma_wait3A_186, %dma_wait3A_187] : memref<2x80x128xf32, #tpu.memory_space<vmem>> -> memref<1x80x128xf32, #tpu.memory_space<vmem>>
      %dma_wait3A_189 = tpu.memref_squeeze %dma_wait3A_188 : memref<1x80x128xf32, #tpu.memory_space<vmem>> -> memref<80x128xf32, #tpu.memory_space<vmem>>
      tpu.wait_dma2 semaphore(%run_scoped3A_165 : memref<!tpu.dma_semaphore, #tpu.memory_space<semaphore_mem>>) src(%dma_wait3A_189 : memref<80x128xf32, #tpu.memory_space<vmem>>) dst(%dma_wait3A_185 : memref<80x128xf32, #tpu.memory_space<vmem_shared>>)
      tpu.yield
    }) : () -> ()
    %mul3A_62 = arith.constant 640 : i32
    %mul3A_63 = arith.muli %arg1, %mul3A_62 : i32
    %add3A_64 = arith.constant 400 : i32
    %add3A_65 = arith.addi %mul3A_63, %add3A_64 : i32
    %run_scoped3A_66 = arith.constant 0 : i32
    "tpu.region"() ({
      %run_scoped3A_165 = tpu.sem_alloc : memref<!tpu.dma_semaphore, #tpu.memory_space<semaphore_mem>>
      %dma_start3A_166 = arith.constant 0 : i32
      %dma_start3A_167 = arith.constant 0 : i32
      %dma_start3A_168 = tpu.memref_slice %arg7[%run_scoped3A_66, %dma_start3A_166, %dma_start3A_167] : memref<2x80x128xf32, #tpu.memory_space<vmem>> -> memref<1x80x128xf32, #tpu.memory_space<vmem>>
      %dma_start3A_169 = tpu.memref_squeeze %dma_start3A_168 : memref<1x80x128xf32, #tpu.memory_space<vmem>> -> memref<80x128xf32, #tpu.memory_space<vmem>>
      %dma_start3A_170 = arith.constant 0 : i32
      %dma_start3A_171 = tpu.memref_slice %arg10[%add3A_65, %dma_start3A_170] : memref<10240x128xf32, #tpu.memory_space<vmem_shared>> -> memref<80x128xf32, #tpu.memory_space<vmem_shared>>
      %dma_start3A_172 = arith.constant 0 : i32
      %dma_start3A_173 = tpu.memref_slice %arg10[%add3A_65, %dma_start3A_172] : memref<10240x128xf32, #tpu.memory_space<vmem_shared>> -> memref<80x128xf32, #tpu.memory_space<vmem_shared>>
      %dma_start3A_174 = arith.constant 0 : i32
      %dma_start3A_175 = arith.constant 0 : i32
      %dma_start3A_176 = tpu.memref_slice %arg7[%run_scoped3A_66, %dma_start3A_174, %dma_start3A_175] : memref<2x80x128xf32, #tpu.memory_space<vmem>> -> memref<1x80x128xf32, #tpu.memory_space<vmem>>
      %dma_start3A_177 = tpu.memref_squeeze %dma_start3A_176 : memref<1x80x128xf32, #tpu.memory_space<vmem>> -> memref<80x128xf32, #tpu.memory_space<vmem>>
      tpu.enqueue_dma source(%dma_start3A_177 : memref<80x128xf32, #tpu.memory_space<vmem>>) target(%dma_start3A_173 : memref<80x128xf32, #tpu.memory_space<vmem_shared>>) target_semaphore(%run_scoped3A_165 : memref<!tpu.dma_semaphore, #tpu.memory_space<semaphore_mem>>)
      %dma_wait3A_178 = arith.constant 0 : i32
      %dma_wait3A_179 = arith.constant 0 : i32
      %dma_wait3A_180 = tpu.memref_slice %arg7[%run_scoped3A_66, %dma_wait3A_178, %dma_wait3A_179] : memref<2x80x128xf32, #tpu.memory_space<vmem>> -> memref<1x80x128xf32, #tpu.memory_space<vmem>>
      %dma_wait3A_181 = tpu.memref_squeeze %dma_wait3A_180 : memref<1x80x128xf32, #tpu.memory_space<vmem>> -> memref<80x128xf32, #tpu.memory_space<vmem>>
      %dma_wait3A_182 = arith.constant 0 : i32
      %dma_wait3A_183 = tpu.memref_slice %arg10[%add3A_65, %dma_wait3A_182] : memref<10240x128xf32, #tpu.memory_space<vmem_shared>> -> memref<80x128xf32, #tpu.memory_space<vmem_shared>>
      %dma_wait3A_184 = arith.constant 0 : i32
      %dma_wait3A_185 = tpu.memref_slice %arg10[%add3A_65, %dma_wait3A_184] : memref<10240x128xf32, #tpu.memory_space<vmem_shared>> -> memref<80x128xf32, #tpu.memory_space<vmem_shared>>
      %dma_wait3A_186 = arith.constant 0 : i32
      %dma_wait3A_187 = arith.constant 0 : i32
      %dma_wait3A_188 = tpu.memref_slice %arg7[%run_scoped3A_66, %dma_wait3A_186, %dma_wait3A_187] : memref<2x80x128xf32, #tpu.memory_space<vmem>> -> memref<1x80x128xf32, #tpu.memory_space<vmem>>
      %dma_wait3A_189 = tpu.memref_squeeze %dma_wait3A_188 : memref<1x80x128xf32, #tpu.memory_space<vmem>> -> memref<80x128xf32, #tpu.memory_space<vmem>>
      tpu.wait_dma2 semaphore(%run_scoped3A_165 : memref<!tpu.dma_semaphore, #tpu.memory_space<semaphore_mem>>) src(%dma_wait3A_189 : memref<80x128xf32, #tpu.memory_space<vmem>>) dst(%dma_wait3A_185 : memref<80x128xf32, #tpu.memory_space<vmem_shared>>)
      tpu.yield
    }) : () -> ()
    %mul3A_67 = arith.constant 640 : i32
    %mul3A_68 = arith.muli %arg1, %mul3A_67 : i32
    %add3A_69 = arith.constant 480 : i32
    %add3A_70 = arith.addi %mul3A_68, %add3A_69 : i32
    %run_scoped3A_71 = arith.constant 0 : i32
    "tpu.region"() ({
      %run_scoped3A_165 = tpu.sem_alloc : memref<!tpu.dma_semaphore, #tpu.memory_space<semaphore_mem>>
      %dma_start3A_166 = arith.constant 0 : i32
      %dma_start3A_167 = arith.constant 0 : i32
      %dma_start3A_168 = tpu.memref_slice %arg7[%run_scoped3A_71, %dma_start3A_166, %dma_start3A_167] : memref<2x80x128xf32, #tpu.memory_space<vmem>> -> memref<1x80x128xf32, #tpu.memory_space<vmem>>
      %dma_start3A_169 = tpu.memref_squeeze %dma_start3A_168 : memref<1x80x128xf32, #tpu.memory_space<vmem>> -> memref<80x128xf32, #tpu.memory_space<vmem>>
      %dma_start3A_170 = arith.constant 0 : i32
      %dma_start3A_171 = tpu.memref_slice %arg10[%add3A_70, %dma_start3A_170] : memref<10240x128xf32, #tpu.memory_space<vmem_shared>> -> memref<80x128xf32, #tpu.memory_space<vmem_shared>>
      %dma_start3A_172 = arith.constant 0 : i32
      %dma_start3A_173 = tpu.memref_slice %arg10[%add3A_70, %dma_start3A_172] : memref<10240x128xf32, #tpu.memory_space<vmem_shared>> -> memref<80x128xf32, #tpu.memory_space<vmem_shared>>
      %dma_start3A_174 = arith.constant 0 : i32
      %dma_start3A_175 = arith.constant 0 : i32
      %dma_start3A_176 = tpu.memref_slice %arg7[%run_scoped3A_71, %dma_start3A_174, %dma_start3A_175] : memref<2x80x128xf32, #tpu.memory_space<vmem>> -> memref<1x80x128xf32, #tpu.memory_space<vmem>>
      %dma_start3A_177 = tpu.memref_squeeze %dma_start3A_176 : memref<1x80x128xf32, #tpu.memory_space<vmem>> -> memref<80x128xf32, #tpu.memory_space<vmem>>
      tpu.enqueue_dma source(%dma_start3A_177 : memref<80x128xf32, #tpu.memory_space<vmem>>) target(%dma_start3A_173 : memref<80x128xf32, #tpu.memory_space<vmem_shared>>) target_semaphore(%run_scoped3A_165 : memref<!tpu.dma_semaphore, #tpu.memory_space<semaphore_mem>>)
      %dma_wait3A_178 = arith.constant 0 : i32
      %dma_wait3A_179 = arith.constant 0 : i32
      %dma_wait3A_180 = tpu.memref_slice %arg7[%run_scoped3A_71, %dma_wait3A_178, %dma_wait3A_179] : memref<2x80x128xf32, #tpu.memory_space<vmem>> -> memref<1x80x128xf32, #tpu.memory_space<vmem>>
      %dma_wait3A_181 = tpu.memref_squeeze %dma_wait3A_180 : memref<1x80x128xf32, #tpu.memory_space<vmem>> -> memref<80x128xf32, #tpu.memory_space<vmem>>
      %dma_wait3A_182 = arith.constant 0 : i32
      %dma_wait3A_183 = tpu.memref_slice %arg10[%add3A_70, %dma_wait3A_182] : memref<10240x128xf32, #tpu.memory_space<vmem_shared>> -> memref<80x128xf32, #tpu.memory_space<vmem_shared>>
      %dma_wait3A_184 = arith.constant 0 : i32
      %dma_wait3A_185 = tpu.memref_slice %arg10[%add3A_70, %dma_wait3A_184] : memref<10240x128xf32, #tpu.memory_space<vmem_shared>> -> memref<80x128xf32, #tpu.memory_space<vmem_shared>>
      %dma_wait3A_186 = arith.constant 0 : i32
      %dma_wait3A_187 = arith.constant 0 : i32
      %dma_wait3A_188 = tpu.memref_slice %arg7[%run_scoped3A_71, %dma_wait3A_186, %dma_wait3A_187] : memref<2x80x128xf32, #tpu.memory_space<vmem>> -> memref<1x80x128xf32, #tpu.memory_space<vmem>>
      %dma_wait3A_189 = tpu.memref_squeeze %dma_wait3A_188 : memref<1x80x128xf32, #tpu.memory_space<vmem>> -> memref<80x128xf32, #tpu.memory_space<vmem>>
      tpu.wait_dma2 semaphore(%run_scoped3A_165 : memref<!tpu.dma_semaphore, #tpu.memory_space<semaphore_mem>>) src(%dma_wait3A_189 : memref<80x128xf32, #tpu.memory_space<vmem>>) dst(%dma_wait3A_185 : memref<80x128xf32, #tpu.memory_space<vmem_shared>>)
      tpu.yield
    }) : () -> ()
    %mul3A_72 = arith.constant 640 : i32
    %mul3A_73 = arith.muli %arg1, %mul3A_72 : i32
    %add3A_74 = arith.constant 560 : i32
    %add3A_75 = arith.addi %mul3A_73, %add3A_74 : i32
    %run_scoped3A_76 = arith.constant 0 : i32
    "tpu.region"() ({
      %run_scoped3A_165 = tpu.sem_alloc : memref<!tpu.dma_semaphore, #tpu.memory_space<semaphore_mem>>
      %dma_start3A_166 = arith.constant 0 : i32
      %dma_start3A_167 = arith.constant 0 : i32
      %dma_start3A_168 = tpu.memref_slice %arg7[%run_scoped3A_76, %dma_start3A_166, %dma_start3A_167] : memref<2x80x128xf32, #tpu.memory_space<vmem>> -> memref<1x80x128xf32, #tpu.memory_space<vmem>>
      %dma_start3A_169 = tpu.memref_squeeze %dma_start3A_168 : memref<1x80x128xf32, #tpu.memory_space<vmem>> -> memref<80x128xf32, #tpu.memory_space<vmem>>
      %dma_start3A_170 = arith.constant 0 : i32
      %dma_start3A_171 = tpu.memref_slice %arg10[%add3A_75, %dma_start3A_170] : memref<10240x128xf32, #tpu.memory_space<vmem_shared>> -> memref<80x128xf32, #tpu.memory_space<vmem_shared>>
      %dma_start3A_172 = arith.constant 0 : i32
      %dma_start3A_173 = tpu.memref_slice %arg10[%add3A_75, %dma_start3A_172] : memref<10240x128xf32, #tpu.memory_space<vmem_shared>> -> memref<80x128xf32, #tpu.memory_space<vmem_shared>>
      %dma_start3A_174 = arith.constant 0 : i32
      %dma_start3A_175 = arith.constant 0 : i32
      %dma_start3A_176 = tpu.memref_slice %arg7[%run_scoped3A_76, %dma_start3A_174, %dma_start3A_175] : memref<2x80x128xf32, #tpu.memory_space<vmem>> -> memref<1x80x128xf32, #tpu.memory_space<vmem>>
      %dma_start3A_177 = tpu.memref_squeeze %dma_start3A_176 : memref<1x80x128xf32, #tpu.memory_space<vmem>> -> memref<80x128xf32, #tpu.memory_space<vmem>>
      tpu.enqueue_dma source(%dma_start3A_177 : memref<80x128xf32, #tpu.memory_space<vmem>>) target(%dma_start3A_173 : memref<80x128xf32, #tpu.memory_space<vmem_shared>>) target_semaphore(%run_scoped3A_165 : memref<!tpu.dma_semaphore, #tpu.memory_space<semaphore_mem>>)
      %dma_wait3A_178 = arith.constant 0 : i32
      %dma_wait3A_179 = arith.constant 0 : i32
      %dma_wait3A_180 = tpu.memref_slice %arg7[%run_scoped3A_76, %dma_wait3A_178, %dma_wait3A_179] : memref<2x80x128xf32, #tpu.memory_space<vmem>> -> memref<1x80x128xf32, #tpu.memory_space<vmem>>
      %dma_wait3A_181 = tpu.memref_squeeze %dma_wait3A_180 : memref<1x80x128xf32, #tpu.memory_space<vmem>> -> memref<80x128xf32, #tpu.memory_space<vmem>>
      %dma_wait3A_182 = arith.constant 0 : i32
      %dma_wait3A_183 = tpu.memref_slice %arg10[%add3A_75, %dma_wait3A_182] : memref<10240x128xf32, #tpu.memory_space<vmem_shared>> -> memref<80x128xf32, #tpu.memory_space<vmem_shared>>
      %dma_wait3A_184 = arith.constant 0 : i32
      %dma_wait3A_185 = tpu.memref_slice %arg10[%add3A_75, %dma_wait3A_184] : memref<10240x128xf32, #tpu.memory_space<vmem_shared>> -> memref<80x128xf32, #tpu.memory_space<vmem_shared>>
      %dma_wait3A_186 = arith.constant 0 : i32
      %dma_wait3A_187 = arith.constant 0 : i32
      %dma_wait3A_188 = tpu.memref_slice %arg7[%run_scoped3A_76, %dma_wait3A_186, %dma_wait3A_187] : memref<2x80x128xf32, #tpu.memory_space<vmem>> -> memref<1x80x128xf32, #tpu.memory_space<vmem>>
      %dma_wait3A_189 = tpu.memref_squeeze %dma_wait3A_188 : memref<1x80x128xf32, #tpu.memory_space<vmem>> -> memref<80x128xf32, #tpu.memory_space<vmem>>
      tpu.wait_dma2 semaphore(%run_scoped3A_165 : memref<!tpu.dma_semaphore, #tpu.memory_space<semaphore_mem>>) src(%dma_wait3A_189 : memref<80x128xf32, #tpu.memory_space<vmem>>) dst(%dma_wait3A_185 : memref<80x128xf32, #tpu.memory_space<vmem_shared>>)
      tpu.yield
    }) : () -> ()
    %mul3A_77 = arith.constant 640 : i32
    %mul3A_78 = arith.muli %arg1, %mul3A_77 : i32
    "tpu.region"() ({
      %run_scoped3A_165 = tpu.sem_alloc : memref<!tpu.dma_semaphore, #tpu.memory_space<semaphore_mem>>
      %dma_start3A_166 = tpu.memref_slice %arg11[%mul3A_78] : memref<10240xf32, #tpu.memory_space<vmem_shared>> -> memref<640xf32, #tpu.memory_space<vmem_shared>>
      %dma_start3A_167 = tpu.memref_slice %arg11[%mul3A_78] : memref<10240xf32, #tpu.memory_space<vmem_shared>> -> memref<640xf32, #tpu.memory_space<vmem_shared>>
      tpu.enqueue_dma source(%arg9 : memref<640xf32, #tpu.memory_space<vmem>>) target(%dma_start3A_167 : memref<640xf32, #tpu.memory_space<vmem_shared>>) target_semaphore(%run_scoped3A_165 : memref<!tpu.dma_semaphore, #tpu.memory_space<semaphore_mem>>)
      %dma_wait3A_168 = tpu.memref_slice %arg11[%mul3A_78] : memref<10240xf32, #tpu.memory_space<vmem_shared>> -> memref<640xf32, #tpu.memory_space<vmem_shared>>
      %dma_wait3A_169 = tpu.memref_slice %arg11[%mul3A_78] : memref<10240xf32, #tpu.memory_space<vmem_shared>> -> memref<640xf32, #tpu.memory_space<vmem_shared>>
      tpu.wait_dma2 semaphore(%run_scoped3A_165 : memref<!tpu.dma_semaphore, #tpu.memory_space<semaphore_mem>>) src(%arg9 : memref<640xf32, #tpu.memory_space<vmem>>) dst(%dma_wait3A_169 : memref<640xf32, #tpu.memory_space<vmem_shared>>)
      tpu.yield
    }) : () -> ()
    %barrier3A = arith.constant 0 : index
    tpu.barrier barrier_id(%barrier3A)
    %add3A_79 = arith.constant 0 : i32
    %add3A_80 = arith.addi %mul3A_2, %add3A_79 : i32
    %add3A_81 = arith.constant 192000 : i32
    %add3A_82 = arith.addi %add3A_81, %add3A_80 : i32
    %run_scoped3A_83 = arith.constant 0 : i32
    "tpu.region"() ({
      %run_scoped3A_165 = tpu.sem_alloc : memref<!tpu.dma_semaphore, #tpu.memory_space<semaphore_mem>>
      %dma_start3A_166 = arith.constant 0 : i32
      %dma_start3A_167 = tpu.memref_slice %arg6[%run_scoped3A_83, %dma_start3A_166] : memref<2x80xi32, #tpu.memory_space<vmem>> -> memref<1x80xi32, #tpu.memory_space<vmem>>
      %dma_start3A_168 = tpu.memref_squeeze %dma_start3A_167 : memref<1x80xi32, #tpu.memory_space<vmem>> -> memref<80xi32, #tpu.memory_space<vmem>>
      %dma_start3A_169 = tpu.memref_slice %arg2[%add3A_82] : memref<320000xi32, #tpu.memory_space<hbm>> -> memref<80xi32, #tpu.memory_space<hbm>>
      %dma_start3A_170 = arith.constant 0 : i32
      %dma_start3A_171 = tpu.memref_slice %arg6[%run_scoped3A_83, %dma_start3A_170] : memref<2x80xi32, #tpu.memory_space<vmem>> -> memref<1x80xi32, #tpu.memory_space<vmem>>
      %dma_start3A_172 = tpu.memref_squeeze %dma_start3A_171 : memref<1x80xi32, #tpu.memory_space<vmem>> -> memref<80xi32, #tpu.memory_space<vmem>>
      %dma_start3A_173 = tpu.memref_slice %arg2[%add3A_82] : memref<320000xi32, #tpu.memory_space<hbm>> -> memref<80xi32, #tpu.memory_space<hbm>>
      tpu.enqueue_dma source(%dma_start3A_173 : memref<80xi32, #tpu.memory_space<hbm>>) target(%dma_start3A_172 : memref<80xi32, #tpu.memory_space<vmem>>) target_semaphore(%run_scoped3A_165 : memref<!tpu.dma_semaphore, #tpu.memory_space<semaphore_mem>>)
      %dma_wait3A_174 = arith.constant 0 : i32
      %dma_wait3A_175 = tpu.memref_slice %arg6[%run_scoped3A_83, %dma_wait3A_174] : memref<2x80xi32, #tpu.memory_space<vmem>> -> memref<1x80xi32, #tpu.memory_space<vmem>>
      %dma_wait3A_176 = tpu.memref_squeeze %dma_wait3A_175 : memref<1x80xi32, #tpu.memory_space<vmem>> -> memref<80xi32, #tpu.memory_space<vmem>>
      %dma_wait3A_177 = tpu.memref_slice %arg2[%add3A_82] : memref<320000xi32, #tpu.memory_space<hbm>> -> memref<80xi32, #tpu.memory_space<hbm>>
      %dma_wait3A_178 = arith.constant 0 : i32
      %dma_wait3A_179 = tpu.memref_slice %arg6[%run_scoped3A_83, %dma_wait3A_178] : memref<2x80xi32, #tpu.memory_space<vmem>> -> memref<1x80xi32, #tpu.memory_space<vmem>>
      %dma_wait3A_180 = tpu.memref_squeeze %dma_wait3A_179 : memref<1x80xi32, #tpu.memory_space<vmem>> -> memref<80xi32, #tpu.memory_space<vmem>>
      %dma_wait3A_181 = tpu.memref_slice %arg2[%add3A_82] : memref<320000xi32, #tpu.memory_space<hbm>> -> memref<80xi32, #tpu.memory_space<hbm>>
      tpu.wait_dma2 semaphore(%run_scoped3A_165 : memref<!tpu.dma_semaphore, #tpu.memory_space<semaphore_mem>>) src(%dma_wait3A_181 : memref<80xi32, #tpu.memory_space<hbm>>) dst(%dma_wait3A_180 : memref<80xi32, #tpu.memory_space<vmem>>)
      tpu.yield
    }) : () -> ()
    %dma_start3A = arith.constant 0 : i32
    %dma_start3A_84 = arith.constant 0 : i32
    %dma_start3A_85 = arith.constant 0 : i32
    %dma_start3A_86 = tpu.memref_slice %arg7[%dma_start3A, %dma_start3A_84, %dma_start3A_85] : memref<2x80x128xf32, #tpu.memory_space<vmem>> -> memref<1x80x128xf32, #tpu.memory_space<vmem>>
    %dma_start3A_87 = tpu.memref_squeeze %dma_start3A_86 : memref<1x80x128xf32, #tpu.memory_space<vmem>> -> memref<80x128xf32, #tpu.memory_space<vmem>>
    %dma_start3A_88 = arith.constant 0 : i32
    %dma_start3A_89 = tpu.memref_slice %arg3[%add3A_80, %dma_start3A_88] : memref<129024x128xf32, #tpu.memory_space<hbm>> -> memref<80x128xf32, #tpu.memory_space<hbm>>
    %dma_start3A_90 = arith.constant 0 : i32
    %dma_start3A_91 = arith.constant 0 : i32
    %dma_start3A_92 = tpu.memref_slice %arg7[%dma_start3A, %dma_start3A_90, %dma_start3A_91] : memref<2x80x128xf32, #tpu.memory_space<vmem>> -> memref<1x80x128xf32, #tpu.memory_space<vmem>>
    %dma_start3A_93 = tpu.memref_squeeze %dma_start3A_92 : memref<1x80x128xf32, #tpu.memory_space<vmem>> -> memref<80x128xf32, #tpu.memory_space<vmem>>
    %dma_start3A_94 = arith.constant 0 : i32
    %dma_start3A_95 = tpu.memref_slice %arg3[%add3A_80, %dma_start3A_94] : memref<129024x128xf32, #tpu.memory_space<hbm>> -> memref<80x128xf32, #tpu.memory_space<hbm>>
    tpu.enqueue_dma source(%dma_start3A_95 : memref<80x128xf32, #tpu.memory_space<hbm>>) target(%dma_start3A_93 : memref<80x128xf32, #tpu.memory_space<vmem>>) target_semaphore(%arg12 : memref<!tpu.dma_semaphore, #tpu.memory_space<semaphore_mem>>)
    %scan3A_96 = arith.constant 0 : i32
    %scan3A_97 = arith.constant 0 : i32
    %scan3A_98 = arith.constant 24 : i32
    %scan3A_99 = arith.addi %scan3A_97, %scan3A_98 : i32
    %scan3A_100 = arith.constant 1 : i32
    %scan3A_101 = scf.for %scan3A_165 = %scan3A_97 to %scan3A_99 step %scan3A_100 iter_args(%scan3A_166 = %scan3A_96) -> (i32)  : i32 {
      %mul3A_167 = arith.constant 2 : i32
      %mul3A_168 = arith.muli %mul3A_167, %scan3A_165 : i32
      %add3A_169 = arith.constant 1 : i32
      %add3A_170 = arith.addi %mul3A_168, %add3A_169 : i32
      %mul3A_171 = arith.constant 80 : i32
      %mul3A_172 = arith.muli %add3A_170, %mul3A_171 : i32
      %add3A_173 = arith.addi %mul3A_2, %mul3A_172 : i32
      %add3A_174 = arith.constant 192000 : i32
      %add3A_175 = arith.addi %add3A_174, %add3A_173 : i32
      %run_scoped3A_176 = arith.constant 1 : i32
      "tpu.region"() ({
        %run_scoped3A_248 = tpu.sem_alloc : memref<!tpu.dma_semaphore, #tpu.memory_space<semaphore_mem>>
        %dma_start3A_249 = arith.constant 0 : i32
        %dma_start3A_250 = tpu.memref_slice %arg6[%run_scoped3A_176, %dma_start3A_249] : memref<2x80xi32, #tpu.memory_space<vmem>> -> memref<1x80xi32, #tpu.memory_space<vmem>>
        %dma_start3A_251 = tpu.memref_squeeze %dma_start3A_250 : memref<1x80xi32, #tpu.memory_space<vmem>> -> memref<80xi32, #tpu.memory_space<vmem>>
        %dma_start3A_252 = tpu.memref_slice %arg2[%add3A_175] : memref<320000xi32, #tpu.memory_space<hbm>> -> memref<80xi32, #tpu.memory_space<hbm>>
        %dma_start3A_253 = arith.constant 0 : i32
        %dma_start3A_254 = tpu.memref_slice %arg6[%run_scoped3A_176, %dma_start3A_253] : memref<2x80xi32, #tpu.memory_space<vmem>> -> memref<1x80xi32, #tpu.memory_space<vmem>>
        %dma_start3A_255 = tpu.memref_squeeze %dma_start3A_254 : memref<1x80xi32, #tpu.memory_space<vmem>> -> memref<80xi32, #tpu.memory_space<vmem>>
        %dma_start3A_256 = tpu.memref_slice %arg2[%add3A_175] : memref<320000xi32, #tpu.memory_space<hbm>> -> memref<80xi32, #tpu.memory_space<hbm>>
        tpu.enqueue_dma source(%dma_start3A_256 : memref<80xi32, #tpu.memory_space<hbm>>) target(%dma_start3A_255 : memref<80xi32, #tpu.memory_space<vmem>>) target_semaphore(%run_scoped3A_248 : memref<!tpu.dma_semaphore, #tpu.memory_space<semaphore_mem>>)
        %dma_wait3A_257 = arith.constant 0 : i32
        %dma_wait3A_258 = tpu.memref_slice %arg6[%run_scoped3A_176, %dma_wait3A_257] : memref<2x80xi32, #tpu.memory_space<vmem>> -> memref<1x80xi32, #tpu.memory_space<vmem>>
        %dma_wait3A_259 = tpu.memref_squeeze %dma_wait3A_258 : memref<1x80xi32, #tpu.memory_space<vmem>> -> memref<80xi32, #tpu.memory_space<vmem>>
        %dma_wait3A_260 = tpu.memref_slice %arg2[%add3A_175] : memref<320000xi32, #tpu.memory_space<hbm>> -> memref<80xi32, #tpu.memory_space<hbm>>
        %dma_wait3A_261 = arith.constant 0 : i32
        %dma_wait3A_262 = tpu.memref_slice %arg6[%run_scoped3A_176, %dma_wait3A_261] : memref<2x80xi32, #tpu.memory_space<vmem>> -> memref<1x80xi32, #tpu.memory_space<vmem>>
        %dma_wait3A_263 = tpu.memref_squeeze %dma_wait3A_262 : memref<1x80xi32, #tpu.memory_space<vmem>> -> memref<80xi32, #tpu.memory_space<vmem>>
        %dma_wait3A_264 = tpu.memref_slice %arg2[%add3A_175] : memref<320000xi32, #tpu.memory_space<hbm>> -> memref<80xi32, #tpu.memory_space<hbm>>
        tpu.wait_dma2 semaphore(%run_scoped3A_248 : memref<!tpu.dma_semaphore, #tpu.memory_space<semaphore_mem>>) src(%dma_wait3A_264 : memref<80xi32, #tpu.memory_space<hbm>>) dst(%dma_wait3A_263 : memref<80xi32, #tpu.memory_space<vmem>>)
        tpu.yield
      }) : () -> ()
      %dma_start3A_177 = arith.constant 1 : i32
      %dma_start3A_178 = arith.constant 0 : i32
      %dma_start3A_179 = arith.constant 0 : i32
      %dma_start3A_180 = tpu.memref_slice %arg7[%dma_start3A_177, %dma_start3A_178, %dma_start3A_179] : memref<2x80x128xf32, #tpu.memory_space<vmem>> -> memref<1x80x128xf32, #tpu.memory_space<vmem>>
      %dma_start3A_181 = tpu.memref_squeeze %dma_start3A_180 : memref<1x80x128xf32, #tpu.memory_space<vmem>> -> memref<80x128xf32, #tpu.memory_space<vmem>>
      %dma_start3A_182 = arith.constant 0 : i32
      %dma_start3A_183 = tpu.memref_slice %arg3[%add3A_173, %dma_start3A_182] : memref<129024x128xf32, #tpu.memory_space<hbm>> -> memref<80x128xf32, #tpu.memory_space<hbm>>
      %dma_start3A_184 = arith.constant 0 : i32
      %dma_start3A_185 = arith.constant 0 : i32
      %dma_start3A_186 = tpu.memref_slice %arg7[%dma_start3A_177, %dma_start3A_184, %dma_start3A_185] : memref<2x80x128xf32, #tpu.memory_space<vmem>> -> memref<1x80x128xf32, #tpu.memory_space<vmem>>
      %dma_start3A_187 = tpu.memref_squeeze %dma_start3A_186 : memref<1x80x128xf32, #tpu.memory_space<vmem>> -> memref<80x128xf32, #tpu.memory_space<vmem>>
      %dma_start3A_188 = arith.constant 0 : i32
      %dma_start3A_189 = tpu.memref_slice %arg3[%add3A_173, %dma_start3A_188] : memref<129024x128xf32, #tpu.memory_space<hbm>> -> memref<80x128xf32, #tpu.memory_space<hbm>>
      tpu.enqueue_dma source(%dma_start3A_189 : memref<80x128xf32, #tpu.memory_space<hbm>>) target(%dma_start3A_187 : memref<80x128xf32, #tpu.memory_space<vmem>>) target_semaphore(%arg13 : memref<!tpu.dma_semaphore, #tpu.memory_space<semaphore_mem>>)
      %dma_wait3A_190 = arith.constant 0 : i32
      %dma_wait3A_191 = arith.constant 0 : i32
      %dma_wait3A_192 = arith.constant 0 : i32
      %dma_wait3A_193 = tpu.memref_slice %arg7[%dma_wait3A_190, %dma_wait3A_191, %dma_wait3A_192] : memref<2x80x128xf32, #tpu.memory_space<vmem>> -> memref<1x80x128xf32, #tpu.memory_space<vmem>>
      %dma_wait3A_194 = tpu.memref_squeeze %dma_wait3A_193 : memref<1x80x128xf32, #tpu.memory_space<vmem>> -> memref<80x128xf32, #tpu.memory_space<vmem>>
      %dma_wait3A_195 = arith.constant 0 : i32
      %dma_wait3A_196 = arith.constant 0 : i32
      %dma_wait3A_197 = tpu.memref_slice %arg3[%dma_wait3A_195, %dma_wait3A_196] : memref<129024x128xf32, #tpu.memory_space<hbm>> -> memref<80x128xf32, #tpu.memory_space<hbm>>
      %dma_wait3A_198 = arith.constant 0 : i32
      %dma_wait3A_199 = arith.constant 0 : i32
      %dma_wait3A_200 = tpu.memref_slice %arg7[%dma_wait3A_190, %dma_wait3A_198, %dma_wait3A_199] : memref<2x80x128xf32, #tpu.memory_space<vmem>> -> memref<1x80x128xf32, #tpu.memory_space<vmem>>
      %dma_wait3A_201 = tpu.memref_squeeze %dma_wait3A_200 : memref<1x80x128xf32, #tpu.memory_space<vmem>> -> memref<80x128xf32, #tpu.memory_space<vmem>>
      %dma_wait3A_202 = arith.constant 0 : i32
      %dma_wait3A_203 = arith.constant 0 : i32
      %dma_wait3A_204 = tpu.memref_slice %arg3[%dma_wait3A_202, %dma_wait3A_203] : memref<129024x128xf32, #tpu.memory_space<hbm>> -> memref<80x128xf32, #tpu.memory_space<hbm>>
      tpu.wait_dma2 semaphore(%arg12 : memref<!tpu.dma_semaphore, #tpu.memory_space<semaphore_mem>>) src(%dma_wait3A_204 : memref<80x128xf32, #tpu.memory_space<hbm>>) dst(%dma_wait3A_201 : memref<80x128xf32, #tpu.memory_space<vmem>>)
      %run_scoped3A_205 = arith.constant 0 : i32
      %run_scoped3A_206 = arith.constant 0 : i32
      "tpu.region"() ({
        %run_scoped3A_248 = tpu.sem_alloc : memref<!tpu.dma_semaphore, #tpu.memory_space<semaphore_mem>>
        %dma_start3A_249 = arith.constant 0 : i32
        %dma_start3A_250 = arith.constant 0 : i32
        %dma_start3A_251 = tpu.memref_slice %arg7[%run_scoped3A_205, %dma_start3A_249, %dma_start3A_250] : memref<2x80x128xf32, #tpu.memory_space<vmem>> -> memref<1x80x128xf32, #tpu.memory_space<vmem>>
        %dma_start3A_252 = tpu.memref_squeeze %dma_start3A_251 : memref<1x80x128xf32, #tpu.memory_space<vmem>> -> memref<80x128xf32, #tpu.memory_space<vmem>>
        %dma_start3A_253 = arith.constant 0 : i32
        %dma_start3A_254 = tpu.memref_slice %arg6[%run_scoped3A_206, %dma_start3A_253] : memref<2x80xi32, #tpu.memory_space<vmem>> -> memref<1x80xi32, #tpu.memory_space<vmem>>
        %dma_start3A_255 = tpu.memref_squeeze %dma_start3A_254 : memref<1x80xi32, #tpu.memory_space<vmem>> -> memref<80xi32, #tpu.memory_space<vmem>>
        %dma_start3A_256 = arith.constant 0 : i32
        %dma_start3A_257 = arith.constant 0 : i32
        %dma_start3A_258 = tpu.memref_slice %arg10[%dma_start3A_256, %dma_start3A_257] : memref<10240x128xf32, #tpu.memory_space<vmem_shared>> -> memref<10240x128xf32, #tpu.memory_space<vmem_shared>>
        tpu.enqueue_indirect_dma source(%dma_start3A_252 : memref<80x128xf32, #tpu.memory_space<vmem>>) target(%dma_start3A_258 : memref<10240x128xf32, #tpu.memory_space<vmem_shared>>) offsets(%dma_start3A_255 : memref<80xi32, #tpu.memory_space<vmem>>) semaphore(%run_scoped3A_248 : memref<!tpu.dma_semaphore, #tpu.memory_space<semaphore_mem>>) {add = true}
        %dma_wait3A_259 = arith.constant 0 : i32
        %dma_wait3A_260 = arith.constant 0 : i32
        %dma_wait3A_261 = tpu.memref_slice %arg7[%run_scoped3A_205, %dma_wait3A_259, %dma_wait3A_260] : memref<2x80x128xf32, #tpu.memory_space<vmem>> -> memref<1x80x128xf32, #tpu.memory_space<vmem>>
        %dma_wait3A_262 = tpu.memref_squeeze %dma_wait3A_261 : memref<1x80x128xf32, #tpu.memory_space<vmem>> -> memref<80x128xf32, #tpu.memory_space<vmem>>
        %dma_wait3A_263 = arith.constant 0 : i32
        %dma_wait3A_264 = tpu.memref_slice %arg6[%run_scoped3A_206, %dma_wait3A_263] : memref<2x80xi32, #tpu.memory_space<vmem>> -> memref<1x80xi32, #tpu.memory_space<vmem>>
        %dma_wait3A_265 = tpu.memref_squeeze %dma_wait3A_264 : memref<1x80xi32, #tpu.memory_space<vmem>> -> memref<80xi32, #tpu.memory_space<vmem>>
        %dma_wait3A_266 = arith.constant 0 : i32
        %dma_wait3A_267 = arith.constant 0 : i32
        %dma_wait3A_268 = tpu.memref_slice %arg10[%dma_wait3A_266, %dma_wait3A_267] : memref<10240x128xf32, #tpu.memory_space<vmem_shared>> -> memref<10240x128xf32, #tpu.memory_space<vmem_shared>>
        tpu.wait_indirect_dma semaphore(%run_scoped3A_248 : memref<!tpu.dma_semaphore, #tpu.memory_space<semaphore_mem>>) src(%dma_wait3A_262 : memref<80x128xf32, #tpu.memory_space<vmem>>) dst(%dma_wait3A_268 : memref<10240x128xf32, #tpu.memory_space<vmem_shared>>)
        tpu.yield
      }) : () -> ()
      %run_scoped3A_207 = arith.constant 0 : i32
      "tpu.region"() ({
        %run_scoped3A_248 = tpu.sem_alloc : memref<!tpu.dma_semaphore, #tpu.memory_space<semaphore_mem>>
        %dma_start3A_249 = arith.constant 0 : i32
        %dma_start3A_250 = tpu.memref_slice %arg6[%run_scoped3A_207, %dma_start3A_249] : memref<2x80xi32, #tpu.memory_space<vmem>> -> memref<1x80xi32, #tpu.memory_space<vmem>>
        %dma_start3A_251 = tpu.memref_squeeze %dma_start3A_250 : memref<1x80xi32, #tpu.memory_space<vmem>> -> memref<80xi32, #tpu.memory_space<vmem>>
        %dma_start3A_252 = arith.constant 0 : i32
        %dma_start3A_253 = tpu.memref_slice %arg11[%dma_start3A_252] : memref<10240xf32, #tpu.memory_space<vmem_shared>> -> memref<10240xf32, #tpu.memory_space<vmem_shared>>
        tpu.enqueue_indirect_dma source(%arg8 : memref<80xf32, #tpu.memory_space<vmem>>) target(%dma_start3A_253 : memref<10240xf32, #tpu.memory_space<vmem_shared>>) offsets(%dma_start3A_251 : memref<80xi32, #tpu.memory_space<vmem>>) semaphore(%run_scoped3A_248 : memref<!tpu.dma_semaphore, #tpu.memory_space<semaphore_mem>>) {add = true}
        %dma_wait3A_254 = arith.constant 0 : i32
        %dma_wait3A_255 = tpu.memref_slice %arg6[%run_scoped3A_207, %dma_wait3A_254] : memref<2x80xi32, #tpu.memory_space<vmem>> -> memref<1x80xi32, #tpu.memory_space<vmem>>
        %dma_wait3A_256 = tpu.memref_squeeze %dma_wait3A_255 : memref<1x80xi32, #tpu.memory_space<vmem>> -> memref<80xi32, #tpu.memory_space<vmem>>
        %dma_wait3A_257 = arith.constant 0 : i32
        %dma_wait3A_258 = tpu.memref_slice %arg11[%dma_wait3A_257] : memref<10240xf32, #tpu.memory_space<vmem_shared>> -> memref<10240xf32, #tpu.memory_space<vmem_shared>>
        tpu.wait_indirect_dma semaphore(%run_scoped3A_248 : memref<!tpu.dma_semaphore, #tpu.memory_space<semaphore_mem>>) src(%arg8 : memref<80xf32, #tpu.memory_space<vmem>>) dst(%dma_wait3A_258 : memref<10240xf32, #tpu.memory_space<vmem_shared>>)
        tpu.yield
      }) : () -> ()
      %add3A_208 = arith.constant 2 : i32
      %add3A_209 = arith.addi %mul3A_168, %add3A_208 : i32
      %mul3A_210 = arith.constant 80 : i32
      %mul3A_211 = arith.muli %add3A_209, %mul3A_210 : i32
      %add3A_212 = arith.addi %mul3A_2, %mul3A_211 : i32
      %add3A_213 = arith.constant 192000 : i32
      %add3A_214 = arith.addi %add3A_213, %add3A_212 : i32
      %run_scoped3A_215 = arith.constant 0 : i32
      "tpu.region"() ({
        %run_scoped3A_248 = tpu.sem_alloc : memref<!tpu.dma_semaphore, #tpu.memory_space<semaphore_mem>>
        %dma_start3A_249 = arith.constant 0 : i32
        %dma_start3A_250 = tpu.memref_slice %arg6[%run_scoped3A_215, %dma_start3A_249] : memref<2x80xi32, #tpu.memory_space<vmem>> -> memref<1x80xi32, #tpu.memory_space<vmem>>
        %dma_start3A_251 = tpu.memref_squeeze %dma_start3A_250 : memref<1x80xi32, #tpu.memory_space<vmem>> -> memref<80xi32, #tpu.memory_space<vmem>>
        %dma_start3A_252 = tpu.memref_slice %arg2[%add3A_214] : memref<320000xi32, #tpu.memory_space<hbm>> -> memref<80xi32, #tpu.memory_space<hbm>>
        %dma_start3A_253 = arith.constant 0 : i32
        %dma_start3A_254 = tpu.memref_slice %arg6[%run_scoped3A_215, %dma_start3A_253] : memref<2x80xi32, #tpu.memory_space<vmem>> -> memref<1x80xi32, #tpu.memory_space<vmem>>
        %dma_start3A_255 = tpu.memref_squeeze %dma_start3A_254 : memref<1x80xi32, #tpu.memory_space<vmem>> -> memref<80xi32, #tpu.memory_space<vmem>>
        %dma_start3A_256 = tpu.memref_slice %arg2[%add3A_214] : memref<320000xi32, #tpu.memory_space<hbm>> -> memref<80xi32, #tpu.memory_space<hbm>>
        tpu.enqueue_dma source(%dma_start3A_256 : memref<80xi32, #tpu.memory_space<hbm>>) target(%dma_start3A_255 : memref<80xi32, #tpu.memory_space<vmem>>) target_semaphore(%run_scoped3A_248 : memref<!tpu.dma_semaphore, #tpu.memory_space<semaphore_mem>>)
        %dma_wait3A_257 = arith.constant 0 : i32
        %dma_wait3A_258 = tpu.memref_slice %arg6[%run_scoped3A_215, %dma_wait3A_257] : memref<2x80xi32, #tpu.memory_space<vmem>> -> memref<1x80xi32, #tpu.memory_space<vmem>>
        %dma_wait3A_259 = tpu.memref_squeeze %dma_wait3A_258 : memref<1x80xi32, #tpu.memory_space<vmem>> -> memref<80xi32, #tpu.memory_space<vmem>>
        %dma_wait3A_260 = tpu.memref_slice %arg2[%add3A_214] : memref<320000xi32, #tpu.memory_space<hbm>> -> memref<80xi32, #tpu.memory_space<hbm>>
        %dma_wait3A_261 = arith.constant 0 : i32
        %dma_wait3A_262 = tpu.memref_slice %arg6[%run_scoped3A_215, %dma_wait3A_261] : memref<2x80xi32, #tpu.memory_space<vmem>> -> memref<1x80xi32, #tpu.memory_space<vmem>>
        %dma_wait3A_263 = tpu.memref_squeeze %dma_wait3A_262 : memref<1x80xi32, #tpu.memory_space<vmem>> -> memref<80xi32, #tpu.memory_space<vmem>>
        %dma_wait3A_264 = tpu.memref_slice %arg2[%add3A_214] : memref<320000xi32, #tpu.memory_space<hbm>> -> memref<80xi32, #tpu.memory_space<hbm>>
        tpu.wait_dma2 semaphore(%run_scoped3A_248 : memref<!tpu.dma_semaphore, #tpu.memory_space<semaphore_mem>>) src(%dma_wait3A_264 : memref<80xi32, #tpu.memory_space<hbm>>) dst(%dma_wait3A_263 : memref<80xi32, #tpu.memory_space<vmem>>)
        tpu.yield
      }) : () -> ()
      %dma_start3A_216 = arith.constant 0 : i32
      %dma_start3A_217 = arith.constant 0 : i32
      %dma_start3A_218 = arith.constant 0 : i32
      %dma_start3A_219 = tpu.memref_slice %arg7[%dma_start3A_216, %dma_start3A_217, %dma_start3A_218] : memref<2x80x128xf32, #tpu.memory_space<vmem>> -> memref<1x80x128xf32, #tpu.memory_space<vmem>>
      %dma_start3A_220 = tpu.memref_squeeze %dma_start3A_219 : memref<1x80x128xf32, #tpu.memory_space<vmem>> -> memref<80x128xf32, #tpu.memory_space<vmem>>
      %dma_start3A_221 = arith.constant 0 : i32
      %dma_start3A_222 = tpu.memref_slice %arg3[%add3A_212, %dma_start3A_221] : memref<129024x128xf32, #tpu.memory_space<hbm>> -> memref<80x128xf32, #tpu.memory_space<hbm>>
      %dma_start3A_223 = arith.constant 0 : i32
      %dma_start3A_224 = arith.constant 0 : i32
      %dma_start3A_225 = tpu.memref_slice %arg7[%dma_start3A_216, %dma_start3A_223, %dma_start3A_224] : memref<2x80x128xf32, #tpu.memory_space<vmem>> -> memref<1x80x128xf32, #tpu.memory_space<vmem>>
      %dma_start3A_226 = tpu.memref_squeeze %dma_start3A_225 : memref<1x80x128xf32, #tpu.memory_space<vmem>> -> memref<80x128xf32, #tpu.memory_space<vmem>>
      %dma_start3A_227 = arith.constant 0 : i32
      %dma_start3A_228 = tpu.memref_slice %arg3[%add3A_212, %dma_start3A_227] : memref<129024x128xf32, #tpu.memory_space<hbm>> -> memref<80x128xf32, #tpu.memory_space<hbm>>
      tpu.enqueue_dma source(%dma_start3A_228 : memref<80x128xf32, #tpu.memory_space<hbm>>) target(%dma_start3A_226 : memref<80x128xf32, #tpu.memory_space<vmem>>) target_semaphore(%arg12 : memref<!tpu.dma_semaphore, #tpu.memory_space<semaphore_mem>>)
      %dma_wait3A_229 = arith.constant 1 : i32
      %dma_wait3A_230 = arith.constant 0 : i32
      %dma_wait3A_231 = arith.constant 0 : i32
      %dma_wait3A_232 = tpu.memref_slice %arg7[%dma_wait3A_229, %dma_wait3A_230, %dma_wait3A_231] : memref<2x80x128xf32, #tpu.memory_space<vmem>> -> memref<1x80x128xf32, #tpu.memory_space<vmem>>
      %dma_wait3A_233 = tpu.memref_squeeze %dma_wait3A_232 : memref<1x80x128xf32, #tpu.memory_space<vmem>> -> memref<80x128xf32, #tpu.memory_space<vmem>>
      %dma_wait3A_234 = arith.constant 0 : i32
      %dma_wait3A_235 = arith.constant 0 : i32
      %dma_wait3A_236 = tpu.memref_slice %arg3[%dma_wait3A_234, %dma_wait3A_235] : memref<129024x128xf32, #tpu.memory_space<hbm>> -> memref<80x128xf32, #tpu.memory_space<hbm>>
      %dma_wait3A_237 = arith.constant 0 : i32
      %dma_wait3A_238 = arith.constant 0 : i32
      %dma_wait3A_239 = tpu.memref_slice %arg7[%dma_wait3A_229, %dma_wait3A_237, %dma_wait3A_238] : memref<2x80x128xf32, #tpu.memory_space<vmem>> -> memref<1x80x128xf32, #tpu.memory_space<vmem>>
      %dma_wait3A_240 = tpu.memref_squeeze %dma_wait3A_239 : memref<1x80x128xf32, #tpu.memory_space<vmem>> -> memref<80x128xf32, #tpu.memory_space<vmem>>
      %dma_wait3A_241 = arith.constant 0 : i32
      %dma_wait3A_242 = arith.constant 0 : i32
      %dma_wait3A_243 = tpu.memref_slice %arg3[%dma_wait3A_241, %dma_wait3A_242] : memref<129024x128xf32, #tpu.memory_space<hbm>> -> memref<80x128xf32, #tpu.memory_space<hbm>>
      tpu.wait_dma2 semaphore(%arg13 : memref<!tpu.dma_semaphore, #tpu.memory_space<semaphore_mem>>) src(%dma_wait3A_243 : memref<80x128xf32, #tpu.memory_space<hbm>>) dst(%dma_wait3A_240 : memref<80x128xf32, #tpu.memory_space<vmem>>)
      %run_scoped3A_244 = arith.constant 1 : i32
      %run_scoped3A_245 = arith.constant 1 : i32
      "tpu.region"() ({
        %run_scoped3A_248 = tpu.sem_alloc : memref<!tpu.dma_semaphore, #tpu.memory_space<semaphore_mem>>
        %dma_start3A_249 = arith.constant 0 : i32
        %dma_start3A_250 = arith.constant 0 : i32
        %dma_start3A_251 = tpu.memref_slice %arg7[%run_scoped3A_244, %dma_start3A_249, %dma_start3A_250] : memref<2x80x128xf32, #tpu.memory_space<vmem>> -> memref<1x80x128xf32, #tpu.memory_space<vmem>>
        %dma_start3A_252 = tpu.memref_squeeze %dma_start3A_251 : memref<1x80x128xf32, #tpu.memory_space<vmem>> -> memref<80x128xf32, #tpu.memory_space<vmem>>
        %dma_start3A_253 = arith.constant 0 : i32
        %dma_start3A_254 = tpu.memref_slice %arg6[%run_scoped3A_245, %dma_start3A_253] : memref<2x80xi32, #tpu.memory_space<vmem>> -> memref<1x80xi32, #tpu.memory_space<vmem>>
        %dma_start3A_255 = tpu.memref_squeeze %dma_start3A_254 : memref<1x80xi32, #tpu.memory_space<vmem>> -> memref<80xi32, #tpu.memory_space<vmem>>
        %dma_start3A_256 = arith.constant 0 : i32
        %dma_start3A_257 = arith.constant 0 : i32
        %dma_start3A_258 = tpu.memref_slice %arg10[%dma_start3A_256, %dma_start3A_257] : memref<10240x128xf32, #tpu.memory_space<vmem_shared>> -> memref<10240x128xf32, #tpu.memory_space<vmem_shared>>
        tpu.enqueue_indirect_dma source(%dma_start3A_252 : memref<80x128xf32, #tpu.memory_space<vmem>>) target(%dma_start3A_258 : memref<10240x128xf32, #tpu.memory_space<vmem_shared>>) offsets(%dma_start3A_255 : memref<80xi32, #tpu.memory_space<vmem>>) semaphore(%run_scoped3A_248 : memref<!tpu.dma_semaphore, #tpu.memory_space<semaphore_mem>>) {add = true}
        %dma_wait3A_259 = arith.constant 0 : i32
        %dma_wait3A_260 = arith.constant 0 : i32
        %dma_wait3A_261 = tpu.memref_slice %arg7[%run_scoped3A_244, %dma_wait3A_259, %dma_wait3A_260] : memref<2x80x128xf32, #tpu.memory_space<vmem>> -> memref<1x80x128xf32, #tpu.memory_space<vmem>>
        %dma_wait3A_262 = tpu.memref_squeeze %dma_wait3A_261 : memref<1x80x128xf32, #tpu.memory_space<vmem>> -> memref<80x128xf32, #tpu.memory_space<vmem>>
        %dma_wait3A_263 = arith.constant 0 : i32
        %dma_wait3A_264 = tpu.memref_slice %arg6[%run_scoped3A_245, %dma_wait3A_263] : memref<2x80xi32, #tpu.memory_space<vmem>> -> memref<1x80xi32, #tpu.memory_space<vmem>>
        %dma_wait3A_265 = tpu.memref_squeeze %dma_wait3A_264 : memref<1x80xi32, #tpu.memory_space<vmem>> -> memref<80xi32, #tpu.memory_space<vmem>>
        %dma_wait3A_266 = arith.constant 0 : i32
        %dma_wait3A_267 = arith.constant 0 : i32
        %dma_wait3A_268 = tpu.memref_slice %arg10[%dma_wait3A_266, %dma_wait3A_267] : memref<10240x128xf32, #tpu.memory_space<vmem_shared>> -> memref<10240x128xf32, #tpu.memory_space<vmem_shared>>
        tpu.wait_indirect_dma semaphore(%run_scoped3A_248 : memref<!tpu.dma_semaphore, #tpu.memory_space<semaphore_mem>>) src(%dma_wait3A_262 : memref<80x128xf32, #tpu.memory_space<vmem>>) dst(%dma_wait3A_268 : memref<10240x128xf32, #tpu.memory_space<vmem_shared>>)
        tpu.yield
      }) : () -> ()
      %run_scoped3A_246 = arith.constant 1 : i32
      "tpu.region"() ({
        %run_scoped3A_248 = tpu.sem_alloc : memref<!tpu.dma_semaphore, #tpu.memory_space<semaphore_mem>>
        %dma_start3A_249 = arith.constant 0 : i32
        %dma_start3A_250 = tpu.memref_slice %arg6[%run_scoped3A_246, %dma_start3A_249] : memref<2x80xi32, #tpu.memory_space<vmem>> -> memref<1x80xi32, #tpu.memory_space<vmem>>
        %dma_start3A_251 = tpu.memref_squeeze %dma_start3A_250 : memref<1x80xi32, #tpu.memory_space<vmem>> -> memref<80xi32, #tpu.memory_space<vmem>>
        %dma_start3A_252 = arith.constant 0 : i32
        %dma_start3A_253 = tpu.memref_slice %arg11[%dma_start3A_252] : memref<10240xf32, #tpu.memory_space<vmem_shared>> -> memref<10240xf32, #tpu.memory_space<vmem_shared>>
        tpu.enqueue_indirect_dma source(%arg8 : memref<80xf32, #tpu.memory_space<vmem>>) target(%dma_start3A_253 : memref<10240xf32, #tpu.memory_space<vmem_shared>>) offsets(%dma_start3A_251 : memref<80xi32, #tpu.memory_space<vmem>>) semaphore(%run_scoped3A_248 : memref<!tpu.dma_semaphore, #tpu.memory_space<semaphore_mem>>) {add = true}
        %dma_wait3A_254 = arith.constant 0 : i32
        %dma_wait3A_255 = tpu.memref_slice %arg6[%run_scoped3A_246, %dma_wait3A_254] : memref<2x80xi32, #tpu.memory_space<vmem>> -> memref<1x80xi32, #tpu.memory_space<vmem>>
        %dma_wait3A_256 = tpu.memref_squeeze %dma_wait3A_255 : memref<1x80xi32, #tpu.memory_space<vmem>> -> memref<80xi32, #tpu.memory_space<vmem>>
        %dma_wait3A_257 = arith.constant 0 : i32
        %dma_wait3A_258 = tpu.memref_slice %arg11[%dma_wait3A_257] : memref<10240xf32, #tpu.memory_space<vmem_shared>> -> memref<10240xf32, #tpu.memory_space<vmem_shared>>
        tpu.wait_indirect_dma semaphore(%run_scoped3A_248 : memref<!tpu.dma_semaphore, #tpu.memory_space<semaphore_mem>>) src(%arg8 : memref<80xf32, #tpu.memory_space<vmem>>) dst(%dma_wait3A_258 : memref<10240xf32, #tpu.memory_space<vmem_shared>>)
        tpu.yield
      }) : () -> ()
      %scan3A_247 = arith.constant 0 : i32
      scf.yield %scan3A_247 : i32
    }
    %scan3A_102 = arith.constant 24 : i32
    %add3A_103 = arith.constant 3920 : i32
    %add3A_104 = arith.addi %mul3A_2, %add3A_103 : i32
    %add3A_105 = arith.constant 192000 : i32
    %add3A_106 = arith.addi %add3A_105, %add3A_104 : i32
    %run_scoped3A_107 = arith.constant 1 : i32
    "tpu.region"() ({
      %run_scoped3A_165 = tpu.sem_alloc : memref<!tpu.dma_semaphore, #tpu.memory_space<semaphore_mem>>
      %dma_start3A_166 = arith.constant 0 : i32
      %dma_start3A_167 = tpu.memref_slice %arg6[%run_scoped3A_107, %dma_start3A_166] : memref<2x80xi32, #tpu.memory_space<vmem>> -> memref<1x80xi32, #tpu.memory_space<vmem>>
      %dma_start3A_168 = tpu.memref_squeeze %dma_start3A_167 : memref<1x80xi32, #tpu.memory_space<vmem>> -> memref<80xi32, #tpu.memory_space<vmem>>
      %dma_start3A_169 = tpu.memref_slice %arg2[%add3A_106] : memref<320000xi32, #tpu.memory_space<hbm>> -> memref<80xi32, #tpu.memory_space<hbm>>
      %dma_start3A_170 = arith.constant 0 : i32
      %dma_start3A_171 = tpu.memref_slice %arg6[%run_scoped3A_107, %dma_start3A_170] : memref<2x80xi32, #tpu.memory_space<vmem>> -> memref<1x80xi32, #tpu.memory_space<vmem>>
      %dma_start3A_172 = tpu.memref_squeeze %dma_start3A_171 : memref<1x80xi32, #tpu.memory_space<vmem>> -> memref<80xi32, #tpu.memory_space<vmem>>
      %dma_start3A_173 = tpu.memref_slice %arg2[%add3A_106] : memref<320000xi32, #tpu.memory_space<hbm>> -> memref<80xi32, #tpu.memory_space<hbm>>
      tpu.enqueue_dma source(%dma_start3A_173 : memref<80xi32, #tpu.memory_space<hbm>>) target(%dma_start3A_172 : memref<80xi32, #tpu.memory_space<vmem>>) target_semaphore(%run_scoped3A_165 : memref<!tpu.dma_semaphore, #tpu.memory_space<semaphore_mem>>)
      %dma_wait3A_174 = arith.constant 0 : i32
      %dma_wait3A_175 = tpu.memref_slice %arg6[%run_scoped3A_107, %dma_wait3A_174] : memref<2x80xi32, #tpu.memory_space<vmem>> -> memref<1x80xi32, #tpu.memory_space<vmem>>
      %dma_wait3A_176 = tpu.memref_squeeze %dma_wait3A_175 : memref<1x80xi32, #tpu.memory_space<vmem>> -> memref<80xi32, #tpu.memory_space<vmem>>
      %dma_wait3A_177 = tpu.memref_slice %arg2[%add3A_106] : memref<320000xi32, #tpu.memory_space<hbm>> -> memref<80xi32, #tpu.memory_space<hbm>>
      %dma_wait3A_178 = arith.constant 0 : i32
      %dma_wait3A_179 = tpu.memref_slice %arg6[%run_scoped3A_107, %dma_wait3A_178] : memref<2x80xi32, #tpu.memory_space<vmem>> -> memref<1x80xi32, #tpu.memory_space<vmem>>
      %dma_wait3A_180 = tpu.memref_squeeze %dma_wait3A_179 : memref<1x80xi32, #tpu.memory_space<vmem>> -> memref<80xi32, #tpu.memory_space<vmem>>
      %dma_wait3A_181 = tpu.memref_slice %arg2[%add3A_106] : memref<320000xi32, #tpu.memory_space<hbm>> -> memref<80xi32, #tpu.memory_space<hbm>>
      tpu.wait_dma2 semaphore(%run_scoped3A_165 : memref<!tpu.dma_semaphore, #tpu.memory_space<semaphore_mem>>) src(%dma_wait3A_181 : memref<80xi32, #tpu.memory_space<hbm>>) dst(%dma_wait3A_180 : memref<80xi32, #tpu.memory_space<vmem>>)
      tpu.yield
    }) : () -> ()
    %dma_start3A_108 = arith.constant 1 : i32
    %dma_start3A_109 = arith.constant 0 : i32
    %dma_start3A_110 = arith.constant 0 : i32
    %dma_start3A_111 = tpu.memref_slice %arg7[%dma_start3A_108, %dma_start3A_109, %dma_start3A_110] : memref<2x80x128xf32, #tpu.memory_space<vmem>> -> memref<1x80x128xf32, #tpu.memory_space<vmem>>
    %dma_start3A_112 = tpu.memref_squeeze %dma_start3A_111 : memref<1x80x128xf32, #tpu.memory_space<vmem>> -> memref<80x128xf32, #tpu.memory_space<vmem>>
    %dma_start3A_113 = arith.constant 0 : i32
    %dma_start3A_114 = tpu.memref_slice %arg3[%add3A_104, %dma_start3A_113] : memref<129024x128xf32, #tpu.memory_space<hbm>> -> memref<80x128xf32, #tpu.memory_space<hbm>>
    %dma_start3A_115 = arith.constant 0 : i32
    %dma_start3A_116 = arith.constant 0 : i32
    %dma_start3A_117 = tpu.memref_slice %arg7[%dma_start3A_108, %dma_start3A_115, %dma_start3A_116] : memref<2x80x128xf32, #tpu.memory_space<vmem>> -> memref<1x80x128xf32, #tpu.memory_space<vmem>>
    %dma_start3A_118 = tpu.memref_squeeze %dma_start3A_117 : memref<1x80x128xf32, #tpu.memory_space<vmem>> -> memref<80x128xf32, #tpu.memory_space<vmem>>
    %dma_start3A_119 = arith.constant 0 : i32
    %dma_start3A_120 = tpu.memref_slice %arg3[%add3A_104, %dma_start3A_119] : memref<129024x128xf32, #tpu.memory_space<hbm>> -> memref<80x128xf32, #tpu.memory_space<hbm>>
    tpu.enqueue_dma source(%dma_start3A_120 : memref<80x128xf32, #tpu.memory_space<hbm>>) target(%dma_start3A_118 : memref<80x128xf32, #tpu.memory_space<vmem>>) target_semaphore(%arg13 : memref<!tpu.dma_semaphore, #tpu.memory_space<semaphore_mem>>)
    %dma_wait3A = arith.constant 0 : i32
    %dma_wait3A_121 = arith.constant 0 : i32
    %dma_wait3A_122 = arith.constant 0 : i32
    %dma_wait3A_123 = tpu.memref_slice %arg7[%dma_wait3A, %dma_wait3A_121, %dma_wait3A_122] : memref<2x80x128xf32, #tpu.memory_space<vmem>> -> memref<1x80x128xf32, #tpu.memory_space<vmem>>
    %dma_wait3A_124 = tpu.memref_squeeze %dma_wait3A_123 : memref<1x80x128xf32, #tpu.memory_space<vmem>> -> memref<80x128xf32, #tpu.memory_space<vmem>>
    %dma_wait3A_125 = arith.constant 0 : i32
    %dma_wait3A_126 = arith.constant 0 : i32
    %dma_wait3A_127 = tpu.memref_slice %arg3[%dma_wait3A_125, %dma_wait3A_126] : memref<129024x128xf32, #tpu.memory_space<hbm>> -> memref<80x128xf32, #tpu.memory_space<hbm>>
    %dma_wait3A_128 = arith.constant 0 : i32
    %dma_wait3A_129 = arith.constant 0 : i32
    %dma_wait3A_130 = tpu.memref_slice %arg7[%dma_wait3A, %dma_wait3A_128, %dma_wait3A_129] : memref<2x80x128xf32, #tpu.memory_space<vmem>> -> memref<1x80x128xf32, #tpu.memory_space<vmem>>
    %dma_wait3A_131 = tpu.memref_squeeze %dma_wait3A_130 : memref<1x80x128xf32, #tpu.memory_space<vmem>> -> memref<80x128xf32, #tpu.memory_space<vmem>>
    %dma_wait3A_132 = arith.constant 0 : i32
    %dma_wait3A_133 = arith.constant 0 : i32
    %dma_wait3A_134 = tpu.memref_slice %arg3[%dma_wait3A_132, %dma_wait3A_133] : memref<129024x128xf32, #tpu.memory_space<hbm>> -> memref<80x128xf32, #tpu.memory_space<hbm>>
    tpu.wait_dma2 semaphore(%arg12 : memref<!tpu.dma_semaphore, #tpu.memory_space<semaphore_mem>>) src(%dma_wait3A_134 : memref<80x128xf32, #tpu.memory_space<hbm>>) dst(%dma_wait3A_131 : memref<80x128xf32, #tpu.memory_space<vmem>>)
    %run_scoped3A_135 = arith.constant 0 : i32
    %run_scoped3A_136 = arith.constant 0 : i32
    "tpu.region"() ({
      %run_scoped3A_165 = tpu.sem_alloc : memref<!tpu.dma_semaphore, #tpu.memory_space<semaphore_mem>>
      %dma_start3A_166 = arith.constant 0 : i32
      %dma_start3A_167 = arith.constant 0 : i32
      %dma_start3A_168 = tpu.memref_slice %arg7[%run_scoped3A_135, %dma_start3A_166, %dma_start3A_167] : memref<2x80x128xf32, #tpu.memory_space<vmem>> -> memref<1x80x128xf32, #tpu.memory_space<vmem>>
      %dma_start3A_169 = tpu.memref_squeeze %dma_start3A_168 : memref<1x80x128xf32, #tpu.memory_space<vmem>> -> memref<80x128xf32, #tpu.memory_space<vmem>>
      %dma_start3A_170 = arith.constant 0 : i32
      %dma_start3A_171 = tpu.memref_slice %arg6[%run_scoped3A_136, %dma_start3A_170] : memref<2x80xi32, #tpu.memory_space<vmem>> -> memref<1x80xi32, #tpu.memory_space<vmem>>
      %dma_start3A_172 = tpu.memref_squeeze %dma_start3A_171 : memref<1x80xi32, #tpu.memory_space<vmem>> -> memref<80xi32, #tpu.memory_space<vmem>>
      %dma_start3A_173 = arith.constant 0 : i32
      %dma_start3A_174 = arith.constant 0 : i32
      %dma_start3A_175 = tpu.memref_slice %arg10[%dma_start3A_173, %dma_start3A_174] : memref<10240x128xf32, #tpu.memory_space<vmem_shared>> -> memref<10240x128xf32, #tpu.memory_space<vmem_shared>>
      tpu.enqueue_indirect_dma source(%dma_start3A_169 : memref<80x128xf32, #tpu.memory_space<vmem>>) target(%dma_start3A_175 : memref<10240x128xf32, #tpu.memory_space<vmem_shared>>) offsets(%dma_start3A_172 : memref<80xi32, #tpu.memory_space<vmem>>) semaphore(%run_scoped3A_165 : memref<!tpu.dma_semaphore, #tpu.memory_space<semaphore_mem>>) {add = true}
      %dma_wait3A_176 = arith.constant 0 : i32
      %dma_wait3A_177 = arith.constant 0 : i32
      %dma_wait3A_178 = tpu.memref_slice %arg7[%run_scoped3A_135, %dma_wait3A_176, %dma_wait3A_177] : memref<2x80x128xf32, #tpu.memory_space<vmem>> -> memref<1x80x128xf32, #tpu.memory_space<vmem>>
      %dma_wait3A_179 = tpu.memref_squeeze %dma_wait3A_178 : memref<1x80x128xf32, #tpu.memory_space<vmem>> -> memref<80x128xf32, #tpu.memory_space<vmem>>
      %dma_wait3A_180 = arith.constant 0 : i32
      %dma_wait3A_181 = tpu.memref_slice %arg6[%run_scoped3A_136, %dma_wait3A_180] : memref<2x80xi32, #tpu.memory_space<vmem>> -> memref<1x80xi32, #tpu.memory_space<vmem>>
      %dma_wait3A_182 = tpu.memref_squeeze %dma_wait3A_181 : memref<1x80xi32, #tpu.memory_space<vmem>> -> memref<80xi32, #tpu.memory_space<vmem>>
      %dma_wait3A_183 = arith.constant 0 : i32
      %dma_wait3A_184 = arith.constant 0 : i32
      %dma_wait3A_185 = tpu.memref_slice %arg10[%dma_wait3A_183, %dma_wait3A_184] : memref<10240x128xf32, #tpu.memory_space<vmem_shared>> -> memref<10240x128xf32, #tpu.memory_space<vmem_shared>>
      tpu.wait_indirect_dma semaphore(%run_scoped3A_165 : memref<!tpu.dma_semaphore, #tpu.memory_space<semaphore_mem>>) src(%dma_wait3A_179 : memref<80x128xf32, #tpu.memory_space<vmem>>) dst(%dma_wait3A_185 : memref<10240x128xf32, #tpu.memory_space<vmem_shared>>)
      tpu.yield
    }) : () -> ()
    %run_scoped3A_137 = arith.constant 0 : i32
    "tpu.region"() ({
      %run_scoped3A_165 = tpu.sem_alloc : memref<!tpu.dma_semaphore, #tpu.memory_space<semaphore_mem>>
      %dma_start3A_166 = arith.constant 0 : i32
      %dma_start3A_167 = tpu.memref_slice %arg6[%run_scoped3A_137, %dma_start3A_166] : memref<2x80xi32, #tpu.memory_space<vmem>> -> memref<1x80xi32, #tpu.memory_space<vmem>>
      %dma_start3A_168 = tpu.memref_squeeze %dma_start3A_167 : memref<1x80xi32, #tpu.memory_space<vmem>> -> memref<80xi32, #tpu.memory_space<vmem>>
      %dma_start3A_169 = arith.constant 0 : i32
      %dma_start3A_170 = tpu.memref_slice %arg11[%dma_start3A_169] : memref<10240xf32, #tpu.memory_space<vmem_shared>> -> memref<10240xf32, #tpu.memory_space<vmem_shared>>
      tpu.enqueue_indirect_dma source(%arg8 : memref<80xf32, #tpu.memory_space<vmem>>) target(%dma_start3A_170 : memref<10240xf32, #tpu.memory_space<vmem_shared>>) offsets(%dma_start3A_168 : memref<80xi32, #tpu.memory_space<vmem>>) semaphore(%run_scoped3A_165 : memref<!tpu.dma_semaphore, #tpu.memory_space<semaphore_mem>>) {add = true}
      %dma_wait3A_171 = arith.constant 0 : i32
      %dma_wait3A_172 = tpu.memref_slice %arg6[%run_scoped3A_137, %dma_wait3A_171] : memref<2x80xi32, #tpu.memory_space<vmem>> -> memref<1x80xi32, #tpu.memory_space<vmem>>
      %dma_wait3A_173 = tpu.memref_squeeze %dma_wait3A_172 : memref<1x80xi32, #tpu.memory_space<vmem>> -> memref<80xi32, #tpu.memory_space<vmem>>
      %dma_wait3A_174 = arith.constant 0 : i32
      %dma_wait3A_175 = tpu.memref_slice %arg11[%dma_wait3A_174] : memref<10240xf32, #tpu.memory_space<vmem_shared>> -> memref<10240xf32, #tpu.memory_space<vmem_shared>>
      tpu.wait_indirect_dma semaphore(%run_scoped3A_165 : memref<!tpu.dma_semaphore, #tpu.memory_space<semaphore_mem>>) src(%arg8 : memref<80xf32, #tpu.memory_space<vmem>>) dst(%dma_wait3A_175 : memref<10240xf32, #tpu.memory_space<vmem_shared>>)
      tpu.yield
    }) : () -> ()
    %dma_wait3A_138 = arith.constant 1 : i32
    %dma_wait3A_139 = arith.constant 0 : i32
    %dma_wait3A_140 = arith.constant 0 : i32
    %dma_wait3A_141 = tpu.memref_slice %arg7[%dma_wait3A_138, %dma_wait3A_139, %dma_wait3A_140] : memref<2x80x128xf32, #tpu.memory_space<vmem>> -> memref<1x80x128xf32, #tpu.memory_space<vmem>>
    %dma_wait3A_142 = tpu.memref_squeeze %dma_wait3A_141 : memref<1x80x128xf32, #tpu.memory_space<vmem>> -> memref<80x128xf32, #tpu.memory_space<vmem>>
    %dma_wait3A_143 = arith.constant 0 : i32
    %dma_wait3A_144 = arith.constant 0 : i32
    %dma_wait3A_145 = tpu.memref_slice %arg3[%dma_wait3A_143, %dma_wait3A_144] : memref<129024x128xf32, #tpu.memory_space<hbm>> -> memref<80x128xf32, #tpu.memory_space<hbm>>
    %dma_wait3A_146 = arith.constant 0 : i32
    %dma_wait3A_147 = arith.constant 0 : i32
    %dma_wait3A_148 = tpu.memref_slice %arg7[%dma_wait3A_138, %dma_wait3A_146, %dma_wait3A_147] : memref<2x80x128xf32, #tpu.memory_space<vmem>> -> memref<1x80x128xf32, #tpu.memory_space<vmem>>
    %dma_wait3A_149 = tpu.memref_squeeze %dma_wait3A_148 : memref<1x80x128xf32, #tpu.memory_space<vmem>> -> memref<80x128xf32, #tpu.memory_space<vmem>>
    %dma_wait3A_150 = arith.constant 0 : i32
    %dma_wait3A_151 = arith.constant 0 : i32
    %dma_wait3A_152 = tpu.memref_slice %arg3[%dma_wait3A_150, %dma_wait3A_151] : memref<129024x128xf32, #tpu.memory_space<hbm>> -> memref<80x128xf32, #tpu.memory_space<hbm>>
    tpu.wait_dma2 semaphore(%arg13 : memref<!tpu.dma_semaphore, #tpu.memory_space<semaphore_mem>>) src(%dma_wait3A_152 : memref<80x128xf32, #tpu.memory_space<hbm>>) dst(%dma_wait3A_149 : memref<80x128xf32, #tpu.memory_space<vmem>>)
    %run_scoped3A_153 = arith.constant 1 : i32
    %run_scoped3A_154 = arith.constant 1 : i32
    "tpu.region"() ({
      %run_scoped3A_165 = tpu.sem_alloc : memref<!tpu.dma_semaphore, #tpu.memory_space<semaphore_mem>>
      %dma_start3A_166 = arith.constant 0 : i32
      %dma_start3A_167 = arith.constant 0 : i32
      %dma_start3A_168 = tpu.memref_slice %arg7[%run_scoped3A_153, %dma_start3A_166, %dma_start3A_167] : memref<2x80x128xf32, #tpu.memory_space<vmem>> -> memref<1x80x128xf32, #tpu.memory_space<vmem>>
      %dma_start3A_169 = tpu.memref_squeeze %dma_start3A_168 : memref<1x80x128xf32, #tpu.memory_space<vmem>> -> memref<80x128xf32, #tpu.memory_space<vmem>>
      %dma_start3A_170 = arith.constant 0 : i32
      %dma_start3A_171 = tpu.memref_slice %arg6[%run_scoped3A_154, %dma_start3A_170] : memref<2x80xi32, #tpu.memory_space<vmem>> -> memref<1x80xi32, #tpu.memory_space<vmem>>
      %dma_start3A_172 = tpu.memref_squeeze %dma_start3A_171 : memref<1x80xi32, #tpu.memory_space<vmem>> -> memref<80xi32, #tpu.memory_space<vmem>>
      %dma_start3A_173 = arith.constant 0 : i32
      %dma_start3A_174 = arith.constant 0 : i32
      %dma_start3A_175 = tpu.memref_slice %arg10[%dma_start3A_173, %dma_start3A_174] : memref<10240x128xf32, #tpu.memory_space<vmem_shared>> -> memref<10240x128xf32, #tpu.memory_space<vmem_shared>>
      tpu.enqueue_indirect_dma source(%dma_start3A_169 : memref<80x128xf32, #tpu.memory_space<vmem>>) target(%dma_start3A_175 : memref<10240x128xf32, #tpu.memory_space<vmem_shared>>) offsets(%dma_start3A_172 : memref<80xi32, #tpu.memory_space<vmem>>) semaphore(%run_scoped3A_165 : memref<!tpu.dma_semaphore, #tpu.memory_space<semaphore_mem>>) {add = true}
      %dma_wait3A_176 = arith.constant 0 : i32
      %dma_wait3A_177 = arith.constant 0 : i32
      %dma_wait3A_178 = tpu.memref_slice %arg7[%run_scoped3A_153, %dma_wait3A_176, %dma_wait3A_177] : memref<2x80x128xf32, #tpu.memory_space<vmem>> -> memref<1x80x128xf32, #tpu.memory_space<vmem>>
      %dma_wait3A_179 = tpu.memref_squeeze %dma_wait3A_178 : memref<1x80x128xf32, #tpu.memory_space<vmem>> -> memref<80x128xf32, #tpu.memory_space<vmem>>
      %dma_wait3A_180 = arith.constant 0 : i32
      %dma_wait3A_181 = tpu.memref_slice %arg6[%run_scoped3A_154, %dma_wait3A_180] : memref<2x80xi32, #tpu.memory_space<vmem>> -> memref<1x80xi32, #tpu.memory_space<vmem>>
      %dma_wait3A_182 = tpu.memref_squeeze %dma_wait3A_181 : memref<1x80xi32, #tpu.memory_space<vmem>> -> memref<80xi32, #tpu.memory_space<vmem>>
      %dma_wait3A_183 = arith.constant 0 : i32
      %dma_wait3A_184 = arith.constant 0 : i32
      %dma_wait3A_185 = tpu.memref_slice %arg10[%dma_wait3A_183, %dma_wait3A_184] : memref<10240x128xf32, #tpu.memory_space<vmem_shared>> -> memref<10240x128xf32, #tpu.memory_space<vmem_shared>>
      tpu.wait_indirect_dma semaphore(%run_scoped3A_165 : memref<!tpu.dma_semaphore, #tpu.memory_space<semaphore_mem>>) src(%dma_wait3A_179 : memref<80x128xf32, #tpu.memory_space<vmem>>) dst(%dma_wait3A_185 : memref<10240x128xf32, #tpu.memory_space<vmem_shared>>)
      tpu.yield
    }) : () -> ()
    %run_scoped3A_155 = arith.constant 1 : i32
    "tpu.region"() ({
      %run_scoped3A_165 = tpu.sem_alloc : memref<!tpu.dma_semaphore, #tpu.memory_space<semaphore_mem>>
      %dma_start3A_166 = arith.constant 0 : i32
      %dma_start3A_167 = tpu.memref_slice %arg6[%run_scoped3A_155, %dma_start3A_166] : memref<2x80xi32, #tpu.memory_space<vmem>> -> memref<1x80xi32, #tpu.memory_space<vmem>>
      %dma_start3A_168 = tpu.memref_squeeze %dma_start3A_167 : memref<1x80xi32, #tpu.memory_space<vmem>> -> memref<80xi32, #tpu.memory_space<vmem>>
      %dma_start3A_169 = arith.constant 0 : i32
      %dma_start3A_170 = tpu.memref_slice %arg11[%dma_start3A_169] : memref<10240xf32, #tpu.memory_space<vmem_shared>> -> memref<10240xf32, #tpu.memory_space<vmem_shared>>
      tpu.enqueue_indirect_dma source(%arg8 : memref<80xf32, #tpu.memory_space<vmem>>) target(%dma_start3A_170 : memref<10240xf32, #tpu.memory_space<vmem_shared>>) offsets(%dma_start3A_168 : memref<80xi32, #tpu.memory_space<vmem>>) semaphore(%run_scoped3A_165 : memref<!tpu.dma_semaphore, #tpu.memory_space<semaphore_mem>>) {add = true}
      %dma_wait3A_171 = arith.constant 0 : i32
      %dma_wait3A_172 = tpu.memref_slice %arg6[%run_scoped3A_155, %dma_wait3A_171] : memref<2x80xi32, #tpu.memory_space<vmem>> -> memref<1x80xi32, #tpu.memory_space<vmem>>
      %dma_wait3A_173 = tpu.memref_squeeze %dma_wait3A_172 : memref<1x80xi32, #tpu.memory_space<vmem>> -> memref<80xi32, #tpu.memory_space<vmem>>
      %dma_wait3A_174 = arith.constant 0 : i32
      %dma_wait3A_175 = tpu.memref_slice %arg11[%dma_wait3A_174] : memref<10240xf32, #tpu.memory_space<vmem_shared>> -> memref<10240xf32, #tpu.memory_space<vmem_shared>>
      tpu.wait_indirect_dma semaphore(%run_scoped3A_165 : memref<!tpu.dma_semaphore, #tpu.memory_space<semaphore_mem>>) src(%arg8 : memref<80xf32, #tpu.memory_space<vmem>>) dst(%dma_wait3A_175 : memref<10240xf32, #tpu.memory_space<vmem_shared>>)
      tpu.yield
    }) : () -> ()
    %barrier3A_156 = arith.constant 0 : index
    tpu.barrier barrier_id(%barrier3A_156)
    %mul3A_157 = arith.constant 640 : i32
    %mul3A_158 = arith.muli %arg1, %mul3A_157 : i32
    %mul3A_159 = arith.constant 640 : i32
    %mul3A_160 = arith.muli %arg1, %mul3A_159 : i32
    "tpu.region"() ({
      %run_scoped3A_165 = tpu.sem_alloc : memref<!tpu.dma_semaphore, #tpu.memory_space<semaphore_mem>>
      %dma_start3A_166 = arith.constant 0 : i32
      %dma_start3A_167 = tpu.memref_slice %arg4[%arg0, %mul3A_160, %dma_start3A_166] : memref<2x10240x128xf32, #tpu.memory_space<hbm>> -> memref<1x640x128xf32, #tpu.memory_space<hbm>>
      %dma_start3A_168 = tpu.memref_squeeze %dma_start3A_167 : memref<1x640x128xf32, #tpu.memory_space<hbm>> -> memref<640x128xf32, #tpu.memory_space<hbm>>
      %dma_start3A_169 = arith.constant 0 : i32
      %dma_start3A_170 = tpu.memref_slice %arg10[%mul3A_158, %dma_start3A_169] : memref<10240x128xf32, #tpu.memory_space<vmem_shared>> -> memref<640x128xf32, #tpu.memory_space<vmem_shared>>
      tpu.enqueue_dma source(%dma_start3A_170 : memref<640x128xf32, #tpu.memory_space<vmem_shared>>) target(%dma_start3A_168 : memref<640x128xf32, #tpu.memory_space<hbm>>) target_semaphore(%run_scoped3A_165 : memref<!tpu.dma_semaphore, #tpu.memory_space<semaphore_mem>>)
      %dma_wait3A_171 = arith.constant 0 : i32
      %dma_wait3A_172 = tpu.memref_slice %arg4[%arg0, %mul3A_160, %dma_wait3A_171] : memref<2x10240x128xf32, #tpu.memory_space<hbm>> -> memref<1x640x128xf32, #tpu.memory_space<hbm>>
      %dma_wait3A_173 = tpu.memref_squeeze %dma_wait3A_172 : memref<1x640x128xf32, #tpu.memory_space<hbm>> -> memref<640x128xf32, #tpu.memory_space<hbm>>
      %dma_wait3A_174 = arith.constant 0 : i32
      %dma_wait3A_175 = tpu.memref_slice %arg10[%mul3A_158, %dma_wait3A_174] : memref<10240x128xf32, #tpu.memory_space<vmem_shared>> -> memref<640x128xf32, #tpu.memory_space<vmem_shared>>
      tpu.wait_dma2 semaphore(%run_scoped3A_165 : memref<!tpu.dma_semaphore, #tpu.memory_space<semaphore_mem>>) src(%dma_wait3A_175 : memref<640x128xf32, #tpu.memory_space<vmem_shared>>) dst(%dma_wait3A_173 : memref<640x128xf32, #tpu.memory_space<hbm>>)
      tpu.yield
    }) : () -> ()
    %mul3A_161 = arith.constant 640 : i32
    %mul3A_162 = arith.muli %arg1, %mul3A_161 : i32
    %mul3A_163 = arith.constant 640 : i32
    %mul3A_164 = arith.muli %arg1, %mul3A_163 : i32
    "tpu.region"() ({
      %run_scoped3A_165 = tpu.sem_alloc : memref<!tpu.dma_semaphore, #tpu.memory_space<semaphore_mem>>
      %dma_start3A_166 = tpu.memref_slice %arg5[%arg0, %mul3A_164] : memref<2x10240xf32, #tpu.memory_space<hbm>> -> memref<1x640xf32, #tpu.memory_space<hbm>>
      %dma_start3A_167 = tpu.memref_squeeze %dma_start3A_166 : memref<1x640xf32, #tpu.memory_space<hbm>> -> memref<640xf32, #tpu.memory_space<hbm>>
      %dma_start3A_168 = tpu.memref_slice %arg11[%mul3A_162] : memref<10240xf32, #tpu.memory_space<vmem_shared>> -> memref<640xf32, #tpu.memory_space<vmem_shared>>
      tpu.enqueue_dma source(%dma_start3A_168 : memref<640xf32, #tpu.memory_space<vmem_shared>>) target(%dma_start3A_167 : memref<640xf32, #tpu.memory_space<hbm>>) target_semaphore(%run_scoped3A_165 : memref<!tpu.dma_semaphore, #tpu.memory_space<semaphore_mem>>)
      %dma_wait3A_169 = tpu.memref_slice %arg5[%arg0, %mul3A_164] : memref<2x10240xf32, #tpu.memory_space<hbm>> -> memref<1x640xf32, #tpu.memory_space<hbm>>
      %dma_wait3A_170 = tpu.memref_squeeze %dma_wait3A_169 : memref<1x640xf32, #tpu.memory_space<hbm>> -> memref<640xf32, #tpu.memory_space<hbm>>
      %dma_wait3A_171 = tpu.memref_slice %arg11[%mul3A_162] : memref<10240xf32, #tpu.memory_space<vmem_shared>> -> memref<640xf32, #tpu.memory_space<vmem_shared>>
      tpu.wait_dma2 semaphore(%run_scoped3A_165 : memref<!tpu.dma_semaphore, #tpu.memory_space<semaphore_mem>>) src(%dma_wait3A_171 : memref<640xf32, #tpu.memory_space<vmem_shared>>) dst(%dma_wait3A_170 : memref<640xf32, #tpu.memory_space<hbm>>)
      tpu.yield
    }) : () -> ()
    return
  }
}

#map = affine_map<(d0, d1) -> (0)>
#map1 = affine_map<(d0, d1) -> (0, 0)>
#map2 = affine_map<(d0, d1) -> (0, 0, 0)>
module attributes {stable_mosaic.version = 14 : i64} {
  func.func @c_kernel(%arg0: i32, %arg1: i32, %arg2: memref<320000xi32, #tpu.memory_space<hbm>>, %arg3: memref<192512x128xf32, #tpu.memory_space<hbm>>, %arg4: memref<2x10240x128xf32, #tpu.memory_space<hbm>>, %arg5: memref<2x10240xf32, #tpu.memory_space<hbm>>, %arg6: memref<2x80xi32, #tpu.memory_space<vmem>>, %arg7: memref<2x80x128xf32, #tpu.memory_space<vmem>>, %arg8: memref<80xf32, #tpu.memory_space<vmem>>, %arg9: memref<640xf32, #tpu.memory_space<vmem>>, %arg10: memref<10240x128xf32, #tpu.memory_space<vmem_shared>>, %arg11: memref<10240xf32, #tpu.memory_space<vmem_shared>>, %arg12: memref<!tpu.dma_semaphore, #tpu.memory_space<semaphore_mem>>, %arg13: memref<!tpu.dma_semaphore, #tpu.memory_space<semaphore_mem>>) attributes {dimension_semantics = [#tpu.dimension_semantics<core_parallel>, #tpu.dimension_semantics<subcore_parallel>], iteration_bounds = array<i64: 2, 16>, scalar_prefetch = 0 : i64, scratch_operands = 8 : i64, tpu.core_type = #tpu.core_type<sc_vector_subcore>, window_params = [{transform_indices = #map}, {transform_indices = #map1}, {transform_indices = #map2}, {transform_indices = #map1}]} {
    %mul3A = arith.constant 16 : i32
    %mul3A_0 = arith.muli %arg0, %mul3A : i32
    %add3A = arith.addi %mul3A_0, %arg1 : i32
    %mul3A_1 = arith.constant 6000 : i32
    %mul3A_2 = arith.muli %add3A, %mul3A_1 : i32
    %broadcast_in_dim3A = arith.constant 0.000000e+00 : f32
    %broadcast_in_dim3A_3 = vector.broadcast %broadcast_in_dim3A : f32 to vector<16xf32>
    %broadcast_in_dim3A_4 = arith.constant 1.000000e+00 : f32
    %broadcast_in_dim3A_5 = vector.broadcast %broadcast_in_dim3A_4 : f32 to vector<16xf32>
    %scan3A = arith.constant 0 : i32
    %scan3A_6 = arith.constant 0 : i32
    %scan3A_7 = arith.constant 80 : i32
    %scan3A_8 = arith.addi %scan3A_6, %scan3A_7 : i32
    %scan3A_9 = arith.constant 1 : i32
    %scan3A_10 = scf.for %scan3A_129 = %scan3A_6 to %scan3A_8 step %scan3A_9 iter_args(%scan3A_130 = %scan3A) -> (i32)  : i32 {
      %swap3A_131 = arith.constant 0 : i32
      %swap3A_132 = arith.index_cast %swap3A_131 : i32 to index
      %swap3A_133 = arith.index_cast %scan3A_129 : i32 to index
      %swap3A_134 = arith.constant 0 : index
      %swap3A_135 = tpu.vector_load %arg7[%swap3A_132, %swap3A_133, %swap3A_134] {strides = array<i32>} : memref<2x80x128xf32, #tpu.memory_space<vmem>>, vector<1x1x16xf32>,
      %swap3A_136 = vector.shape_cast %swap3A_135 : vector<1x1x16xf32> to vector<16xf32>
      %swap3A_137 = vector.shape_cast %broadcast_in_dim3A_3 : vector<16xf32> to vector<1x1x16xf32>
      tpu.vector_store %arg7[%swap3A_132, %swap3A_133, %swap3A_134], %swap3A_137 {strides = array<i32>} : memref<2x80x128xf32, #tpu.memory_space<vmem>>, vector<1x1x16xf32>,
      %swap3A_138 = arith.constant 0 : i32
      %swap3A_139 = arith.index_cast %swap3A_138 : i32 to index
      %swap3A_140 = arith.index_cast %scan3A_129 : i32 to index
      %swap3A_141 = arith.constant 16 : index
      %swap3A_142 = tpu.vector_load %arg7[%swap3A_139, %swap3A_140, %swap3A_141] {strides = array<i32>} : memref<2x80x128xf32, #tpu.memory_space<vmem>>, vector<1x1x16xf32>,
      %swap3A_143 = vector.shape_cast %swap3A_142 : vector<1x1x16xf32> to vector<16xf32>
      %swap3A_144 = vector.shape_cast %broadcast_in_dim3A_3 : vector<16xf32> to vector<1x1x16xf32>
      tpu.vector_store %arg7[%swap3A_139, %swap3A_140, %swap3A_141], %swap3A_144 {strides = array<i32>} : memref<2x80x128xf32, #tpu.memory_space<vmem>>, vector<1x1x16xf32>,
      %swap3A_145 = arith.constant 0 : i32
      %swap3A_146 = arith.index_cast %swap3A_145 : i32 to index
      %swap3A_147 = arith.index_cast %scan3A_129 : i32 to index
      %swap3A_148 = arith.constant 32 : index
      %swap3A_149 = tpu.vector_load %arg7[%swap3A_146, %swap3A_147, %swap3A_148] {strides = array<i32>} : memref<2x80x128xf32, #tpu.memory_space<vmem>>, vector<1x1x16xf32>,
      %swap3A_150 = vector.shape_cast %swap3A_149 : vector<1x1x16xf32> to vector<16xf32>
      %swap3A_151 = vector.shape_cast %broadcast_in_dim3A_3 : vector<16xf32> to vector<1x1x16xf32>
      tpu.vector_store %arg7[%swap3A_146, %swap3A_147, %swap3A_148], %swap3A_151 {strides = array<i32>} : memref<2x80x128xf32, #tpu.memory_space<vmem>>, vector<1x1x16xf32>,
      %swap3A_152 = arith.constant 0 : i32
      %swap3A_153 = arith.index_cast %swap3A_152 : i32 to index
      %swap3A_154 = arith.index_cast %scan3A_129 : i32 to index
      %swap3A_155 = arith.constant 48 : index
      %swap3A_156 = tpu.vector_load %arg7[%swap3A_153, %swap3A_154, %swap3A_155] {strides = array<i32>} : memref<2x80x128xf32, #tpu.memory_space<vmem>>, vector<1x1x16xf32>,
      %swap3A_157 = vector.shape_cast %swap3A_156 : vector<1x1x16xf32> to vector<16xf32>
      %swap3A_158 = vector.shape_cast %broadcast_in_dim3A_3 : vector<16xf32> to vector<1x1x16xf32>
      tpu.vector_store %arg7[%swap3A_153, %swap3A_154, %swap3A_155], %swap3A_158 {strides = array<i32>} : memref<2x80x128xf32, #tpu.memory_space<vmem>>, vector<1x1x16xf32>,
      %swap3A_159 = arith.constant 0 : i32
      %swap3A_160 = arith.index_cast %swap3A_159 : i32 to index
      %swap3A_161 = arith.index_cast %scan3A_129 : i32 to index
      %swap3A_162 = arith.constant 64 : index
      %swap3A_163 = tpu.vector_load %arg7[%swap3A_160, %swap3A_161, %swap3A_162] {strides = array<i32>} : memref<2x80x128xf32, #tpu.memory_space<vmem>>, vector<1x1x16xf32>,
      %swap3A_164 = vector.shape_cast %swap3A_163 : vector<1x1x16xf32> to vector<16xf32>
      %swap3A_165 = vector.shape_cast %broadcast_in_dim3A_3 : vector<16xf32> to vector<1x1x16xf32>
      tpu.vector_store %arg7[%swap3A_160, %swap3A_161, %swap3A_162], %swap3A_165 {strides = array<i32>} : memref<2x80x128xf32, #tpu.memory_space<vmem>>, vector<1x1x16xf32>,
      %swap3A_166 = arith.constant 0 : i32
      %swap3A_167 = arith.index_cast %swap3A_166 : i32 to index
      %swap3A_168 = arith.index_cast %scan3A_129 : i32 to index
      %swap3A_169 = arith.constant 80 : index
      %swap3A_170 = tpu.vector_load %arg7[%swap3A_167, %swap3A_168, %swap3A_169] {strides = array<i32>} : memref<2x80x128xf32, #tpu.memory_space<vmem>>, vector<1x1x16xf32>,
      %swap3A_171 = vector.shape_cast %swap3A_170 : vector<1x1x16xf32> to vector<16xf32>
      %swap3A_172 = vector.shape_cast %broadcast_in_dim3A_3 : vector<16xf32> to vector<1x1x16xf32>
      tpu.vector_store %arg7[%swap3A_167, %swap3A_168, %swap3A_169], %swap3A_172 {strides = array<i32>} : memref<2x80x128xf32, #tpu.memory_space<vmem>>, vector<1x1x16xf32>,
      %swap3A_173 = arith.constant 0 : i32
      %swap3A_174 = arith.index_cast %swap3A_173 : i32 to index
      %swap3A_175 = arith.index_cast %scan3A_129 : i32 to index
      %swap3A_176 = arith.constant 96 : index
      %swap3A_177 = tpu.vector_load %arg7[%swap3A_174, %swap3A_175, %swap3A_176] {strides = array<i32>} : memref<2x80x128xf32, #tpu.memory_space<vmem>>, vector<1x1x16xf32>,
      %swap3A_178 = vector.shape_cast %swap3A_177 : vector<1x1x16xf32> to vector<16xf32>
      %swap3A_179 = vector.shape_cast %broadcast_in_dim3A_3 : vector<16xf32> to vector<1x1x16xf32>
      tpu.vector_store %arg7[%swap3A_174, %swap3A_175, %swap3A_176], %swap3A_179 {strides = array<i32>} : memref<2x80x128xf32, #tpu.memory_space<vmem>>, vector<1x1x16xf32>,
      %swap3A_180 = arith.constant 0 : i32
      %swap3A_181 = arith.index_cast %swap3A_180 : i32 to index
      %swap3A_182 = arith.index_cast %scan3A_129 : i32 to index
      %swap3A_183 = arith.constant 112 : index
      %swap3A_184 = tpu.vector_load %arg7[%swap3A_181, %swap3A_182, %swap3A_183] {strides = array<i32>} : memref<2x80x128xf32, #tpu.memory_space<vmem>>, vector<1x1x16xf32>,
      %swap3A_185 = vector.shape_cast %swap3A_184 : vector<1x1x16xf32> to vector<16xf32>
      %swap3A_186 = vector.shape_cast %broadcast_in_dim3A_3 : vector<16xf32> to vector<1x1x16xf32>
      tpu.vector_store %arg7[%swap3A_181, %swap3A_182, %swap3A_183], %swap3A_186 {strides = array<i32>} : memref<2x80x128xf32, #tpu.memory_space<vmem>>, vector<1x1x16xf32>,
      %scan3A_187 = arith.constant 0 : i32
      scf.yield %scan3A_187 : i32
    }
    %scan3A_11 = arith.constant 80 : i32
    %scan3A_12 = arith.constant 0 : i32
    %scan3A_13 = arith.constant 0 : i32
    %scan3A_14 = arith.constant 40 : i32
    %scan3A_15 = arith.addi %scan3A_13, %scan3A_14 : i32
    %scan3A_16 = arith.constant 1 : i32
    %scan3A_17 = scf.for %scan3A_129 = %scan3A_13 to %scan3A_15 step %scan3A_16 iter_args(%scan3A_130 = %scan3A_12) -> (i32)  : i32 {
      %mul3A_131 = arith.constant 16 : i32
      %mul3A_132 = arith.muli %scan3A_129, %mul3A_131 : i32
      %swap3A_133 = arith.index_cast %mul3A_132 : i32 to index
      %swap3A_134 = tpu.vector_load %arg9[%swap3A_133] {strides = array<i32>} : memref<640xf32, #tpu.memory_space<vmem>>, vector<16xf32>,
      %swap3A_135 = vector.shape_cast %swap3A_134 : vector<16xf32> to vector<16xf32>
      %swap3A_136 = vector.shape_cast %broadcast_in_dim3A_3 : vector<16xf32> to vector<16xf32>
      tpu.vector_store %arg9[%swap3A_133], %swap3A_136 {strides = array<i32>} : memref<640xf32, #tpu.memory_space<vmem>>, vector<16xf32>,
      %scan3A_137 = arith.constant 0 : i32
      scf.yield %scan3A_137 : i32
    }
    %scan3A_18 = arith.constant 40 : i32
    %swap3A = arith.constant 0 : index
    %swap3A_19 = tpu.vector_load %arg8[%swap3A] {strides = array<i32>} : memref<80xf32, #tpu.memory_space<vmem>>, vector<16xf32>,
    %swap3A_20 = vector.shape_cast %swap3A_19 : vector<16xf32> to vector<16xf32>
    %swap3A_21 = vector.shape_cast %broadcast_in_dim3A_5 : vector<16xf32> to vector<16xf32>
    tpu.vector_store %arg8[%swap3A], %swap3A_21 {strides = array<i32>} : memref<80xf32, #tpu.memory_space<vmem>>, vector<16xf32>,
    %swap3A_22 = arith.constant 16 : index
    %swap3A_23 = tpu.vector_load %arg8[%swap3A_22] {strides = array<i32>} : memref<80xf32, #tpu.memory_space<vmem>>, vector<16xf32>,
    %swap3A_24 = vector.shape_cast %swap3A_23 : vector<16xf32> to vector<16xf32>
    %swap3A_25 = vector.shape_cast %broadcast_in_dim3A_5 : vector<16xf32> to vector<16xf32>
    tpu.vector_store %arg8[%swap3A_22], %swap3A_25 {strides = array<i32>} : memref<80xf32, #tpu.memory_space<vmem>>, vector<16xf32>,
    %swap3A_26 = arith.constant 32 : index
    %swap3A_27 = tpu.vector_load %arg8[%swap3A_26] {strides = array<i32>} : memref<80xf32, #tpu.memory_space<vmem>>, vector<16xf32>,
    %swap3A_28 = vector.shape_cast %swap3A_27 : vector<16xf32> to vector<16xf32>
    %swap3A_29 = vector.shape_cast %broadcast_in_dim3A_5 : vector<16xf32> to vector<16xf32>
    tpu.vector_store %arg8[%swap3A_26], %swap3A_29 {strides = array<i32>} : memref<80xf32, #tpu.memory_space<vmem>>, vector<16xf32>,
    %swap3A_30 = arith.constant 48 : index
    %swap3A_31 = tpu.vector_load %arg8[%swap3A_30] {strides = array<i32>} : memref<80xf32, #tpu.memory_space<vmem>>, vector<16xf32>,
    %swap3A_32 = vector.shape_cast %swap3A_31 : vector<16xf32> to vector<16xf32>
    %swap3A_33 = vector.shape_cast %broadcast_in_dim3A_5 : vector<16xf32> to vector<16xf32>
    tpu.vector_store %arg8[%swap3A_30], %swap3A_33 {strides = array<i32>} : memref<80xf32, #tpu.memory_space<vmem>>, vector<16xf32>,
    %swap3A_34 = arith.constant 64 : index
    %swap3A_35 = tpu.vector_load %arg8[%swap3A_34] {strides = array<i32>} : memref<80xf32, #tpu.memory_space<vmem>>, vector<16xf32>,
    %swap3A_36 = vector.shape_cast %swap3A_35 : vector<16xf32> to vector<16xf32>
    %swap3A_37 = vector.shape_cast %broadcast_in_dim3A_5 : vector<16xf32> to vector<16xf32>
    tpu.vector_store %arg8[%swap3A_34], %swap3A_37 {strides = array<i32>} : memref<80xf32, #tpu.memory_space<vmem>>, vector<16xf32>,
    %mul3A_38 = arith.constant 640 : i32
    %mul3A_39 = arith.muli %arg1, %mul3A_38 : i32
    %add3A_40 = arith.constant 0 : i32
    %add3A_41 = arith.addi %mul3A_39, %add3A_40 : i32
    %run_scoped3A = arith.constant 0 : i32
    "tpu.region"() ({
      %run_scoped3A_129 = tpu.sem_alloc : memref<!tpu.dma_semaphore, #tpu.memory_space<semaphore_mem>>
      %dma_start3A_130 = arith.constant 0 : i32
      %dma_start3A_131 = arith.constant 0 : i32
      %dma_start3A_132 = tpu.memref_slice %arg7[%run_scoped3A, %dma_start3A_130, %dma_start3A_131] : memref<2x80x128xf32, #tpu.memory_space<vmem>> -> memref<1x80x128xf32, #tpu.memory_space<vmem>>
      %dma_start3A_133 = tpu.memref_squeeze %dma_start3A_132 : memref<1x80x128xf32, #tpu.memory_space<vmem>> -> memref<80x128xf32, #tpu.memory_space<vmem>>
      %dma_start3A_134 = arith.constant 0 : i32
      %dma_start3A_135 = tpu.memref_slice %arg10[%add3A_41, %dma_start3A_134] : memref<10240x128xf32, #tpu.memory_space<vmem_shared>> -> memref<80x128xf32, #tpu.memory_space<vmem_shared>>
      %dma_start3A_136 = arith.constant 0 : i32
      %dma_start3A_137 = tpu.memref_slice %arg10[%add3A_41, %dma_start3A_136] : memref<10240x128xf32, #tpu.memory_space<vmem_shared>> -> memref<80x128xf32, #tpu.memory_space<vmem_shared>>
      %dma_start3A_138 = arith.constant 0 : i32
      %dma_start3A_139 = arith.constant 0 : i32
      %dma_start3A_140 = tpu.memref_slice %arg7[%run_scoped3A, %dma_start3A_138, %dma_start3A_139] : memref<2x80x128xf32, #tpu.memory_space<vmem>> -> memref<1x80x128xf32, #tpu.memory_space<vmem>>
      %dma_start3A_141 = tpu.memref_squeeze %dma_start3A_140 : memref<1x80x128xf32, #tpu.memory_space<vmem>> -> memref<80x128xf32, #tpu.memory_space<vmem>>
      tpu.enqueue_dma source(%dma_start3A_141 : memref<80x128xf32, #tpu.memory_space<vmem>>) target(%dma_start3A_137 : memref<80x128xf32, #tpu.memory_space<vmem_shared>>) target_semaphore(%run_scoped3A_129 : memref<!tpu.dma_semaphore, #tpu.memory_space<semaphore_mem>>)
      %dma_wait3A_142 = arith.constant 0 : i32
      %dma_wait3A_143 = arith.constant 0 : i32
      %dma_wait3A_144 = tpu.memref_slice %arg7[%run_scoped3A, %dma_wait3A_142, %dma_wait3A_143] : memref<2x80x128xf32, #tpu.memory_space<vmem>> -> memref<1x80x128xf32, #tpu.memory_space<vmem>>
      %dma_wait3A_145 = tpu.memref_squeeze %dma_wait3A_144 : memref<1x80x128xf32, #tpu.memory_space<vmem>> -> memref<80x128xf32, #tpu.memory_space<vmem>>
      %dma_wait3A_146 = arith.constant 0 : i32
      %dma_wait3A_147 = tpu.memref_slice %arg10[%add3A_41, %dma_wait3A_146] : memref<10240x128xf32, #tpu.memory_space<vmem_shared>> -> memref<80x128xf32, #tpu.memory_space<vmem_shared>>
      %dma_wait3A_148 = arith.constant 0 : i32
      %dma_wait3A_149 = tpu.memref_slice %arg10[%add3A_41, %dma_wait3A_148] : memref<10240x128xf32, #tpu.memory_space<vmem_shared>> -> memref<80x128xf32, #tpu.memory_space<vmem_shared>>
      %dma_wait3A_150 = arith.constant 0 : i32
      %dma_wait3A_151 = arith.constant 0 : i32
      %dma_wait3A_152 = tpu.memref_slice %arg7[%run_scoped3A, %dma_wait3A_150, %dma_wait3A_151] : memref<2x80x128xf32, #tpu.memory_space<vmem>> -> memref<1x80x128xf32, #tpu.memory_space<vmem>>
      %dma_wait3A_153 = tpu.memref_squeeze %dma_wait3A_152 : memref<1x80x128xf32, #tpu.memory_space<vmem>> -> memref<80x128xf32, #tpu.memory_space<vmem>>
      tpu.wait_dma2 semaphore(%run_scoped3A_129 : memref<!tpu.dma_semaphore, #tpu.memory_space<semaphore_mem>>) src(%dma_wait3A_153 : memref<80x128xf32, #tpu.memory_space<vmem>>) dst(%dma_wait3A_149 : memref<80x128xf32, #tpu.memory_space<vmem_shared>>)
      tpu.yield
    }) : () -> ()
    %mul3A_42 = arith.constant 640 : i32
    %mul3A_43 = arith.muli %arg1, %mul3A_42 : i32
    %add3A_44 = arith.constant 80 : i32
    %add3A_45 = arith.addi %mul3A_43, %add3A_44 : i32
    %run_scoped3A_46 = arith.constant 0 : i32
    "tpu.region"() ({
      %run_scoped3A_129 = tpu.sem_alloc : memref<!tpu.dma_semaphore, #tpu.memory_space<semaphore_mem>>
      %dma_start3A_130 = arith.constant 0 : i32
      %dma_start3A_131 = arith.constant 0 : i32
      %dma_start3A_132 = tpu.memref_slice %arg7[%run_scoped3A_46, %dma_start3A_130, %dma_start3A_131] : memref<2x80x128xf32, #tpu.memory_space<vmem>> -> memref<1x80x128xf32, #tpu.memory_space<vmem>>
      %dma_start3A_133 = tpu.memref_squeeze %dma_start3A_132 : memref<1x80x128xf32, #tpu.memory_space<vmem>> -> memref<80x128xf32, #tpu.memory_space<vmem>>
      %dma_start3A_134 = arith.constant 0 : i32
      %dma_start3A_135 = tpu.memref_slice %arg10[%add3A_45, %dma_start3A_134] : memref<10240x128xf32, #tpu.memory_space<vmem_shared>> -> memref<80x128xf32, #tpu.memory_space<vmem_shared>>
      %dma_start3A_136 = arith.constant 0 : i32
      %dma_start3A_137 = tpu.memref_slice %arg10[%add3A_45, %dma_start3A_136] : memref<10240x128xf32, #tpu.memory_space<vmem_shared>> -> memref<80x128xf32, #tpu.memory_space<vmem_shared>>
      %dma_start3A_138 = arith.constant 0 : i32
      %dma_start3A_139 = arith.constant 0 : i32
      %dma_start3A_140 = tpu.memref_slice %arg7[%run_scoped3A_46, %dma_start3A_138, %dma_start3A_139] : memref<2x80x128xf32, #tpu.memory_space<vmem>> -> memref<1x80x128xf32, #tpu.memory_space<vmem>>
      %dma_start3A_141 = tpu.memref_squeeze %dma_start3A_140 : memref<1x80x128xf32, #tpu.memory_space<vmem>> -> memref<80x128xf32, #tpu.memory_space<vmem>>
      tpu.enqueue_dma source(%dma_start3A_141 : memref<80x128xf32, #tpu.memory_space<vmem>>) target(%dma_start3A_137 : memref<80x128xf32, #tpu.memory_space<vmem_shared>>) target_semaphore(%run_scoped3A_129 : memref<!tpu.dma_semaphore, #tpu.memory_space<semaphore_mem>>)
      %dma_wait3A_142 = arith.constant 0 : i32
      %dma_wait3A_143 = arith.constant 0 : i32
      %dma_wait3A_144 = tpu.memref_slice %arg7[%run_scoped3A_46, %dma_wait3A_142, %dma_wait3A_143] : memref<2x80x128xf32, #tpu.memory_space<vmem>> -> memref<1x80x128xf32, #tpu.memory_space<vmem>>
      %dma_wait3A_145 = tpu.memref_squeeze %dma_wait3A_144 : memref<1x80x128xf32, #tpu.memory_space<vmem>> -> memref<80x128xf32, #tpu.memory_space<vmem>>
      %dma_wait3A_146 = arith.constant 0 : i32
      %dma_wait3A_147 = tpu.memref_slice %arg10[%add3A_45, %dma_wait3A_146] : memref<10240x128xf32, #tpu.memory_space<vmem_shared>> -> memref<80x128xf32, #tpu.memory_space<vmem_shared>>
      %dma_wait3A_148 = arith.constant 0 : i32
      %dma_wait3A_149 = tpu.memref_slice %arg10[%add3A_45, %dma_wait3A_148] : memref<10240x128xf32, #tpu.memory_space<vmem_shared>> -> memref<80x128xf32, #tpu.memory_space<vmem_shared>>
      %dma_wait3A_150 = arith.constant 0 : i32
      %dma_wait3A_151 = arith.constant 0 : i32
      %dma_wait3A_152 = tpu.memref_slice %arg7[%run_scoped3A_46, %dma_wait3A_150, %dma_wait3A_151] : memref<2x80x128xf32, #tpu.memory_space<vmem>> -> memref<1x80x128xf32, #tpu.memory_space<vmem>>
      %dma_wait3A_153 = tpu.memref_squeeze %dma_wait3A_152 : memref<1x80x128xf32, #tpu.memory_space<vmem>> -> memref<80x128xf32, #tpu.memory_space<vmem>>
      tpu.wait_dma2 semaphore(%run_scoped3A_129 : memref<!tpu.dma_semaphore, #tpu.memory_space<semaphore_mem>>) src(%dma_wait3A_153 : memref<80x128xf32, #tpu.memory_space<vmem>>) dst(%dma_wait3A_149 : memref<80x128xf32, #tpu.memory_space<vmem_shared>>)
      tpu.yield
    }) : () -> ()
    %mul3A_47 = arith.constant 640 : i32
    %mul3A_48 = arith.muli %arg1, %mul3A_47 : i32
    %add3A_49 = arith.constant 160 : i32
    %add3A_50 = arith.addi %mul3A_48, %add3A_49 : i32
    %run_scoped3A_51 = arith.constant 0 : i32
    "tpu.region"() ({
      %run_scoped3A_129 = tpu.sem_alloc : memref<!tpu.dma_semaphore, #tpu.memory_space<semaphore_mem>>
      %dma_start3A_130 = arith.constant 0 : i32
      %dma_start3A_131 = arith.constant 0 : i32
      %dma_start3A_132 = tpu.memref_slice %arg7[%run_scoped3A_51, %dma_start3A_130, %dma_start3A_131] : memref<2x80x128xf32, #tpu.memory_space<vmem>> -> memref<1x80x128xf32, #tpu.memory_space<vmem>>
      %dma_start3A_133 = tpu.memref_squeeze %dma_start3A_132 : memref<1x80x128xf32, #tpu.memory_space<vmem>> -> memref<80x128xf32, #tpu.memory_space<vmem>>
      %dma_start3A_134 = arith.constant 0 : i32
      %dma_start3A_135 = tpu.memref_slice %arg10[%add3A_50, %dma_start3A_134] : memref<10240x128xf32, #tpu.memory_space<vmem_shared>> -> memref<80x128xf32, #tpu.memory_space<vmem_shared>>
      %dma_start3A_136 = arith.constant 0 : i32
      %dma_start3A_137 = tpu.memref_slice %arg10[%add3A_50, %dma_start3A_136] : memref<10240x128xf32, #tpu.memory_space<vmem_shared>> -> memref<80x128xf32, #tpu.memory_space<vmem_shared>>
      %dma_start3A_138 = arith.constant 0 : i32
      %dma_start3A_139 = arith.constant 0 : i32
      %dma_start3A_140 = tpu.memref_slice %arg7[%run_scoped3A_51, %dma_start3A_138, %dma_start3A_139] : memref<2x80x128xf32, #tpu.memory_space<vmem>> -> memref<1x80x128xf32, #tpu.memory_space<vmem>>
      %dma_start3A_141 = tpu.memref_squeeze %dma_start3A_140 : memref<1x80x128xf32, #tpu.memory_space<vmem>> -> memref<80x128xf32, #tpu.memory_space<vmem>>
      tpu.enqueue_dma source(%dma_start3A_141 : memref<80x128xf32, #tpu.memory_space<vmem>>) target(%dma_start3A_137 : memref<80x128xf32, #tpu.memory_space<vmem_shared>>) target_semaphore(%run_scoped3A_129 : memref<!tpu.dma_semaphore, #tpu.memory_space<semaphore_mem>>)
      %dma_wait3A_142 = arith.constant 0 : i32
      %dma_wait3A_143 = arith.constant 0 : i32
      %dma_wait3A_144 = tpu.memref_slice %arg7[%run_scoped3A_51, %dma_wait3A_142, %dma_wait3A_143] : memref<2x80x128xf32, #tpu.memory_space<vmem>> -> memref<1x80x128xf32, #tpu.memory_space<vmem>>
      %dma_wait3A_145 = tpu.memref_squeeze %dma_wait3A_144 : memref<1x80x128xf32, #tpu.memory_space<vmem>> -> memref<80x128xf32, #tpu.memory_space<vmem>>
      %dma_wait3A_146 = arith.constant 0 : i32
      %dma_wait3A_147 = tpu.memref_slice %arg10[%add3A_50, %dma_wait3A_146] : memref<10240x128xf32, #tpu.memory_space<vmem_shared>> -> memref<80x128xf32, #tpu.memory_space<vmem_shared>>
      %dma_wait3A_148 = arith.constant 0 : i32
      %dma_wait3A_149 = tpu.memref_slice %arg10[%add3A_50, %dma_wait3A_148] : memref<10240x128xf32, #tpu.memory_space<vmem_shared>> -> memref<80x128xf32, #tpu.memory_space<vmem_shared>>
      %dma_wait3A_150 = arith.constant 0 : i32
      %dma_wait3A_151 = arith.constant 0 : i32
      %dma_wait3A_152 = tpu.memref_slice %arg7[%run_scoped3A_51, %dma_wait3A_150, %dma_wait3A_151] : memref<2x80x128xf32, #tpu.memory_space<vmem>> -> memref<1x80x128xf32, #tpu.memory_space<vmem>>
      %dma_wait3A_153 = tpu.memref_squeeze %dma_wait3A_152 : memref<1x80x128xf32, #tpu.memory_space<vmem>> -> memref<80x128xf32, #tpu.memory_space<vmem>>
      tpu.wait_dma2 semaphore(%run_scoped3A_129 : memref<!tpu.dma_semaphore, #tpu.memory_space<semaphore_mem>>) src(%dma_wait3A_153 : memref<80x128xf32, #tpu.memory_space<vmem>>) dst(%dma_wait3A_149 : memref<80x128xf32, #tpu.memory_space<vmem_shared>>)
      tpu.yield
    }) : () -> ()
    %mul3A_52 = arith.constant 640 : i32
    %mul3A_53 = arith.muli %arg1, %mul3A_52 : i32
    %add3A_54 = arith.constant 240 : i32
    %add3A_55 = arith.addi %mul3A_53, %add3A_54 : i32
    %run_scoped3A_56 = arith.constant 0 : i32
    "tpu.region"() ({
      %run_scoped3A_129 = tpu.sem_alloc : memref<!tpu.dma_semaphore, #tpu.memory_space<semaphore_mem>>
      %dma_start3A_130 = arith.constant 0 : i32
      %dma_start3A_131 = arith.constant 0 : i32
      %dma_start3A_132 = tpu.memref_slice %arg7[%run_scoped3A_56, %dma_start3A_130, %dma_start3A_131] : memref<2x80x128xf32, #tpu.memory_space<vmem>> -> memref<1x80x128xf32, #tpu.memory_space<vmem>>
      %dma_start3A_133 = tpu.memref_squeeze %dma_start3A_132 : memref<1x80x128xf32, #tpu.memory_space<vmem>> -> memref<80x128xf32, #tpu.memory_space<vmem>>
      %dma_start3A_134 = arith.constant 0 : i32
      %dma_start3A_135 = tpu.memref_slice %arg10[%add3A_55, %dma_start3A_134] : memref<10240x128xf32, #tpu.memory_space<vmem_shared>> -> memref<80x128xf32, #tpu.memory_space<vmem_shared>>
      %dma_start3A_136 = arith.constant 0 : i32
      %dma_start3A_137 = tpu.memref_slice %arg10[%add3A_55, %dma_start3A_136] : memref<10240x128xf32, #tpu.memory_space<vmem_shared>> -> memref<80x128xf32, #tpu.memory_space<vmem_shared>>
      %dma_start3A_138 = arith.constant 0 : i32
      %dma_start3A_139 = arith.constant 0 : i32
      %dma_start3A_140 = tpu.memref_slice %arg7[%run_scoped3A_56, %dma_start3A_138, %dma_start3A_139] : memref<2x80x128xf32, #tpu.memory_space<vmem>> -> memref<1x80x128xf32, #tpu.memory_space<vmem>>
      %dma_start3A_141 = tpu.memref_squeeze %dma_start3A_140 : memref<1x80x128xf32, #tpu.memory_space<vmem>> -> memref<80x128xf32, #tpu.memory_space<vmem>>
      tpu.enqueue_dma source(%dma_start3A_141 : memref<80x128xf32, #tpu.memory_space<vmem>>) target(%dma_start3A_137 : memref<80x128xf32, #tpu.memory_space<vmem_shared>>) target_semaphore(%run_scoped3A_129 : memref<!tpu.dma_semaphore, #tpu.memory_space<semaphore_mem>>)
      %dma_wait3A_142 = arith.constant 0 : i32
      %dma_wait3A_143 = arith.constant 0 : i32
      %dma_wait3A_144 = tpu.memref_slice %arg7[%run_scoped3A_56, %dma_wait3A_142, %dma_wait3A_143] : memref<2x80x128xf32, #tpu.memory_space<vmem>> -> memref<1x80x128xf32, #tpu.memory_space<vmem>>
      %dma_wait3A_145 = tpu.memref_squeeze %dma_wait3A_144 : memref<1x80x128xf32, #tpu.memory_space<vmem>> -> memref<80x128xf32, #tpu.memory_space<vmem>>
      %dma_wait3A_146 = arith.constant 0 : i32
      %dma_wait3A_147 = tpu.memref_slice %arg10[%add3A_55, %dma_wait3A_146] : memref<10240x128xf32, #tpu.memory_space<vmem_shared>> -> memref<80x128xf32, #tpu.memory_space<vmem_shared>>
      %dma_wait3A_148 = arith.constant 0 : i32
      %dma_wait3A_149 = tpu.memref_slice %arg10[%add3A_55, %dma_wait3A_148] : memref<10240x128xf32, #tpu.memory_space<vmem_shared>> -> memref<80x128xf32, #tpu.memory_space<vmem_shared>>
      %dma_wait3A_150 = arith.constant 0 : i32
      %dma_wait3A_151 = arith.constant 0 : i32
      %dma_wait3A_152 = tpu.memref_slice %arg7[%run_scoped3A_56, %dma_wait3A_150, %dma_wait3A_151] : memref<2x80x128xf32, #tpu.memory_space<vmem>> -> memref<1x80x128xf32, #tpu.memory_space<vmem>>
      %dma_wait3A_153 = tpu.memref_squeeze %dma_wait3A_152 : memref<1x80x128xf32, #tpu.memory_space<vmem>> -> memref<80x128xf32, #tpu.memory_space<vmem>>
      tpu.wait_dma2 semaphore(%run_scoped3A_129 : memref<!tpu.dma_semaphore, #tpu.memory_space<semaphore_mem>>) src(%dma_wait3A_153 : memref<80x128xf32, #tpu.memory_space<vmem>>) dst(%dma_wait3A_149 : memref<80x128xf32, #tpu.memory_space<vmem_shared>>)
      tpu.yield
    }) : () -> ()
    %mul3A_57 = arith.constant 640 : i32
    %mul3A_58 = arith.muli %arg1, %mul3A_57 : i32
    %add3A_59 = arith.constant 320 : i32
    %add3A_60 = arith.addi %mul3A_58, %add3A_59 : i32
    %run_scoped3A_61 = arith.constant 0 : i32
    "tpu.region"() ({
      %run_scoped3A_129 = tpu.sem_alloc : memref<!tpu.dma_semaphore, #tpu.memory_space<semaphore_mem>>
      %dma_start3A_130 = arith.constant 0 : i32
      %dma_start3A_131 = arith.constant 0 : i32
      %dma_start3A_132 = tpu.memref_slice %arg7[%run_scoped3A_61, %dma_start3A_130, %dma_start3A_131] : memref<2x80x128xf32, #tpu.memory_space<vmem>> -> memref<1x80x128xf32, #tpu.memory_space<vmem>>
      %dma_start3A_133 = tpu.memref_squeeze %dma_start3A_132 : memref<1x80x128xf32, #tpu.memory_space<vmem>> -> memref<80x128xf32, #tpu.memory_space<vmem>>
      %dma_start3A_134 = arith.constant 0 : i32
      %dma_start3A_135 = tpu.memref_slice %arg10[%add3A_60, %dma_start3A_134] : memref<10240x128xf32, #tpu.memory_space<vmem_shared>> -> memref<80x128xf32, #tpu.memory_space<vmem_shared>>
      %dma_start3A_136 = arith.constant 0 : i32
      %dma_start3A_137 = tpu.memref_slice %arg10[%add3A_60, %dma_start3A_136] : memref<10240x128xf32, #tpu.memory_space<vmem_shared>> -> memref<80x128xf32, #tpu.memory_space<vmem_shared>>
      %dma_start3A_138 = arith.constant 0 : i32
      %dma_start3A_139 = arith.constant 0 : i32
      %dma_start3A_140 = tpu.memref_slice %arg7[%run_scoped3A_61, %dma_start3A_138, %dma_start3A_139] : memref<2x80x128xf32, #tpu.memory_space<vmem>> -> memref<1x80x128xf32, #tpu.memory_space<vmem>>
      %dma_start3A_141 = tpu.memref_squeeze %dma_start3A_140 : memref<1x80x128xf32, #tpu.memory_space<vmem>> -> memref<80x128xf32, #tpu.memory_space<vmem>>
      tpu.enqueue_dma source(%dma_start3A_141 : memref<80x128xf32, #tpu.memory_space<vmem>>) target(%dma_start3A_137 : memref<80x128xf32, #tpu.memory_space<vmem_shared>>) target_semaphore(%run_scoped3A_129 : memref<!tpu.dma_semaphore, #tpu.memory_space<semaphore_mem>>)
      %dma_wait3A_142 = arith.constant 0 : i32
      %dma_wait3A_143 = arith.constant 0 : i32
      %dma_wait3A_144 = tpu.memref_slice %arg7[%run_scoped3A_61, %dma_wait3A_142, %dma_wait3A_143] : memref<2x80x128xf32, #tpu.memory_space<vmem>> -> memref<1x80x128xf32, #tpu.memory_space<vmem>>
      %dma_wait3A_145 = tpu.memref_squeeze %dma_wait3A_144 : memref<1x80x128xf32, #tpu.memory_space<vmem>> -> memref<80x128xf32, #tpu.memory_space<vmem>>
      %dma_wait3A_146 = arith.constant 0 : i32
      %dma_wait3A_147 = tpu.memref_slice %arg10[%add3A_60, %dma_wait3A_146] : memref<10240x128xf32, #tpu.memory_space<vmem_shared>> -> memref<80x128xf32, #tpu.memory_space<vmem_shared>>
      %dma_wait3A_148 = arith.constant 0 : i32
      %dma_wait3A_149 = tpu.memref_slice %arg10[%add3A_60, %dma_wait3A_148] : memref<10240x128xf32, #tpu.memory_space<vmem_shared>> -> memref<80x128xf32, #tpu.memory_space<vmem_shared>>
      %dma_wait3A_150 = arith.constant 0 : i32
      %dma_wait3A_151 = arith.constant 0 : i32
      %dma_wait3A_152 = tpu.memref_slice %arg7[%run_scoped3A_61, %dma_wait3A_150, %dma_wait3A_151] : memref<2x80x128xf32, #tpu.memory_space<vmem>> -> memref<1x80x128xf32, #tpu.memory_space<vmem>>
      %dma_wait3A_153 = tpu.memref_squeeze %dma_wait3A_152 : memref<1x80x128xf32, #tpu.memory_space<vmem>> -> memref<80x128xf32, #tpu.memory_space<vmem>>
      tpu.wait_dma2 semaphore(%run_scoped3A_129 : memref<!tpu.dma_semaphore, #tpu.memory_space<semaphore_mem>>) src(%dma_wait3A_153 : memref<80x128xf32, #tpu.memory_space<vmem>>) dst(%dma_wait3A_149 : memref<80x128xf32, #tpu.memory_space<vmem_shared>>)
      tpu.yield
    }) : () -> ()
    %mul3A_62 = arith.constant 640 : i32
    %mul3A_63 = arith.muli %arg1, %mul3A_62 : i32
    %add3A_64 = arith.constant 400 : i32
    %add3A_65 = arith.addi %mul3A_63, %add3A_64 : i32
    %run_scoped3A_66 = arith.constant 0 : i32
    "tpu.region"() ({
      %run_scoped3A_129 = tpu.sem_alloc : memref<!tpu.dma_semaphore, #tpu.memory_space<semaphore_mem>>
      %dma_start3A_130 = arith.constant 0 : i32
      %dma_start3A_131 = arith.constant 0 : i32
      %dma_start3A_132 = tpu.memref_slice %arg7[%run_scoped3A_66, %dma_start3A_130, %dma_start3A_131] : memref<2x80x128xf32, #tpu.memory_space<vmem>> -> memref<1x80x128xf32, #tpu.memory_space<vmem>>
      %dma_start3A_133 = tpu.memref_squeeze %dma_start3A_132 : memref<1x80x128xf32, #tpu.memory_space<vmem>> -> memref<80x128xf32, #tpu.memory_space<vmem>>
      %dma_start3A_134 = arith.constant 0 : i32
      %dma_start3A_135 = tpu.memref_slice %arg10[%add3A_65, %dma_start3A_134] : memref<10240x128xf32, #tpu.memory_space<vmem_shared>> -> memref<80x128xf32, #tpu.memory_space<vmem_shared>>
      %dma_start3A_136 = arith.constant 0 : i32
      %dma_start3A_137 = tpu.memref_slice %arg10[%add3A_65, %dma_start3A_136] : memref<10240x128xf32, #tpu.memory_space<vmem_shared>> -> memref<80x128xf32, #tpu.memory_space<vmem_shared>>
      %dma_start3A_138 = arith.constant 0 : i32
      %dma_start3A_139 = arith.constant 0 : i32
      %dma_start3A_140 = tpu.memref_slice %arg7[%run_scoped3A_66, %dma_start3A_138, %dma_start3A_139] : memref<2x80x128xf32, #tpu.memory_space<vmem>> -> memref<1x80x128xf32, #tpu.memory_space<vmem>>
      %dma_start3A_141 = tpu.memref_squeeze %dma_start3A_140 : memref<1x80x128xf32, #tpu.memory_space<vmem>> -> memref<80x128xf32, #tpu.memory_space<vmem>>
      tpu.enqueue_dma source(%dma_start3A_141 : memref<80x128xf32, #tpu.memory_space<vmem>>) target(%dma_start3A_137 : memref<80x128xf32, #tpu.memory_space<vmem_shared>>) target_semaphore(%run_scoped3A_129 : memref<!tpu.dma_semaphore, #tpu.memory_space<semaphore_mem>>)
      %dma_wait3A_142 = arith.constant 0 : i32
      %dma_wait3A_143 = arith.constant 0 : i32
      %dma_wait3A_144 = tpu.memref_slice %arg7[%run_scoped3A_66, %dma_wait3A_142, %dma_wait3A_143] : memref<2x80x128xf32, #tpu.memory_space<vmem>> -> memref<1x80x128xf32, #tpu.memory_space<vmem>>
      %dma_wait3A_145 = tpu.memref_squeeze %dma_wait3A_144 : memref<1x80x128xf32, #tpu.memory_space<vmem>> -> memref<80x128xf32, #tpu.memory_space<vmem>>
      %dma_wait3A_146 = arith.constant 0 : i32
      %dma_wait3A_147 = tpu.memref_slice %arg10[%add3A_65, %dma_wait3A_146] : memref<10240x128xf32, #tpu.memory_space<vmem_shared>> -> memref<80x128xf32, #tpu.memory_space<vmem_shared>>
      %dma_wait3A_148 = arith.constant 0 : i32
      %dma_wait3A_149 = tpu.memref_slice %arg10[%add3A_65, %dma_wait3A_148] : memref<10240x128xf32, #tpu.memory_space<vmem_shared>> -> memref<80x128xf32, #tpu.memory_space<vmem_shared>>
      %dma_wait3A_150 = arith.constant 0 : i32
      %dma_wait3A_151 = arith.constant 0 : i32
      %dma_wait3A_152 = tpu.memref_slice %arg7[%run_scoped3A_66, %dma_wait3A_150, %dma_wait3A_151] : memref<2x80x128xf32, #tpu.memory_space<vmem>> -> memref<1x80x128xf32, #tpu.memory_space<vmem>>
      %dma_wait3A_153 = tpu.memref_squeeze %dma_wait3A_152 : memref<1x80x128xf32, #tpu.memory_space<vmem>> -> memref<80x128xf32, #tpu.memory_space<vmem>>
      tpu.wait_dma2 semaphore(%run_scoped3A_129 : memref<!tpu.dma_semaphore, #tpu.memory_space<semaphore_mem>>) src(%dma_wait3A_153 : memref<80x128xf32, #tpu.memory_space<vmem>>) dst(%dma_wait3A_149 : memref<80x128xf32, #tpu.memory_space<vmem_shared>>)
      tpu.yield
    }) : () -> ()
    %mul3A_67 = arith.constant 640 : i32
    %mul3A_68 = arith.muli %arg1, %mul3A_67 : i32
    %add3A_69 = arith.constant 480 : i32
    %add3A_70 = arith.addi %mul3A_68, %add3A_69 : i32
    %run_scoped3A_71 = arith.constant 0 : i32
    "tpu.region"() ({
      %run_scoped3A_129 = tpu.sem_alloc : memref<!tpu.dma_semaphore, #tpu.memory_space<semaphore_mem>>
      %dma_start3A_130 = arith.constant 0 : i32
      %dma_start3A_131 = arith.constant 0 : i32
      %dma_start3A_132 = tpu.memref_slice %arg7[%run_scoped3A_71, %dma_start3A_130, %dma_start3A_131] : memref<2x80x128xf32, #tpu.memory_space<vmem>> -> memref<1x80x128xf32, #tpu.memory_space<vmem>>
      %dma_start3A_133 = tpu.memref_squeeze %dma_start3A_132 : memref<1x80x128xf32, #tpu.memory_space<vmem>> -> memref<80x128xf32, #tpu.memory_space<vmem>>
      %dma_start3A_134 = arith.constant 0 : i32
      %dma_start3A_135 = tpu.memref_slice %arg10[%add3A_70, %dma_start3A_134] : memref<10240x128xf32, #tpu.memory_space<vmem_shared>> -> memref<80x128xf32, #tpu.memory_space<vmem_shared>>
      %dma_start3A_136 = arith.constant 0 : i32
      %dma_start3A_137 = tpu.memref_slice %arg10[%add3A_70, %dma_start3A_136] : memref<10240x128xf32, #tpu.memory_space<vmem_shared>> -> memref<80x128xf32, #tpu.memory_space<vmem_shared>>
      %dma_start3A_138 = arith.constant 0 : i32
      %dma_start3A_139 = arith.constant 0 : i32
      %dma_start3A_140 = tpu.memref_slice %arg7[%run_scoped3A_71, %dma_start3A_138, %dma_start3A_139] : memref<2x80x128xf32, #tpu.memory_space<vmem>> -> memref<1x80x128xf32, #tpu.memory_space<vmem>>
      %dma_start3A_141 = tpu.memref_squeeze %dma_start3A_140 : memref<1x80x128xf32, #tpu.memory_space<vmem>> -> memref<80x128xf32, #tpu.memory_space<vmem>>
      tpu.enqueue_dma source(%dma_start3A_141 : memref<80x128xf32, #tpu.memory_space<vmem>>) target(%dma_start3A_137 : memref<80x128xf32, #tpu.memory_space<vmem_shared>>) target_semaphore(%run_scoped3A_129 : memref<!tpu.dma_semaphore, #tpu.memory_space<semaphore_mem>>)
      %dma_wait3A_142 = arith.constant 0 : i32
      %dma_wait3A_143 = arith.constant 0 : i32
      %dma_wait3A_144 = tpu.memref_slice %arg7[%run_scoped3A_71, %dma_wait3A_142, %dma_wait3A_143] : memref<2x80x128xf32, #tpu.memory_space<vmem>> -> memref<1x80x128xf32, #tpu.memory_space<vmem>>
      %dma_wait3A_145 = tpu.memref_squeeze %dma_wait3A_144 : memref<1x80x128xf32, #tpu.memory_space<vmem>> -> memref<80x128xf32, #tpu.memory_space<vmem>>
      %dma_wait3A_146 = arith.constant 0 : i32
      %dma_wait3A_147 = tpu.memref_slice %arg10[%add3A_70, %dma_wait3A_146] : memref<10240x128xf32, #tpu.memory_space<vmem_shared>> -> memref<80x128xf32, #tpu.memory_space<vmem_shared>>
      %dma_wait3A_148 = arith.constant 0 : i32
      %dma_wait3A_149 = tpu.memref_slice %arg10[%add3A_70, %dma_wait3A_148] : memref<10240x128xf32, #tpu.memory_space<vmem_shared>> -> memref<80x128xf32, #tpu.memory_space<vmem_shared>>
      %dma_wait3A_150 = arith.constant 0 : i32
      %dma_wait3A_151 = arith.constant 0 : i32
      %dma_wait3A_152 = tpu.memref_slice %arg7[%run_scoped3A_71, %dma_wait3A_150, %dma_wait3A_151] : memref<2x80x128xf32, #tpu.memory_space<vmem>> -> memref<1x80x128xf32, #tpu.memory_space<vmem>>
      %dma_wait3A_153 = tpu.memref_squeeze %dma_wait3A_152 : memref<1x80x128xf32, #tpu.memory_space<vmem>> -> memref<80x128xf32, #tpu.memory_space<vmem>>
      tpu.wait_dma2 semaphore(%run_scoped3A_129 : memref<!tpu.dma_semaphore, #tpu.memory_space<semaphore_mem>>) src(%dma_wait3A_153 : memref<80x128xf32, #tpu.memory_space<vmem>>) dst(%dma_wait3A_149 : memref<80x128xf32, #tpu.memory_space<vmem_shared>>)
      tpu.yield
    }) : () -> ()
    %mul3A_72 = arith.constant 640 : i32
    %mul3A_73 = arith.muli %arg1, %mul3A_72 : i32
    %add3A_74 = arith.constant 560 : i32
    %add3A_75 = arith.addi %mul3A_73, %add3A_74 : i32
    %run_scoped3A_76 = arith.constant 0 : i32
    "tpu.region"() ({
      %run_scoped3A_129 = tpu.sem_alloc : memref<!tpu.dma_semaphore, #tpu.memory_space<semaphore_mem>>
      %dma_start3A_130 = arith.constant 0 : i32
      %dma_start3A_131 = arith.constant 0 : i32
      %dma_start3A_132 = tpu.memref_slice %arg7[%run_scoped3A_76, %dma_start3A_130, %dma_start3A_131] : memref<2x80x128xf32, #tpu.memory_space<vmem>> -> memref<1x80x128xf32, #tpu.memory_space<vmem>>
      %dma_start3A_133 = tpu.memref_squeeze %dma_start3A_132 : memref<1x80x128xf32, #tpu.memory_space<vmem>> -> memref<80x128xf32, #tpu.memory_space<vmem>>
      %dma_start3A_134 = arith.constant 0 : i32
      %dma_start3A_135 = tpu.memref_slice %arg10[%add3A_75, %dma_start3A_134] : memref<10240x128xf32, #tpu.memory_space<vmem_shared>> -> memref<80x128xf32, #tpu.memory_space<vmem_shared>>
      %dma_start3A_136 = arith.constant 0 : i32
      %dma_start3A_137 = tpu.memref_slice %arg10[%add3A_75, %dma_start3A_136] : memref<10240x128xf32, #tpu.memory_space<vmem_shared>> -> memref<80x128xf32, #tpu.memory_space<vmem_shared>>
      %dma_start3A_138 = arith.constant 0 : i32
      %dma_start3A_139 = arith.constant 0 : i32
      %dma_start3A_140 = tpu.memref_slice %arg7[%run_scoped3A_76, %dma_start3A_138, %dma_start3A_139] : memref<2x80x128xf32, #tpu.memory_space<vmem>> -> memref<1x80x128xf32, #tpu.memory_space<vmem>>
      %dma_start3A_141 = tpu.memref_squeeze %dma_start3A_140 : memref<1x80x128xf32, #tpu.memory_space<vmem>> -> memref<80x128xf32, #tpu.memory_space<vmem>>
      tpu.enqueue_dma source(%dma_start3A_141 : memref<80x128xf32, #tpu.memory_space<vmem>>) target(%dma_start3A_137 : memref<80x128xf32, #tpu.memory_space<vmem_shared>>) target_semaphore(%run_scoped3A_129 : memref<!tpu.dma_semaphore, #tpu.memory_space<semaphore_mem>>)
      %dma_wait3A_142 = arith.constant 0 : i32
      %dma_wait3A_143 = arith.constant 0 : i32
      %dma_wait3A_144 = tpu.memref_slice %arg7[%run_scoped3A_76, %dma_wait3A_142, %dma_wait3A_143] : memref<2x80x128xf32, #tpu.memory_space<vmem>> -> memref<1x80x128xf32, #tpu.memory_space<vmem>>
      %dma_wait3A_145 = tpu.memref_squeeze %dma_wait3A_144 : memref<1x80x128xf32, #tpu.memory_space<vmem>> -> memref<80x128xf32, #tpu.memory_space<vmem>>
      %dma_wait3A_146 = arith.constant 0 : i32
      %dma_wait3A_147 = tpu.memref_slice %arg10[%add3A_75, %dma_wait3A_146] : memref<10240x128xf32, #tpu.memory_space<vmem_shared>> -> memref<80x128xf32, #tpu.memory_space<vmem_shared>>
      %dma_wait3A_148 = arith.constant 0 : i32
      %dma_wait3A_149 = tpu.memref_slice %arg10[%add3A_75, %dma_wait3A_148] : memref<10240x128xf32, #tpu.memory_space<vmem_shared>> -> memref<80x128xf32, #tpu.memory_space<vmem_shared>>
      %dma_wait3A_150 = arith.constant 0 : i32
      %dma_wait3A_151 = arith.constant 0 : i32
      %dma_wait3A_152 = tpu.memref_slice %arg7[%run_scoped3A_76, %dma_wait3A_150, %dma_wait3A_151] : memref<2x80x128xf32, #tpu.memory_space<vmem>> -> memref<1x80x128xf32, #tpu.memory_space<vmem>>
      %dma_wait3A_153 = tpu.memref_squeeze %dma_wait3A_152 : memref<1x80x128xf32, #tpu.memory_space<vmem>> -> memref<80x128xf32, #tpu.memory_space<vmem>>
      tpu.wait_dma2 semaphore(%run_scoped3A_129 : memref<!tpu.dma_semaphore, #tpu.memory_space<semaphore_mem>>) src(%dma_wait3A_153 : memref<80x128xf32, #tpu.memory_space<vmem>>) dst(%dma_wait3A_149 : memref<80x128xf32, #tpu.memory_space<vmem_shared>>)
      tpu.yield
    }) : () -> ()
    %mul3A_77 = arith.constant 640 : i32
    %mul3A_78 = arith.muli %arg1, %mul3A_77 : i32
    "tpu.region"() ({
      %run_scoped3A_129 = tpu.sem_alloc : memref<!tpu.dma_semaphore, #tpu.memory_space<semaphore_mem>>
      %dma_start3A_130 = tpu.memref_slice %arg11[%mul3A_78] : memref<10240xf32, #tpu.memory_space<vmem_shared>> -> memref<640xf32, #tpu.memory_space<vmem_shared>>
      %dma_start3A_131 = tpu.memref_slice %arg11[%mul3A_78] : memref<10240xf32, #tpu.memory_space<vmem_shared>> -> memref<640xf32, #tpu.memory_space<vmem_shared>>
      tpu.enqueue_dma source(%arg9 : memref<640xf32, #tpu.memory_space<vmem>>) target(%dma_start3A_131 : memref<640xf32, #tpu.memory_space<vmem_shared>>) target_semaphore(%run_scoped3A_129 : memref<!tpu.dma_semaphore, #tpu.memory_space<semaphore_mem>>)
      %dma_wait3A_132 = tpu.memref_slice %arg11[%mul3A_78] : memref<10240xf32, #tpu.memory_space<vmem_shared>> -> memref<640xf32, #tpu.memory_space<vmem_shared>>
      %dma_wait3A_133 = tpu.memref_slice %arg11[%mul3A_78] : memref<10240xf32, #tpu.memory_space<vmem_shared>> -> memref<640xf32, #tpu.memory_space<vmem_shared>>
      tpu.wait_dma2 semaphore(%run_scoped3A_129 : memref<!tpu.dma_semaphore, #tpu.memory_space<semaphore_mem>>) src(%arg9 : memref<640xf32, #tpu.memory_space<vmem>>) dst(%dma_wait3A_133 : memref<640xf32, #tpu.memory_space<vmem_shared>>)
      tpu.yield
    }) : () -> ()
    %barrier3A = arith.constant 0 : index
    tpu.barrier barrier_id(%barrier3A)
    %add3A_79 = arith.constant 0 : i32
    %add3A_80 = arith.addi %mul3A_2, %add3A_79 : i32
    %add3A_81 = arith.constant 0 : i32
    %add3A_82 = arith.addi %add3A_81, %add3A_80 : i32
    %run_scoped3A_83 = arith.constant 0 : i32
    "tpu.region"() ({
      %run_scoped3A_129 = tpu.sem_alloc : memref<!tpu.dma_semaphore, #tpu.memory_space<semaphore_mem>>
      %dma_start3A_130 = arith.constant 0 : i32
      %dma_start3A_131 = tpu.memref_slice %arg6[%run_scoped3A_83, %dma_start3A_130] : memref<2x80xi32, #tpu.memory_space<vmem>> -> memref<1x80xi32, #tpu.memory_space<vmem>>
      %dma_start3A_132 = tpu.memref_squeeze %dma_start3A_131 : memref<1x80xi32, #tpu.memory_space<vmem>> -> memref<80xi32, #tpu.memory_space<vmem>>
      %dma_start3A_133 = tpu.memref_slice %arg2[%add3A_82] : memref<320000xi32, #tpu.memory_space<hbm>> -> memref<80xi32, #tpu.memory_space<hbm>>
      %dma_start3A_134 = arith.constant 0 : i32
      %dma_start3A_135 = tpu.memref_slice %arg6[%run_scoped3A_83, %dma_start3A_134] : memref<2x80xi32, #tpu.memory_space<vmem>> -> memref<1x80xi32, #tpu.memory_space<vmem>>
      %dma_start3A_136 = tpu.memref_squeeze %dma_start3A_135 : memref<1x80xi32, #tpu.memory_space<vmem>> -> memref<80xi32, #tpu.memory_space<vmem>>
      %dma_start3A_137 = tpu.memref_slice %arg2[%add3A_82] : memref<320000xi32, #tpu.memory_space<hbm>> -> memref<80xi32, #tpu.memory_space<hbm>>
      tpu.enqueue_dma source(%dma_start3A_137 : memref<80xi32, #tpu.memory_space<hbm>>) target(%dma_start3A_136 : memref<80xi32, #tpu.memory_space<vmem>>) target_semaphore(%run_scoped3A_129 : memref<!tpu.dma_semaphore, #tpu.memory_space<semaphore_mem>>)
      %dma_wait3A_138 = arith.constant 0 : i32
      %dma_wait3A_139 = tpu.memref_slice %arg6[%run_scoped3A_83, %dma_wait3A_138] : memref<2x80xi32, #tpu.memory_space<vmem>> -> memref<1x80xi32, #tpu.memory_space<vmem>>
      %dma_wait3A_140 = tpu.memref_squeeze %dma_wait3A_139 : memref<1x80xi32, #tpu.memory_space<vmem>> -> memref<80xi32, #tpu.memory_space<vmem>>
      %dma_wait3A_141 = tpu.memref_slice %arg2[%add3A_82] : memref<320000xi32, #tpu.memory_space<hbm>> -> memref<80xi32, #tpu.memory_space<hbm>>
      %dma_wait3A_142 = arith.constant 0 : i32
      %dma_wait3A_143 = tpu.memref_slice %arg6[%run_scoped3A_83, %dma_wait3A_142] : memref<2x80xi32, #tpu.memory_space<vmem>> -> memref<1x80xi32, #tpu.memory_space<vmem>>
      %dma_wait3A_144 = tpu.memref_squeeze %dma_wait3A_143 : memref<1x80xi32, #tpu.memory_space<vmem>> -> memref<80xi32, #tpu.memory_space<vmem>>
      %dma_wait3A_145 = tpu.memref_slice %arg2[%add3A_82] : memref<320000xi32, #tpu.memory_space<hbm>> -> memref<80xi32, #tpu.memory_space<hbm>>
      tpu.wait_dma2 semaphore(%run_scoped3A_129 : memref<!tpu.dma_semaphore, #tpu.memory_space<semaphore_mem>>) src(%dma_wait3A_145 : memref<80xi32, #tpu.memory_space<hbm>>) dst(%dma_wait3A_144 : memref<80xi32, #tpu.memory_space<vmem>>)
      tpu.yield
    }) : () -> ()
    %dma_start3A = arith.constant 0 : i32
    %dma_start3A_84 = arith.constant 0 : i32
    %dma_start3A_85 = arith.constant 0 : i32
    %dma_start3A_86 = tpu.memref_slice %arg7[%dma_start3A, %dma_start3A_84, %dma_start3A_85] : memref<2x80x128xf32, #tpu.memory_space<vmem>> -> memref<1x80x128xf32, #tpu.memory_space<vmem>>
    %dma_start3A_87 = tpu.memref_squeeze %dma_start3A_86 : memref<1x80x128xf32, #tpu.memory_space<vmem>> -> memref<80x128xf32, #tpu.memory_space<vmem>>
    %dma_start3A_88 = arith.constant 0 : i32
    %dma_start3A_89 = tpu.memref_slice %arg3[%add3A_80, %dma_start3A_88] : memref<192512x128xf32, #tpu.memory_space<hbm>> -> memref<80x128xf32, #tpu.memory_space<hbm>>
    %dma_start3A_90 = arith.constant 0 : i32
    %dma_start3A_91 = arith.constant 0 : i32
    %dma_start3A_92 = tpu.memref_slice %arg7[%dma_start3A, %dma_start3A_90, %dma_start3A_91] : memref<2x80x128xf32, #tpu.memory_space<vmem>> -> memref<1x80x128xf32, #tpu.memory_space<vmem>>
    %dma_start3A_93 = tpu.memref_squeeze %dma_start3A_92 : memref<1x80x128xf32, #tpu.memory_space<vmem>> -> memref<80x128xf32, #tpu.memory_space<vmem>>
    %dma_start3A_94 = arith.constant 0 : i32
    %dma_start3A_95 = tpu.memref_slice %arg3[%add3A_80, %dma_start3A_94] : memref<192512x128xf32, #tpu.memory_space<hbm>> -> memref<80x128xf32, #tpu.memory_space<hbm>>
    tpu.enqueue_dma source(%dma_start3A_95 : memref<80x128xf32, #tpu.memory_space<hbm>>) target(%dma_start3A_93 : memref<80x128xf32, #tpu.memory_space<vmem>>) target_semaphore(%arg12 : memref<!tpu.dma_semaphore, #tpu.memory_space<semaphore_mem>>)
    %scan3A_96 = arith.constant 0 : i32
    %scan3A_97 = arith.constant 0 : i32
    %scan3A_98 = arith.constant 37 : i32
    %scan3A_99 = arith.addi %scan3A_97, %scan3A_98 : i32
    %scan3A_100 = arith.constant 1 : i32
    %scan3A_101 = scf.for %scan3A_129 = %scan3A_97 to %scan3A_99 step %scan3A_100 iter_args(%scan3A_130 = %scan3A_96) -> (i32)  : i32 {
      %mul3A_131 = arith.constant 2 : i32
      %mul3A_132 = arith.muli %mul3A_131, %scan3A_129 : i32
      %add3A_133 = arith.constant 1 : i32
      %add3A_134 = arith.addi %mul3A_132, %add3A_133 : i32
      %mul3A_135 = arith.constant 80 : i32
      %mul3A_136 = arith.muli %add3A_134, %mul3A_135 : i32
      %add3A_137 = arith.addi %mul3A_2, %mul3A_136 : i32
      %add3A_138 = arith.constant 0 : i32
      %add3A_139 = arith.addi %add3A_138, %add3A_137 : i32
      %run_scoped3A_140 = arith.constant 1 : i32
      "tpu.region"() ({
        %run_scoped3A_212 = tpu.sem_alloc : memref<!tpu.dma_semaphore, #tpu.memory_space<semaphore_mem>>
        %dma_start3A_213 = arith.constant 0 : i32
        %dma_start3A_214 = tpu.memref_slice %arg6[%run_scoped3A_140, %dma_start3A_213] : memref<2x80xi32, #tpu.memory_space<vmem>> -> memref<1x80xi32, #tpu.memory_space<vmem>>
        %dma_start3A_215 = tpu.memref_squeeze %dma_start3A_214 : memref<1x80xi32, #tpu.memory_space<vmem>> -> memref<80xi32, #tpu.memory_space<vmem>>
        %dma_start3A_216 = tpu.memref_slice %arg2[%add3A_139] : memref<320000xi32, #tpu.memory_space<hbm>> -> memref<80xi32, #tpu.memory_space<hbm>>
        %dma_start3A_217 = arith.constant 0 : i32
        %dma_start3A_218 = tpu.memref_slice %arg6[%run_scoped3A_140, %dma_start3A_217] : memref<2x80xi32, #tpu.memory_space<vmem>> -> memref<1x80xi32, #tpu.memory_space<vmem>>
        %dma_start3A_219 = tpu.memref_squeeze %dma_start3A_218 : memref<1x80xi32, #tpu.memory_space<vmem>> -> memref<80xi32, #tpu.memory_space<vmem>>
        %dma_start3A_220 = tpu.memref_slice %arg2[%add3A_139] : memref<320000xi32, #tpu.memory_space<hbm>> -> memref<80xi32, #tpu.memory_space<hbm>>
        tpu.enqueue_dma source(%dma_start3A_220 : memref<80xi32, #tpu.memory_space<hbm>>) target(%dma_start3A_219 : memref<80xi32, #tpu.memory_space<vmem>>) target_semaphore(%run_scoped3A_212 : memref<!tpu.dma_semaphore, #tpu.memory_space<semaphore_mem>>)
        %dma_wait3A_221 = arith.constant 0 : i32
        %dma_wait3A_222 = tpu.memref_slice %arg6[%run_scoped3A_140, %dma_wait3A_221] : memref<2x80xi32, #tpu.memory_space<vmem>> -> memref<1x80xi32, #tpu.memory_space<vmem>>
        %dma_wait3A_223 = tpu.memref_squeeze %dma_wait3A_222 : memref<1x80xi32, #tpu.memory_space<vmem>> -> memref<80xi32, #tpu.memory_space<vmem>>
        %dma_wait3A_224 = tpu.memref_slice %arg2[%add3A_139] : memref<320000xi32, #tpu.memory_space<hbm>> -> memref<80xi32, #tpu.memory_space<hbm>>
        %dma_wait3A_225 = arith.constant 0 : i32
        %dma_wait3A_226 = tpu.memref_slice %arg6[%run_scoped3A_140, %dma_wait3A_225] : memref<2x80xi32, #tpu.memory_space<vmem>> -> memref<1x80xi32, #tpu.memory_space<vmem>>
        %dma_wait3A_227 = tpu.memref_squeeze %dma_wait3A_226 : memref<1x80xi32, #tpu.memory_space<vmem>> -> memref<80xi32, #tpu.memory_space<vmem>>
        %dma_wait3A_228 = tpu.memref_slice %arg2[%add3A_139] : memref<320000xi32, #tpu.memory_space<hbm>> -> memref<80xi32, #tpu.memory_space<hbm>>
        tpu.wait_dma2 semaphore(%run_scoped3A_212 : memref<!tpu.dma_semaphore, #tpu.memory_space<semaphore_mem>>) src(%dma_wait3A_228 : memref<80xi32, #tpu.memory_space<hbm>>) dst(%dma_wait3A_227 : memref<80xi32, #tpu.memory_space<vmem>>)
        tpu.yield
      }) : () -> ()
      %dma_start3A_141 = arith.constant 1 : i32
      %dma_start3A_142 = arith.constant 0 : i32
      %dma_start3A_143 = arith.constant 0 : i32
      %dma_start3A_144 = tpu.memref_slice %arg7[%dma_start3A_141, %dma_start3A_142, %dma_start3A_143] : memref<2x80x128xf32, #tpu.memory_space<vmem>> -> memref<1x80x128xf32, #tpu.memory_space<vmem>>
      %dma_start3A_145 = tpu.memref_squeeze %dma_start3A_144 : memref<1x80x128xf32, #tpu.memory_space<vmem>> -> memref<80x128xf32, #tpu.memory_space<vmem>>
      %dma_start3A_146 = arith.constant 0 : i32
      %dma_start3A_147 = tpu.memref_slice %arg3[%add3A_137, %dma_start3A_146] : memref<192512x128xf32, #tpu.memory_space<hbm>> -> memref<80x128xf32, #tpu.memory_space<hbm>>
      %dma_start3A_148 = arith.constant 0 : i32
      %dma_start3A_149 = arith.constant 0 : i32
      %dma_start3A_150 = tpu.memref_slice %arg7[%dma_start3A_141, %dma_start3A_148, %dma_start3A_149] : memref<2x80x128xf32, #tpu.memory_space<vmem>> -> memref<1x80x128xf32, #tpu.memory_space<vmem>>
      %dma_start3A_151 = tpu.memref_squeeze %dma_start3A_150 : memref<1x80x128xf32, #tpu.memory_space<vmem>> -> memref<80x128xf32, #tpu.memory_space<vmem>>
      %dma_start3A_152 = arith.constant 0 : i32
      %dma_start3A_153 = tpu.memref_slice %arg3[%add3A_137, %dma_start3A_152] : memref<192512x128xf32, #tpu.memory_space<hbm>> -> memref<80x128xf32, #tpu.memory_space<hbm>>
      tpu.enqueue_dma source(%dma_start3A_153 : memref<80x128xf32, #tpu.memory_space<hbm>>) target(%dma_start3A_151 : memref<80x128xf32, #tpu.memory_space<vmem>>) target_semaphore(%arg13 : memref<!tpu.dma_semaphore, #tpu.memory_space<semaphore_mem>>)
      %dma_wait3A_154 = arith.constant 0 : i32
      %dma_wait3A_155 = arith.constant 0 : i32
      %dma_wait3A_156 = arith.constant 0 : i32
      %dma_wait3A_157 = tpu.memref_slice %arg7[%dma_wait3A_154, %dma_wait3A_155, %dma_wait3A_156] : memref<2x80x128xf32, #tpu.memory_space<vmem>> -> memref<1x80x128xf32, #tpu.memory_space<vmem>>
      %dma_wait3A_158 = tpu.memref_squeeze %dma_wait3A_157 : memref<1x80x128xf32, #tpu.memory_space<vmem>> -> memref<80x128xf32, #tpu.memory_space<vmem>>
      %dma_wait3A_159 = arith.constant 0 : i32
      %dma_wait3A_160 = arith.constant 0 : i32
      %dma_wait3A_161 = tpu.memref_slice %arg3[%dma_wait3A_159, %dma_wait3A_160] : memref<192512x128xf32, #tpu.memory_space<hbm>> -> memref<80x128xf32, #tpu.memory_space<hbm>>
      %dma_wait3A_162 = arith.constant 0 : i32
      %dma_wait3A_163 = arith.constant 0 : i32
      %dma_wait3A_164 = tpu.memref_slice %arg7[%dma_wait3A_154, %dma_wait3A_162, %dma_wait3A_163] : memref<2x80x128xf32, #tpu.memory_space<vmem>> -> memref<1x80x128xf32, #tpu.memory_space<vmem>>
      %dma_wait3A_165 = tpu.memref_squeeze %dma_wait3A_164 : memref<1x80x128xf32, #tpu.memory_space<vmem>> -> memref<80x128xf32, #tpu.memory_space<vmem>>
      %dma_wait3A_166 = arith.constant 0 : i32
      %dma_wait3A_167 = arith.constant 0 : i32
      %dma_wait3A_168 = tpu.memref_slice %arg3[%dma_wait3A_166, %dma_wait3A_167] : memref<192512x128xf32, #tpu.memory_space<hbm>> -> memref<80x128xf32, #tpu.memory_space<hbm>>
      tpu.wait_dma2 semaphore(%arg12 : memref<!tpu.dma_semaphore, #tpu.memory_space<semaphore_mem>>) src(%dma_wait3A_168 : memref<80x128xf32, #tpu.memory_space<hbm>>) dst(%dma_wait3A_165 : memref<80x128xf32, #tpu.memory_space<vmem>>)
      %run_scoped3A_169 = arith.constant 0 : i32
      %run_scoped3A_170 = arith.constant 0 : i32
      "tpu.region"() ({
        %run_scoped3A_212 = tpu.sem_alloc : memref<!tpu.dma_semaphore, #tpu.memory_space<semaphore_mem>>
        %dma_start3A_213 = arith.constant 0 : i32
        %dma_start3A_214 = arith.constant 0 : i32
        %dma_start3A_215 = tpu.memref_slice %arg7[%run_scoped3A_169, %dma_start3A_213, %dma_start3A_214] : memref<2x80x128xf32, #tpu.memory_space<vmem>> -> memref<1x80x128xf32, #tpu.memory_space<vmem>>
        %dma_start3A_216 = tpu.memref_squeeze %dma_start3A_215 : memref<1x80x128xf32, #tpu.memory_space<vmem>> -> memref<80x128xf32, #tpu.memory_space<vmem>>
        %dma_start3A_217 = arith.constant 0 : i32
        %dma_start3A_218 = tpu.memref_slice %arg6[%run_scoped3A_170, %dma_start3A_217] : memref<2x80xi32, #tpu.memory_space<vmem>> -> memref<1x80xi32, #tpu.memory_space<vmem>>
        %dma_start3A_219 = tpu.memref_squeeze %dma_start3A_218 : memref<1x80xi32, #tpu.memory_space<vmem>> -> memref<80xi32, #tpu.memory_space<vmem>>
        %dma_start3A_220 = arith.constant 0 : i32
        %dma_start3A_221 = arith.constant 0 : i32
        %dma_start3A_222 = tpu.memref_slice %arg10[%dma_start3A_220, %dma_start3A_221] : memref<10240x128xf32, #tpu.memory_space<vmem_shared>> -> memref<10240x128xf32, #tpu.memory_space<vmem_shared>>
        tpu.enqueue_indirect_dma source(%dma_start3A_216 : memref<80x128xf32, #tpu.memory_space<vmem>>) target(%dma_start3A_222 : memref<10240x128xf32, #tpu.memory_space<vmem_shared>>) offsets(%dma_start3A_219 : memref<80xi32, #tpu.memory_space<vmem>>) semaphore(%run_scoped3A_212 : memref<!tpu.dma_semaphore, #tpu.memory_space<semaphore_mem>>) {add = true}
        %dma_wait3A_223 = arith.constant 0 : i32
        %dma_wait3A_224 = arith.constant 0 : i32
        %dma_wait3A_225 = tpu.memref_slice %arg7[%run_scoped3A_169, %dma_wait3A_223, %dma_wait3A_224] : memref<2x80x128xf32, #tpu.memory_space<vmem>> -> memref<1x80x128xf32, #tpu.memory_space<vmem>>
        %dma_wait3A_226 = tpu.memref_squeeze %dma_wait3A_225 : memref<1x80x128xf32, #tpu.memory_space<vmem>> -> memref<80x128xf32, #tpu.memory_space<vmem>>
        %dma_wait3A_227 = arith.constant 0 : i32
        %dma_wait3A_228 = tpu.memref_slice %arg6[%run_scoped3A_170, %dma_wait3A_227] : memref<2x80xi32, #tpu.memory_space<vmem>> -> memref<1x80xi32, #tpu.memory_space<vmem>>
        %dma_wait3A_229 = tpu.memref_squeeze %dma_wait3A_228 : memref<1x80xi32, #tpu.memory_space<vmem>> -> memref<80xi32, #tpu.memory_space<vmem>>
        %dma_wait3A_230 = arith.constant 0 : i32
        %dma_wait3A_231 = arith.constant 0 : i32
        %dma_wait3A_232 = tpu.memref_slice %arg10[%dma_wait3A_230, %dma_wait3A_231] : memref<10240x128xf32, #tpu.memory_space<vmem_shared>> -> memref<10240x128xf32, #tpu.memory_space<vmem_shared>>
        tpu.wait_indirect_dma semaphore(%run_scoped3A_212 : memref<!tpu.dma_semaphore, #tpu.memory_space<semaphore_mem>>) src(%dma_wait3A_226 : memref<80x128xf32, #tpu.memory_space<vmem>>) dst(%dma_wait3A_232 : memref<10240x128xf32, #tpu.memory_space<vmem_shared>>)
        tpu.yield
      }) : () -> ()
      %run_scoped3A_171 = arith.constant 0 : i32
      "tpu.region"() ({
        %run_scoped3A_212 = tpu.sem_alloc : memref<!tpu.dma_semaphore, #tpu.memory_space<semaphore_mem>>
        %dma_start3A_213 = arith.constant 0 : i32
        %dma_start3A_214 = tpu.memref_slice %arg6[%run_scoped3A_171, %dma_start3A_213] : memref<2x80xi32, #tpu.memory_space<vmem>> -> memref<1x80xi32, #tpu.memory_space<vmem>>
        %dma_start3A_215 = tpu.memref_squeeze %dma_start3A_214 : memref<1x80xi32, #tpu.memory_space<vmem>> -> memref<80xi32, #tpu.memory_space<vmem>>
        %dma_start3A_216 = arith.constant 0 : i32
        %dma_start3A_217 = tpu.memref_slice %arg11[%dma_start3A_216] : memref<10240xf32, #tpu.memory_space<vmem_shared>> -> memref<10240xf32, #tpu.memory_space<vmem_shared>>
        tpu.enqueue_indirect_dma source(%arg8 : memref<80xf32, #tpu.memory_space<vmem>>) target(%dma_start3A_217 : memref<10240xf32, #tpu.memory_space<vmem_shared>>) offsets(%dma_start3A_215 : memref<80xi32, #tpu.memory_space<vmem>>) semaphore(%run_scoped3A_212 : memref<!tpu.dma_semaphore, #tpu.memory_space<semaphore_mem>>) {add = true}
        %dma_wait3A_218 = arith.constant 0 : i32
        %dma_wait3A_219 = tpu.memref_slice %arg6[%run_scoped3A_171, %dma_wait3A_218] : memref<2x80xi32, #tpu.memory_space<vmem>> -> memref<1x80xi32, #tpu.memory_space<vmem>>
        %dma_wait3A_220 = tpu.memref_squeeze %dma_wait3A_219 : memref<1x80xi32, #tpu.memory_space<vmem>> -> memref<80xi32, #tpu.memory_space<vmem>>
        %dma_wait3A_221 = arith.constant 0 : i32
        %dma_wait3A_222 = tpu.memref_slice %arg11[%dma_wait3A_221] : memref<10240xf32, #tpu.memory_space<vmem_shared>> -> memref<10240xf32, #tpu.memory_space<vmem_shared>>
        tpu.wait_indirect_dma semaphore(%run_scoped3A_212 : memref<!tpu.dma_semaphore, #tpu.memory_space<semaphore_mem>>) src(%arg8 : memref<80xf32, #tpu.memory_space<vmem>>) dst(%dma_wait3A_222 : memref<10240xf32, #tpu.memory_space<vmem_shared>>)
        tpu.yield
      }) : () -> ()
      %add3A_172 = arith.constant 2 : i32
      %add3A_173 = arith.addi %mul3A_132, %add3A_172 : i32
      %mul3A_174 = arith.constant 80 : i32
      %mul3A_175 = arith.muli %add3A_173, %mul3A_174 : i32
      %add3A_176 = arith.addi %mul3A_2, %mul3A_175 : i32
      %add3A_177 = arith.constant 0 : i32
      %add3A_178 = arith.addi %add3A_177, %add3A_176 : i32
      %run_scoped3A_179 = arith.constant 0 : i32
      "tpu.region"() ({
        %run_scoped3A_212 = tpu.sem_alloc : memref<!tpu.dma_semaphore, #tpu.memory_space<semaphore_mem>>
        %dma_start3A_213 = arith.constant 0 : i32
        %dma_start3A_214 = tpu.memref_slice %arg6[%run_scoped3A_179, %dma_start3A_213] : memref<2x80xi32, #tpu.memory_space<vmem>> -> memref<1x80xi32, #tpu.memory_space<vmem>>
        %dma_start3A_215 = tpu.memref_squeeze %dma_start3A_214 : memref<1x80xi32, #tpu.memory_space<vmem>> -> memref<80xi32, #tpu.memory_space<vmem>>
        %dma_start3A_216 = tpu.memref_slice %arg2[%add3A_178] : memref<320000xi32, #tpu.memory_space<hbm>> -> memref<80xi32, #tpu.memory_space<hbm>>
        %dma_start3A_217 = arith.constant 0 : i32
        %dma_start3A_218 = tpu.memref_slice %arg6[%run_scoped3A_179, %dma_start3A_217] : memref<2x80xi32, #tpu.memory_space<vmem>> -> memref<1x80xi32, #tpu.memory_space<vmem>>
        %dma_start3A_219 = tpu.memref_squeeze %dma_start3A_218 : memref<1x80xi32, #tpu.memory_space<vmem>> -> memref<80xi32, #tpu.memory_space<vmem>>
        %dma_start3A_220 = tpu.memref_slice %arg2[%add3A_178] : memref<320000xi32, #tpu.memory_space<hbm>> -> memref<80xi32, #tpu.memory_space<hbm>>
        tpu.enqueue_dma source(%dma_start3A_220 : memref<80xi32, #tpu.memory_space<hbm>>) target(%dma_start3A_219 : memref<80xi32, #tpu.memory_space<vmem>>) target_semaphore(%run_scoped3A_212 : memref<!tpu.dma_semaphore, #tpu.memory_space<semaphore_mem>>)
        %dma_wait3A_221 = arith.constant 0 : i32
        %dma_wait3A_222 = tpu.memref_slice %arg6[%run_scoped3A_179, %dma_wait3A_221] : memref<2x80xi32, #tpu.memory_space<vmem>> -> memref<1x80xi32, #tpu.memory_space<vmem>>
        %dma_wait3A_223 = tpu.memref_squeeze %dma_wait3A_222 : memref<1x80xi32, #tpu.memory_space<vmem>> -> memref<80xi32, #tpu.memory_space<vmem>>
        %dma_wait3A_224 = tpu.memref_slice %arg2[%add3A_178] : memref<320000xi32, #tpu.memory_space<hbm>> -> memref<80xi32, #tpu.memory_space<hbm>>
        %dma_wait3A_225 = arith.constant 0 : i32
        %dma_wait3A_226 = tpu.memref_slice %arg6[%run_scoped3A_179, %dma_wait3A_225] : memref<2x80xi32, #tpu.memory_space<vmem>> -> memref<1x80xi32, #tpu.memory_space<vmem>>
        %dma_wait3A_227 = tpu.memref_squeeze %dma_wait3A_226 : memref<1x80xi32, #tpu.memory_space<vmem>> -> memref<80xi32, #tpu.memory_space<vmem>>
        %dma_wait3A_228 = tpu.memref_slice %arg2[%add3A_178] : memref<320000xi32, #tpu.memory_space<hbm>> -> memref<80xi32, #tpu.memory_space<hbm>>
        tpu.wait_dma2 semaphore(%run_scoped3A_212 : memref<!tpu.dma_semaphore, #tpu.memory_space<semaphore_mem>>) src(%dma_wait3A_228 : memref<80xi32, #tpu.memory_space<hbm>>) dst(%dma_wait3A_227 : memref<80xi32, #tpu.memory_space<vmem>>)
        tpu.yield
      }) : () -> ()
      %dma_start3A_180 = arith.constant 0 : i32
      %dma_start3A_181 = arith.constant 0 : i32
      %dma_start3A_182 = arith.constant 0 : i32
      %dma_start3A_183 = tpu.memref_slice %arg7[%dma_start3A_180, %dma_start3A_181, %dma_start3A_182] : memref<2x80x128xf32, #tpu.memory_space<vmem>> -> memref<1x80x128xf32, #tpu.memory_space<vmem>>
      %dma_start3A_184 = tpu.memref_squeeze %dma_start3A_183 : memref<1x80x128xf32, #tpu.memory_space<vmem>> -> memref<80x128xf32, #tpu.memory_space<vmem>>
      %dma_start3A_185 = arith.constant 0 : i32
      %dma_start3A_186 = tpu.memref_slice %arg3[%add3A_176, %dma_start3A_185] : memref<192512x128xf32, #tpu.memory_space<hbm>> -> memref<80x128xf32, #tpu.memory_space<hbm>>
      %dma_start3A_187 = arith.constant 0 : i32
      %dma_start3A_188 = arith.constant 0 : i32
      %dma_start3A_189 = tpu.memref_slice %arg7[%dma_start3A_180, %dma_start3A_187, %dma_start3A_188] : memref<2x80x128xf32, #tpu.memory_space<vmem>> -> memref<1x80x128xf32, #tpu.memory_space<vmem>>
      %dma_start3A_190 = tpu.memref_squeeze %dma_start3A_189 : memref<1x80x128xf32, #tpu.memory_space<vmem>> -> memref<80x128xf32, #tpu.memory_space<vmem>>
      %dma_start3A_191 = arith.constant 0 : i32
      %dma_start3A_192 = tpu.memref_slice %arg3[%add3A_176, %dma_start3A_191] : memref<192512x128xf32, #tpu.memory_space<hbm>> -> memref<80x128xf32, #tpu.memory_space<hbm>>
      tpu.enqueue_dma source(%dma_start3A_192 : memref<80x128xf32, #tpu.memory_space<hbm>>) target(%dma_start3A_190 : memref<80x128xf32, #tpu.memory_space<vmem>>) target_semaphore(%arg12 : memref<!tpu.dma_semaphore, #tpu.memory_space<semaphore_mem>>)
      %dma_wait3A_193 = arith.constant 1 : i32
      %dma_wait3A_194 = arith.constant 0 : i32
      %dma_wait3A_195 = arith.constant 0 : i32
      %dma_wait3A_196 = tpu.memref_slice %arg7[%dma_wait3A_193, %dma_wait3A_194, %dma_wait3A_195] : memref<2x80x128xf32, #tpu.memory_space<vmem>> -> memref<1x80x128xf32, #tpu.memory_space<vmem>>
      %dma_wait3A_197 = tpu.memref_squeeze %dma_wait3A_196 : memref<1x80x128xf32, #tpu.memory_space<vmem>> -> memref<80x128xf32, #tpu.memory_space<vmem>>
      %dma_wait3A_198 = arith.constant 0 : i32
      %dma_wait3A_199 = arith.constant 0 : i32
      %dma_wait3A_200 = tpu.memref_slice %arg3[%dma_wait3A_198, %dma_wait3A_199] : memref<192512x128xf32, #tpu.memory_space<hbm>> -> memref<80x128xf32, #tpu.memory_space<hbm>>
      %dma_wait3A_201 = arith.constant 0 : i32
      %dma_wait3A_202 = arith.constant 0 : i32
      %dma_wait3A_203 = tpu.memref_slice %arg7[%dma_wait3A_193, %dma_wait3A_201, %dma_wait3A_202] : memref<2x80x128xf32, #tpu.memory_space<vmem>> -> memref<1x80x128xf32, #tpu.memory_space<vmem>>
      %dma_wait3A_204 = tpu.memref_squeeze %dma_wait3A_203 : memref<1x80x128xf32, #tpu.memory_space<vmem>> -> memref<80x128xf32, #tpu.memory_space<vmem>>
      %dma_wait3A_205 = arith.constant 0 : i32
      %dma_wait3A_206 = arith.constant 0 : i32
      %dma_wait3A_207 = tpu.memref_slice %arg3[%dma_wait3A_205, %dma_wait3A_206] : memref<192512x128xf32, #tpu.memory_space<hbm>> -> memref<80x128xf32, #tpu.memory_space<hbm>>
      tpu.wait_dma2 semaphore(%arg13 : memref<!tpu.dma_semaphore, #tpu.memory_space<semaphore_mem>>) src(%dma_wait3A_207 : memref<80x128xf32, #tpu.memory_space<hbm>>) dst(%dma_wait3A_204 : memref<80x128xf32, #tpu.memory_space<vmem>>)
      %run_scoped3A_208 = arith.constant 1 : i32
      %run_scoped3A_209 = arith.constant 1 : i32
      "tpu.region"() ({
        %run_scoped3A_212 = tpu.sem_alloc : memref<!tpu.dma_semaphore, #tpu.memory_space<semaphore_mem>>
        %dma_start3A_213 = arith.constant 0 : i32
        %dma_start3A_214 = arith.constant 0 : i32
        %dma_start3A_215 = tpu.memref_slice %arg7[%run_scoped3A_208, %dma_start3A_213, %dma_start3A_214] : memref<2x80x128xf32, #tpu.memory_space<vmem>> -> memref<1x80x128xf32, #tpu.memory_space<vmem>>
        %dma_start3A_216 = tpu.memref_squeeze %dma_start3A_215 : memref<1x80x128xf32, #tpu.memory_space<vmem>> -> memref<80x128xf32, #tpu.memory_space<vmem>>
        %dma_start3A_217 = arith.constant 0 : i32
        %dma_start3A_218 = tpu.memref_slice %arg6[%run_scoped3A_209, %dma_start3A_217] : memref<2x80xi32, #tpu.memory_space<vmem>> -> memref<1x80xi32, #tpu.memory_space<vmem>>
        %dma_start3A_219 = tpu.memref_squeeze %dma_start3A_218 : memref<1x80xi32, #tpu.memory_space<vmem>> -> memref<80xi32, #tpu.memory_space<vmem>>
        %dma_start3A_220 = arith.constant 0 : i32
        %dma_start3A_221 = arith.constant 0 : i32
        %dma_start3A_222 = tpu.memref_slice %arg10[%dma_start3A_220, %dma_start3A_221] : memref<10240x128xf32, #tpu.memory_space<vmem_shared>> -> memref<10240x128xf32, #tpu.memory_space<vmem_shared>>
        tpu.enqueue_indirect_dma source(%dma_start3A_216 : memref<80x128xf32, #tpu.memory_space<vmem>>) target(%dma_start3A_222 : memref<10240x128xf32, #tpu.memory_space<vmem_shared>>) offsets(%dma_start3A_219 : memref<80xi32, #tpu.memory_space<vmem>>) semaphore(%run_scoped3A_212 : memref<!tpu.dma_semaphore, #tpu.memory_space<semaphore_mem>>) {add = true}
        %dma_wait3A_223 = arith.constant 0 : i32
        %dma_wait3A_224 = arith.constant 0 : i32
        %dma_wait3A_225 = tpu.memref_slice %arg7[%run_scoped3A_208, %dma_wait3A_223, %dma_wait3A_224] : memref<2x80x128xf32, #tpu.memory_space<vmem>> -> memref<1x80x128xf32, #tpu.memory_space<vmem>>
        %dma_wait3A_226 = tpu.memref_squeeze %dma_wait3A_225 : memref<1x80x128xf32, #tpu.memory_space<vmem>> -> memref<80x128xf32, #tpu.memory_space<vmem>>
        %dma_wait3A_227 = arith.constant 0 : i32
        %dma_wait3A_228 = tpu.memref_slice %arg6[%run_scoped3A_209, %dma_wait3A_227] : memref<2x80xi32, #tpu.memory_space<vmem>> -> memref<1x80xi32, #tpu.memory_space<vmem>>
        %dma_wait3A_229 = tpu.memref_squeeze %dma_wait3A_228 : memref<1x80xi32, #tpu.memory_space<vmem>> -> memref<80xi32, #tpu.memory_space<vmem>>
        %dma_wait3A_230 = arith.constant 0 : i32
        %dma_wait3A_231 = arith.constant 0 : i32
        %dma_wait3A_232 = tpu.memref_slice %arg10[%dma_wait3A_230, %dma_wait3A_231] : memref<10240x128xf32, #tpu.memory_space<vmem_shared>> -> memref<10240x128xf32, #tpu.memory_space<vmem_shared>>
        tpu.wait_indirect_dma semaphore(%run_scoped3A_212 : memref<!tpu.dma_semaphore, #tpu.memory_space<semaphore_mem>>) src(%dma_wait3A_226 : memref<80x128xf32, #tpu.memory_space<vmem>>) dst(%dma_wait3A_232 : memref<10240x128xf32, #tpu.memory_space<vmem_shared>>)
        tpu.yield
      }) : () -> ()
      %run_scoped3A_210 = arith.constant 1 : i32
      "tpu.region"() ({
        %run_scoped3A_212 = tpu.sem_alloc : memref<!tpu.dma_semaphore, #tpu.memory_space<semaphore_mem>>
        %dma_start3A_213 = arith.constant 0 : i32
        %dma_start3A_214 = tpu.memref_slice %arg6[%run_scoped3A_210, %dma_start3A_213] : memref<2x80xi32, #tpu.memory_space<vmem>> -> memref<1x80xi32, #tpu.memory_space<vmem>>
        %dma_start3A_215 = tpu.memref_squeeze %dma_start3A_214 : memref<1x80xi32, #tpu.memory_space<vmem>> -> memref<80xi32, #tpu.memory_space<vmem>>
        %dma_start3A_216 = arith.constant 0 : i32
        %dma_start3A_217 = tpu.memref_slice %arg11[%dma_start3A_216] : memref<10240xf32, #tpu.memory_space<vmem_shared>> -> memref<10240xf32, #tpu.memory_space<vmem_shared>>
        tpu.enqueue_indirect_dma source(%arg8 : memref<80xf32, #tpu.memory_space<vmem>>) target(%dma_start3A_217 : memref<10240xf32, #tpu.memory_space<vmem_shared>>) offsets(%dma_start3A_215 : memref<80xi32, #tpu.memory_space<vmem>>) semaphore(%run_scoped3A_212 : memref<!tpu.dma_semaphore, #tpu.memory_space<semaphore_mem>>) {add = true}
        %dma_wait3A_218 = arith.constant 0 : i32
        %dma_wait3A_219 = tpu.memref_slice %arg6[%run_scoped3A_210, %dma_wait3A_218] : memref<2x80xi32, #tpu.memory_space<vmem>> -> memref<1x80xi32, #tpu.memory_space<vmem>>
        %dma_wait3A_220 = tpu.memref_squeeze %dma_wait3A_219 : memref<1x80xi32, #tpu.memory_space<vmem>> -> memref<80xi32, #tpu.memory_space<vmem>>
        %dma_wait3A_221 = arith.constant 0 : i32
        %dma_wait3A_222 = tpu.memref_slice %arg11[%dma_wait3A_221] : memref<10240xf32, #tpu.memory_space<vmem_shared>> -> memref<10240xf32, #tpu.memory_space<vmem_shared>>
        tpu.wait_indirect_dma semaphore(%run_scoped3A_212 : memref<!tpu.dma_semaphore, #tpu.memory_space<semaphore_mem>>) src(%arg8 : memref<80xf32, #tpu.memory_space<vmem>>) dst(%dma_wait3A_222 : memref<10240xf32, #tpu.memory_space<vmem_shared>>)
        tpu.yield
      }) : () -> ()
      %scan3A_211 = arith.constant 0 : i32
      scf.yield %scan3A_211 : i32
    }
    %scan3A_102 = arith.constant 37 : i32
    %dma_wait3A = arith.constant 0 : i32
    %dma_wait3A_103 = arith.constant 0 : i32
    %dma_wait3A_104 = arith.constant 0 : i32
    %dma_wait3A_105 = tpu.memref_slice %arg7[%dma_wait3A, %dma_wait3A_103, %dma_wait3A_104] : memref<2x80x128xf32, #tpu.memory_space<vmem>> -> memref<1x80x128xf32, #tpu.memory_space<vmem>>
    %dma_wait3A_106 = tpu.memref_squeeze %dma_wait3A_105 : memref<1x80x128xf32, #tpu.memory_space<vmem>> -> memref<80x128xf32, #tpu.memory_space<vmem>>
    %dma_wait3A_107 = arith.constant 0 : i32
    %dma_wait3A_108 = arith.constant 0 : i32
    %dma_wait3A_109 = tpu.memref_slice %arg3[%dma_wait3A_107, %dma_wait3A_108] : memref<192512x128xf32, #tpu.memory_space<hbm>> -> memref<80x128xf32, #tpu.memory_space<hbm>>
    %dma_wait3A_110 = arith.constant 0 : i32
    %dma_wait3A_111 = arith.constant 0 : i32
    %dma_wait3A_112 = tpu.memref_slice %arg7[%dma_wait3A, %dma_wait3A_110, %dma_wait3A_111] : memref<2x80x128xf32, #tpu.memory_space<vmem>> -> memref<1x80x128xf32, #tpu.memory_space<vmem>>
    %dma_wait3A_113 = tpu.memref_squeeze %dma_wait3A_112 : memref<1x80x128xf32, #tpu.memory_space<vmem>> -> memref<80x128xf32, #tpu.memory_space<vmem>>
    %dma_wait3A_114 = arith.constant 0 : i32
    %dma_wait3A_115 = arith.constant 0 : i32
    %dma_wait3A_116 = tpu.memref_slice %arg3[%dma_wait3A_114, %dma_wait3A_115] : memref<192512x128xf32, #tpu.memory_space<hbm>> -> memref<80x128xf32, #tpu.memory_space<hbm>>
    tpu.wait_dma2 semaphore(%arg12 : memref<!tpu.dma_semaphore, #tpu.memory_space<semaphore_mem>>) src(%dma_wait3A_116 : memref<80x128xf32, #tpu.memory_space<hbm>>) dst(%dma_wait3A_113 : memref<80x128xf32, #tpu.memory_space<vmem>>)
    %run_scoped3A_117 = arith.constant 0 : i32
    %run_scoped3A_118 = arith.constant 0 : i32
    "tpu.region"() ({
      %run_scoped3A_129 = tpu.sem_alloc : memref<!tpu.dma_semaphore, #tpu.memory_space<semaphore_mem>>
      %dma_start3A_130 = arith.constant 0 : i32
      %dma_start3A_131 = arith.constant 0 : i32
      %dma_start3A_132 = tpu.memref_slice %arg7[%run_scoped3A_117, %dma_start3A_130, %dma_start3A_131] : memref<2x80x128xf32, #tpu.memory_space<vmem>> -> memref<1x80x128xf32, #tpu.memory_space<vmem>>
      %dma_start3A_133 = tpu.memref_squeeze %dma_start3A_132 : memref<1x80x128xf32, #tpu.memory_space<vmem>> -> memref<80x128xf32, #tpu.memory_space<vmem>>
      %dma_start3A_134 = arith.constant 0 : i32
      %dma_start3A_135 = tpu.memref_slice %arg6[%run_scoped3A_118, %dma_start3A_134] : memref<2x80xi32, #tpu.memory_space<vmem>> -> memref<1x80xi32, #tpu.memory_space<vmem>>
      %dma_start3A_136 = tpu.memref_squeeze %dma_start3A_135 : memref<1x80xi32, #tpu.memory_space<vmem>> -> memref<80xi32, #tpu.memory_space<vmem>>
      %dma_start3A_137 = arith.constant 0 : i32
      %dma_start3A_138 = arith.constant 0 : i32
      %dma_start3A_139 = tpu.memref_slice %arg10[%dma_start3A_137, %dma_start3A_138] : memref<10240x128xf32, #tpu.memory_space<vmem_shared>> -> memref<10240x128xf32, #tpu.memory_space<vmem_shared>>
      tpu.enqueue_indirect_dma source(%dma_start3A_133 : memref<80x128xf32, #tpu.memory_space<vmem>>) target(%dma_start3A_139 : memref<10240x128xf32, #tpu.memory_space<vmem_shared>>) offsets(%dma_start3A_136 : memref<80xi32, #tpu.memory_space<vmem>>) semaphore(%run_scoped3A_129 : memref<!tpu.dma_semaphore, #tpu.memory_space<semaphore_mem>>) {add = true}
      %dma_wait3A_140 = arith.constant 0 : i32
      %dma_wait3A_141 = arith.constant 0 : i32
      %dma_wait3A_142 = tpu.memref_slice %arg7[%run_scoped3A_117, %dma_wait3A_140, %dma_wait3A_141] : memref<2x80x128xf32, #tpu.memory_space<vmem>> -> memref<1x80x128xf32, #tpu.memory_space<vmem>>
      %dma_wait3A_143 = tpu.memref_squeeze %dma_wait3A_142 : memref<1x80x128xf32, #tpu.memory_space<vmem>> -> memref<80x128xf32, #tpu.memory_space<vmem>>
      %dma_wait3A_144 = arith.constant 0 : i32
      %dma_wait3A_145 = tpu.memref_slice %arg6[%run_scoped3A_118, %dma_wait3A_144] : memref<2x80xi32, #tpu.memory_space<vmem>> -> memref<1x80xi32, #tpu.memory_space<vmem>>
      %dma_wait3A_146 = tpu.memref_squeeze %dma_wait3A_145 : memref<1x80xi32, #tpu.memory_space<vmem>> -> memref<80xi32, #tpu.memory_space<vmem>>
      %dma_wait3A_147 = arith.constant 0 : i32
      %dma_wait3A_148 = arith.constant 0 : i32
      %dma_wait3A_149 = tpu.memref_slice %arg10[%dma_wait3A_147, %dma_wait3A_148] : memref<10240x128xf32, #tpu.memory_space<vmem_shared>> -> memref<10240x128xf32, #tpu.memory_space<vmem_shared>>
      tpu.wait_indirect_dma semaphore(%run_scoped3A_129 : memref<!tpu.dma_semaphore, #tpu.memory_space<semaphore_mem>>) src(%dma_wait3A_143 : memref<80x128xf32, #tpu.memory_space<vmem>>) dst(%dma_wait3A_149 : memref<10240x128xf32, #tpu.memory_space<vmem_shared>>)
      tpu.yield
    }) : () -> ()
    %run_scoped3A_119 = arith.constant 0 : i32
    "tpu.region"() ({
      %run_scoped3A_129 = tpu.sem_alloc : memref<!tpu.dma_semaphore, #tpu.memory_space<semaphore_mem>>
      %dma_start3A_130 = arith.constant 0 : i32
      %dma_start3A_131 = tpu.memref_slice %arg6[%run_scoped3A_119, %dma_start3A_130] : memref<2x80xi32, #tpu.memory_space<vmem>> -> memref<1x80xi32, #tpu.memory_space<vmem>>
      %dma_start3A_132 = tpu.memref_squeeze %dma_start3A_131 : memref<1x80xi32, #tpu.memory_space<vmem>> -> memref<80xi32, #tpu.memory_space<vmem>>
      %dma_start3A_133 = arith.constant 0 : i32
      %dma_start3A_134 = tpu.memref_slice %arg11[%dma_start3A_133] : memref<10240xf32, #tpu.memory_space<vmem_shared>> -> memref<10240xf32, #tpu.memory_space<vmem_shared>>
      tpu.enqueue_indirect_dma source(%arg8 : memref<80xf32, #tpu.memory_space<vmem>>) target(%dma_start3A_134 : memref<10240xf32, #tpu.memory_space<vmem_shared>>) offsets(%dma_start3A_132 : memref<80xi32, #tpu.memory_space<vmem>>) semaphore(%run_scoped3A_129 : memref<!tpu.dma_semaphore, #tpu.memory_space<semaphore_mem>>) {add = true}
      %dma_wait3A_135 = arith.constant 0 : i32
      %dma_wait3A_136 = tpu.memref_slice %arg6[%run_scoped3A_119, %dma_wait3A_135] : memref<2x80xi32, #tpu.memory_space<vmem>> -> memref<1x80xi32, #tpu.memory_space<vmem>>
      %dma_wait3A_137 = tpu.memref_squeeze %dma_wait3A_136 : memref<1x80xi32, #tpu.memory_space<vmem>> -> memref<80xi32, #tpu.memory_space<vmem>>
      %dma_wait3A_138 = arith.constant 0 : i32
      %dma_wait3A_139 = tpu.memref_slice %arg11[%dma_wait3A_138] : memref<10240xf32, #tpu.memory_space<vmem_shared>> -> memref<10240xf32, #tpu.memory_space<vmem_shared>>
      tpu.wait_indirect_dma semaphore(%run_scoped3A_129 : memref<!tpu.dma_semaphore, #tpu.memory_space<semaphore_mem>>) src(%arg8 : memref<80xf32, #tpu.memory_space<vmem>>) dst(%dma_wait3A_139 : memref<10240xf32, #tpu.memory_space<vmem_shared>>)
      tpu.yield
    }) : () -> ()
    %barrier3A_120 = arith.constant 0 : index
    tpu.barrier barrier_id(%barrier3A_120)
    %mul3A_121 = arith.constant 640 : i32
    %mul3A_122 = arith.muli %arg1, %mul3A_121 : i32
    %mul3A_123 = arith.constant 640 : i32
    %mul3A_124 = arith.muli %arg1, %mul3A_123 : i32
    "tpu.region"() ({
      %run_scoped3A_129 = tpu.sem_alloc : memref<!tpu.dma_semaphore, #tpu.memory_space<semaphore_mem>>
      %dma_start3A_130 = arith.constant 0 : i32
      %dma_start3A_131 = tpu.memref_slice %arg4[%arg0, %mul3A_124, %dma_start3A_130] : memref<2x10240x128xf32, #tpu.memory_space<hbm>> -> memref<1x640x128xf32, #tpu.memory_space<hbm>>
      %dma_start3A_132 = tpu.memref_squeeze %dma_start3A_131 : memref<1x640x128xf32, #tpu.memory_space<hbm>> -> memref<640x128xf32, #tpu.memory_space<hbm>>
      %dma_start3A_133 = arith.constant 0 : i32
      %dma_start3A_134 = tpu.memref_slice %arg10[%mul3A_122, %dma_start3A_133] : memref<10240x128xf32, #tpu.memory_space<vmem_shared>> -> memref<640x128xf32, #tpu.memory_space<vmem_shared>>
      tpu.enqueue_dma source(%dma_start3A_134 : memref<640x128xf32, #tpu.memory_space<vmem_shared>>) target(%dma_start3A_132 : memref<640x128xf32, #tpu.memory_space<hbm>>) target_semaphore(%run_scoped3A_129 : memref<!tpu.dma_semaphore, #tpu.memory_space<semaphore_mem>>)
      %dma_wait3A_135 = arith.constant 0 : i32
      %dma_wait3A_136 = tpu.memref_slice %arg4[%arg0, %mul3A_124, %dma_wait3A_135] : memref<2x10240x128xf32, #tpu.memory_space<hbm>> -> memref<1x640x128xf32, #tpu.memory_space<hbm>>
      %dma_wait3A_137 = tpu.memref_squeeze %dma_wait3A_136 : memref<1x640x128xf32, #tpu.memory_space<hbm>> -> memref<640x128xf32, #tpu.memory_space<hbm>>
      %dma_wait3A_138 = arith.constant 0 : i32
      %dma_wait3A_139 = tpu.memref_slice %arg10[%mul3A_122, %dma_wait3A_138] : memref<10240x128xf32, #tpu.memory_space<vmem_shared>> -> memref<640x128xf32, #tpu.memory_space<vmem_shared>>
      tpu.wait_dma2 semaphore(%run_scoped3A_129 : memref<!tpu.dma_semaphore, #tpu.memory_space<semaphore_mem>>) src(%dma_wait3A_139 : memref<640x128xf32, #tpu.memory_space<vmem_shared>>) dst(%dma_wait3A_137 : memref<640x128xf32, #tpu.memory_space<hbm>>)
      tpu.yield
    }) : () -> ()
    %mul3A_125 = arith.constant 640 : i32
    %mul3A_126 = arith.muli %arg1, %mul3A_125 : i32
    %mul3A_127 = arith.constant 640 : i32
    %mul3A_128 = arith.muli %arg1, %mul3A_127 : i32
    "tpu.region"() ({
      %run_scoped3A_129 = tpu.sem_alloc : memref<!tpu.dma_semaphore, #tpu.memory_space<semaphore_mem>>
      %dma_start3A_130 = tpu.memref_slice %arg5[%arg0, %mul3A_128] : memref<2x10240xf32, #tpu.memory_space<hbm>> -> memref<1x640xf32, #tpu.memory_space<hbm>>
      %dma_start3A_131 = tpu.memref_squeeze %dma_start3A_130 : memref<1x640xf32, #tpu.memory_space<hbm>> -> memref<640xf32, #tpu.memory_space<hbm>>
      %dma_start3A_132 = tpu.memref_slice %arg11[%mul3A_126] : memref<10240xf32, #tpu.memory_space<vmem_shared>> -> memref<640xf32, #tpu.memory_space<vmem_shared>>
      tpu.enqueue_dma source(%dma_start3A_132 : memref<640xf32, #tpu.memory_space<vmem_shared>>) target(%dma_start3A_131 : memref<640xf32, #tpu.memory_space<hbm>>) target_semaphore(%run_scoped3A_129 : memref<!tpu.dma_semaphore, #tpu.memory_space<semaphore_mem>>)
      %dma_wait3A_133 = tpu.memref_slice %arg5[%arg0, %mul3A_128] : memref<2x10240xf32, #tpu.memory_space<hbm>> -> memref<1x640xf32, #tpu.memory_space<hbm>>
      %dma_wait3A_134 = tpu.memref_squeeze %dma_wait3A_133 : memref<1x640xf32, #tpu.memory_space<hbm>> -> memref<640xf32, #tpu.memory_space<hbm>>
      %dma_wait3A_135 = tpu.memref_slice %arg11[%mul3A_126] : memref<10240xf32, #tpu.memory_space<vmem_shared>> -> memref<640xf32, #tpu.memory_space<vmem_shared>>
      tpu.wait_dma2 semaphore(%run_scoped3A_129 : memref<!tpu.dma_semaphore, #tpu.memory_space<semaphore_mem>>) src(%dma_wait3A_135 : memref<640xf32, #tpu.memory_space<vmem_shared>>) dst(%dma_wait3A_134 : memref<640xf32, #tpu.memory_space<hbm>>)
      tpu.yield
    }) : () -> ()
    return
  }
}

#map = affine_map<(d0, d1) -> (0)>
#map1 = affine_map<(d0, d1) -> (0, 0)>
module attributes {stable_mosaic.version = 14 : i64} {
  func.func @a_kernel(%arg0: i32, %arg1: i32, %arg2: memref<320000xi32, #tpu.memory_space<hbm>>, %arg3: memref<320000xi32, #tpu.memory_space<hbm>>, %arg4: memref<10000xf32, #tpu.memory_space<hbm>>, %arg5: memref<10000x128xf32, #tpu.memory_space<hbm>>, %arg6: memref<129024x128xf32, #tpu.memory_space<hbm>>, %arg7: memref<129024xf32, #tpu.memory_space<hbm>>, %arg8: memref<4000xi32, #tpu.memory_space<vmem>>, %arg9: memref<4000xi32, #tpu.memory_space<vmem>>, %arg10: memref<2x80x128xf32, #tpu.memory_space<vmem>>, %arg11: memref<2x80xf32, #tpu.memory_space<vmem>>, %arg12: memref<2x80xf32, #tpu.memory_space<vmem>>, %arg13: memref<4000xf32, #tpu.memory_space<vmem>>, %arg14: memref<!tpu.dma_semaphore, #tpu.memory_space<semaphore_mem>>, %arg15: memref<!tpu.dma_semaphore, #tpu.memory_space<semaphore_mem>>) attributes {dimension_semantics = [#tpu.dimension_semantics<core_parallel>, #tpu.dimension_semantics<subcore_parallel>], iteration_bounds = array<i64: 2, 16>, scalar_prefetch = 0 : i64, scratch_operands = 8 : i64, tpu.core_type = #tpu.core_type<sc_vector_subcore>, window_params = [{transform_indices = #map}, {transform_indices = #map}, {transform_indices = #map}, {transform_indices = #map1}, {transform_indices = #map1}, {transform_indices = #map}]} {
    %mul3A = arith.constant 16 : i32
    %mul3A_0 = arith.muli %arg0, %mul3A : i32
    %add3A = arith.addi %mul3A_0, %arg1 : i32
    %mul3A_1 = arith.constant 4000 : i32
    %mul3A_2 = arith.muli %add3A, %mul3A_1 : i32
    %add3A_3 = arith.constant 192000 : i32
    %add3A_4 = arith.addi %add3A_3, %mul3A_2 : i32
    "tpu.region"() ({
      %run_scoped3A_276 = tpu.sem_alloc : memref<!tpu.dma_semaphore, #tpu.memory_space<semaphore_mem>>
      %dma_start3A_277 = tpu.memref_slice %arg2[%add3A_4] : memref<320000xi32, #tpu.memory_space<hbm>> -> memref<4000xi32, #tpu.memory_space<hbm>>
      %dma_start3A_278 = tpu.memref_slice %arg2[%add3A_4] : memref<320000xi32, #tpu.memory_space<hbm>> -> memref<4000xi32, #tpu.memory_space<hbm>>
      tpu.enqueue_dma source(%dma_start3A_278 : memref<4000xi32, #tpu.memory_space<hbm>>) target(%arg8 : memref<4000xi32, #tpu.memory_space<vmem>>) target_semaphore(%run_scoped3A_276 : memref<!tpu.dma_semaphore, #tpu.memory_space<semaphore_mem>>)
      %dma_wait3A_279 = tpu.memref_slice %arg2[%add3A_4] : memref<320000xi32, #tpu.memory_space<hbm>> -> memref<4000xi32, #tpu.memory_space<hbm>>
      %dma_wait3A_280 = tpu.memref_slice %arg2[%add3A_4] : memref<320000xi32, #tpu.memory_space<hbm>> -> memref<4000xi32, #tpu.memory_space<hbm>>
      tpu.wait_dma2 semaphore(%run_scoped3A_276 : memref<!tpu.dma_semaphore, #tpu.memory_space<semaphore_mem>>) src(%dma_wait3A_280 : memref<4000xi32, #tpu.memory_space<hbm>>) dst(%arg8 : memref<4000xi32, #tpu.memory_space<vmem>>)
      tpu.yield
    }) : () -> ()
    %add3A_5 = arith.constant 192000 : i32
    %add3A_6 = arith.addi %add3A_5, %mul3A_2 : i32
    "tpu.region"() ({
      %run_scoped3A_276 = tpu.sem_alloc : memref<!tpu.dma_semaphore, #tpu.memory_space<semaphore_mem>>
      %dma_start3A_277 = tpu.memref_slice %arg3[%add3A_6] : memref<320000xi32, #tpu.memory_space<hbm>> -> memref<4000xi32, #tpu.memory_space<hbm>>
      %dma_start3A_278 = tpu.memref_slice %arg3[%add3A_6] : memref<320000xi32, #tpu.memory_space<hbm>> -> memref<4000xi32, #tpu.memory_space<hbm>>
      tpu.enqueue_dma source(%dma_start3A_278 : memref<4000xi32, #tpu.memory_space<hbm>>) target(%arg9 : memref<4000xi32, #tpu.memory_space<vmem>>) target_semaphore(%run_scoped3A_276 : memref<!tpu.dma_semaphore, #tpu.memory_space<semaphore_mem>>)
      %dma_wait3A_279 = tpu.memref_slice %arg3[%add3A_6] : memref<320000xi32, #tpu.memory_space<hbm>> -> memref<4000xi32, #tpu.memory_space<hbm>>
      %dma_wait3A_280 = tpu.memref_slice %arg3[%add3A_6] : memref<320000xi32, #tpu.memory_space<hbm>> -> memref<4000xi32, #tpu.memory_space<hbm>>
      tpu.wait_dma2 semaphore(%run_scoped3A_276 : memref<!tpu.dma_semaphore, #tpu.memory_space<semaphore_mem>>) src(%dma_wait3A_280 : memref<4000xi32, #tpu.memory_space<hbm>>) dst(%arg9 : memref<4000xi32, #tpu.memory_space<vmem>>)
      tpu.yield
    }) : () -> ()
    %dma_start3A = arith.constant 0 : i32
    %dma_start3A_7 = arith.constant 0 : i32
    %dma_start3A_8 = arith.constant 0 : i32
    %dma_start3A_9 = tpu.memref_slice %arg10[%dma_start3A, %dma_start3A_7, %dma_start3A_8] : memref<2x80x128xf32, #tpu.memory_space<vmem>> -> memref<1x80x128xf32, #tpu.memory_space<vmem>>
    %dma_start3A_10 = tpu.memref_squeeze %dma_start3A_9 : memref<1x80x128xf32, #tpu.memory_space<vmem>> -> memref<80x128xf32, #tpu.memory_space<vmem>>
    %dma_start3A_11 = arith.constant 0 : i32
    %dma_start3A_12 = tpu.memref_slice %arg9[%dma_start3A_11] : memref<4000xi32, #tpu.memory_space<vmem>> -> memref<80xi32, #tpu.memory_space<vmem>>
    %dma_start3A_13 = arith.constant 0 : i32
    %dma_start3A_14 = arith.constant 0 : i32
    %dma_start3A_15 = tpu.memref_slice %arg5[%dma_start3A_13, %dma_start3A_14] : memref<10000x128xf32, #tpu.memory_space<hbm>> -> memref<10000x128xf32, #tpu.memory_space<hbm>>
    tpu.enqueue_indirect_dma source(%dma_start3A_15 : memref<10000x128xf32, #tpu.memory_space<hbm>>) target(%dma_start3A_10 : memref<80x128xf32, #tpu.memory_space<vmem>>) offsets(%dma_start3A_12 : memref<80xi32, #tpu.memory_space<vmem>>) semaphore(%arg14 : memref<!tpu.dma_semaphore, #tpu.memory_space<semaphore_mem>>)
    %dma_start3A_16 = arith.constant 0 : i32
    %dma_start3A_17 = arith.constant 0 : i32
    %dma_start3A_18 = tpu.memref_slice %arg11[%dma_start3A_16, %dma_start3A_17] : memref<2x80xf32, #tpu.memory_space<vmem>> -> memref<1x80xf32, #tpu.memory_space<vmem>>
    %dma_start3A_19 = tpu.memref_squeeze %dma_start3A_18 : memref<1x80xf32, #tpu.memory_space<vmem>> -> memref<80xf32, #tpu.memory_space<vmem>>
    %dma_start3A_20 = arith.constant 0 : i32
    %dma_start3A_21 = tpu.memref_slice %arg8[%dma_start3A_20] : memref<4000xi32, #tpu.memory_space<vmem>> -> memref<80xi32, #tpu.memory_space<vmem>>
    %dma_start3A_22 = arith.constant 0 : i32
    %dma_start3A_23 = tpu.memref_slice %arg4[%dma_start3A_22] : memref<10000xf32, #tpu.memory_space<hbm>> -> memref<10000xf32, #tpu.memory_space<hbm>>
    tpu.enqueue_indirect_dma source(%dma_start3A_23 : memref<10000xf32, #tpu.memory_space<hbm>>) target(%dma_start3A_19 : memref<80xf32, #tpu.memory_space<vmem>>) offsets(%dma_start3A_21 : memref<80xi32, #tpu.memory_space<vmem>>) semaphore(%arg14 : memref<!tpu.dma_semaphore, #tpu.memory_space<semaphore_mem>>)
    %dma_start3A_24 = arith.constant 0 : i32
    %dma_start3A_25 = arith.constant 0 : i32
    %dma_start3A_26 = tpu.memref_slice %arg12[%dma_start3A_24, %dma_start3A_25] : memref<2x80xf32, #tpu.memory_space<vmem>> -> memref<1x80xf32, #tpu.memory_space<vmem>>
    %dma_start3A_27 = tpu.memref_squeeze %dma_start3A_26 : memref<1x80xf32, #tpu.memory_space<vmem>> -> memref<80xf32, #tpu.memory_space<vmem>>
    %dma_start3A_28 = arith.constant 0 : i32
    %dma_start3A_29 = tpu.memref_slice %arg9[%dma_start3A_28] : memref<4000xi32, #tpu.memory_space<vmem>> -> memref<80xi32, #tpu.memory_space<vmem>>
    %dma_start3A_30 = arith.constant 0 : i32
    %dma_start3A_31 = tpu.memref_slice %arg4[%dma_start3A_30] : memref<10000xf32, #tpu.memory_space<hbm>> -> memref<10000xf32, #tpu.memory_space<hbm>>
    tpu.enqueue_indirect_dma source(%dma_start3A_31 : memref<10000xf32, #tpu.memory_space<hbm>>) target(%dma_start3A_27 : memref<80xf32, #tpu.memory_space<vmem>>) offsets(%dma_start3A_29 : memref<80xi32, #tpu.memory_space<vmem>>) semaphore(%arg14 : memref<!tpu.dma_semaphore, #tpu.memory_space<semaphore_mem>>)
    %scan3A = arith.constant 0 : i32
    %scan3A_32 = arith.constant 0 : i32
    %scan3A_33 = arith.constant 24 : i32
    %scan3A_34 = arith.addi %scan3A_32, %scan3A_33 : i32
    %scan3A_35 = arith.constant 1 : i32
    %scan3A_36 = scf.for %scan3A_276 = %scan3A_32 to %scan3A_34 step %scan3A_35 iter_args(%scan3A_277 = %scan3A) -> (i32)  : i32 {
      %mul3A_278 = arith.constant 2 : i32
      %mul3A_279 = arith.muli %mul3A_278, %scan3A_276 : i32
      %add3A_280 = arith.constant 1 : i32
      %add3A_281 = arith.addi %mul3A_279, %add3A_280 : i32
      %mul3A_282 = arith.constant 80 : i32
      %mul3A_283 = arith.muli %add3A_281, %mul3A_282 : i32
      %dma_start3A_284 = arith.constant 1 : i32
      %dma_start3A_285 = arith.constant 0 : i32
      %dma_start3A_286 = arith.constant 0 : i32
      %dma_start3A_287 = tpu.memref_slice %arg10[%dma_start3A_284, %dma_start3A_285, %dma_start3A_286] : memref<2x80x128xf32, #tpu.memory_space<vmem>> -> memref<1x80x128xf32, #tpu.memory_space<vmem>>
      %dma_start3A_288 = tpu.memref_squeeze %dma_start3A_287 : memref<1x80x128xf32, #tpu.memory_space<vmem>> -> memref<80x128xf32, #tpu.memory_space<vmem>>
      %dma_start3A_289 = tpu.memref_slice %arg9[%mul3A_283] : memref<4000xi32, #tpu.memory_space<vmem>> -> memref<80xi32, #tpu.memory_space<vmem>>
      %dma_start3A_290 = arith.constant 0 : i32
      %dma_start3A_291 = arith.constant 0 : i32
      %dma_start3A_292 = tpu.memref_slice %arg5[%dma_start3A_290, %dma_start3A_291] : memref<10000x128xf32, #tpu.memory_space<hbm>> -> memref<10000x128xf32, #tpu.memory_space<hbm>>
      tpu.enqueue_indirect_dma source(%dma_start3A_292 : memref<10000x128xf32, #tpu.memory_space<hbm>>) target(%dma_start3A_288 : memref<80x128xf32, #tpu.memory_space<vmem>>) offsets(%dma_start3A_289 : memref<80xi32, #tpu.memory_space<vmem>>) semaphore(%arg15 : memref<!tpu.dma_semaphore, #tpu.memory_space<semaphore_mem>>)
      %dma_start3A_293 = arith.constant 1 : i32
      %dma_start3A_294 = arith.constant 0 : i32
      %dma_start3A_295 = tpu.memref_slice %arg11[%dma_start3A_293, %dma_start3A_294] : memref<2x80xf32, #tpu.memory_space<vmem>> -> memref<1x80xf32, #tpu.memory_space<vmem>>
      %dma_start3A_296 = tpu.memref_squeeze %dma_start3A_295 : memref<1x80xf32, #tpu.memory_space<vmem>> -> memref<80xf32, #tpu.memory_space<vmem>>
      %dma_start3A_297 = tpu.memref_slice %arg8[%mul3A_283] : memref<4000xi32, #tpu.memory_space<vmem>> -> memref<80xi32, #tpu.memory_space<vmem>>
      %dma_start3A_298 = arith.constant 0 : i32
      %dma_start3A_299 = tpu.memref_slice %arg4[%dma_start3A_298] : memref<10000xf32, #tpu.memory_space<hbm>> -> memref<10000xf32, #tpu.memory_space<hbm>>
      tpu.enqueue_indirect_dma source(%dma_start3A_299 : memref<10000xf32, #tpu.memory_space<hbm>>) target(%dma_start3A_296 : memref<80xf32, #tpu.memory_space<vmem>>) offsets(%dma_start3A_297 : memref<80xi32, #tpu.memory_space<vmem>>) semaphore(%arg15 : memref<!tpu.dma_semaphore, #tpu.memory_space<semaphore_mem>>)
      %dma_start3A_300 = arith.constant 1 : i32
      %dma_start3A_301 = arith.constant 0 : i32
      %dma_start3A_302 = tpu.memref_slice %arg12[%dma_start3A_300, %dma_start3A_301] : memref<2x80xf32, #tpu.memory_space<vmem>> -> memref<1x80xf32, #tpu.memory_space<vmem>>
      %dma_start3A_303 = tpu.memref_squeeze %dma_start3A_302 : memref<1x80xf32, #tpu.memory_space<vmem>> -> memref<80xf32, #tpu.memory_space<vmem>>
      %dma_start3A_304 = tpu.memref_slice %arg9[%mul3A_283] : memref<4000xi32, #tpu.memory_space<vmem>> -> memref<80xi32, #tpu.memory_space<vmem>>
      %dma_start3A_305 = arith.constant 0 : i32
      %dma_start3A_306 = tpu.memref_slice %arg4[%dma_start3A_305] : memref<10000xf32, #tpu.memory_space<hbm>> -> memref<10000xf32, #tpu.memory_space<hbm>>
      tpu.enqueue_indirect_dma source(%dma_start3A_306 : memref<10000xf32, #tpu.memory_space<hbm>>) target(%dma_start3A_303 : memref<80xf32, #tpu.memory_space<vmem>>) offsets(%dma_start3A_304 : memref<80xi32, #tpu.memory_space<vmem>>) semaphore(%arg15 : memref<!tpu.dma_semaphore, #tpu.memory_space<semaphore_mem>>)
      %dma_wait3A_307 = arith.constant 0 : i32
      %dma_wait3A_308 = arith.constant 0 : i32
      %dma_wait3A_309 = arith.constant 0 : i32
      %dma_wait3A_310 = tpu.memref_slice %arg10[%dma_wait3A_307, %dma_wait3A_308, %dma_wait3A_309] : memref<2x80x128xf32, #tpu.memory_space<vmem>> -> memref<1x80x128xf32, #tpu.memory_space<vmem>>
      %dma_wait3A_311 = tpu.memref_squeeze %dma_wait3A_310 : memref<1x80x128xf32, #tpu.memory_space<vmem>> -> memref<80x128xf32, #tpu.memory_space<vmem>>
      %dma_wait3A_312 = arith.constant 0 : i32
      %dma_wait3A_313 = tpu.memref_slice %arg9[%dma_wait3A_312] : memref<4000xi32, #tpu.memory_space<vmem>> -> memref<80xi32, #tpu.memory_space<vmem>>
      %dma_wait3A_314 = arith.constant 0 : i32
      %dma_wait3A_315 = arith.constant 0 : i32
      %dma_wait3A_316 = tpu.memref_slice %arg5[%dma_wait3A_314, %dma_wait3A_315] : memref<10000x128xf32, #tpu.memory_space<hbm>> -> memref<10000x128xf32, #tpu.memory_space<hbm>>
      tpu.wait_indirect_dma semaphore(%arg14 : memref<!tpu.dma_semaphore, #tpu.memory_space<semaphore_mem>>) src(%dma_wait3A_316 : memref<10000x128xf32, #tpu.memory_space<hbm>>) dst(%dma_wait3A_311 : memref<80x128xf32, #tpu.memory_space<vmem>>)
      %dma_wait3A_317 = arith.constant 0 : i32
      %dma_wait3A_318 = arith.constant 0 : i32
      %dma_wait3A_319 = tpu.memref_slice %arg11[%dma_wait3A_317, %dma_wait3A_318] : memref<2x80xf32, #tpu.memory_space<vmem>> -> memref<1x80xf32, #tpu.memory_space<vmem>>
      %dma_wait3A_320 = tpu.memref_squeeze %dma_wait3A_319 : memref<1x80xf32, #tpu.memory_space<vmem>> -> memref<80xf32, #tpu.memory_space<vmem>>
      %dma_wait3A_321 = arith.constant 0 : i32
      %dma_wait3A_322 = tpu.memref_slice %arg8[%dma_wait3A_321] : memref<4000xi32, #tpu.memory_space<vmem>> -> memref<80xi32, #tpu.memory_space<vmem>>
      %dma_wait3A_323 = arith.constant 0 : i32
      %dma_wait3A_324 = tpu.memref_slice %arg4[%dma_wait3A_323] : memref<10000xf32, #tpu.memory_space<hbm>> -> memref<10000xf32, #tpu.memory_space<hbm>>
      tpu.wait_indirect_dma semaphore(%arg14 : memref<!tpu.dma_semaphore, #tpu.memory_space<semaphore_mem>>) src(%dma_wait3A_324 : memref<10000xf32, #tpu.memory_space<hbm>>) dst(%dma_wait3A_320 : memref<80xf32, #tpu.memory_space<vmem>>)
      %dma_wait3A_325 = arith.constant 0 : i32
      %dma_wait3A_326 = arith.constant 0 : i32
      %dma_wait3A_327 = tpu.memref_slice %arg12[%dma_wait3A_325, %dma_wait3A_326] : memref<2x80xf32, #tpu.memory_space<vmem>> -> memref<1x80xf32, #tpu.memory_space<vmem>>
      %dma_wait3A_328 = tpu.memref_squeeze %dma_wait3A_327 : memref<1x80xf32, #tpu.memory_space<vmem>> -> memref<80xf32, #tpu.memory_space<vmem>>
      %dma_wait3A_329 = arith.constant 0 : i32
      %dma_wait3A_330 = tpu.memref_slice %arg8[%dma_wait3A_329] : memref<4000xi32, #tpu.memory_space<vmem>> -> memref<80xi32, #tpu.memory_space<vmem>>
      %dma_wait3A_331 = arith.constant 0 : i32
      %dma_wait3A_332 = tpu.memref_slice %arg4[%dma_wait3A_331] : memref<10000xf32, #tpu.memory_space<hbm>> -> memref<10000xf32, #tpu.memory_space<hbm>>
      tpu.wait_indirect_dma semaphore(%arg14 : memref<!tpu.dma_semaphore, #tpu.memory_space<semaphore_mem>>) src(%dma_wait3A_332 : memref<10000xf32, #tpu.memory_space<hbm>>) dst(%dma_wait3A_328 : memref<80xf32, #tpu.memory_space<vmem>>)
      %mul3A_333 = arith.constant 80 : i32
      %mul3A_334 = arith.muli %mul3A_279, %mul3A_333 : i32
      %get3A_335 = arith.constant 0 : i32
      %get3A_336 = arith.index_cast %get3A_335 : i32 to index
      %get3A_337 = arith.constant 0 : index
      %get3A_338 = tpu.vector_load %arg11[%get3A_336, %get3A_337] {strides = array<i32>} : memref<2x80xf32, #tpu.memory_space<vmem>>, vector<1x16xf32>,
      %get3A_339 = vector.shape_cast %get3A_338 : vector<1x16xf32> to vector<16xf32>
      %get3A_340 = arith.constant 0 : i32
      %get3A_341 = arith.index_cast %get3A_340 : i32 to index
      %get3A_342 = arith.constant 0 : index
      %get3A_343 = tpu.vector_load %arg12[%get3A_341, %get3A_342] {strides = array<i32>} : memref<2x80xf32, #tpu.memory_space<vmem>>, vector<1x16xf32>,
      %get3A_344 = vector.shape_cast %get3A_343 : vector<1x16xf32> to vector<16xf32>
      %sub3A_345 = arith.subf %get3A_339, %get3A_344 : vector<16xf32>
      %abs3A_346 = math.absf %sub3A_345 : vector<16xf32>
      %add3A_347 = arith.constant 0 : i32
      %add3A_348 = arith.addi %mul3A_334, %add3A_347 : i32
      %swap3A_349 = arith.index_cast %add3A_348 : i32 to index
      %swap3A_350 = tpu.vector_load %arg13[%swap3A_349] {strides = array<i32>} : memref<4000xf32, #tpu.memory_space<vmem>>, vector<16xf32>,
      %swap3A_351 = vector.shape_cast %swap3A_350 : vector<16xf32> to vector<16xf32>
      %swap3A_352 = vector.shape_cast %abs3A_346 : vector<16xf32> to vector<16xf32>
      tpu.vector_store %arg13[%swap3A_349], %swap3A_352 {strides = array<i32>} : memref<4000xf32, #tpu.memory_space<vmem>>, vector<16xf32>,
      %get3A_353 = arith.constant 0 : i32
      %get3A_354 = arith.index_cast %get3A_353 : i32 to index
      %get3A_355 = arith.constant 16 : index
      %get3A_356 = tpu.vector_load %arg11[%get3A_354, %get3A_355] {strides = array<i32>} : memref<2x80xf32, #tpu.memory_space<vmem>>, vector<1x16xf32>,
      %get3A_357 = vector.shape_cast %get3A_356 : vector<1x16xf32> to vector<16xf32>
      %get3A_358 = arith.constant 0 : i32
      %get3A_359 = arith.index_cast %get3A_358 : i32 to index
      %get3A_360 = arith.constant 16 : index
      %get3A_361 = tpu.vector_load %arg12[%get3A_359, %get3A_360] {strides = array<i32>} : memref<2x80xf32, #tpu.memory_space<vmem>>, vector<1x16xf32>,
      %get3A_362 = vector.shape_cast %get3A_361 : vector<1x16xf32> to vector<16xf32>
      %sub3A_363 = arith.subf %get3A_357, %get3A_362 : vector<16xf32>
      %abs3A_364 = math.absf %sub3A_363 : vector<16xf32>
      %add3A_365 = arith.constant 16 : i32
      %add3A_366 = arith.addi %mul3A_334, %add3A_365 : i32
      %swap3A_367 = arith.index_cast %add3A_366 : i32 to index
      %swap3A_368 = tpu.vector_load %arg13[%swap3A_367] {strides = array<i32>} : memref<4000xf32, #tpu.memory_space<vmem>>, vector<16xf32>,
      %swap3A_369 = vector.shape_cast %swap3A_368 : vector<16xf32> to vector<16xf32>
      %swap3A_370 = vector.shape_cast %abs3A_364 : vector<16xf32> to vector<16xf32>
      tpu.vector_store %arg13[%swap3A_367], %swap3A_370 {strides = array<i32>} : memref<4000xf32, #tpu.memory_space<vmem>>, vector<16xf32>,
      %get3A_371 = arith.constant 0 : i32
      %get3A_372 = arith.index_cast %get3A_371 : i32 to index
      %get3A_373 = arith.constant 32 : index
      %get3A_374 = tpu.vector_load %arg11[%get3A_372, %get3A_373] {strides = array<i32>} : memref<2x80xf32, #tpu.memory_space<vmem>>, vector<1x16xf32>,
      %get3A_375 = vector.shape_cast %get3A_374 : vector<1x16xf32> to vector<16xf32>
      %get3A_376 = arith.constant 0 : i32
      %get3A_377 = arith.index_cast %get3A_376 : i32 to index
      %get3A_378 = arith.constant 32 : index
      %get3A_379 = tpu.vector_load %arg12[%get3A_377, %get3A_378] {strides = array<i32>} : memref<2x80xf32, #tpu.memory_space<vmem>>, vector<1x16xf32>,
      %get3A_380 = vector.shape_cast %get3A_379 : vector<1x16xf32> to vector<16xf32>
      %sub3A_381 = arith.subf %get3A_375, %get3A_380 : vector<16xf32>
      %abs3A_382 = math.absf %sub3A_381 : vector<16xf32>
      %add3A_383 = arith.constant 32 : i32
      %add3A_384 = arith.addi %mul3A_334, %add3A_383 : i32
      %swap3A_385 = arith.index_cast %add3A_384 : i32 to index
      %swap3A_386 = tpu.vector_load %arg13[%swap3A_385] {strides = array<i32>} : memref<4000xf32, #tpu.memory_space<vmem>>, vector<16xf32>,
      %swap3A_387 = vector.shape_cast %swap3A_386 : vector<16xf32> to vector<16xf32>
      %swap3A_388 = vector.shape_cast %abs3A_382 : vector<16xf32> to vector<16xf32>
      tpu.vector_store %arg13[%swap3A_385], %swap3A_388 {strides = array<i32>} : memref<4000xf32, #tpu.memory_space<vmem>>, vector<16xf32>,
      %get3A_389 = arith.constant 0 : i32
      %get3A_390 = arith.index_cast %get3A_389 : i32 to index
      %get3A_391 = arith.constant 48 : index
      %get3A_392 = tpu.vector_load %arg11[%get3A_390, %get3A_391] {strides = array<i32>} : memref<2x80xf32, #tpu.memory_space<vmem>>, vector<1x16xf32>,
      %get3A_393 = vector.shape_cast %get3A_392 : vector<1x16xf32> to vector<16xf32>
      %get3A_394 = arith.constant 0 : i32
      %get3A_395 = arith.index_cast %get3A_394 : i32 to index
      %get3A_396 = arith.constant 48 : index
      %get3A_397 = tpu.vector_load %arg12[%get3A_395, %get3A_396] {strides = array<i32>} : memref<2x80xf32, #tpu.memory_space<vmem>>, vector<1x16xf32>,
      %get3A_398 = vector.shape_cast %get3A_397 : vector<1x16xf32> to vector<16xf32>
      %sub3A_399 = arith.subf %get3A_393, %get3A_398 : vector<16xf32>
      %abs3A_400 = math.absf %sub3A_399 : vector<16xf32>
      %add3A_401 = arith.constant 48 : i32
      %add3A_402 = arith.addi %mul3A_334, %add3A_401 : i32
      %swap3A_403 = arith.index_cast %add3A_402 : i32 to index
      %swap3A_404 = tpu.vector_load %arg13[%swap3A_403] {strides = array<i32>} : memref<4000xf32, #tpu.memory_space<vmem>>, vector<16xf32>,
      %swap3A_405 = vector.shape_cast %swap3A_404 : vector<16xf32> to vector<16xf32>
      %swap3A_406 = vector.shape_cast %abs3A_400 : vector<16xf32> to vector<16xf32>
      tpu.vector_store %arg13[%swap3A_403], %swap3A_406 {strides = array<i32>} : memref<4000xf32, #tpu.memory_space<vmem>>, vector<16xf32>,
      %get3A_407 = arith.constant 0 : i32
      %get3A_408 = arith.index_cast %get3A_407 : i32 to index
      %get3A_409 = arith.constant 64 : index
      %get3A_410 = tpu.vector_load %arg11[%get3A_408, %get3A_409] {strides = array<i32>} : memref<2x80xf32, #tpu.memory_space<vmem>>, vector<1x16xf32>,
      %get3A_411 = vector.shape_cast %get3A_410 : vector<1x16xf32> to vector<16xf32>
      %get3A_412 = arith.constant 0 : i32
      %get3A_413 = arith.index_cast %get3A_412 : i32 to index
      %get3A_414 = arith.constant 64 : index
      %get3A_415 = tpu.vector_load %arg12[%get3A_413, %get3A_414] {strides = array<i32>} : memref<2x80xf32, #tpu.memory_space<vmem>>, vector<1x16xf32>,
      %get3A_416 = vector.shape_cast %get3A_415 : vector<1x16xf32> to vector<16xf32>
      %sub3A_417 = arith.subf %get3A_411, %get3A_416 : vector<16xf32>
      %abs3A_418 = math.absf %sub3A_417 : vector<16xf32>
      %add3A_419 = arith.constant 64 : i32
      %add3A_420 = arith.addi %mul3A_334, %add3A_419 : i32
      %swap3A_421 = arith.index_cast %add3A_420 : i32 to index
      %swap3A_422 = tpu.vector_load %arg13[%swap3A_421] {strides = array<i32>} : memref<4000xf32, #tpu.memory_space<vmem>>, vector<16xf32>,
      %swap3A_423 = vector.shape_cast %swap3A_422 : vector<16xf32> to vector<16xf32>
      %swap3A_424 = vector.shape_cast %abs3A_418 : vector<16xf32> to vector<16xf32>
      tpu.vector_store %arg13[%swap3A_421], %swap3A_424 {strides = array<i32>} : memref<4000xf32, #tpu.memory_space<vmem>>, vector<16xf32>,
      %add3A_425 = arith.addi %mul3A_2, %mul3A_334 : i32
      %run_scoped3A_426 = arith.constant 0 : i32
      "tpu.region"() ({
        %run_scoped3A_577 = tpu.sem_alloc : memref<!tpu.dma_semaphore, #tpu.memory_space<semaphore_mem>>
        %dma_start3A_578 = arith.constant 0 : i32
        %dma_start3A_579 = arith.constant 0 : i32
        %dma_start3A_580 = tpu.memref_slice %arg10[%run_scoped3A_426, %dma_start3A_578, %dma_start3A_579] : memref<2x80x128xf32, #tpu.memory_space<vmem>> -> memref<1x80x128xf32, #tpu.memory_space<vmem>>
        %dma_start3A_581 = tpu.memref_squeeze %dma_start3A_580 : memref<1x80x128xf32, #tpu.memory_space<vmem>> -> memref<80x128xf32, #tpu.memory_space<vmem>>
        %dma_start3A_582 = arith.constant 0 : i32
        %dma_start3A_583 = tpu.memref_slice %arg6[%add3A_425, %dma_start3A_582] : memref<129024x128xf32, #tpu.memory_space<hbm>> -> memref<80x128xf32, #tpu.memory_space<hbm>>
        %dma_start3A_584 = arith.constant 0 : i32
        %dma_start3A_585 = tpu.memref_slice %arg6[%add3A_425, %dma_start3A_584] : memref<129024x128xf32, #tpu.memory_space<hbm>> -> memref<80x128xf32, #tpu.memory_space<hbm>>
        %dma_start3A_586 = arith.constant 0 : i32
        %dma_start3A_587 = arith.constant 0 : i32
        %dma_start3A_588 = tpu.memref_slice %arg10[%run_scoped3A_426, %dma_start3A_586, %dma_start3A_587] : memref<2x80x128xf32, #tpu.memory_space<vmem>> -> memref<1x80x128xf32, #tpu.memory_space<vmem>>
        %dma_start3A_589 = tpu.memref_squeeze %dma_start3A_588 : memref<1x80x128xf32, #tpu.memory_space<vmem>> -> memref<80x128xf32, #tpu.memory_space<vmem>>
        tpu.enqueue_dma source(%dma_start3A_589 : memref<80x128xf32, #tpu.memory_space<vmem>>) target(%dma_start3A_585 : memref<80x128xf32, #tpu.memory_space<hbm>>) target_semaphore(%run_scoped3A_577 : memref<!tpu.dma_semaphore, #tpu.memory_space<semaphore_mem>>)
        %dma_wait3A_590 = arith.constant 0 : i32
        %dma_wait3A_591 = arith.constant 0 : i32
        %dma_wait3A_592 = tpu.memref_slice %arg10[%run_scoped3A_426, %dma_wait3A_590, %dma_wait3A_591] : memref<2x80x128xf32, #tpu.memory_space<vmem>> -> memref<1x80x128xf32, #tpu.memory_space<vmem>>
        %dma_wait3A_593 = tpu.memref_squeeze %dma_wait3A_592 : memref<1x80x128xf32, #tpu.memory_space<vmem>> -> memref<80x128xf32, #tpu.memory_space<vmem>>
        %dma_wait3A_594 = arith.constant 0 : i32
        %dma_wait3A_595 = tpu.memref_slice %arg6[%add3A_425, %dma_wait3A_594] : memref<129024x128xf32, #tpu.memory_space<hbm>> -> memref<80x128xf32, #tpu.memory_space<hbm>>
        %dma_wait3A_596 = arith.constant 0 : i32
        %dma_wait3A_597 = tpu.memref_slice %arg6[%add3A_425, %dma_wait3A_596] : memref<129024x128xf32, #tpu.memory_space<hbm>> -> memref<80x128xf32, #tpu.memory_space<hbm>>
        %dma_wait3A_598 = arith.constant 0 : i32
        %dma_wait3A_599 = arith.constant 0 : i32
        %dma_wait3A_600 = tpu.memref_slice %arg10[%run_scoped3A_426, %dma_wait3A_598, %dma_wait3A_599] : memref<2x80x128xf32, #tpu.memory_space<vmem>> -> memref<1x80x128xf32, #tpu.memory_space<vmem>>
        %dma_wait3A_601 = tpu.memref_squeeze %dma_wait3A_600 : memref<1x80x128xf32, #tpu.memory_space<vmem>> -> memref<80x128xf32, #tpu.memory_space<vmem>>
        tpu.wait_dma2 semaphore(%run_scoped3A_577 : memref<!tpu.dma_semaphore, #tpu.memory_space<semaphore_mem>>) src(%dma_wait3A_601 : memref<80x128xf32, #tpu.memory_space<vmem>>) dst(%dma_wait3A_597 : memref<80x128xf32, #tpu.memory_space<hbm>>)
        tpu.yield
      }) : () -> ()
      %add3A_427 = arith.constant 2 : i32
      %add3A_428 = arith.addi %mul3A_279, %add3A_427 : i32
      %mul3A_429 = arith.constant 80 : i32
      %mul3A_430 = arith.muli %add3A_428, %mul3A_429 : i32
      %dma_start3A_431 = arith.constant 0 : i32
      %dma_start3A_432 = arith.constant 0 : i32
      %dma_start3A_433 = arith.constant 0 : i32
      %dma_start3A_434 = tpu.memref_slice %arg10[%dma_start3A_431, %dma_start3A_432, %dma_start3A_433] : memref<2x80x128xf32, #tpu.memory_space<vmem>> -> memref<1x80x128xf32, #tpu.memory_space<vmem>>
      %dma_start3A_435 = tpu.memref_squeeze %dma_start3A_434 : memref<1x80x128xf32, #tpu.memory_space<vmem>> -> memref<80x128xf32, #tpu.memory_space<vmem>>
      %dma_start3A_436 = tpu.memref_slice %arg9[%mul3A_430] : memref<4000xi32, #tpu.memory_space<vmem>> -> memref<80xi32, #tpu.memory_space<vmem>>
      %dma_start3A_437 = arith.constant 0 : i32
      %dma_start3A_438 = arith.constant 0 : i32
      %dma_start3A_439 = tpu.memref_slice %arg5[%dma_start3A_437, %dma_start3A_438] : memref<10000x128xf32, #tpu.memory_space<hbm>> -> memref<10000x128xf32, #tpu.memory_space<hbm>>
      tpu.enqueue_indirect_dma source(%dma_start3A_439 : memref<10000x128xf32, #tpu.memory_space<hbm>>) target(%dma_start3A_435 : memref<80x128xf32, #tpu.memory_space<vmem>>) offsets(%dma_start3A_436 : memref<80xi32, #tpu.memory_space<vmem>>) semaphore(%arg14 : memref<!tpu.dma_semaphore, #tpu.memory_space<semaphore_mem>>)
      %dma_start3A_440 = arith.constant 0 : i32
      %dma_start3A_441 = arith.constant 0 : i32
      %dma_start3A_442 = tpu.memref_slice %arg11[%dma_start3A_440, %dma_start3A_441] : memref<2x80xf32, #tpu.memory_space<vmem>> -> memref<1x80xf32, #tpu.memory_space<vmem>>
      %dma_start3A_443 = tpu.memref_squeeze %dma_start3A_442 : memref<1x80xf32, #tpu.memory_space<vmem>> -> memref<80xf32, #tpu.memory_space<vmem>>
      %dma_start3A_444 = tpu.memref_slice %arg8[%mul3A_430] : memref<4000xi32, #tpu.memory_space<vmem>> -> memref<80xi32, #tpu.memory_space<vmem>>
      %dma_start3A_445 = arith.constant 0 : i32
      %dma_start3A_446 = tpu.memref_slice %arg4[%dma_start3A_445] : memref<10000xf32, #tpu.memory_space<hbm>> -> memref<10000xf32, #tpu.memory_space<hbm>>
      tpu.enqueue_indirect_dma source(%dma_start3A_446 : memref<10000xf32, #tpu.memory_space<hbm>>) target(%dma_start3A_443 : memref<80xf32, #tpu.memory_space<vmem>>) offsets(%dma_start3A_444 : memref<80xi32, #tpu.memory_space<vmem>>) semaphore(%arg14 : memref<!tpu.dma_semaphore, #tpu.memory_space<semaphore_mem>>)
      %dma_start3A_447 = arith.constant 0 : i32
      %dma_start3A_448 = arith.constant 0 : i32
      %dma_start3A_449 = tpu.memref_slice %arg12[%dma_start3A_447, %dma_start3A_448] : memref<2x80xf32, #tpu.memory_space<vmem>> -> memref<1x80xf32, #tpu.memory_space<vmem>>
      %dma_start3A_450 = tpu.memref_squeeze %dma_start3A_449 : memref<1x80xf32, #tpu.memory_space<vmem>> -> memref<80xf32, #tpu.memory_space<vmem>>
      %dma_start3A_451 = tpu.memref_slice %arg9[%mul3A_430] : memref<4000xi32, #tpu.memory_space<vmem>> -> memref<80xi32, #tpu.memory_space<vmem>>
      %dma_start3A_452 = arith.constant 0 : i32
      %dma_start3A_453 = tpu.memref_slice %arg4[%dma_start3A_452] : memref<10000xf32, #tpu.memory_space<hbm>> -> memref<10000xf32, #tpu.memory_space<hbm>>
      tpu.enqueue_indirect_dma source(%dma_start3A_453 : memref<10000xf32, #tpu.memory_space<hbm>>) target(%dma_start3A_450 : memref<80xf32, #tpu.memory_space<vmem>>) offsets(%dma_start3A_451 : memref<80xi32, #tpu.memory_space<vmem>>) semaphore(%arg14 : memref<!tpu.dma_semaphore, #tpu.memory_space<semaphore_mem>>)
      %dma_wait3A_454 = arith.constant 1 : i32
      %dma_wait3A_455 = arith.constant 0 : i32
      %dma_wait3A_456 = arith.constant 0 : i32
      %dma_wait3A_457 = tpu.memref_slice %arg10[%dma_wait3A_454, %dma_wait3A_455, %dma_wait3A_456] : memref<2x80x128xf32, #tpu.memory_space<vmem>> -> memref<1x80x128xf32, #tpu.memory_space<vmem>>
      %dma_wait3A_458 = tpu.memref_squeeze %dma_wait3A_457 : memref<1x80x128xf32, #tpu.memory_space<vmem>> -> memref<80x128xf32, #tpu.memory_space<vmem>>
      %dma_wait3A_459 = arith.constant 0 : i32
      %dma_wait3A_460 = tpu.memref_slice %arg9[%dma_wait3A_459] : memref<4000xi32, #tpu.memory_space<vmem>> -> memref<80xi32, #tpu.memory_space<vmem>>
      %dma_wait3A_461 = arith.constant 0 : i32
      %dma_wait3A_462 = arith.constant 0 : i32
      %dma_wait3A_463 = tpu.memref_slice %arg5[%dma_wait3A_461, %dma_wait3A_462] : memref<10000x128xf32, #tpu.memory_space<hbm>> -> memref<10000x128xf32, #tpu.memory_space<hbm>>
      tpu.wait_indirect_dma semaphore(%arg15 : memref<!tpu.dma_semaphore, #tpu.memory_space<semaphore_mem>>) src(%dma_wait3A_463 : memref<10000x128xf32, #tpu.memory_space<hbm>>) dst(%dma_wait3A_458 : memref<80x128xf32, #tpu.memory_space<vmem>>)
      %dma_wait3A_464 = arith.constant 1 : i32
      %dma_wait3A_465 = arith.constant 0 : i32
      %dma_wait3A_466 = tpu.memref_slice %arg11[%dma_wait3A_464, %dma_wait3A_465] : memref<2x80xf32, #tpu.memory_space<vmem>> -> memref<1x80xf32, #tpu.memory_space<vmem>>
      %dma_wait3A_467 = tpu.memref_squeeze %dma_wait3A_466 : memref<1x80xf32, #tpu.memory_space<vmem>> -> memref<80xf32, #tpu.memory_space<vmem>>
      %dma_wait3A_468 = arith.constant 0 : i32
      %dma_wait3A_469 = tpu.memref_slice %arg8[%dma_wait3A_468] : memref<4000xi32, #tpu.memory_space<vmem>> -> memref<80xi32, #tpu.memory_space<vmem>>
      %dma_wait3A_470 = arith.constant 0 : i32
      %dma_wait3A_471 = tpu.memref_slice %arg4[%dma_wait3A_470] : memref<10000xf32, #tpu.memory_space<hbm>> -> memref<10000xf32, #tpu.memory_space<hbm>>
      tpu.wait_indirect_dma semaphore(%arg15 : memref<!tpu.dma_semaphore, #tpu.memory_space<semaphore_mem>>) src(%dma_wait3A_471 : memref<10000xf32, #tpu.memory_space<hbm>>) dst(%dma_wait3A_467 : memref<80xf32, #tpu.memory_space<vmem>>)
      %dma_wait3A_472 = arith.constant 1 : i32
      %dma_wait3A_473 = arith.constant 0 : i32
      %dma_wait3A_474 = tpu.memref_slice %arg12[%dma_wait3A_472, %dma_wait3A_473] : memref<2x80xf32, #tpu.memory_space<vmem>> -> memref<1x80xf32, #tpu.memory_space<vmem>>
      %dma_wait3A_475 = tpu.memref_squeeze %dma_wait3A_474 : memref<1x80xf32, #tpu.memory_space<vmem>> -> memref<80xf32, #tpu.memory_space<vmem>>
      %dma_wait3A_476 = arith.constant 0 : i32
      %dma_wait3A_477 = tpu.memref_slice %arg8[%dma_wait3A_476] : memref<4000xi32, #tpu.memory_space<vmem>> -> memref<80xi32, #tpu.memory_space<vmem>>
      %dma_wait3A_478 = arith.constant 0 : i32
      %dma_wait3A_479 = tpu.memref_slice %arg4[%dma_wait3A_478] : memref<10000xf32, #tpu.memory_space<hbm>> -> memref<10000xf32, #tpu.memory_space<hbm>>
      tpu.wait_indirect_dma semaphore(%arg15 : memref<!tpu.dma_semaphore, #tpu.memory_space<semaphore_mem>>) src(%dma_wait3A_479 : memref<10000xf32, #tpu.memory_space<hbm>>) dst(%dma_wait3A_475 : memref<80xf32, #tpu.memory_space<vmem>>)
      %add3A_480 = arith.constant 1 : i32
      %add3A_481 = arith.addi %mul3A_279, %add3A_480 : i32
      %mul3A_482 = arith.constant 80 : i32
      %mul3A_483 = arith.muli %add3A_481, %mul3A_482 : i32
      %get3A_484 = arith.constant 1 : i32
      %get3A_485 = arith.index_cast %get3A_484 : i32 to index
      %get3A_486 = arith.constant 0 : index
      %get3A_487 = tpu.vector_load %arg11[%get3A_485, %get3A_486] {strides = array<i32>} : memref<2x80xf32, #tpu.memory_space<vmem>>, vector<1x16xf32>,
      %get3A_488 = vector.shape_cast %get3A_487 : vector<1x16xf32> to vector<16xf32>
      %get3A_489 = arith.constant 1 : i32
      %get3A_490 = arith.index_cast %get3A_489 : i32 to index
      %get3A_491 = arith.constant 0 : index
      %get3A_492 = tpu.vector_load %arg12[%get3A_490, %get3A_491] {strides = array<i32>} : memref<2x80xf32, #tpu.memory_space<vmem>>, vector<1x16xf32>,
      %get3A_493 = vector.shape_cast %get3A_492 : vector<1x16xf32> to vector<16xf32>
      %sub3A_494 = arith.subf %get3A_488, %get3A_493 : vector<16xf32>
      %abs3A_495 = math.absf %sub3A_494 : vector<16xf32>
      %add3A_496 = arith.constant 0 : i32
      %add3A_497 = arith.addi %mul3A_483, %add3A_496 : i32
      %swap3A_498 = arith.index_cast %add3A_497 : i32 to index
      %swap3A_499 = tpu.vector_load %arg13[%swap3A_498] {strides = array<i32>} : memref<4000xf32, #tpu.memory_space<vmem>>, vector<16xf32>,
      %swap3A_500 = vector.shape_cast %swap3A_499 : vector<16xf32> to vector<16xf32>
      %swap3A_501 = vector.shape_cast %abs3A_495 : vector<16xf32> to vector<16xf32>
      tpu.vector_store %arg13[%swap3A_498], %swap3A_501 {strides = array<i32>} : memref<4000xf32, #tpu.memory_space<vmem>>, vector<16xf32>,
      %get3A_502 = arith.constant 1 : i32
      %get3A_503 = arith.index_cast %get3A_502 : i32 to index
      %get3A_504 = arith.constant 16 : index
      %get3A_505 = tpu.vector_load %arg11[%get3A_503, %get3A_504] {strides = array<i32>} : memref<2x80xf32, #tpu.memory_space<vmem>>, vector<1x16xf32>,
      %get3A_506 = vector.shape_cast %get3A_505 : vector<1x16xf32> to vector<16xf32>
      %get3A_507 = arith.constant 1 : i32
      %get3A_508 = arith.index_cast %get3A_507 : i32 to index
      %get3A_509 = arith.constant 16 : index
      %get3A_510 = tpu.vector_load %arg12[%get3A_508, %get3A_509] {strides = array<i32>} : memref<2x80xf32, #tpu.memory_space<vmem>>, vector<1x16xf32>,
      %get3A_511 = vector.shape_cast %get3A_510 : vector<1x16xf32> to vector<16xf32>
      %sub3A_512 = arith.subf %get3A_506, %get3A_511 : vector<16xf32>
      %abs3A_513 = math.absf %sub3A_512 : vector<16xf32>
      %add3A_514 = arith.constant 16 : i32
      %add3A_515 = arith.addi %mul3A_483, %add3A_514 : i32
      %swap3A_516 = arith.index_cast %add3A_515 : i32 to index
      %swap3A_517 = tpu.vector_load %arg13[%swap3A_516] {strides = array<i32>} : memref<4000xf32, #tpu.memory_space<vmem>>, vector<16xf32>,
      %swap3A_518 = vector.shape_cast %swap3A_517 : vector<16xf32> to vector<16xf32>
      %swap3A_519 = vector.shape_cast %abs3A_513 : vector<16xf32> to vector<16xf32>
      tpu.vector_store %arg13[%swap3A_516], %swap3A_519 {strides = array<i32>} : memref<4000xf32, #tpu.memory_space<vmem>>, vector<16xf32>,
      %get3A_520 = arith.constant 1 : i32
      %get3A_521 = arith.index_cast %get3A_520 : i32 to index
      %get3A_522 = arith.constant 32 : index
      %get3A_523 = tpu.vector_load %arg11[%get3A_521, %get3A_522] {strides = array<i32>} : memref<2x80xf32, #tpu.memory_space<vmem>>, vector<1x16xf32>,
      %get3A_524 = vector.shape_cast %get3A_523 : vector<1x16xf32> to vector<16xf32>
      %get3A_525 = arith.constant 1 : i32
      %get3A_526 = arith.index_cast %get3A_525 : i32 to index
      %get3A_527 = arith.constant 32 : index
      %get3A_528 = tpu.vector_load %arg12[%get3A_526, %get3A_527] {strides = array<i32>} : memref<2x80xf32, #tpu.memory_space<vmem>>, vector<1x16xf32>,
      %get3A_529 = vector.shape_cast %get3A_528 : vector<1x16xf32> to vector<16xf32>
      %sub3A_530 = arith.subf %get3A_524, %get3A_529 : vector<16xf32>
      %abs3A_531 = math.absf %sub3A_530 : vector<16xf32>
      %add3A_532 = arith.constant 32 : i32
      %add3A_533 = arith.addi %mul3A_483, %add3A_532 : i32
      %swap3A_534 = arith.index_cast %add3A_533 : i32 to index
      %swap3A_535 = tpu.vector_load %arg13[%swap3A_534] {strides = array<i32>} : memref<4000xf32, #tpu.memory_space<vmem>>, vector<16xf32>,
      %swap3A_536 = vector.shape_cast %swap3A_535 : vector<16xf32> to vector<16xf32>
      %swap3A_537 = vector.shape_cast %abs3A_531 : vector<16xf32> to vector<16xf32>
      tpu.vector_store %arg13[%swap3A_534], %swap3A_537 {strides = array<i32>} : memref<4000xf32, #tpu.memory_space<vmem>>, vector<16xf32>,
      %get3A_538 = arith.constant 1 : i32
      %get3A_539 = arith.index_cast %get3A_538 : i32 to index
      %get3A_540 = arith.constant 48 : index
      %get3A_541 = tpu.vector_load %arg11[%get3A_539, %get3A_540] {strides = array<i32>} : memref<2x80xf32, #tpu.memory_space<vmem>>, vector<1x16xf32>,
      %get3A_542 = vector.shape_cast %get3A_541 : vector<1x16xf32> to vector<16xf32>
      %get3A_543 = arith.constant 1 : i32
      %get3A_544 = arith.index_cast %get3A_543 : i32 to index
      %get3A_545 = arith.constant 48 : index
      %get3A_546 = tpu.vector_load %arg12[%get3A_544, %get3A_545] {strides = array<i32>} : memref<2x80xf32, #tpu.memory_space<vmem>>, vector<1x16xf32>,
      %get3A_547 = vector.shape_cast %get3A_546 : vector<1x16xf32> to vector<16xf32>
      %sub3A_548 = arith.subf %get3A_542, %get3A_547 : vector<16xf32>
      %abs3A_549 = math.absf %sub3A_548 : vector<16xf32>
      %add3A_550 = arith.constant 48 : i32
      %add3A_551 = arith.addi %mul3A_483, %add3A_550 : i32
      %swap3A_552 = arith.index_cast %add3A_551 : i32 to index
      %swap3A_553 = tpu.vector_load %arg13[%swap3A_552] {strides = array<i32>} : memref<4000xf32, #tpu.memory_space<vmem>>, vector<16xf32>,
      %swap3A_554 = vector.shape_cast %swap3A_553 : vector<16xf32> to vector<16xf32>
      %swap3A_555 = vector.shape_cast %abs3A_549 : vector<16xf32> to vector<16xf32>
      tpu.vector_store %arg13[%swap3A_552], %swap3A_555 {strides = array<i32>} : memref<4000xf32, #tpu.memory_space<vmem>>, vector<16xf32>,
      %get3A_556 = arith.constant 1 : i32
      %get3A_557 = arith.index_cast %get3A_556 : i32 to index
      %get3A_558 = arith.constant 64 : index
      %get3A_559 = tpu.vector_load %arg11[%get3A_557, %get3A_558] {strides = array<i32>} : memref<2x80xf32, #tpu.memory_space<vmem>>, vector<1x16xf32>,
      %get3A_560 = vector.shape_cast %get3A_559 : vector<1x16xf32> to vector<16xf32>
      %get3A_561 = arith.constant 1 : i32
      %get3A_562 = arith.index_cast %get3A_561 : i32 to index
      %get3A_563 = arith.constant 64 : index
      %get3A_564 = tpu.vector_load %arg12[%get3A_562, %get3A_563] {strides = array<i32>} : memref<2x80xf32, #tpu.memory_space<vmem>>, vector<1x16xf32>,
      %get3A_565 = vector.shape_cast %get3A_564 : vector<1x16xf32> to vector<16xf32>
      %sub3A_566 = arith.subf %get3A_560, %get3A_565 : vector<16xf32>
      %abs3A_567 = math.absf %sub3A_566 : vector<16xf32>
      %add3A_568 = arith.constant 64 : i32
      %add3A_569 = arith.addi %mul3A_483, %add3A_568 : i32
      %swap3A_570 = arith.index_cast %add3A_569 : i32 to index
      %swap3A_571 = tpu.vector_load %arg13[%swap3A_570] {strides = array<i32>} : memref<4000xf32, #tpu.memory_space<vmem>>, vector<16xf32>,
      %swap3A_572 = vector.shape_cast %swap3A_571 : vector<16xf32> to vector<16xf32>
      %swap3A_573 = vector.shape_cast %abs3A_567 : vector<16xf32> to vector<16xf32>
      tpu.vector_store %arg13[%swap3A_570], %swap3A_573 {strides = array<i32>} : memref<4000xf32, #tpu.memory_space<vmem>>, vector<16xf32>,
      %add3A_574 = arith.addi %mul3A_2, %mul3A_483 : i32
      %run_scoped3A_575 = arith.constant 1 : i32
      "tpu.region"() ({
        %run_scoped3A_577 = tpu.sem_alloc : memref<!tpu.dma_semaphore, #tpu.memory_space<semaphore_mem>>
        %dma_start3A_578 = arith.constant 0 : i32
        %dma_start3A_579 = arith.constant 0 : i32
        %dma_start3A_580 = tpu.memref_slice %arg10[%run_scoped3A_575, %dma_start3A_578, %dma_start3A_579] : memref<2x80x128xf32, #tpu.memory_space<vmem>> -> memref<1x80x128xf32, #tpu.memory_space<vmem>>
        %dma_start3A_581 = tpu.memref_squeeze %dma_start3A_580 : memref<1x80x128xf32, #tpu.memory_space<vmem>> -> memref<80x128xf32, #tpu.memory_space<vmem>>
        %dma_start3A_582 = arith.constant 0 : i32
        %dma_start3A_583 = tpu.memref_slice %arg6[%add3A_574, %dma_start3A_582] : memref<129024x128xf32, #tpu.memory_space<hbm>> -> memref<80x128xf32, #tpu.memory_space<hbm>>
        %dma_start3A_584 = arith.constant 0 : i32
        %dma_start3A_585 = tpu.memref_slice %arg6[%add3A_574, %dma_start3A_584] : memref<129024x128xf32, #tpu.memory_space<hbm>> -> memref<80x128xf32, #tpu.memory_space<hbm>>
        %dma_start3A_586 = arith.constant 0 : i32
        %dma_start3A_587 = arith.constant 0 : i32
        %dma_start3A_588 = tpu.memref_slice %arg10[%run_scoped3A_575, %dma_start3A_586, %dma_start3A_587] : memref<2x80x128xf32, #tpu.memory_space<vmem>> -> memref<1x80x128xf32, #tpu.memory_space<vmem>>
        %dma_start3A_589 = tpu.memref_squeeze %dma_start3A_588 : memref<1x80x128xf32, #tpu.memory_space<vmem>> -> memref<80x128xf32, #tpu.memory_space<vmem>>
        tpu.enqueue_dma source(%dma_start3A_589 : memref<80x128xf32, #tpu.memory_space<vmem>>) target(%dma_start3A_585 : memref<80x128xf32, #tpu.memory_space<hbm>>) target_semaphore(%run_scoped3A_577 : memref<!tpu.dma_semaphore, #tpu.memory_space<semaphore_mem>>)
        %dma_wait3A_590 = arith.constant 0 : i32
        %dma_wait3A_591 = arith.constant 0 : i32
        %dma_wait3A_592 = tpu.memref_slice %arg10[%run_scoped3A_575, %dma_wait3A_590, %dma_wait3A_591] : memref<2x80x128xf32, #tpu.memory_space<vmem>> -> memref<1x80x128xf32, #tpu.memory_space<vmem>>
        %dma_wait3A_593 = tpu.memref_squeeze %dma_wait3A_592 : memref<1x80x128xf32, #tpu.memory_space<vmem>> -> memref<80x128xf32, #tpu.memory_space<vmem>>
        %dma_wait3A_594 = arith.constant 0 : i32
        %dma_wait3A_595 = tpu.memref_slice %arg6[%add3A_574, %dma_wait3A_594] : memref<129024x128xf32, #tpu.memory_space<hbm>> -> memref<80x128xf32, #tpu.memory_space<hbm>>
        %dma_wait3A_596 = arith.constant 0 : i32
        %dma_wait3A_597 = tpu.memref_slice %arg6[%add3A_574, %dma_wait3A_596] : memref<129024x128xf32, #tpu.memory_space<hbm>> -> memref<80x128xf32, #tpu.memory_space<hbm>>
        %dma_wait3A_598 = arith.constant 0 : i32
        %dma_wait3A_599 = arith.constant 0 : i32
        %dma_wait3A_600 = tpu.memref_slice %arg10[%run_scoped3A_575, %dma_wait3A_598, %dma_wait3A_599] : memref<2x80x128xf32, #tpu.memory_space<vmem>> -> memref<1x80x128xf32, #tpu.memory_space<vmem>>
        %dma_wait3A_601 = tpu.memref_squeeze %dma_wait3A_600 : memref<1x80x128xf32, #tpu.memory_space<vmem>> -> memref<80x128xf32, #tpu.memory_space<vmem>>
        tpu.wait_dma2 semaphore(%run_scoped3A_577 : memref<!tpu.dma_semaphore, #tpu.memory_space<semaphore_mem>>) src(%dma_wait3A_601 : memref<80x128xf32, #tpu.memory_space<vmem>>) dst(%dma_wait3A_597 : memref<80x128xf32, #tpu.memory_space<hbm>>)
        tpu.yield
      }) : () -> ()
      %scan3A_576 = arith.constant 0 : i32
      scf.yield %scan3A_576 : i32
    }
    %scan3A_37 = arith.constant 24 : i32
    %dma_start3A_38 = arith.constant 1 : i32
    %dma_start3A_39 = arith.constant 0 : i32
    %dma_start3A_40 = arith.constant 0 : i32
    %dma_start3A_41 = tpu.memref_slice %arg10[%dma_start3A_38, %dma_start3A_39, %dma_start3A_40] : memref<2x80x128xf32, #tpu.memory_space<vmem>> -> memref<1x80x128xf32, #tpu.memory_space<vmem>>
    %dma_start3A_42 = tpu.memref_squeeze %dma_start3A_41 : memref<1x80x128xf32, #tpu.memory_space<vmem>> -> memref<80x128xf32, #tpu.memory_space<vmem>>
    %dma_start3A_43 = arith.constant 3920 : i32
    %dma_start3A_44 = tpu.memref_slice %arg9[%dma_start3A_43] : memref<4000xi32, #tpu.memory_space<vmem>> -> memref<80xi32, #tpu.memory_space<vmem>>
    %dma_start3A_45 = arith.constant 0 : i32
    %dma_start3A_46 = arith.constant 0 : i32
    %dma_start3A_47 = tpu.memref_slice %arg5[%dma_start3A_45, %dma_start3A_46] : memref<10000x128xf32, #tpu.memory_space<hbm>> -> memref<10000x128xf32, #tpu.memory_space<hbm>>
    tpu.enqueue_indirect_dma source(%dma_start3A_47 : memref<10000x128xf32, #tpu.memory_space<hbm>>) target(%dma_start3A_42 : memref<80x128xf32, #tpu.memory_space<vmem>>) offsets(%dma_start3A_44 : memref<80xi32, #tpu.memory_space<vmem>>) semaphore(%arg15 : memref<!tpu.dma_semaphore, #tpu.memory_space<semaphore_mem>>)
    %dma_start3A_48 = arith.constant 1 : i32
    %dma_start3A_49 = arith.constant 0 : i32
    %dma_start3A_50 = tpu.memref_slice %arg11[%dma_start3A_48, %dma_start3A_49] : memref<2x80xf32, #tpu.memory_space<vmem>> -> memref<1x80xf32, #tpu.memory_space<vmem>>
    %dma_start3A_51 = tpu.memref_squeeze %dma_start3A_50 : memref<1x80xf32, #tpu.memory_space<vmem>> -> memref<80xf32, #tpu.memory_space<vmem>>
    %dma_start3A_52 = arith.constant 3920 : i32
    %dma_start3A_53 = tpu.memref_slice %arg8[%dma_start3A_52] : memref<4000xi32, #tpu.memory_space<vmem>> -> memref<80xi32, #tpu.memory_space<vmem>>
    %dma_start3A_54 = arith.constant 0 : i32
    %dma_start3A_55 = tpu.memref_slice %arg4[%dma_start3A_54] : memref<10000xf32, #tpu.memory_space<hbm>> -> memref<10000xf32, #tpu.memory_space<hbm>>
    tpu.enqueue_indirect_dma source(%dma_start3A_55 : memref<10000xf32, #tpu.memory_space<hbm>>) target(%dma_start3A_51 : memref<80xf32, #tpu.memory_space<vmem>>) offsets(%dma_start3A_53 : memref<80xi32, #tpu.memory_space<vmem>>) semaphore(%arg15 : memref<!tpu.dma_semaphore, #tpu.memory_space<semaphore_mem>>)
    %dma_start3A_56 = arith.constant 1 : i32
    %dma_start3A_57 = arith.constant 0 : i32
    %dma_start3A_58 = tpu.memref_slice %arg12[%dma_start3A_56, %dma_start3A_57] : memref<2x80xf32, #tpu.memory_space<vmem>> -> memref<1x80xf32, #tpu.memory_space<vmem>>
    %dma_start3A_59 = tpu.memref_squeeze %dma_start3A_58 : memref<1x80xf32, #tpu.memory_space<vmem>> -> memref<80xf32, #tpu.memory_space<vmem>>
    %dma_start3A_60 = arith.constant 3920 : i32
    %dma_start3A_61 = tpu.memref_slice %arg9[%dma_start3A_60] : memref<4000xi32, #tpu.memory_space<vmem>> -> memref<80xi32, #tpu.memory_space<vmem>>
    %dma_start3A_62 = arith.constant 0 : i32
    %dma_start3A_63 = tpu.memref_slice %arg4[%dma_start3A_62] : memref<10000xf32, #tpu.memory_space<hbm>> -> memref<10000xf32, #tpu.memory_space<hbm>>
    tpu.enqueue_indirect_dma source(%dma_start3A_63 : memref<10000xf32, #tpu.memory_space<hbm>>) target(%dma_start3A_59 : memref<80xf32, #tpu.memory_space<vmem>>) offsets(%dma_start3A_61 : memref<80xi32, #tpu.memory_space<vmem>>) semaphore(%arg15 : memref<!tpu.dma_semaphore, #tpu.memory_space<semaphore_mem>>)
    %dma_wait3A = arith.constant 0 : i32
    %dma_wait3A_64 = arith.constant 0 : i32
    %dma_wait3A_65 = arith.constant 0 : i32
    %dma_wait3A_66 = tpu.memref_slice %arg10[%dma_wait3A, %dma_wait3A_64, %dma_wait3A_65] : memref<2x80x128xf32, #tpu.memory_space<vmem>> -> memref<1x80x128xf32, #tpu.memory_space<vmem>>
    %dma_wait3A_67 = tpu.memref_squeeze %dma_wait3A_66 : memref<1x80x128xf32, #tpu.memory_space<vmem>> -> memref<80x128xf32, #tpu.memory_space<vmem>>
    %dma_wait3A_68 = arith.constant 0 : i32
    %dma_wait3A_69 = tpu.memref_slice %arg9[%dma_wait3A_68] : memref<4000xi32, #tpu.memory_space<vmem>> -> memref<80xi32, #tpu.memory_space<vmem>>
    %dma_wait3A_70 = arith.constant 0 : i32
    %dma_wait3A_71 = arith.constant 0 : i32
    %dma_wait3A_72 = tpu.memref_slice %arg5[%dma_wait3A_70, %dma_wait3A_71] : memref<10000x128xf32, #tpu.memory_space<hbm>> -> memref<10000x128xf32, #tpu.memory_space<hbm>>
    tpu.wait_indirect_dma semaphore(%arg14 : memref<!tpu.dma_semaphore, #tpu.memory_space<semaphore_mem>>) src(%dma_wait3A_72 : memref<10000x128xf32, #tpu.memory_space<hbm>>) dst(%dma_wait3A_67 : memref<80x128xf32, #tpu.memory_space<vmem>>)
    %dma_wait3A_73 = arith.constant 0 : i32
    %dma_wait3A_74 = arith.constant 0 : i32
    %dma_wait3A_75 = tpu.memref_slice %arg11[%dma_wait3A_73, %dma_wait3A_74] : memref<2x80xf32, #tpu.memory_space<vmem>> -> memref<1x80xf32, #tpu.memory_space<vmem>>
    %dma_wait3A_76 = tpu.memref_squeeze %dma_wait3A_75 : memref<1x80xf32, #tpu.memory_space<vmem>> -> memref<80xf32, #tpu.memory_space<vmem>>
    %dma_wait3A_77 = arith.constant 0 : i32
    %dma_wait3A_78 = tpu.memref_slice %arg8[%dma_wait3A_77] : memref<4000xi32, #tpu.memory_space<vmem>> -> memref<80xi32, #tpu.memory_space<vmem>>
    %dma_wait3A_79 = arith.constant 0 : i32
    %dma_wait3A_80 = tpu.memref_slice %arg4[%dma_wait3A_79] : memref<10000xf32, #tpu.memory_space<hbm>> -> memref<10000xf32, #tpu.memory_space<hbm>>
    tpu.wait_indirect_dma semaphore(%arg14 : memref<!tpu.dma_semaphore, #tpu.memory_space<semaphore_mem>>) src(%dma_wait3A_80 : memref<10000xf32, #tpu.memory_space<hbm>>) dst(%dma_wait3A_76 : memref<80xf32, #tpu.memory_space<vmem>>)
    %dma_wait3A_81 = arith.constant 0 : i32
    %dma_wait3A_82 = arith.constant 0 : i32
    %dma_wait3A_83 = tpu.memref_slice %arg12[%dma_wait3A_81, %dma_wait3A_82] : memref<2x80xf32, #tpu.memory_space<vmem>> -> memref<1x80xf32, #tpu.memory_space<vmem>>
    %dma_wait3A_84 = tpu.memref_squeeze %dma_wait3A_83 : memref<1x80xf32, #tpu.memory_space<vmem>> -> memref<80xf32, #tpu.memory_space<vmem>>
    %dma_wait3A_85 = arith.constant 0 : i32
    %dma_wait3A_86 = tpu.memref_slice %arg8[%dma_wait3A_85] : memref<4000xi32, #tpu.memory_space<vmem>> -> memref<80xi32, #tpu.memory_space<vmem>>
    %dma_wait3A_87 = arith.constant 0 : i32
    %dma_wait3A_88 = tpu.memref_slice %arg4[%dma_wait3A_87] : memref<10000xf32, #tpu.memory_space<hbm>> -> memref<10000xf32, #tpu.memory_space<hbm>>
    tpu.wait_indirect_dma semaphore(%arg14 : memref<!tpu.dma_semaphore, #tpu.memory_space<semaphore_mem>>) src(%dma_wait3A_88 : memref<10000xf32, #tpu.memory_space<hbm>>) dst(%dma_wait3A_84 : memref<80xf32, #tpu.memory_space<vmem>>)
    %get3A = arith.constant 0 : i32
    %get3A_89 = arith.index_cast %get3A : i32 to index
    %get3A_90 = arith.constant 0 : index
    %get3A_91 = tpu.vector_load %arg11[%get3A_89, %get3A_90] {strides = array<i32>} : memref<2x80xf32, #tpu.memory_space<vmem>>, vector<1x16xf32>,
    %get3A_92 = vector.shape_cast %get3A_91 : vector<1x16xf32> to vector<16xf32>
    %get3A_93 = arith.constant 0 : i32
    %get3A_94 = arith.index_cast %get3A_93 : i32 to index
    %get3A_95 = arith.constant 0 : index
    %get3A_96 = tpu.vector_load %arg12[%get3A_94, %get3A_95] {strides = array<i32>} : memref<2x80xf32, #tpu.memory_space<vmem>>, vector<1x16xf32>,
    %get3A_97 = vector.shape_cast %get3A_96 : vector<1x16xf32> to vector<16xf32>
    %sub3A = arith.subf %get3A_92, %get3A_97 : vector<16xf32>
    %abs3A = math.absf %sub3A : vector<16xf32>
    %swap3A = arith.constant 3840 : index
    %swap3A_98 = tpu.vector_load %arg13[%swap3A] {strides = array<i32>} : memref<4000xf32, #tpu.memory_space<vmem>>, vector<16xf32>,
    %swap3A_99 = vector.shape_cast %swap3A_98 : vector<16xf32> to vector<16xf32>
    %swap3A_100 = vector.shape_cast %abs3A : vector<16xf32> to vector<16xf32>
    tpu.vector_store %arg13[%swap3A], %swap3A_100 {strides = array<i32>} : memref<4000xf32, #tpu.memory_space<vmem>>, vector<16xf32>,
    %get3A_101 = arith.constant 0 : i32
    %get3A_102 = arith.index_cast %get3A_101 : i32 to index
    %get3A_103 = arith.constant 16 : index
    %get3A_104 = tpu.vector_load %arg11[%get3A_102, %get3A_103] {strides = array<i32>} : memref<2x80xf32, #tpu.memory_space<vmem>>, vector<1x16xf32>,
    %get3A_105 = vector.shape_cast %get3A_104 : vector<1x16xf32> to vector<16xf32>
    %get3A_106 = arith.constant 0 : i32
    %get3A_107 = arith.index_cast %get3A_106 : i32 to index
    %get3A_108 = arith.constant 16 : index
    %get3A_109 = tpu.vector_load %arg12[%get3A_107, %get3A_108] {strides = array<i32>} : memref<2x80xf32, #tpu.memory_space<vmem>>, vector<1x16xf32>,
    %get3A_110 = vector.shape_cast %get3A_109 : vector<1x16xf32> to vector<16xf32>
    %sub3A_111 = arith.subf %get3A_105, %get3A_110 : vector<16xf32>
    %abs3A_112 = math.absf %sub3A_111 : vector<16xf32>
    %swap3A_113 = arith.constant 3856 : index
    %swap3A_114 = tpu.vector_load %arg13[%swap3A_113] {strides = array<i32>} : memref<4000xf32, #tpu.memory_space<vmem>>, vector<16xf32>,
    %swap3A_115 = vector.shape_cast %swap3A_114 : vector<16xf32> to vector<16xf32>
    %swap3A_116 = vector.shape_cast %abs3A_112 : vector<16xf32> to vector<16xf32>
    tpu.vector_store %arg13[%swap3A_113], %swap3A_116 {strides = array<i32>} : memref<4000xf32, #tpu.memory_space<vmem>>, vector<16xf32>,
    %get3A_117 = arith.constant 0 : i32
    %get3A_118 = arith.index_cast %get3A_117 : i32 to index
    %get3A_119 = arith.constant 32 : index
    %get3A_120 = tpu.vector_load %arg11[%get3A_118, %get3A_119] {strides = array<i32>} : memref<2x80xf32, #tpu.memory_space<vmem>>, vector<1x16xf32>,
    %get3A_121 = vector.shape_cast %get3A_120 : vector<1x16xf32> to vector<16xf32>
    %get3A_122 = arith.constant 0 : i32
    %get3A_123 = arith.index_cast %get3A_122 : i32 to index
    %get3A_124 = arith.constant 32 : index
    %get3A_125 = tpu.vector_load %arg12[%get3A_123, %get3A_124] {strides = array<i32>} : memref<2x80xf32, #tpu.memory_space<vmem>>, vector<1x16xf32>,
    %get3A_126 = vector.shape_cast %get3A_125 : vector<1x16xf32> to vector<16xf32>
    %sub3A_127 = arith.subf %get3A_121, %get3A_126 : vector<16xf32>
    %abs3A_128 = math.absf %sub3A_127 : vector<16xf32>
    %swap3A_129 = arith.constant 3872 : index
    %swap3A_130 = tpu.vector_load %arg13[%swap3A_129] {strides = array<i32>} : memref<4000xf32, #tpu.memory_space<vmem>>, vector<16xf32>,
    %swap3A_131 = vector.shape_cast %swap3A_130 : vector<16xf32> to vector<16xf32>
    %swap3A_132 = vector.shape_cast %abs3A_128 : vector<16xf32> to vector<16xf32>
    tpu.vector_store %arg13[%swap3A_129], %swap3A_132 {strides = array<i32>} : memref<4000xf32, #tpu.memory_space<vmem>>, vector<16xf32>,
    %get3A_133 = arith.constant 0 : i32
    %get3A_134 = arith.index_cast %get3A_133 : i32 to index
    %get3A_135 = arith.constant 48 : index
    %get3A_136 = tpu.vector_load %arg11[%get3A_134, %get3A_135] {strides = array<i32>} : memref<2x80xf32, #tpu.memory_space<vmem>>, vector<1x16xf32>,
    %get3A_137 = vector.shape_cast %get3A_136 : vector<1x16xf32> to vector<16xf32>
    %get3A_138 = arith.constant 0 : i32
    %get3A_139 = arith.index_cast %get3A_138 : i32 to index
    %get3A_140 = arith.constant 48 : index
    %get3A_141 = tpu.vector_load %arg12[%get3A_139, %get3A_140] {strides = array<i32>} : memref<2x80xf32, #tpu.memory_space<vmem>>, vector<1x16xf32>,
    %get3A_142 = vector.shape_cast %get3A_141 : vector<1x16xf32> to vector<16xf32>
    %sub3A_143 = arith.subf %get3A_137, %get3A_142 : vector<16xf32>
    %abs3A_144 = math.absf %sub3A_143 : vector<16xf32>
    %swap3A_145 = arith.constant 3888 : index
    %swap3A_146 = tpu.vector_load %arg13[%swap3A_145] {strides = array<i32>} : memref<4000xf32, #tpu.memory_space<vmem>>, vector<16xf32>,
    %swap3A_147 = vector.shape_cast %swap3A_146 : vector<16xf32> to vector<16xf32>
    %swap3A_148 = vector.shape_cast %abs3A_144 : vector<16xf32> to vector<16xf32>
    tpu.vector_store %arg13[%swap3A_145], %swap3A_148 {strides = array<i32>} : memref<4000xf32, #tpu.memory_space<vmem>>, vector<16xf32>,
    %get3A_149 = arith.constant 0 : i32
    %get3A_150 = arith.index_cast %get3A_149 : i32 to index
    %get3A_151 = arith.constant 64 : index
    %get3A_152 = tpu.vector_load %arg11[%get3A_150, %get3A_151] {strides = array<i32>} : memref<2x80xf32, #tpu.memory_space<vmem>>, vector<1x16xf32>,
    %get3A_153 = vector.shape_cast %get3A_152 : vector<1x16xf32> to vector<16xf32>
    %get3A_154 = arith.constant 0 : i32
    %get3A_155 = arith.index_cast %get3A_154 : i32 to index
    %get3A_156 = arith.constant 64 : index
    %get3A_157 = tpu.vector_load %arg12[%get3A_155, %get3A_156] {strides = array<i32>} : memref<2x80xf32, #tpu.memory_space<vmem>>, vector<1x16xf32>,
    %get3A_158 = vector.shape_cast %get3A_157 : vector<1x16xf32> to vector<16xf32>
    %sub3A_159 = arith.subf %get3A_153, %get3A_158 : vector<16xf32>
    %abs3A_160 = math.absf %sub3A_159 : vector<16xf32>
    %swap3A_161 = arith.constant 3904 : index
    %swap3A_162 = tpu.vector_load %arg13[%swap3A_161] {strides = array<i32>} : memref<4000xf32, #tpu.memory_space<vmem>>, vector<16xf32>,
    %swap3A_163 = vector.shape_cast %swap3A_162 : vector<16xf32> to vector<16xf32>
    %swap3A_164 = vector.shape_cast %abs3A_160 : vector<16xf32> to vector<16xf32>
    tpu.vector_store %arg13[%swap3A_161], %swap3A_164 {strides = array<i32>} : memref<4000xf32, #tpu.memory_space<vmem>>, vector<16xf32>,
    %add3A_165 = arith.constant 3840 : i32
    %add3A_166 = arith.addi %mul3A_2, %add3A_165 : i32
    %run_scoped3A = arith.constant 0 : i32
    "tpu.region"() ({
      %run_scoped3A_276 = tpu.sem_alloc : memref<!tpu.dma_semaphore, #tpu.memory_space<semaphore_mem>>
      %dma_start3A_277 = arith.constant 0 : i32
      %dma_start3A_278 = arith.constant 0 : i32
      %dma_start3A_279 = tpu.memref_slice %arg10[%run_scoped3A, %dma_start3A_277, %dma_start3A_278] : memref<2x80x128xf32, #tpu.memory_space<vmem>> -> memref<1x80x128xf32, #tpu.memory_space<vmem>>
      %dma_start3A_280 = tpu.memref_squeeze %dma_start3A_279 : memref<1x80x128xf32, #tpu.memory_space<vmem>> -> memref<80x128xf32, #tpu.memory_space<vmem>>
      %dma_start3A_281 = arith.constant 0 : i32
      %dma_start3A_282 = tpu.memref_slice %arg6[%add3A_166, %dma_start3A_281] : memref<129024x128xf32, #tpu.memory_space<hbm>> -> memref<80x128xf32, #tpu.memory_space<hbm>>
      %dma_start3A_283 = arith.constant 0 : i32
      %dma_start3A_284 = tpu.memref_slice %arg6[%add3A_166, %dma_start3A_283] : memref<129024x128xf32, #tpu.memory_space<hbm>> -> memref<80x128xf32, #tpu.memory_space<hbm>>
      %dma_start3A_285 = arith.constant 0 : i32
      %dma_start3A_286 = arith.constant 0 : i32
      %dma_start3A_287 = tpu.memref_slice %arg10[%run_scoped3A, %dma_start3A_285, %dma_start3A_286] : memref<2x80x128xf32, #tpu.memory_space<vmem>> -> memref<1x80x128xf32, #tpu.memory_space<vmem>>
      %dma_start3A_288 = tpu.memref_squeeze %dma_start3A_287 : memref<1x80x128xf32, #tpu.memory_space<vmem>> -> memref<80x128xf32, #tpu.memory_space<vmem>>
      tpu.enqueue_dma source(%dma_start3A_288 : memref<80x128xf32, #tpu.memory_space<vmem>>) target(%dma_start3A_284 : memref<80x128xf32, #tpu.memory_space<hbm>>) target_semaphore(%run_scoped3A_276 : memref<!tpu.dma_semaphore, #tpu.memory_space<semaphore_mem>>)
      %dma_wait3A_289 = arith.constant 0 : i32
      %dma_wait3A_290 = arith.constant 0 : i32
      %dma_wait3A_291 = tpu.memref_slice %arg10[%run_scoped3A, %dma_wait3A_289, %dma_wait3A_290] : memref<2x80x128xf32, #tpu.memory_space<vmem>> -> memref<1x80x128xf32, #tpu.memory_space<vmem>>
      %dma_wait3A_292 = tpu.memref_squeeze %dma_wait3A_291 : memref<1x80x128xf32, #tpu.memory_space<vmem>> -> memref<80x128xf32, #tpu.memory_space<vmem>>
      %dma_wait3A_293 = arith.constant 0 : i32
      %dma_wait3A_294 = tpu.memref_slice %arg6[%add3A_166, %dma_wait3A_293] : memref<129024x128xf32, #tpu.memory_space<hbm>> -> memref<80x128xf32, #tpu.memory_space<hbm>>
      %dma_wait3A_295 = arith.constant 0 : i32
      %dma_wait3A_296 = tpu.memref_slice %arg6[%add3A_166, %dma_wait3A_295] : memref<129024x128xf32, #tpu.memory_space<hbm>> -> memref<80x128xf32, #tpu.memory_space<hbm>>
      %dma_wait3A_297 = arith.constant 0 : i32
      %dma_wait3A_298 = arith.constant 0 : i32
      %dma_wait3A_299 = tpu.memref_slice %arg10[%run_scoped3A, %dma_wait3A_297, %dma_wait3A_298] : memref<2x80x128xf32, #tpu.memory_space<vmem>> -> memref<1x80x128xf32, #tpu.memory_space<vmem>>
      %dma_wait3A_300 = tpu.memref_squeeze %dma_wait3A_299 : memref<1x80x128xf32, #tpu.memory_space<vmem>> -> memref<80x128xf32, #tpu.memory_space<vmem>>
      tpu.wait_dma2 semaphore(%run_scoped3A_276 : memref<!tpu.dma_semaphore, #tpu.memory_space<semaphore_mem>>) src(%dma_wait3A_300 : memref<80x128xf32, #tpu.memory_space<vmem>>) dst(%dma_wait3A_296 : memref<80x128xf32, #tpu.memory_space<hbm>>)
      tpu.yield
    }) : () -> ()
    %dma_wait3A_167 = arith.constant 1 : i32
    %dma_wait3A_168 = arith.constant 0 : i32
    %dma_wait3A_169 = arith.constant 0 : i32
    %dma_wait3A_170 = tpu.memref_slice %arg10[%dma_wait3A_167, %dma_wait3A_168, %dma_wait3A_169] : memref<2x80x128xf32, #tpu.memory_space<vmem>> -> memref<1x80x128xf32, #tpu.memory_space<vmem>>
    %dma_wait3A_171 = tpu.memref_squeeze %dma_wait3A_170 : memref<1x80x128xf32, #tpu.memory_space<vmem>> -> memref<80x128xf32, #tpu.memory_space<vmem>>
    %dma_wait3A_172 = arith.constant 0 : i32
    %dma_wait3A_173 = tpu.memref_slice %arg9[%dma_wait3A_172] : memref<4000xi32, #tpu.memory_space<vmem>> -> memref<80xi32, #tpu.memory_space<vmem>>
    %dma_wait3A_174 = arith.constant 0 : i32
    %dma_wait3A_175 = arith.constant 0 : i32
    %dma_wait3A_176 = tpu.memref_slice %arg5[%dma_wait3A_174, %dma_wait3A_175] : memref<10000x128xf32, #tpu.memory_space<hbm>> -> memref<10000x128xf32, #tpu.memory_space<hbm>>
    tpu.wait_indirect_dma semaphore(%arg15 : memref<!tpu.dma_semaphore, #tpu.memory_space<semaphore_mem>>) src(%dma_wait3A_176 : memref<10000x128xf32, #tpu.memory_space<hbm>>) dst(%dma_wait3A_171 : memref<80x128xf32, #tpu.memory_space<vmem>>)
    %dma_wait3A_177 = arith.constant 1 : i32
    %dma_wait3A_178 = arith.constant 0 : i32
    %dma_wait3A_179 = tpu.memref_slice %arg11[%dma_wait3A_177, %dma_wait3A_178] : memref<2x80xf32, #tpu.memory_space<vmem>> -> memref<1x80xf32, #tpu.memory_space<vmem>>
    %dma_wait3A_180 = tpu.memref_squeeze %dma_wait3A_179 : memref<1x80xf32, #tpu.memory_space<vmem>> -> memref<80xf32, #tpu.memory_space<vmem>>
    %dma_wait3A_181 = arith.constant 0 : i32
    %dma_wait3A_182 = tpu.memref_slice %arg8[%dma_wait3A_181] : memref<4000xi32, #tpu.memory_space<vmem>> -> memref<80xi32, #tpu.memory_space<vmem>>
    %dma_wait3A_183 = arith.constant 0 : i32
    %dma_wait3A_184 = tpu.memref_slice %arg4[%dma_wait3A_183] : memref<10000xf32, #tpu.memory_space<hbm>> -> memref<10000xf32, #tpu.memory_space<hbm>>
    tpu.wait_indirect_dma semaphore(%arg15 : memref<!tpu.dma_semaphore, #tpu.memory_space<semaphore_mem>>) src(%dma_wait3A_184 : memref<10000xf32, #tpu.memory_space<hbm>>) dst(%dma_wait3A_180 : memref<80xf32, #tpu.memory_space<vmem>>)
    %dma_wait3A_185 = arith.constant 1 : i32
    %dma_wait3A_186 = arith.constant 0 : i32
    %dma_wait3A_187 = tpu.memref_slice %arg12[%dma_wait3A_185, %dma_wait3A_186] : memref<2x80xf32, #tpu.memory_space<vmem>> -> memref<1x80xf32, #tpu.memory_space<vmem>>
    %dma_wait3A_188 = tpu.memref_squeeze %dma_wait3A_187 : memref<1x80xf32, #tpu.memory_space<vmem>> -> memref<80xf32, #tpu.memory_space<vmem>>
    %dma_wait3A_189 = arith.constant 0 : i32
    %dma_wait3A_190 = tpu.memref_slice %arg8[%dma_wait3A_189] : memref<4000xi32, #tpu.memory_space<vmem>> -> memref<80xi32, #tpu.memory_space<vmem>>
    %dma_wait3A_191 = arith.constant 0 : i32
    %dma_wait3A_192 = tpu.memref_slice %arg4[%dma_wait3A_191] : memref<10000xf32, #tpu.memory_space<hbm>> -> memref<10000xf32, #tpu.memory_space<hbm>>
    tpu.wait_indirect_dma semaphore(%arg15 : memref<!tpu.dma_semaphore, #tpu.memory_space<semaphore_mem>>) src(%dma_wait3A_192 : memref<10000xf32, #tpu.memory_space<hbm>>) dst(%dma_wait3A_188 : memref<80xf32, #tpu.memory_space<vmem>>)
    %get3A_193 = arith.constant 1 : i32
    %get3A_194 = arith.index_cast %get3A_193 : i32 to index
    %get3A_195 = arith.constant 0 : index
    %get3A_196 = tpu.vector_load %arg11[%get3A_194, %get3A_195] {strides = array<i32>} : memref<2x80xf32, #tpu.memory_space<vmem>>, vector<1x16xf32>,
    %get3A_197 = vector.shape_cast %get3A_196 : vector<1x16xf32> to vector<16xf32>
    %get3A_198 = arith.constant 1 : i32
    %get3A_199 = arith.index_cast %get3A_198 : i32 to index
    %get3A_200 = arith.constant 0 : index
    %get3A_201 = tpu.vector_load %arg12[%get3A_199, %get3A_200] {strides = array<i32>} : memref<2x80xf32, #tpu.memory_space<vmem>>, vector<1x16xf32>,
    %get3A_202 = vector.shape_cast %get3A_201 : vector<1x16xf32> to vector<16xf32>
    %sub3A_203 = arith.subf %get3A_197, %get3A_202 : vector<16xf32>
    %abs3A_204 = math.absf %sub3A_203 : vector<16xf32>
    %swap3A_205 = arith.constant 3920 : index
    %swap3A_206 = tpu.vector_load %arg13[%swap3A_205] {strides = array<i32>} : memref<4000xf32, #tpu.memory_space<vmem>>, vector<16xf32>,
    %swap3A_207 = vector.shape_cast %swap3A_206 : vector<16xf32> to vector<16xf32>
    %swap3A_208 = vector.shape_cast %abs3A_204 : vector<16xf32> to vector<16xf32>
    tpu.vector_store %arg13[%swap3A_205], %swap3A_208 {strides = array<i32>} : memref<4000xf32, #tpu.memory_space<vmem>>, vector<16xf32>,
    %get3A_209 = arith.constant 1 : i32
    %get3A_210 = arith.index_cast %get3A_209 : i32 to index
    %get3A_211 = arith.constant 16 : index
    %get3A_212 = tpu.vector_load %arg11[%get3A_210, %get3A_211] {strides = array<i32>} : memref<2x80xf32, #tpu.memory_space<vmem>>, vector<1x16xf32>,
    %get3A_213 = vector.shape_cast %get3A_212 : vector<1x16xf32> to vector<16xf32>
    %get3A_214 = arith.constant 1 : i32
    %get3A_215 = arith.index_cast %get3A_214 : i32 to index
    %get3A_216 = arith.constant 16 : index
    %get3A_217 = tpu.vector_load %arg12[%get3A_215, %get3A_216] {strides = array<i32>} : memref<2x80xf32, #tpu.memory_space<vmem>>, vector<1x16xf32>,
    %get3A_218 = vector.shape_cast %get3A_217 : vector<1x16xf32> to vector<16xf32>
    %sub3A_219 = arith.subf %get3A_213, %get3A_218 : vector<16xf32>
    %abs3A_220 = math.absf %sub3A_219 : vector<16xf32>
    %swap3A_221 = arith.constant 3936 : index
    %swap3A_222 = tpu.vector_load %arg13[%swap3A_221] {strides = array<i32>} : memref<4000xf32, #tpu.memory_space<vmem>>, vector<16xf32>,
    %swap3A_223 = vector.shape_cast %swap3A_222 : vector<16xf32> to vector<16xf32>
    %swap3A_224 = vector.shape_cast %abs3A_220 : vector<16xf32> to vector<16xf32>
    tpu.vector_store %arg13[%swap3A_221], %swap3A_224 {strides = array<i32>} : memref<4000xf32, #tpu.memory_space<vmem>>, vector<16xf32>,
    %get3A_225 = arith.constant 1 : i32
    %get3A_226 = arith.index_cast %get3A_225 : i32 to index
    %get3A_227 = arith.constant 32 : index
    %get3A_228 = tpu.vector_load %arg11[%get3A_226, %get3A_227] {strides = array<i32>} : memref<2x80xf32, #tpu.memory_space<vmem>>, vector<1x16xf32>,
    %get3A_229 = vector.shape_cast %get3A_228 : vector<1x16xf32> to vector<16xf32>
    %get3A_230 = arith.constant 1 : i32
    %get3A_231 = arith.index_cast %get3A_230 : i32 to index
    %get3A_232 = arith.constant 32 : index
    %get3A_233 = tpu.vector_load %arg12[%get3A_231, %get3A_232] {strides = array<i32>} : memref<2x80xf32, #tpu.memory_space<vmem>>, vector<1x16xf32>,
    %get3A_234 = vector.shape_cast %get3A_233 : vector<1x16xf32> to vector<16xf32>
    %sub3A_235 = arith.subf %get3A_229, %get3A_234 : vector<16xf32>
    %abs3A_236 = math.absf %sub3A_235 : vector<16xf32>
    %swap3A_237 = arith.constant 3952 : index
    %swap3A_238 = tpu.vector_load %arg13[%swap3A_237] {strides = array<i32>} : memref<4000xf32, #tpu.memory_space<vmem>>, vector<16xf32>,
    %swap3A_239 = vector.shape_cast %swap3A_238 : vector<16xf32> to vector<16xf32>
    %swap3A_240 = vector.shape_cast %abs3A_236 : vector<16xf32> to vector<16xf32>
    tpu.vector_store %arg13[%swap3A_237], %swap3A_240 {strides = array<i32>} : memref<4000xf32, #tpu.memory_space<vmem>>, vector<16xf32>,
    %get3A_241 = arith.constant 1 : i32
    %get3A_242 = arith.index_cast %get3A_241 : i32 to index
    %get3A_243 = arith.constant 48 : index
    %get3A_244 = tpu.vector_load %arg11[%get3A_242, %get3A_243] {strides = array<i32>} : memref<2x80xf32, #tpu.memory_space<vmem>>, vector<1x16xf32>,
    %get3A_245 = vector.shape_cast %get3A_244 : vector<1x16xf32> to vector<16xf32>
    %get3A_246 = arith.constant 1 : i32
    %get3A_247 = arith.index_cast %get3A_246 : i32 to index
    %get3A_248 = arith.constant 48 : index
    %get3A_249 = tpu.vector_load %arg12[%get3A_247, %get3A_248] {strides = array<i32>} : memref<2x80xf32, #tpu.memory_space<vmem>>, vector<1x16xf32>,
    %get3A_250 = vector.shape_cast %get3A_249 : vector<1x16xf32> to vector<16xf32>
    %sub3A_251 = arith.subf %get3A_245, %get3A_250 : vector<16xf32>
    %abs3A_252 = math.absf %sub3A_251 : vector<16xf32>
    %swap3A_253 = arith.constant 3968 : index
    %swap3A_254 = tpu.vector_load %arg13[%swap3A_253] {strides = array<i32>} : memref<4000xf32, #tpu.memory_space<vmem>>, vector<16xf32>,
    %swap3A_255 = vector.shape_cast %swap3A_254 : vector<16xf32> to vector<16xf32>
    %swap3A_256 = vector.shape_cast %abs3A_252 : vector<16xf32> to vector<16xf32>
    tpu.vector_store %arg13[%swap3A_253], %swap3A_256 {strides = array<i32>} : memref<4000xf32, #tpu.memory_space<vmem>>, vector<16xf32>,
    %get3A_257 = arith.constant 1 : i32
    %get3A_258 = arith.index_cast %get3A_257 : i32 to index
    %get3A_259 = arith.constant 64 : index
    %get3A_260 = tpu.vector_load %arg11[%get3A_258, %get3A_259] {strides = array<i32>} : memref<2x80xf32, #tpu.memory_space<vmem>>, vector<1x16xf32>,
    %get3A_261 = vector.shape_cast %get3A_260 : vector<1x16xf32> to vector<16xf32>
    %get3A_262 = arith.constant 1 : i32
    %get3A_263 = arith.index_cast %get3A_262 : i32 to index
    %get3A_264 = arith.constant 64 : index
    %get3A_265 = tpu.vector_load %arg12[%get3A_263, %get3A_264] {strides = array<i32>} : memref<2x80xf32, #tpu.memory_space<vmem>>, vector<1x16xf32>,
    %get3A_266 = vector.shape_cast %get3A_265 : vector<1x16xf32> to vector<16xf32>
    %sub3A_267 = arith.subf %get3A_261, %get3A_266 : vector<16xf32>
    %abs3A_268 = math.absf %sub3A_267 : vector<16xf32>
    %swap3A_269 = arith.constant 3984 : index
    %swap3A_270 = tpu.vector_load %arg13[%swap3A_269] {strides = array<i32>} : memref<4000xf32, #tpu.memory_space<vmem>>, vector<16xf32>,
    %swap3A_271 = vector.shape_cast %swap3A_270 : vector<16xf32> to vector<16xf32>
    %swap3A_272 = vector.shape_cast %abs3A_268 : vector<16xf32> to vector<16xf32>
    tpu.vector_store %arg13[%swap3A_269], %swap3A_272 {strides = array<i32>} : memref<4000xf32, #tpu.memory_space<vmem>>, vector<16xf32>,
    %add3A_273 = arith.constant 3920 : i32
    %add3A_274 = arith.addi %mul3A_2, %add3A_273 : i32
    %run_scoped3A_275 = arith.constant 1 : i32
    "tpu.region"() ({
      %run_scoped3A_276 = tpu.sem_alloc : memref<!tpu.dma_semaphore, #tpu.memory_space<semaphore_mem>>
      %dma_start3A_277 = arith.constant 0 : i32
      %dma_start3A_278 = arith.constant 0 : i32
      %dma_start3A_279 = tpu.memref_slice %arg10[%run_scoped3A_275, %dma_start3A_277, %dma_start3A_278] : memref<2x80x128xf32, #tpu.memory_space<vmem>> -> memref<1x80x128xf32, #tpu.memory_space<vmem>>
      %dma_start3A_280 = tpu.memref_squeeze %dma_start3A_279 : memref<1x80x128xf32, #tpu.memory_space<vmem>> -> memref<80x128xf32, #tpu.memory_space<vmem>>
      %dma_start3A_281 = arith.constant 0 : i32
      %dma_start3A_282 = tpu.memref_slice %arg6[%add3A_274, %dma_start3A_281] : memref<129024x128xf32, #tpu.memory_space<hbm>> -> memref<80x128xf32, #tpu.memory_space<hbm>>
      %dma_start3A_283 = arith.constant 0 : i32
      %dma_start3A_284 = tpu.memref_slice %arg6[%add3A_274, %dma_start3A_283] : memref<129024x128xf32, #tpu.memory_space<hbm>> -> memref<80x128xf32, #tpu.memory_space<hbm>>
      %dma_start3A_285 = arith.constant 0 : i32
      %dma_start3A_286 = arith.constant 0 : i32
      %dma_start3A_287 = tpu.memref_slice %arg10[%run_scoped3A_275, %dma_start3A_285, %dma_start3A_286] : memref<2x80x128xf32, #tpu.memory_space<vmem>> -> memref<1x80x128xf32, #tpu.memory_space<vmem>>
      %dma_start3A_288 = tpu.memref_squeeze %dma_start3A_287 : memref<1x80x128xf32, #tpu.memory_space<vmem>> -> memref<80x128xf32, #tpu.memory_space<vmem>>
      tpu.enqueue_dma source(%dma_start3A_288 : memref<80x128xf32, #tpu.memory_space<vmem>>) target(%dma_start3A_284 : memref<80x128xf32, #tpu.memory_space<hbm>>) target_semaphore(%run_scoped3A_276 : memref<!tpu.dma_semaphore, #tpu.memory_space<semaphore_mem>>)
      %dma_wait3A_289 = arith.constant 0 : i32
      %dma_wait3A_290 = arith.constant 0 : i32
      %dma_wait3A_291 = tpu.memref_slice %arg10[%run_scoped3A_275, %dma_wait3A_289, %dma_wait3A_290] : memref<2x80x128xf32, #tpu.memory_space<vmem>> -> memref<1x80x128xf32, #tpu.memory_space<vmem>>
      %dma_wait3A_292 = tpu.memref_squeeze %dma_wait3A_291 : memref<1x80x128xf32, #tpu.memory_space<vmem>> -> memref<80x128xf32, #tpu.memory_space<vmem>>
      %dma_wait3A_293 = arith.constant 0 : i32
      %dma_wait3A_294 = tpu.memref_slice %arg6[%add3A_274, %dma_wait3A_293] : memref<129024x128xf32, #tpu.memory_space<hbm>> -> memref<80x128xf32, #tpu.memory_space<hbm>>
      %dma_wait3A_295 = arith.constant 0 : i32
      %dma_wait3A_296 = tpu.memref_slice %arg6[%add3A_274, %dma_wait3A_295] : memref<129024x128xf32, #tpu.memory_space<hbm>> -> memref<80x128xf32, #tpu.memory_space<hbm>>
      %dma_wait3A_297 = arith.constant 0 : i32
      %dma_wait3A_298 = arith.constant 0 : i32
      %dma_wait3A_299 = tpu.memref_slice %arg10[%run_scoped3A_275, %dma_wait3A_297, %dma_wait3A_298] : memref<2x80x128xf32, #tpu.memory_space<vmem>> -> memref<1x80x128xf32, #tpu.memory_space<vmem>>
      %dma_wait3A_300 = tpu.memref_squeeze %dma_wait3A_299 : memref<1x80x128xf32, #tpu.memory_space<vmem>> -> memref<80x128xf32, #tpu.memory_space<vmem>>
      tpu.wait_dma2 semaphore(%run_scoped3A_276 : memref<!tpu.dma_semaphore, #tpu.memory_space<semaphore_mem>>) src(%dma_wait3A_300 : memref<80x128xf32, #tpu.memory_space<vmem>>) dst(%dma_wait3A_296 : memref<80x128xf32, #tpu.memory_space<hbm>>)
      tpu.yield
    }) : () -> ()
    "tpu.region"() ({
      %run_scoped3A_276 = tpu.sem_alloc : memref<!tpu.dma_semaphore, #tpu.memory_space<semaphore_mem>>
      %dma_start3A_277 = tpu.memref_slice %arg7[%mul3A_2] : memref<129024xf32, #tpu.memory_space<hbm>> -> memref<4000xf32, #tpu.memory_space<hbm>>
      %dma_start3A_278 = tpu.memref_slice %arg7[%mul3A_2] : memref<129024xf32, #tpu.memory_space<hbm>> -> memref<4000xf32, #tpu.memory_space<hbm>>
      tpu.enqueue_dma source(%arg13 : memref<4000xf32, #tpu.memory_space<vmem>>) target(%dma_start3A_278 : memref<4000xf32, #tpu.memory_space<hbm>>) target_semaphore(%run_scoped3A_276 : memref<!tpu.dma_semaphore, #tpu.memory_space<semaphore_mem>>)
      %dma_wait3A_279 = tpu.memref_slice %arg7[%mul3A_2] : memref<129024xf32, #tpu.memory_space<hbm>> -> memref<4000xf32, #tpu.memory_space<hbm>>
      %dma_wait3A_280 = tpu.memref_slice %arg7[%mul3A_2] : memref<129024xf32, #tpu.memory_space<hbm>> -> memref<4000xf32, #tpu.memory_space<hbm>>
      tpu.wait_dma2 semaphore(%run_scoped3A_276 : memref<!tpu.dma_semaphore, #tpu.memory_space<semaphore_mem>>) src(%arg13 : memref<4000xf32, #tpu.memory_space<vmem>>) dst(%dma_wait3A_280 : memref<4000xf32, #tpu.memory_space<hbm>>)
      tpu.yield
    }) : () -> ()
    return
  }
}

#map = affine_map<(d0, d1) -> (0)>
#map1 = affine_map<(d0, d1) -> (0, 0)>
module attributes {stable_mosaic.version = 14 : i64} {
  func.func @a_kernel(%arg0: i32, %arg1: i32, %arg2: memref<320000xi32, #tpu.memory_space<hbm>>, %arg3: memref<320000xi32, #tpu.memory_space<hbm>>, %arg4: memref<10000xf32, #tpu.memory_space<hbm>>, %arg5: memref<10000x128xf32, #tpu.memory_space<hbm>>, %arg6: memref<192512x128xf32, #tpu.memory_space<hbm>>, %arg7: memref<192512xf32, #tpu.memory_space<hbm>>, %arg8: memref<6000xi32, #tpu.memory_space<vmem>>, %arg9: memref<6000xi32, #tpu.memory_space<vmem>>, %arg10: memref<2x80x128xf32, #tpu.memory_space<vmem>>, %arg11: memref<2x80xf32, #tpu.memory_space<vmem>>, %arg12: memref<2x80xf32, #tpu.memory_space<vmem>>, %arg13: memref<6000xf32, #tpu.memory_space<vmem>>, %arg14: memref<!tpu.dma_semaphore, #tpu.memory_space<semaphore_mem>>, %arg15: memref<!tpu.dma_semaphore, #tpu.memory_space<semaphore_mem>>) attributes {dimension_semantics = [#tpu.dimension_semantics<core_parallel>, #tpu.dimension_semantics<subcore_parallel>], iteration_bounds = array<i64: 2, 16>, scalar_prefetch = 0 : i64, scratch_operands = 8 : i64, tpu.core_type = #tpu.core_type<sc_vector_subcore>, window_params = [{transform_indices = #map}, {transform_indices = #map}, {transform_indices = #map}, {transform_indices = #map1}, {transform_indices = #map1}, {transform_indices = #map}]} {
    %mul3A = arith.constant 16 : i32
    %mul3A_0 = arith.muli %arg0, %mul3A : i32
    %add3A = arith.addi %mul3A_0, %arg1 : i32
    %mul3A_1 = arith.constant 6000 : i32
    %mul3A_2 = arith.muli %add3A, %mul3A_1 : i32
    %add3A_3 = arith.constant 0 : i32
    %add3A_4 = arith.addi %add3A_3, %mul3A_2 : i32
    "tpu.region"() ({
      %run_scoped3A_141 = tpu.sem_alloc : memref<!tpu.dma_semaphore, #tpu.memory_space<semaphore_mem>>
      %dma_start3A_142 = tpu.memref_slice %arg2[%add3A_4] : memref<320000xi32, #tpu.memory_space<hbm>> -> memref<6000xi32, #tpu.memory_space<hbm>>
      %dma_start3A_143 = tpu.memref_slice %arg2[%add3A_4] : memref<320000xi32, #tpu.memory_space<hbm>> -> memref<6000xi32, #tpu.memory_space<hbm>>
      tpu.enqueue_dma source(%dma_start3A_143 : memref<6000xi32, #tpu.memory_space<hbm>>) target(%arg8 : memref<6000xi32, #tpu.memory_space<vmem>>) target_semaphore(%run_scoped3A_141 : memref<!tpu.dma_semaphore, #tpu.memory_space<semaphore_mem>>)
      %dma_wait3A_144 = tpu.memref_slice %arg2[%add3A_4] : memref<320000xi32, #tpu.memory_space<hbm>> -> memref<6000xi32, #tpu.memory_space<hbm>>
      %dma_wait3A_145 = tpu.memref_slice %arg2[%add3A_4] : memref<320000xi32, #tpu.memory_space<hbm>> -> memref<6000xi32, #tpu.memory_space<hbm>>
      tpu.wait_dma2 semaphore(%run_scoped3A_141 : memref<!tpu.dma_semaphore, #tpu.memory_space<semaphore_mem>>) src(%dma_wait3A_145 : memref<6000xi32, #tpu.memory_space<hbm>>) dst(%arg8 : memref<6000xi32, #tpu.memory_space<vmem>>)
      tpu.yield
    }) : () -> ()
    %add3A_5 = arith.constant 0 : i32
    %add3A_6 = arith.addi %add3A_5, %mul3A_2 : i32
    "tpu.region"() ({
      %run_scoped3A_141 = tpu.sem_alloc : memref<!tpu.dma_semaphore, #tpu.memory_space<semaphore_mem>>
      %dma_start3A_142 = tpu.memref_slice %arg3[%add3A_6] : memref<320000xi32, #tpu.memory_space<hbm>> -> memref<6000xi32, #tpu.memory_space<hbm>>
      %dma_start3A_143 = tpu.memref_slice %arg3[%add3A_6] : memref<320000xi32, #tpu.memory_space<hbm>> -> memref<6000xi32, #tpu.memory_space<hbm>>
      tpu.enqueue_dma source(%dma_start3A_143 : memref<6000xi32, #tpu.memory_space<hbm>>) target(%arg9 : memref<6000xi32, #tpu.memory_space<vmem>>) target_semaphore(%run_scoped3A_141 : memref<!tpu.dma_semaphore, #tpu.memory_space<semaphore_mem>>)
      %dma_wait3A_144 = tpu.memref_slice %arg3[%add3A_6] : memref<320000xi32, #tpu.memory_space<hbm>> -> memref<6000xi32, #tpu.memory_space<hbm>>
      %dma_wait3A_145 = tpu.memref_slice %arg3[%add3A_6] : memref<320000xi32, #tpu.memory_space<hbm>> -> memref<6000xi32, #tpu.memory_space<hbm>>
      tpu.wait_dma2 semaphore(%run_scoped3A_141 : memref<!tpu.dma_semaphore, #tpu.memory_space<semaphore_mem>>) src(%dma_wait3A_145 : memref<6000xi32, #tpu.memory_space<hbm>>) dst(%arg9 : memref<6000xi32, #tpu.memory_space<vmem>>)
      tpu.yield
    }) : () -> ()
    %dma_start3A = arith.constant 0 : i32
    %dma_start3A_7 = arith.constant 0 : i32
    %dma_start3A_8 = arith.constant 0 : i32
    %dma_start3A_9 = tpu.memref_slice %arg10[%dma_start3A, %dma_start3A_7, %dma_start3A_8] : memref<2x80x128xf32, #tpu.memory_space<vmem>> -> memref<1x80x128xf32, #tpu.memory_space<vmem>>
    %dma_start3A_10 = tpu.memref_squeeze %dma_start3A_9 : memref<1x80x128xf32, #tpu.memory_space<vmem>> -> memref<80x128xf32, #tpu.memory_space<vmem>>
    %dma_start3A_11 = arith.constant 0 : i32
    %dma_start3A_12 = tpu.memref_slice %arg9[%dma_start3A_11] : memref<6000xi32, #tpu.memory_space<vmem>> -> memref<80xi32, #tpu.memory_space<vmem>>
    %dma_start3A_13 = arith.constant 0 : i32
    %dma_start3A_14 = arith.constant 0 : i32
    %dma_start3A_15 = tpu.memref_slice %arg5[%dma_start3A_13, %dma_start3A_14] : memref<10000x128xf32, #tpu.memory_space<hbm>> -> memref<10000x128xf32, #tpu.memory_space<hbm>>
    tpu.enqueue_indirect_dma source(%dma_start3A_15 : memref<10000x128xf32, #tpu.memory_space<hbm>>) target(%dma_start3A_10 : memref<80x128xf32, #tpu.memory_space<vmem>>) offsets(%dma_start3A_12 : memref<80xi32, #tpu.memory_space<vmem>>) semaphore(%arg14 : memref<!tpu.dma_semaphore, #tpu.memory_space<semaphore_mem>>)
    %dma_start3A_16 = arith.constant 0 : i32
    %dma_start3A_17 = arith.constant 0 : i32
    %dma_start3A_18 = tpu.memref_slice %arg11[%dma_start3A_16, %dma_start3A_17] : memref<2x80xf32, #tpu.memory_space<vmem>> -> memref<1x80xf32, #tpu.memory_space<vmem>>
    %dma_start3A_19 = tpu.memref_squeeze %dma_start3A_18 : memref<1x80xf32, #tpu.memory_space<vmem>> -> memref<80xf32, #tpu.memory_space<vmem>>
    %dma_start3A_20 = arith.constant 0 : i32
    %dma_start3A_21 = tpu.memref_slice %arg8[%dma_start3A_20] : memref<6000xi32, #tpu.memory_space<vmem>> -> memref<80xi32, #tpu.memory_space<vmem>>
    %dma_start3A_22 = arith.constant 0 : i32
    %dma_start3A_23 = tpu.memref_slice %arg4[%dma_start3A_22] : memref<10000xf32, #tpu.memory_space<hbm>> -> memref<10000xf32, #tpu.memory_space<hbm>>
    tpu.enqueue_indirect_dma source(%dma_start3A_23 : memref<10000xf32, #tpu.memory_space<hbm>>) target(%dma_start3A_19 : memref<80xf32, #tpu.memory_space<vmem>>) offsets(%dma_start3A_21 : memref<80xi32, #tpu.memory_space<vmem>>) semaphore(%arg14 : memref<!tpu.dma_semaphore, #tpu.memory_space<semaphore_mem>>)
    %dma_start3A_24 = arith.constant 0 : i32
    %dma_start3A_25 = arith.constant 0 : i32
    %dma_start3A_26 = tpu.memref_slice %arg12[%dma_start3A_24, %dma_start3A_25] : memref<2x80xf32, #tpu.memory_space<vmem>> -> memref<1x80xf32, #tpu.memory_space<vmem>>
    %dma_start3A_27 = tpu.memref_squeeze %dma_start3A_26 : memref<1x80xf32, #tpu.memory_space<vmem>> -> memref<80xf32, #tpu.memory_space<vmem>>
    %dma_start3A_28 = arith.constant 0 : i32
    %dma_start3A_29 = tpu.memref_slice %arg9[%dma_start3A_28] : memref<6000xi32, #tpu.memory_space<vmem>> -> memref<80xi32, #tpu.memory_space<vmem>>
    %dma_start3A_30 = arith.constant 0 : i32
    %dma_start3A_31 = tpu.memref_slice %arg4[%dma_start3A_30] : memref<10000xf32, #tpu.memory_space<hbm>> -> memref<10000xf32, #tpu.memory_space<hbm>>
    tpu.enqueue_indirect_dma source(%dma_start3A_31 : memref<10000xf32, #tpu.memory_space<hbm>>) target(%dma_start3A_27 : memref<80xf32, #tpu.memory_space<vmem>>) offsets(%dma_start3A_29 : memref<80xi32, #tpu.memory_space<vmem>>) semaphore(%arg14 : memref<!tpu.dma_semaphore, #tpu.memory_space<semaphore_mem>>)
    %scan3A = arith.constant 0 : i32
    %scan3A_32 = arith.constant 0 : i32
    %scan3A_33 = arith.constant 37 : i32
    %scan3A_34 = arith.addi %scan3A_32, %scan3A_33 : i32
    %scan3A_35 = arith.constant 1 : i32
    %scan3A_36 = scf.for %scan3A_141 = %scan3A_32 to %scan3A_34 step %scan3A_35 iter_args(%scan3A_142 = %scan3A) -> (i32)  : i32 {
      %mul3A_143 = arith.constant 2 : i32
      %mul3A_144 = arith.muli %mul3A_143, %scan3A_141 : i32
      %add3A_145 = arith.constant 1 : i32
      %add3A_146 = arith.addi %mul3A_144, %add3A_145 : i32
      %mul3A_147 = arith.constant 80 : i32
      %mul3A_148 = arith.muli %add3A_146, %mul3A_147 : i32
      %dma_start3A_149 = arith.constant 1 : i32
      %dma_start3A_150 = arith.constant 0 : i32
      %dma_start3A_151 = arith.constant 0 : i32
      %dma_start3A_152 = tpu.memref_slice %arg10[%dma_start3A_149, %dma_start3A_150, %dma_start3A_151] : memref<2x80x128xf32, #tpu.memory_space<vmem>> -> memref<1x80x128xf32, #tpu.memory_space<vmem>>
      %dma_start3A_153 = tpu.memref_squeeze %dma_start3A_152 : memref<1x80x128xf32, #tpu.memory_space<vmem>> -> memref<80x128xf32, #tpu.memory_space<vmem>>
      %dma_start3A_154 = tpu.memref_slice %arg9[%mul3A_148] : memref<6000xi32, #tpu.memory_space<vmem>> -> memref<80xi32, #tpu.memory_space<vmem>>
      %dma_start3A_155 = arith.constant 0 : i32
      %dma_start3A_156 = arith.constant 0 : i32
      %dma_start3A_157 = tpu.memref_slice %arg5[%dma_start3A_155, %dma_start3A_156] : memref<10000x128xf32, #tpu.memory_space<hbm>> -> memref<10000x128xf32, #tpu.memory_space<hbm>>
      tpu.enqueue_indirect_dma source(%dma_start3A_157 : memref<10000x128xf32, #tpu.memory_space<hbm>>) target(%dma_start3A_153 : memref<80x128xf32, #tpu.memory_space<vmem>>) offsets(%dma_start3A_154 : memref<80xi32, #tpu.memory_space<vmem>>) semaphore(%arg15 : memref<!tpu.dma_semaphore, #tpu.memory_space<semaphore_mem>>)
      %dma_start3A_158 = arith.constant 1 : i32
      %dma_start3A_159 = arith.constant 0 : i32
      %dma_start3A_160 = tpu.memref_slice %arg11[%dma_start3A_158, %dma_start3A_159] : memref<2x80xf32, #tpu.memory_space<vmem>> -> memref<1x80xf32, #tpu.memory_space<vmem>>
      %dma_start3A_161 = tpu.memref_squeeze %dma_start3A_160 : memref<1x80xf32, #tpu.memory_space<vmem>> -> memref<80xf32, #tpu.memory_space<vmem>>
      %dma_start3A_162 = tpu.memref_slice %arg8[%mul3A_148] : memref<6000xi32, #tpu.memory_space<vmem>> -> memref<80xi32, #tpu.memory_space<vmem>>
      %dma_start3A_163 = arith.constant 0 : i32
      %dma_start3A_164 = tpu.memref_slice %arg4[%dma_start3A_163] : memref<10000xf32, #tpu.memory_space<hbm>> -> memref<10000xf32, #tpu.memory_space<hbm>>
      tpu.enqueue_indirect_dma source(%dma_start3A_164 : memref<10000xf32, #tpu.memory_space<hbm>>) target(%dma_start3A_161 : memref<80xf32, #tpu.memory_space<vmem>>) offsets(%dma_start3A_162 : memref<80xi32, #tpu.memory_space<vmem>>) semaphore(%arg15 : memref<!tpu.dma_semaphore, #tpu.memory_space<semaphore_mem>>)
      %dma_start3A_165 = arith.constant 1 : i32
      %dma_start3A_166 = arith.constant 0 : i32
      %dma_start3A_167 = tpu.memref_slice %arg12[%dma_start3A_165, %dma_start3A_166] : memref<2x80xf32, #tpu.memory_space<vmem>> -> memref<1x80xf32, #tpu.memory_space<vmem>>
      %dma_start3A_168 = tpu.memref_squeeze %dma_start3A_167 : memref<1x80xf32, #tpu.memory_space<vmem>> -> memref<80xf32, #tpu.memory_space<vmem>>
      %dma_start3A_169 = tpu.memref_slice %arg9[%mul3A_148] : memref<6000xi32, #tpu.memory_space<vmem>> -> memref<80xi32, #tpu.memory_space<vmem>>
      %dma_start3A_170 = arith.constant 0 : i32
      %dma_start3A_171 = tpu.memref_slice %arg4[%dma_start3A_170] : memref<10000xf32, #tpu.memory_space<hbm>> -> memref<10000xf32, #tpu.memory_space<hbm>>
      tpu.enqueue_indirect_dma source(%dma_start3A_171 : memref<10000xf32, #tpu.memory_space<hbm>>) target(%dma_start3A_168 : memref<80xf32, #tpu.memory_space<vmem>>) offsets(%dma_start3A_169 : memref<80xi32, #tpu.memory_space<vmem>>) semaphore(%arg15 : memref<!tpu.dma_semaphore, #tpu.memory_space<semaphore_mem>>)
      %dma_wait3A_172 = arith.constant 0 : i32
      %dma_wait3A_173 = arith.constant 0 : i32
      %dma_wait3A_174 = arith.constant 0 : i32
      %dma_wait3A_175 = tpu.memref_slice %arg10[%dma_wait3A_172, %dma_wait3A_173, %dma_wait3A_174] : memref<2x80x128xf32, #tpu.memory_space<vmem>> -> memref<1x80x128xf32, #tpu.memory_space<vmem>>
      %dma_wait3A_176 = tpu.memref_squeeze %dma_wait3A_175 : memref<1x80x128xf32, #tpu.memory_space<vmem>> -> memref<80x128xf32, #tpu.memory_space<vmem>>
      %dma_wait3A_177 = arith.constant 0 : i32
      %dma_wait3A_178 = tpu.memref_slice %arg9[%dma_wait3A_177] : memref<6000xi32, #tpu.memory_space<vmem>> -> memref<80xi32, #tpu.memory_space<vmem>>
      %dma_wait3A_179 = arith.constant 0 : i32
      %dma_wait3A_180 = arith.constant 0 : i32
      %dma_wait3A_181 = tpu.memref_slice %arg5[%dma_wait3A_179, %dma_wait3A_180] : memref<10000x128xf32, #tpu.memory_space<hbm>> -> memref<10000x128xf32, #tpu.memory_space<hbm>>
      tpu.wait_indirect_dma semaphore(%arg14 : memref<!tpu.dma_semaphore, #tpu.memory_space<semaphore_mem>>) src(%dma_wait3A_181 : memref<10000x128xf32, #tpu.memory_space<hbm>>) dst(%dma_wait3A_176 : memref<80x128xf32, #tpu.memory_space<vmem>>)
      %dma_wait3A_182 = arith.constant 0 : i32
      %dma_wait3A_183 = arith.constant 0 : i32
      %dma_wait3A_184 = tpu.memref_slice %arg11[%dma_wait3A_182, %dma_wait3A_183] : memref<2x80xf32, #tpu.memory_space<vmem>> -> memref<1x80xf32, #tpu.memory_space<vmem>>
      %dma_wait3A_185 = tpu.memref_squeeze %dma_wait3A_184 : memref<1x80xf32, #tpu.memory_space<vmem>> -> memref<80xf32, #tpu.memory_space<vmem>>
      %dma_wait3A_186 = arith.constant 0 : i32
      %dma_wait3A_187 = tpu.memref_slice %arg8[%dma_wait3A_186] : memref<6000xi32, #tpu.memory_space<vmem>> -> memref<80xi32, #tpu.memory_space<vmem>>
      %dma_wait3A_188 = arith.constant 0 : i32
      %dma_wait3A_189 = tpu.memref_slice %arg4[%dma_wait3A_188] : memref<10000xf32, #tpu.memory_space<hbm>> -> memref<10000xf32, #tpu.memory_space<hbm>>
      tpu.wait_indirect_dma semaphore(%arg14 : memref<!tpu.dma_semaphore, #tpu.memory_space<semaphore_mem>>) src(%dma_wait3A_189 : memref<10000xf32, #tpu.memory_space<hbm>>) dst(%dma_wait3A_185 : memref<80xf32, #tpu.memory_space<vmem>>)
      %dma_wait3A_190 = arith.constant 0 : i32
      %dma_wait3A_191 = arith.constant 0 : i32
      %dma_wait3A_192 = tpu.memref_slice %arg12[%dma_wait3A_190, %dma_wait3A_191] : memref<2x80xf32, #tpu.memory_space<vmem>> -> memref<1x80xf32, #tpu.memory_space<vmem>>
      %dma_wait3A_193 = tpu.memref_squeeze %dma_wait3A_192 : memref<1x80xf32, #tpu.memory_space<vmem>> -> memref<80xf32, #tpu.memory_space<vmem>>
      %dma_wait3A_194 = arith.constant 0 : i32
      %dma_wait3A_195 = tpu.memref_slice %arg8[%dma_wait3A_194] : memref<6000xi32, #tpu.memory_space<vmem>> -> memref<80xi32, #tpu.memory_space<vmem>>
      %dma_wait3A_196 = arith.constant 0 : i32
      %dma_wait3A_197 = tpu.memref_slice %arg4[%dma_wait3A_196] : memref<10000xf32, #tpu.memory_space<hbm>> -> memref<10000xf32, #tpu.memory_space<hbm>>
      tpu.wait_indirect_dma semaphore(%arg14 : memref<!tpu.dma_semaphore, #tpu.memory_space<semaphore_mem>>) src(%dma_wait3A_197 : memref<10000xf32, #tpu.memory_space<hbm>>) dst(%dma_wait3A_193 : memref<80xf32, #tpu.memory_space<vmem>>)
      %mul3A_198 = arith.constant 80 : i32
      %mul3A_199 = arith.muli %mul3A_144, %mul3A_198 : i32
      %get3A_200 = arith.constant 0 : i32
      %get3A_201 = arith.index_cast %get3A_200 : i32 to index
      %get3A_202 = arith.constant 0 : index
      %get3A_203 = tpu.vector_load %arg11[%get3A_201, %get3A_202] {strides = array<i32>} : memref<2x80xf32, #tpu.memory_space<vmem>>, vector<1x16xf32>,
      %get3A_204 = vector.shape_cast %get3A_203 : vector<1x16xf32> to vector<16xf32>
      %get3A_205 = arith.constant 0 : i32
      %get3A_206 = arith.index_cast %get3A_205 : i32 to index
      %get3A_207 = arith.constant 0 : index
      %get3A_208 = tpu.vector_load %arg12[%get3A_206, %get3A_207] {strides = array<i32>} : memref<2x80xf32, #tpu.memory_space<vmem>>, vector<1x16xf32>,
      %get3A_209 = vector.shape_cast %get3A_208 : vector<1x16xf32> to vector<16xf32>
      %sub3A_210 = arith.subf %get3A_204, %get3A_209 : vector<16xf32>
      %abs3A_211 = math.absf %sub3A_210 : vector<16xf32>
      %add3A_212 = arith.constant 0 : i32
      %add3A_213 = arith.addi %mul3A_199, %add3A_212 : i32
      %swap3A_214 = arith.index_cast %add3A_213 : i32 to index
      %swap3A_215 = tpu.vector_load %arg13[%swap3A_214] {strides = array<i32>} : memref<6000xf32, #tpu.memory_space<vmem>>, vector<16xf32>,
      %swap3A_216 = vector.shape_cast %swap3A_215 : vector<16xf32> to vector<16xf32>
      %swap3A_217 = vector.shape_cast %abs3A_211 : vector<16xf32> to vector<16xf32>
      tpu.vector_store %arg13[%swap3A_214], %swap3A_217 {strides = array<i32>} : memref<6000xf32, #tpu.memory_space<vmem>>, vector<16xf32>,
      %get3A_218 = arith.constant 0 : i32
      %get3A_219 = arith.index_cast %get3A_218 : i32 to index
      %get3A_220 = arith.constant 16 : index
      %get3A_221 = tpu.vector_load %arg11[%get3A_219, %get3A_220] {strides = array<i32>} : memref<2x80xf32, #tpu.memory_space<vmem>>, vector<1x16xf32>,
      %get3A_222 = vector.shape_cast %get3A_221 : vector<1x16xf32> to vector<16xf32>
      %get3A_223 = arith.constant 0 : i32
      %get3A_224 = arith.index_cast %get3A_223 : i32 to index
      %get3A_225 = arith.constant 16 : index
      %get3A_226 = tpu.vector_load %arg12[%get3A_224, %get3A_225] {strides = array<i32>} : memref<2x80xf32, #tpu.memory_space<vmem>>, vector<1x16xf32>,
      %get3A_227 = vector.shape_cast %get3A_226 : vector<1x16xf32> to vector<16xf32>
      %sub3A_228 = arith.subf %get3A_222, %get3A_227 : vector<16xf32>
      %abs3A_229 = math.absf %sub3A_228 : vector<16xf32>
      %add3A_230 = arith.constant 16 : i32
      %add3A_231 = arith.addi %mul3A_199, %add3A_230 : i32
      %swap3A_232 = arith.index_cast %add3A_231 : i32 to index
      %swap3A_233 = tpu.vector_load %arg13[%swap3A_232] {strides = array<i32>} : memref<6000xf32, #tpu.memory_space<vmem>>, vector<16xf32>,
      %swap3A_234 = vector.shape_cast %swap3A_233 : vector<16xf32> to vector<16xf32>
      %swap3A_235 = vector.shape_cast %abs3A_229 : vector<16xf32> to vector<16xf32>
      tpu.vector_store %arg13[%swap3A_232], %swap3A_235 {strides = array<i32>} : memref<6000xf32, #tpu.memory_space<vmem>>, vector<16xf32>,
      %get3A_236 = arith.constant 0 : i32
      %get3A_237 = arith.index_cast %get3A_236 : i32 to index
      %get3A_238 = arith.constant 32 : index
      %get3A_239 = tpu.vector_load %arg11[%get3A_237, %get3A_238] {strides = array<i32>} : memref<2x80xf32, #tpu.memory_space<vmem>>, vector<1x16xf32>,
      %get3A_240 = vector.shape_cast %get3A_239 : vector<1x16xf32> to vector<16xf32>
      %get3A_241 = arith.constant 0 : i32
      %get3A_242 = arith.index_cast %get3A_241 : i32 to index
      %get3A_243 = arith.constant 32 : index
      %get3A_244 = tpu.vector_load %arg12[%get3A_242, %get3A_243] {strides = array<i32>} : memref<2x80xf32, #tpu.memory_space<vmem>>, vector<1x16xf32>,
      %get3A_245 = vector.shape_cast %get3A_244 : vector<1x16xf32> to vector<16xf32>
      %sub3A_246 = arith.subf %get3A_240, %get3A_245 : vector<16xf32>
      %abs3A_247 = math.absf %sub3A_246 : vector<16xf32>
      %add3A_248 = arith.constant 32 : i32
      %add3A_249 = arith.addi %mul3A_199, %add3A_248 : i32
      %swap3A_250 = arith.index_cast %add3A_249 : i32 to index
      %swap3A_251 = tpu.vector_load %arg13[%swap3A_250] {strides = array<i32>} : memref<6000xf32, #tpu.memory_space<vmem>>, vector<16xf32>,
      %swap3A_252 = vector.shape_cast %swap3A_251 : vector<16xf32> to vector<16xf32>
      %swap3A_253 = vector.shape_cast %abs3A_247 : vector<16xf32> to vector<16xf32>
      tpu.vector_store %arg13[%swap3A_250], %swap3A_253 {strides = array<i32>} : memref<6000xf32, #tpu.memory_space<vmem>>, vector<16xf32>,
      %get3A_254 = arith.constant 0 : i32
      %get3A_255 = arith.index_cast %get3A_254 : i32 to index
      %get3A_256 = arith.constant 48 : index
      %get3A_257 = tpu.vector_load %arg11[%get3A_255, %get3A_256] {strides = array<i32>} : memref<2x80xf32, #tpu.memory_space<vmem>>, vector<1x16xf32>,
      %get3A_258 = vector.shape_cast %get3A_257 : vector<1x16xf32> to vector<16xf32>
      %get3A_259 = arith.constant 0 : i32
      %get3A_260 = arith.index_cast %get3A_259 : i32 to index
      %get3A_261 = arith.constant 48 : index
      %get3A_262 = tpu.vector_load %arg12[%get3A_260, %get3A_261] {strides = array<i32>} : memref<2x80xf32, #tpu.memory_space<vmem>>, vector<1x16xf32>,
      %get3A_263 = vector.shape_cast %get3A_262 : vector<1x16xf32> to vector<16xf32>
      %sub3A_264 = arith.subf %get3A_258, %get3A_263 : vector<16xf32>
      %abs3A_265 = math.absf %sub3A_264 : vector<16xf32>
      %add3A_266 = arith.constant 48 : i32
      %add3A_267 = arith.addi %mul3A_199, %add3A_266 : i32
      %swap3A_268 = arith.index_cast %add3A_267 : i32 to index
      %swap3A_269 = tpu.vector_load %arg13[%swap3A_268] {strides = array<i32>} : memref<6000xf32, #tpu.memory_space<vmem>>, vector<16xf32>,
      %swap3A_270 = vector.shape_cast %swap3A_269 : vector<16xf32> to vector<16xf32>
      %swap3A_271 = vector.shape_cast %abs3A_265 : vector<16xf32> to vector<16xf32>
      tpu.vector_store %arg13[%swap3A_268], %swap3A_271 {strides = array<i32>} : memref<6000xf32, #tpu.memory_space<vmem>>, vector<16xf32>,
      %get3A_272 = arith.constant 0 : i32
      %get3A_273 = arith.index_cast %get3A_272 : i32 to index
      %get3A_274 = arith.constant 64 : index
      %get3A_275 = tpu.vector_load %arg11[%get3A_273, %get3A_274] {strides = array<i32>} : memref<2x80xf32, #tpu.memory_space<vmem>>, vector<1x16xf32>,
      %get3A_276 = vector.shape_cast %get3A_275 : vector<1x16xf32> to vector<16xf32>
      %get3A_277 = arith.constant 0 : i32
      %get3A_278 = arith.index_cast %get3A_277 : i32 to index
      %get3A_279 = arith.constant 64 : index
      %get3A_280 = tpu.vector_load %arg12[%get3A_278, %get3A_279] {strides = array<i32>} : memref<2x80xf32, #tpu.memory_space<vmem>>, vector<1x16xf32>,
      %get3A_281 = vector.shape_cast %get3A_280 : vector<1x16xf32> to vector<16xf32>
      %sub3A_282 = arith.subf %get3A_276, %get3A_281 : vector<16xf32>
      %abs3A_283 = math.absf %sub3A_282 : vector<16xf32>
      %add3A_284 = arith.constant 64 : i32
      %add3A_285 = arith.addi %mul3A_199, %add3A_284 : i32
      %swap3A_286 = arith.index_cast %add3A_285 : i32 to index
      %swap3A_287 = tpu.vector_load %arg13[%swap3A_286] {strides = array<i32>} : memref<6000xf32, #tpu.memory_space<vmem>>, vector<16xf32>,
      %swap3A_288 = vector.shape_cast %swap3A_287 : vector<16xf32> to vector<16xf32>
      %swap3A_289 = vector.shape_cast %abs3A_283 : vector<16xf32> to vector<16xf32>
      tpu.vector_store %arg13[%swap3A_286], %swap3A_289 {strides = array<i32>} : memref<6000xf32, #tpu.memory_space<vmem>>, vector<16xf32>,
      %add3A_290 = arith.addi %mul3A_2, %mul3A_199 : i32
      %run_scoped3A_291 = arith.constant 0 : i32
      "tpu.region"() ({
        %run_scoped3A_442 = tpu.sem_alloc : memref<!tpu.dma_semaphore, #tpu.memory_space<semaphore_mem>>
        %dma_start3A_443 = arith.constant 0 : i32
        %dma_start3A_444 = arith.constant 0 : i32
        %dma_start3A_445 = tpu.memref_slice %arg10[%run_scoped3A_291, %dma_start3A_443, %dma_start3A_444] : memref<2x80x128xf32, #tpu.memory_space<vmem>> -> memref<1x80x128xf32, #tpu.memory_space<vmem>>
        %dma_start3A_446 = tpu.memref_squeeze %dma_start3A_445 : memref<1x80x128xf32, #tpu.memory_space<vmem>> -> memref<80x128xf32, #tpu.memory_space<vmem>>
        %dma_start3A_447 = arith.constant 0 : i32
        %dma_start3A_448 = tpu.memref_slice %arg6[%add3A_290, %dma_start3A_447] : memref<192512x128xf32, #tpu.memory_space<hbm>> -> memref<80x128xf32, #tpu.memory_space<hbm>>
        %dma_start3A_449 = arith.constant 0 : i32
        %dma_start3A_450 = tpu.memref_slice %arg6[%add3A_290, %dma_start3A_449] : memref<192512x128xf32, #tpu.memory_space<hbm>> -> memref<80x128xf32, #tpu.memory_space<hbm>>
        %dma_start3A_451 = arith.constant 0 : i32
        %dma_start3A_452 = arith.constant 0 : i32
        %dma_start3A_453 = tpu.memref_slice %arg10[%run_scoped3A_291, %dma_start3A_451, %dma_start3A_452] : memref<2x80x128xf32, #tpu.memory_space<vmem>> -> memref<1x80x128xf32, #tpu.memory_space<vmem>>
        %dma_start3A_454 = tpu.memref_squeeze %dma_start3A_453 : memref<1x80x128xf32, #tpu.memory_space<vmem>> -> memref<80x128xf32, #tpu.memory_space<vmem>>
        tpu.enqueue_dma source(%dma_start3A_454 : memref<80x128xf32, #tpu.memory_space<vmem>>) target(%dma_start3A_450 : memref<80x128xf32, #tpu.memory_space<hbm>>) target_semaphore(%run_scoped3A_442 : memref<!tpu.dma_semaphore, #tpu.memory_space<semaphore_mem>>)
        %dma_wait3A_455 = arith.constant 0 : i32
        %dma_wait3A_456 = arith.constant 0 : i32
        %dma_wait3A_457 = tpu.memref_slice %arg10[%run_scoped3A_291, %dma_wait3A_455, %dma_wait3A_456] : memref<2x80x128xf32, #tpu.memory_space<vmem>> -> memref<1x80x128xf32, #tpu.memory_space<vmem>>
        %dma_wait3A_458 = tpu.memref_squeeze %dma_wait3A_457 : memref<1x80x128xf32, #tpu.memory_space<vmem>> -> memref<80x128xf32, #tpu.memory_space<vmem>>
        %dma_wait3A_459 = arith.constant 0 : i32
        %dma_wait3A_460 = tpu.memref_slice %arg6[%add3A_290, %dma_wait3A_459] : memref<192512x128xf32, #tpu.memory_space<hbm>> -> memref<80x128xf32, #tpu.memory_space<hbm>>
        %dma_wait3A_461 = arith.constant 0 : i32
        %dma_wait3A_462 = tpu.memref_slice %arg6[%add3A_290, %dma_wait3A_461] : memref<192512x128xf32, #tpu.memory_space<hbm>> -> memref<80x128xf32, #tpu.memory_space<hbm>>
        %dma_wait3A_463 = arith.constant 0 : i32
        %dma_wait3A_464 = arith.constant 0 : i32
        %dma_wait3A_465 = tpu.memref_slice %arg10[%run_scoped3A_291, %dma_wait3A_463, %dma_wait3A_464] : memref<2x80x128xf32, #tpu.memory_space<vmem>> -> memref<1x80x128xf32, #tpu.memory_space<vmem>>
        %dma_wait3A_466 = tpu.memref_squeeze %dma_wait3A_465 : memref<1x80x128xf32, #tpu.memory_space<vmem>> -> memref<80x128xf32, #tpu.memory_space<vmem>>
        tpu.wait_dma2 semaphore(%run_scoped3A_442 : memref<!tpu.dma_semaphore, #tpu.memory_space<semaphore_mem>>) src(%dma_wait3A_466 : memref<80x128xf32, #tpu.memory_space<vmem>>) dst(%dma_wait3A_462 : memref<80x128xf32, #tpu.memory_space<hbm>>)
        tpu.yield
      }) : () -> ()
      %add3A_292 = arith.constant 2 : i32
      %add3A_293 = arith.addi %mul3A_144, %add3A_292 : i32
      %mul3A_294 = arith.constant 80 : i32
      %mul3A_295 = arith.muli %add3A_293, %mul3A_294 : i32
      %dma_start3A_296 = arith.constant 0 : i32
      %dma_start3A_297 = arith.constant 0 : i32
      %dma_start3A_298 = arith.constant 0 : i32
      %dma_start3A_299 = tpu.memref_slice %arg10[%dma_start3A_296, %dma_start3A_297, %dma_start3A_298] : memref<2x80x128xf32, #tpu.memory_space<vmem>> -> memref<1x80x128xf32, #tpu.memory_space<vmem>>
      %dma_start3A_300 = tpu.memref_squeeze %dma_start3A_299 : memref<1x80x128xf32, #tpu.memory_space<vmem>> -> memref<80x128xf32, #tpu.memory_space<vmem>>
      %dma_start3A_301 = tpu.memref_slice %arg9[%mul3A_295] : memref<6000xi32, #tpu.memory_space<vmem>> -> memref<80xi32, #tpu.memory_space<vmem>>
      %dma_start3A_302 = arith.constant 0 : i32
      %dma_start3A_303 = arith.constant 0 : i32
      %dma_start3A_304 = tpu.memref_slice %arg5[%dma_start3A_302, %dma_start3A_303] : memref<10000x128xf32, #tpu.memory_space<hbm>> -> memref<10000x128xf32, #tpu.memory_space<hbm>>
      tpu.enqueue_indirect_dma source(%dma_start3A_304 : memref<10000x128xf32, #tpu.memory_space<hbm>>) target(%dma_start3A_300 : memref<80x128xf32, #tpu.memory_space<vmem>>) offsets(%dma_start3A_301 : memref<80xi32, #tpu.memory_space<vmem>>) semaphore(%arg14 : memref<!tpu.dma_semaphore, #tpu.memory_space<semaphore_mem>>)
      %dma_start3A_305 = arith.constant 0 : i32
      %dma_start3A_306 = arith.constant 0 : i32
      %dma_start3A_307 = tpu.memref_slice %arg11[%dma_start3A_305, %dma_start3A_306] : memref<2x80xf32, #tpu.memory_space<vmem>> -> memref<1x80xf32, #tpu.memory_space<vmem>>
      %dma_start3A_308 = tpu.memref_squeeze %dma_start3A_307 : memref<1x80xf32, #tpu.memory_space<vmem>> -> memref<80xf32, #tpu.memory_space<vmem>>
      %dma_start3A_309 = tpu.memref_slice %arg8[%mul3A_295] : memref<6000xi32, #tpu.memory_space<vmem>> -> memref<80xi32, #tpu.memory_space<vmem>>
      %dma_start3A_310 = arith.constant 0 : i32
      %dma_start3A_311 = tpu.memref_slice %arg4[%dma_start3A_310] : memref<10000xf32, #tpu.memory_space<hbm>> -> memref<10000xf32, #tpu.memory_space<hbm>>
      tpu.enqueue_indirect_dma source(%dma_start3A_311 : memref<10000xf32, #tpu.memory_space<hbm>>) target(%dma_start3A_308 : memref<80xf32, #tpu.memory_space<vmem>>) offsets(%dma_start3A_309 : memref<80xi32, #tpu.memory_space<vmem>>) semaphore(%arg14 : memref<!tpu.dma_semaphore, #tpu.memory_space<semaphore_mem>>)
      %dma_start3A_312 = arith.constant 0 : i32
      %dma_start3A_313 = arith.constant 0 : i32
      %dma_start3A_314 = tpu.memref_slice %arg12[%dma_start3A_312, %dma_start3A_313] : memref<2x80xf32, #tpu.memory_space<vmem>> -> memref<1x80xf32, #tpu.memory_space<vmem>>
      %dma_start3A_315 = tpu.memref_squeeze %dma_start3A_314 : memref<1x80xf32, #tpu.memory_space<vmem>> -> memref<80xf32, #tpu.memory_space<vmem>>
      %dma_start3A_316 = tpu.memref_slice %arg9[%mul3A_295] : memref<6000xi32, #tpu.memory_space<vmem>> -> memref<80xi32, #tpu.memory_space<vmem>>
      %dma_start3A_317 = arith.constant 0 : i32
      %dma_start3A_318 = tpu.memref_slice %arg4[%dma_start3A_317] : memref<10000xf32, #tpu.memory_space<hbm>> -> memref<10000xf32, #tpu.memory_space<hbm>>
      tpu.enqueue_indirect_dma source(%dma_start3A_318 : memref<10000xf32, #tpu.memory_space<hbm>>) target(%dma_start3A_315 : memref<80xf32, #tpu.memory_space<vmem>>) offsets(%dma_start3A_316 : memref<80xi32, #tpu.memory_space<vmem>>) semaphore(%arg14 : memref<!tpu.dma_semaphore, #tpu.memory_space<semaphore_mem>>)
      %dma_wait3A_319 = arith.constant 1 : i32
      %dma_wait3A_320 = arith.constant 0 : i32
      %dma_wait3A_321 = arith.constant 0 : i32
      %dma_wait3A_322 = tpu.memref_slice %arg10[%dma_wait3A_319, %dma_wait3A_320, %dma_wait3A_321] : memref<2x80x128xf32, #tpu.memory_space<vmem>> -> memref<1x80x128xf32, #tpu.memory_space<vmem>>
      %dma_wait3A_323 = tpu.memref_squeeze %dma_wait3A_322 : memref<1x80x128xf32, #tpu.memory_space<vmem>> -> memref<80x128xf32, #tpu.memory_space<vmem>>
      %dma_wait3A_324 = arith.constant 0 : i32
      %dma_wait3A_325 = tpu.memref_slice %arg9[%dma_wait3A_324] : memref<6000xi32, #tpu.memory_space<vmem>> -> memref<80xi32, #tpu.memory_space<vmem>>
      %dma_wait3A_326 = arith.constant 0 : i32
      %dma_wait3A_327 = arith.constant 0 : i32
      %dma_wait3A_328 = tpu.memref_slice %arg5[%dma_wait3A_326, %dma_wait3A_327] : memref<10000x128xf32, #tpu.memory_space<hbm>> -> memref<10000x128xf32, #tpu.memory_space<hbm>>
      tpu.wait_indirect_dma semaphore(%arg15 : memref<!tpu.dma_semaphore, #tpu.memory_space<semaphore_mem>>) src(%dma_wait3A_328 : memref<10000x128xf32, #tpu.memory_space<hbm>>) dst(%dma_wait3A_323 : memref<80x128xf32, #tpu.memory_space<vmem>>)
      %dma_wait3A_329 = arith.constant 1 : i32
      %dma_wait3A_330 = arith.constant 0 : i32
      %dma_wait3A_331 = tpu.memref_slice %arg11[%dma_wait3A_329, %dma_wait3A_330] : memref<2x80xf32, #tpu.memory_space<vmem>> -> memref<1x80xf32, #tpu.memory_space<vmem>>
      %dma_wait3A_332 = tpu.memref_squeeze %dma_wait3A_331 : memref<1x80xf32, #tpu.memory_space<vmem>> -> memref<80xf32, #tpu.memory_space<vmem>>
      %dma_wait3A_333 = arith.constant 0 : i32
      %dma_wait3A_334 = tpu.memref_slice %arg8[%dma_wait3A_333] : memref<6000xi32, #tpu.memory_space<vmem>> -> memref<80xi32, #tpu.memory_space<vmem>>
      %dma_wait3A_335 = arith.constant 0 : i32
      %dma_wait3A_336 = tpu.memref_slice %arg4[%dma_wait3A_335] : memref<10000xf32, #tpu.memory_space<hbm>> -> memref<10000xf32, #tpu.memory_space<hbm>>
      tpu.wait_indirect_dma semaphore(%arg15 : memref<!tpu.dma_semaphore, #tpu.memory_space<semaphore_mem>>) src(%dma_wait3A_336 : memref<10000xf32, #tpu.memory_space<hbm>>) dst(%dma_wait3A_332 : memref<80xf32, #tpu.memory_space<vmem>>)
      %dma_wait3A_337 = arith.constant 1 : i32
      %dma_wait3A_338 = arith.constant 0 : i32
      %dma_wait3A_339 = tpu.memref_slice %arg12[%dma_wait3A_337, %dma_wait3A_338] : memref<2x80xf32, #tpu.memory_space<vmem>> -> memref<1x80xf32, #tpu.memory_space<vmem>>
      %dma_wait3A_340 = tpu.memref_squeeze %dma_wait3A_339 : memref<1x80xf32, #tpu.memory_space<vmem>> -> memref<80xf32, #tpu.memory_space<vmem>>
      %dma_wait3A_341 = arith.constant 0 : i32
      %dma_wait3A_342 = tpu.memref_slice %arg8[%dma_wait3A_341] : memref<6000xi32, #tpu.memory_space<vmem>> -> memref<80xi32, #tpu.memory_space<vmem>>
      %dma_wait3A_343 = arith.constant 0 : i32
      %dma_wait3A_344 = tpu.memref_slice %arg4[%dma_wait3A_343] : memref<10000xf32, #tpu.memory_space<hbm>> -> memref<10000xf32, #tpu.memory_space<hbm>>
      tpu.wait_indirect_dma semaphore(%arg15 : memref<!tpu.dma_semaphore, #tpu.memory_space<semaphore_mem>>) src(%dma_wait3A_344 : memref<10000xf32, #tpu.memory_space<hbm>>) dst(%dma_wait3A_340 : memref<80xf32, #tpu.memory_space<vmem>>)
      %add3A_345 = arith.constant 1 : i32
      %add3A_346 = arith.addi %mul3A_144, %add3A_345 : i32
      %mul3A_347 = arith.constant 80 : i32
      %mul3A_348 = arith.muli %add3A_346, %mul3A_347 : i32
      %get3A_349 = arith.constant 1 : i32
      %get3A_350 = arith.index_cast %get3A_349 : i32 to index
      %get3A_351 = arith.constant 0 : index
      %get3A_352 = tpu.vector_load %arg11[%get3A_350, %get3A_351] {strides = array<i32>} : memref<2x80xf32, #tpu.memory_space<vmem>>, vector<1x16xf32>,
      %get3A_353 = vector.shape_cast %get3A_352 : vector<1x16xf32> to vector<16xf32>
      %get3A_354 = arith.constant 1 : i32
      %get3A_355 = arith.index_cast %get3A_354 : i32 to index
      %get3A_356 = arith.constant 0 : index
      %get3A_357 = tpu.vector_load %arg12[%get3A_355, %get3A_356] {strides = array<i32>} : memref<2x80xf32, #tpu.memory_space<vmem>>, vector<1x16xf32>,
      %get3A_358 = vector.shape_cast %get3A_357 : vector<1x16xf32> to vector<16xf32>
      %sub3A_359 = arith.subf %get3A_353, %get3A_358 : vector<16xf32>
      %abs3A_360 = math.absf %sub3A_359 : vector<16xf32>
      %add3A_361 = arith.constant 0 : i32
      %add3A_362 = arith.addi %mul3A_348, %add3A_361 : i32
      %swap3A_363 = arith.index_cast %add3A_362 : i32 to index
      %swap3A_364 = tpu.vector_load %arg13[%swap3A_363] {strides = array<i32>} : memref<6000xf32, #tpu.memory_space<vmem>>, vector<16xf32>,
      %swap3A_365 = vector.shape_cast %swap3A_364 : vector<16xf32> to vector<16xf32>
      %swap3A_366 = vector.shape_cast %abs3A_360 : vector<16xf32> to vector<16xf32>
      tpu.vector_store %arg13[%swap3A_363], %swap3A_366 {strides = array<i32>} : memref<6000xf32, #tpu.memory_space<vmem>>, vector<16xf32>,
      %get3A_367 = arith.constant 1 : i32
      %get3A_368 = arith.index_cast %get3A_367 : i32 to index
      %get3A_369 = arith.constant 16 : index
      %get3A_370 = tpu.vector_load %arg11[%get3A_368, %get3A_369] {strides = array<i32>} : memref<2x80xf32, #tpu.memory_space<vmem>>, vector<1x16xf32>,
      %get3A_371 = vector.shape_cast %get3A_370 : vector<1x16xf32> to vector<16xf32>
      %get3A_372 = arith.constant 1 : i32
      %get3A_373 = arith.index_cast %get3A_372 : i32 to index
      %get3A_374 = arith.constant 16 : index
      %get3A_375 = tpu.vector_load %arg12[%get3A_373, %get3A_374] {strides = array<i32>} : memref<2x80xf32, #tpu.memory_space<vmem>>, vector<1x16xf32>,
      %get3A_376 = vector.shape_cast %get3A_375 : vector<1x16xf32> to vector<16xf32>
      %sub3A_377 = arith.subf %get3A_371, %get3A_376 : vector<16xf32>
      %abs3A_378 = math.absf %sub3A_377 : vector<16xf32>
      %add3A_379 = arith.constant 16 : i32
      %add3A_380 = arith.addi %mul3A_348, %add3A_379 : i32
      %swap3A_381 = arith.index_cast %add3A_380 : i32 to index
      %swap3A_382 = tpu.vector_load %arg13[%swap3A_381] {strides = array<i32>} : memref<6000xf32, #tpu.memory_space<vmem>>, vector<16xf32>,
      %swap3A_383 = vector.shape_cast %swap3A_382 : vector<16xf32> to vector<16xf32>
      %swap3A_384 = vector.shape_cast %abs3A_378 : vector<16xf32> to vector<16xf32>
      tpu.vector_store %arg13[%swap3A_381], %swap3A_384 {strides = array<i32>} : memref<6000xf32, #tpu.memory_space<vmem>>, vector<16xf32>,
      %get3A_385 = arith.constant 1 : i32
      %get3A_386 = arith.index_cast %get3A_385 : i32 to index
      %get3A_387 = arith.constant 32 : index
      %get3A_388 = tpu.vector_load %arg11[%get3A_386, %get3A_387] {strides = array<i32>} : memref<2x80xf32, #tpu.memory_space<vmem>>, vector<1x16xf32>,
      %get3A_389 = vector.shape_cast %get3A_388 : vector<1x16xf32> to vector<16xf32>
      %get3A_390 = arith.constant 1 : i32
      %get3A_391 = arith.index_cast %get3A_390 : i32 to index
      %get3A_392 = arith.constant 32 : index
      %get3A_393 = tpu.vector_load %arg12[%get3A_391, %get3A_392] {strides = array<i32>} : memref<2x80xf32, #tpu.memory_space<vmem>>, vector<1x16xf32>,
      %get3A_394 = vector.shape_cast %get3A_393 : vector<1x16xf32> to vector<16xf32>
      %sub3A_395 = arith.subf %get3A_389, %get3A_394 : vector<16xf32>
      %abs3A_396 = math.absf %sub3A_395 : vector<16xf32>
      %add3A_397 = arith.constant 32 : i32
      %add3A_398 = arith.addi %mul3A_348, %add3A_397 : i32
      %swap3A_399 = arith.index_cast %add3A_398 : i32 to index
      %swap3A_400 = tpu.vector_load %arg13[%swap3A_399] {strides = array<i32>} : memref<6000xf32, #tpu.memory_space<vmem>>, vector<16xf32>,
      %swap3A_401 = vector.shape_cast %swap3A_400 : vector<16xf32> to vector<16xf32>
      %swap3A_402 = vector.shape_cast %abs3A_396 : vector<16xf32> to vector<16xf32>
      tpu.vector_store %arg13[%swap3A_399], %swap3A_402 {strides = array<i32>} : memref<6000xf32, #tpu.memory_space<vmem>>, vector<16xf32>,
      %get3A_403 = arith.constant 1 : i32
      %get3A_404 = arith.index_cast %get3A_403 : i32 to index
      %get3A_405 = arith.constant 48 : index
      %get3A_406 = tpu.vector_load %arg11[%get3A_404, %get3A_405] {strides = array<i32>} : memref<2x80xf32, #tpu.memory_space<vmem>>, vector<1x16xf32>,
      %get3A_407 = vector.shape_cast %get3A_406 : vector<1x16xf32> to vector<16xf32>
      %get3A_408 = arith.constant 1 : i32
      %get3A_409 = arith.index_cast %get3A_408 : i32 to index
      %get3A_410 = arith.constant 48 : index
      %get3A_411 = tpu.vector_load %arg12[%get3A_409, %get3A_410] {strides = array<i32>} : memref<2x80xf32, #tpu.memory_space<vmem>>, vector<1x16xf32>,
      %get3A_412 = vector.shape_cast %get3A_411 : vector<1x16xf32> to vector<16xf32>
      %sub3A_413 = arith.subf %get3A_407, %get3A_412 : vector<16xf32>
      %abs3A_414 = math.absf %sub3A_413 : vector<16xf32>
      %add3A_415 = arith.constant 48 : i32
      %add3A_416 = arith.addi %mul3A_348, %add3A_415 : i32
      %swap3A_417 = arith.index_cast %add3A_416 : i32 to index
      %swap3A_418 = tpu.vector_load %arg13[%swap3A_417] {strides = array<i32>} : memref<6000xf32, #tpu.memory_space<vmem>>, vector<16xf32>,
      %swap3A_419 = vector.shape_cast %swap3A_418 : vector<16xf32> to vector<16xf32>
      %swap3A_420 = vector.shape_cast %abs3A_414 : vector<16xf32> to vector<16xf32>
      tpu.vector_store %arg13[%swap3A_417], %swap3A_420 {strides = array<i32>} : memref<6000xf32, #tpu.memory_space<vmem>>, vector<16xf32>,
      %get3A_421 = arith.constant 1 : i32
      %get3A_422 = arith.index_cast %get3A_421 : i32 to index
      %get3A_423 = arith.constant 64 : index
      %get3A_424 = tpu.vector_load %arg11[%get3A_422, %get3A_423] {strides = array<i32>} : memref<2x80xf32, #tpu.memory_space<vmem>>, vector<1x16xf32>,
      %get3A_425 = vector.shape_cast %get3A_424 : vector<1x16xf32> to vector<16xf32>
      %get3A_426 = arith.constant 1 : i32
      %get3A_427 = arith.index_cast %get3A_426 : i32 to index
      %get3A_428 = arith.constant 64 : index
      %get3A_429 = tpu.vector_load %arg12[%get3A_427, %get3A_428] {strides = array<i32>} : memref<2x80xf32, #tpu.memory_space<vmem>>, vector<1x16xf32>,
      %get3A_430 = vector.shape_cast %get3A_429 : vector<1x16xf32> to vector<16xf32>
      %sub3A_431 = arith.subf %get3A_425, %get3A_430 : vector<16xf32>
      %abs3A_432 = math.absf %sub3A_431 : vector<16xf32>
      %add3A_433 = arith.constant 64 : i32
      %add3A_434 = arith.addi %mul3A_348, %add3A_433 : i32
      %swap3A_435 = arith.index_cast %add3A_434 : i32 to index
      %swap3A_436 = tpu.vector_load %arg13[%swap3A_435] {strides = array<i32>} : memref<6000xf32, #tpu.memory_space<vmem>>, vector<16xf32>,
      %swap3A_437 = vector.shape_cast %swap3A_436 : vector<16xf32> to vector<16xf32>
      %swap3A_438 = vector.shape_cast %abs3A_432 : vector<16xf32> to vector<16xf32>
      tpu.vector_store %arg13[%swap3A_435], %swap3A_438 {strides = array<i32>} : memref<6000xf32, #tpu.memory_space<vmem>>, vector<16xf32>,
      %add3A_439 = arith.addi %mul3A_2, %mul3A_348 : i32
      %run_scoped3A_440 = arith.constant 1 : i32
      "tpu.region"() ({
        %run_scoped3A_442 = tpu.sem_alloc : memref<!tpu.dma_semaphore, #tpu.memory_space<semaphore_mem>>
        %dma_start3A_443 = arith.constant 0 : i32
        %dma_start3A_444 = arith.constant 0 : i32
        %dma_start3A_445 = tpu.memref_slice %arg10[%run_scoped3A_440, %dma_start3A_443, %dma_start3A_444] : memref<2x80x128xf32, #tpu.memory_space<vmem>> -> memref<1x80x128xf32, #tpu.memory_space<vmem>>
        %dma_start3A_446 = tpu.memref_squeeze %dma_start3A_445 : memref<1x80x128xf32, #tpu.memory_space<vmem>> -> memref<80x128xf32, #tpu.memory_space<vmem>>
        %dma_start3A_447 = arith.constant 0 : i32
        %dma_start3A_448 = tpu.memref_slice %arg6[%add3A_439, %dma_start3A_447] : memref<192512x128xf32, #tpu.memory_space<hbm>> -> memref<80x128xf32, #tpu.memory_space<hbm>>
        %dma_start3A_449 = arith.constant 0 : i32
        %dma_start3A_450 = tpu.memref_slice %arg6[%add3A_439, %dma_start3A_449] : memref<192512x128xf32, #tpu.memory_space<hbm>> -> memref<80x128xf32, #tpu.memory_space<hbm>>
        %dma_start3A_451 = arith.constant 0 : i32
        %dma_start3A_452 = arith.constant 0 : i32
        %dma_start3A_453 = tpu.memref_slice %arg10[%run_scoped3A_440, %dma_start3A_451, %dma_start3A_452] : memref<2x80x128xf32, #tpu.memory_space<vmem>> -> memref<1x80x128xf32, #tpu.memory_space<vmem>>
        %dma_start3A_454 = tpu.memref_squeeze %dma_start3A_453 : memref<1x80x128xf32, #tpu.memory_space<vmem>> -> memref<80x128xf32, #tpu.memory_space<vmem>>
        tpu.enqueue_dma source(%dma_start3A_454 : memref<80x128xf32, #tpu.memory_space<vmem>>) target(%dma_start3A_450 : memref<80x128xf32, #tpu.memory_space<hbm>>) target_semaphore(%run_scoped3A_442 : memref<!tpu.dma_semaphore, #tpu.memory_space<semaphore_mem>>)
        %dma_wait3A_455 = arith.constant 0 : i32
        %dma_wait3A_456 = arith.constant 0 : i32
        %dma_wait3A_457 = tpu.memref_slice %arg10[%run_scoped3A_440, %dma_wait3A_455, %dma_wait3A_456] : memref<2x80x128xf32, #tpu.memory_space<vmem>> -> memref<1x80x128xf32, #tpu.memory_space<vmem>>
        %dma_wait3A_458 = tpu.memref_squeeze %dma_wait3A_457 : memref<1x80x128xf32, #tpu.memory_space<vmem>> -> memref<80x128xf32, #tpu.memory_space<vmem>>
        %dma_wait3A_459 = arith.constant 0 : i32
        %dma_wait3A_460 = tpu.memref_slice %arg6[%add3A_439, %dma_wait3A_459] : memref<192512x128xf32, #tpu.memory_space<hbm>> -> memref<80x128xf32, #tpu.memory_space<hbm>>
        %dma_wait3A_461 = arith.constant 0 : i32
        %dma_wait3A_462 = tpu.memref_slice %arg6[%add3A_439, %dma_wait3A_461] : memref<192512x128xf32, #tpu.memory_space<hbm>> -> memref<80x128xf32, #tpu.memory_space<hbm>>
        %dma_wait3A_463 = arith.constant 0 : i32
        %dma_wait3A_464 = arith.constant 0 : i32
        %dma_wait3A_465 = tpu.memref_slice %arg10[%run_scoped3A_440, %dma_wait3A_463, %dma_wait3A_464] : memref<2x80x128xf32, #tpu.memory_space<vmem>> -> memref<1x80x128xf32, #tpu.memory_space<vmem>>
        %dma_wait3A_466 = tpu.memref_squeeze %dma_wait3A_465 : memref<1x80x128xf32, #tpu.memory_space<vmem>> -> memref<80x128xf32, #tpu.memory_space<vmem>>
        tpu.wait_dma2 semaphore(%run_scoped3A_442 : memref<!tpu.dma_semaphore, #tpu.memory_space<semaphore_mem>>) src(%dma_wait3A_466 : memref<80x128xf32, #tpu.memory_space<vmem>>) dst(%dma_wait3A_462 : memref<80x128xf32, #tpu.memory_space<hbm>>)
        tpu.yield
      }) : () -> ()
      %scan3A_441 = arith.constant 0 : i32
      scf.yield %scan3A_441 : i32
    }
    %scan3A_37 = arith.constant 37 : i32
    %dma_wait3A = arith.constant 0 : i32
    %dma_wait3A_38 = arith.constant 0 : i32
    %dma_wait3A_39 = arith.constant 0 : i32
    %dma_wait3A_40 = tpu.memref_slice %arg10[%dma_wait3A, %dma_wait3A_38, %dma_wait3A_39] : memref<2x80x128xf32, #tpu.memory_space<vmem>> -> memref<1x80x128xf32, #tpu.memory_space<vmem>>
    %dma_wait3A_41 = tpu.memref_squeeze %dma_wait3A_40 : memref<1x80x128xf32, #tpu.memory_space<vmem>> -> memref<80x128xf32, #tpu.memory_space<vmem>>
    %dma_wait3A_42 = arith.constant 0 : i32
    %dma_wait3A_43 = tpu.memref_slice %arg9[%dma_wait3A_42] : memref<6000xi32, #tpu.memory_space<vmem>> -> memref<80xi32, #tpu.memory_space<vmem>>
    %dma_wait3A_44 = arith.constant 0 : i32
    %dma_wait3A_45 = arith.constant 0 : i32
    %dma_wait3A_46 = tpu.memref_slice %arg5[%dma_wait3A_44, %dma_wait3A_45] : memref<10000x128xf32, #tpu.memory_space<hbm>> -> memref<10000x128xf32, #tpu.memory_space<hbm>>
    tpu.wait_indirect_dma semaphore(%arg14 : memref<!tpu.dma_semaphore, #tpu.memory_space<semaphore_mem>>) src(%dma_wait3A_46 : memref<10000x128xf32, #tpu.memory_space<hbm>>) dst(%dma_wait3A_41 : memref<80x128xf32, #tpu.memory_space<vmem>>)
    %dma_wait3A_47 = arith.constant 0 : i32
    %dma_wait3A_48 = arith.constant 0 : i32
    %dma_wait3A_49 = tpu.memref_slice %arg11[%dma_wait3A_47, %dma_wait3A_48] : memref<2x80xf32, #tpu.memory_space<vmem>> -> memref<1x80xf32, #tpu.memory_space<vmem>>
    %dma_wait3A_50 = tpu.memref_squeeze %dma_wait3A_49 : memref<1x80xf32, #tpu.memory_space<vmem>> -> memref<80xf32, #tpu.memory_space<vmem>>
    %dma_wait3A_51 = arith.constant 0 : i32
    %dma_wait3A_52 = tpu.memref_slice %arg8[%dma_wait3A_51] : memref<6000xi32, #tpu.memory_space<vmem>> -> memref<80xi32, #tpu.memory_space<vmem>>
    %dma_wait3A_53 = arith.constant 0 : i32
    %dma_wait3A_54 = tpu.memref_slice %arg4[%dma_wait3A_53] : memref<10000xf32, #tpu.memory_space<hbm>> -> memref<10000xf32, #tpu.memory_space<hbm>>
    tpu.wait_indirect_dma semaphore(%arg14 : memref<!tpu.dma_semaphore, #tpu.memory_space<semaphore_mem>>) src(%dma_wait3A_54 : memref<10000xf32, #tpu.memory_space<hbm>>) dst(%dma_wait3A_50 : memref<80xf32, #tpu.memory_space<vmem>>)
    %dma_wait3A_55 = arith.constant 0 : i32
    %dma_wait3A_56 = arith.constant 0 : i32
    %dma_wait3A_57 = tpu.memref_slice %arg12[%dma_wait3A_55, %dma_wait3A_56] : memref<2x80xf32, #tpu.memory_space<vmem>> -> memref<1x80xf32, #tpu.memory_space<vmem>>
    %dma_wait3A_58 = tpu.memref_squeeze %dma_wait3A_57 : memref<1x80xf32, #tpu.memory_space<vmem>> -> memref<80xf32, #tpu.memory_space<vmem>>
    %dma_wait3A_59 = arith.constant 0 : i32
    %dma_wait3A_60 = tpu.memref_slice %arg8[%dma_wait3A_59] : memref<6000xi32, #tpu.memory_space<vmem>> -> memref<80xi32, #tpu.memory_space<vmem>>
    %dma_wait3A_61 = arith.constant 0 : i32
    %dma_wait3A_62 = tpu.memref_slice %arg4[%dma_wait3A_61] : memref<10000xf32, #tpu.memory_space<hbm>> -> memref<10000xf32, #tpu.memory_space<hbm>>
    tpu.wait_indirect_dma semaphore(%arg14 : memref<!tpu.dma_semaphore, #tpu.memory_space<semaphore_mem>>) src(%dma_wait3A_62 : memref<10000xf32, #tpu.memory_space<hbm>>) dst(%dma_wait3A_58 : memref<80xf32, #tpu.memory_space<vmem>>)
    %get3A = arith.constant 0 : i32
    %get3A_63 = arith.index_cast %get3A : i32 to index
    %get3A_64 = arith.constant 0 : index
    %get3A_65 = tpu.vector_load %arg11[%get3A_63, %get3A_64] {strides = array<i32>} : memref<2x80xf32, #tpu.memory_space<vmem>>, vector<1x16xf32>,
    %get3A_66 = vector.shape_cast %get3A_65 : vector<1x16xf32> to vector<16xf32>
    %get3A_67 = arith.constant 0 : i32
    %get3A_68 = arith.index_cast %get3A_67 : i32 to index
    %get3A_69 = arith.constant 0 : index
    %get3A_70 = tpu.vector_load %arg12[%get3A_68, %get3A_69] {strides = array<i32>} : memref<2x80xf32, #tpu.memory_space<vmem>>, vector<1x16xf32>,
    %get3A_71 = vector.shape_cast %get3A_70 : vector<1x16xf32> to vector<16xf32>
    %sub3A = arith.subf %get3A_66, %get3A_71 : vector<16xf32>
    %abs3A = math.absf %sub3A : vector<16xf32>
    %swap3A = arith.constant 5920 : index
    %swap3A_72 = tpu.vector_load %arg13[%swap3A] {strides = array<i32>} : memref<6000xf32, #tpu.memory_space<vmem>>, vector<16xf32>,
    %swap3A_73 = vector.shape_cast %swap3A_72 : vector<16xf32> to vector<16xf32>
    %swap3A_74 = vector.shape_cast %abs3A : vector<16xf32> to vector<16xf32>
    tpu.vector_store %arg13[%swap3A], %swap3A_74 {strides = array<i32>} : memref<6000xf32, #tpu.memory_space<vmem>>, vector<16xf32>,
    %get3A_75 = arith.constant 0 : i32
    %get3A_76 = arith.index_cast %get3A_75 : i32 to index
    %get3A_77 = arith.constant 16 : index
    %get3A_78 = tpu.vector_load %arg11[%get3A_76, %get3A_77] {strides = array<i32>} : memref<2x80xf32, #tpu.memory_space<vmem>>, vector<1x16xf32>,
    %get3A_79 = vector.shape_cast %get3A_78 : vector<1x16xf32> to vector<16xf32>
    %get3A_80 = arith.constant 0 : i32
    %get3A_81 = arith.index_cast %get3A_80 : i32 to index
    %get3A_82 = arith.constant 16 : index
    %get3A_83 = tpu.vector_load %arg12[%get3A_81, %get3A_82] {strides = array<i32>} : memref<2x80xf32, #tpu.memory_space<vmem>>, vector<1x16xf32>,
    %get3A_84 = vector.shape_cast %get3A_83 : vector<1x16xf32> to vector<16xf32>
    %sub3A_85 = arith.subf %get3A_79, %get3A_84 : vector<16xf32>
    %abs3A_86 = math.absf %sub3A_85 : vector<16xf32>
    %swap3A_87 = arith.constant 5936 : index
    %swap3A_88 = tpu.vector_load %arg13[%swap3A_87] {strides = array<i32>} : memref<6000xf32, #tpu.memory_space<vmem>>, vector<16xf32>,
    %swap3A_89 = vector.shape_cast %swap3A_88 : vector<16xf32> to vector<16xf32>
    %swap3A_90 = vector.shape_cast %abs3A_86 : vector<16xf32> to vector<16xf32>
    tpu.vector_store %arg13[%swap3A_87], %swap3A_90 {strides = array<i32>} : memref<6000xf32, #tpu.memory_space<vmem>>, vector<16xf32>,
    %get3A_91 = arith.constant 0 : i32
    %get3A_92 = arith.index_cast %get3A_91 : i32 to index
    %get3A_93 = arith.constant 32 : index
    %get3A_94 = tpu.vector_load %arg11[%get3A_92, %get3A_93] {strides = array<i32>} : memref<2x80xf32, #tpu.memory_space<vmem>>, vector<1x16xf32>,
    %get3A_95 = vector.shape_cast %get3A_94 : vector<1x16xf32> to vector<16xf32>
    %get3A_96 = arith.constant 0 : i32
    %get3A_97 = arith.index_cast %get3A_96 : i32 to index
    %get3A_98 = arith.constant 32 : index
    %get3A_99 = tpu.vector_load %arg12[%get3A_97, %get3A_98] {strides = array<i32>} : memref<2x80xf32, #tpu.memory_space<vmem>>, vector<1x16xf32>,
    %get3A_100 = vector.shape_cast %get3A_99 : vector<1x16xf32> to vector<16xf32>
    %sub3A_101 = arith.subf %get3A_95, %get3A_100 : vector<16xf32>
    %abs3A_102 = math.absf %sub3A_101 : vector<16xf32>
    %swap3A_103 = arith.constant 5952 : index
    %swap3A_104 = tpu.vector_load %arg13[%swap3A_103] {strides = array<i32>} : memref<6000xf32, #tpu.memory_space<vmem>>, vector<16xf32>,
    %swap3A_105 = vector.shape_cast %swap3A_104 : vector<16xf32> to vector<16xf32>
    %swap3A_106 = vector.shape_cast %abs3A_102 : vector<16xf32> to vector<16xf32>
    tpu.vector_store %arg13[%swap3A_103], %swap3A_106 {strides = array<i32>} : memref<6000xf32, #tpu.memory_space<vmem>>, vector<16xf32>,
    %get3A_107 = arith.constant 0 : i32
    %get3A_108 = arith.index_cast %get3A_107 : i32 to index
    %get3A_109 = arith.constant 48 : index
    %get3A_110 = tpu.vector_load %arg11[%get3A_108, %get3A_109] {strides = array<i32>} : memref<2x80xf32, #tpu.memory_space<vmem>>, vector<1x16xf32>,
    %get3A_111 = vector.shape_cast %get3A_110 : vector<1x16xf32> to vector<16xf32>
    %get3A_112 = arith.constant 0 : i32
    %get3A_113 = arith.index_cast %get3A_112 : i32 to index
    %get3A_114 = arith.constant 48 : index
    %get3A_115 = tpu.vector_load %arg12[%get3A_113, %get3A_114] {strides = array<i32>} : memref<2x80xf32, #tpu.memory_space<vmem>>, vector<1x16xf32>,
    %get3A_116 = vector.shape_cast %get3A_115 : vector<1x16xf32> to vector<16xf32>
    %sub3A_117 = arith.subf %get3A_111, %get3A_116 : vector<16xf32>
    %abs3A_118 = math.absf %sub3A_117 : vector<16xf32>
    %swap3A_119 = arith.constant 5968 : index
    %swap3A_120 = tpu.vector_load %arg13[%swap3A_119] {strides = array<i32>} : memref<6000xf32, #tpu.memory_space<vmem>>, vector<16xf32>,
    %swap3A_121 = vector.shape_cast %swap3A_120 : vector<16xf32> to vector<16xf32>
    %swap3A_122 = vector.shape_cast %abs3A_118 : vector<16xf32> to vector<16xf32>
    tpu.vector_store %arg13[%swap3A_119], %swap3A_122 {strides = array<i32>} : memref<6000xf32, #tpu.memory_space<vmem>>, vector<16xf32>,
    %get3A_123 = arith.constant 0 : i32
    %get3A_124 = arith.index_cast %get3A_123 : i32 to index
    %get3A_125 = arith.constant 64 : index
    %get3A_126 = tpu.vector_load %arg11[%get3A_124, %get3A_125] {strides = array<i32>} : memref<2x80xf32, #tpu.memory_space<vmem>>, vector<1x16xf32>,
    %get3A_127 = vector.shape_cast %get3A_126 : vector<1x16xf32> to vector<16xf32>
    %get3A_128 = arith.constant 0 : i32
    %get3A_129 = arith.index_cast %get3A_128 : i32 to index
    %get3A_130 = arith.constant 64 : index
    %get3A_131 = tpu.vector_load %arg12[%get3A_129, %get3A_130] {strides = array<i32>} : memref<2x80xf32, #tpu.memory_space<vmem>>, vector<1x16xf32>,
    %get3A_132 = vector.shape_cast %get3A_131 : vector<1x16xf32> to vector<16xf32>
    %sub3A_133 = arith.subf %get3A_127, %get3A_132 : vector<16xf32>
    %abs3A_134 = math.absf %sub3A_133 : vector<16xf32>
    %swap3A_135 = arith.constant 5984 : index
    %swap3A_136 = tpu.vector_load %arg13[%swap3A_135] {strides = array<i32>} : memref<6000xf32, #tpu.memory_space<vmem>>, vector<16xf32>,
    %swap3A_137 = vector.shape_cast %swap3A_136 : vector<16xf32> to vector<16xf32>
    %swap3A_138 = vector.shape_cast %abs3A_134 : vector<16xf32> to vector<16xf32>
    tpu.vector_store %arg13[%swap3A_135], %swap3A_138 {strides = array<i32>} : memref<6000xf32, #tpu.memory_space<vmem>>, vector<16xf32>,
    %add3A_139 = arith.constant 5920 : i32
    %add3A_140 = arith.addi %mul3A_2, %add3A_139 : i32
    %run_scoped3A = arith.constant 0 : i32
    "tpu.region"() ({
      %run_scoped3A_141 = tpu.sem_alloc : memref<!tpu.dma_semaphore, #tpu.memory_space<semaphore_mem>>
      %dma_start3A_142 = arith.constant 0 : i32
      %dma_start3A_143 = arith.constant 0 : i32
      %dma_start3A_144 = tpu.memref_slice %arg10[%run_scoped3A, %dma_start3A_142, %dma_start3A_143] : memref<2x80x128xf32, #tpu.memory_space<vmem>> -> memref<1x80x128xf32, #tpu.memory_space<vmem>>
      %dma_start3A_145 = tpu.memref_squeeze %dma_start3A_144 : memref<1x80x128xf32, #tpu.memory_space<vmem>> -> memref<80x128xf32, #tpu.memory_space<vmem>>
      %dma_start3A_146 = arith.constant 0 : i32
      %dma_start3A_147 = tpu.memref_slice %arg6[%add3A_140, %dma_start3A_146] : memref<192512x128xf32, #tpu.memory_space<hbm>> -> memref<80x128xf32, #tpu.memory_space<hbm>>
      %dma_start3A_148 = arith.constant 0 : i32
      %dma_start3A_149 = tpu.memref_slice %arg6[%add3A_140, %dma_start3A_148] : memref<192512x128xf32, #tpu.memory_space<hbm>> -> memref<80x128xf32, #tpu.memory_space<hbm>>
      %dma_start3A_150 = arith.constant 0 : i32
      %dma_start3A_151 = arith.constant 0 : i32
      %dma_start3A_152 = tpu.memref_slice %arg10[%run_scoped3A, %dma_start3A_150, %dma_start3A_151] : memref<2x80x128xf32, #tpu.memory_space<vmem>> -> memref<1x80x128xf32, #tpu.memory_space<vmem>>
      %dma_start3A_153 = tpu.memref_squeeze %dma_start3A_152 : memref<1x80x128xf32, #tpu.memory_space<vmem>> -> memref<80x128xf32, #tpu.memory_space<vmem>>
      tpu.enqueue_dma source(%dma_start3A_153 : memref<80x128xf32, #tpu.memory_space<vmem>>) target(%dma_start3A_149 : memref<80x128xf32, #tpu.memory_space<hbm>>) target_semaphore(%run_scoped3A_141 : memref<!tpu.dma_semaphore, #tpu.memory_space<semaphore_mem>>)
      %dma_wait3A_154 = arith.constant 0 : i32
      %dma_wait3A_155 = arith.constant 0 : i32
      %dma_wait3A_156 = tpu.memref_slice %arg10[%run_scoped3A, %dma_wait3A_154, %dma_wait3A_155] : memref<2x80x128xf32, #tpu.memory_space<vmem>> -> memref<1x80x128xf32, #tpu.memory_space<vmem>>
      %dma_wait3A_157 = tpu.memref_squeeze %dma_wait3A_156 : memref<1x80x128xf32, #tpu.memory_space<vmem>> -> memref<80x128xf32, #tpu.memory_space<vmem>>
      %dma_wait3A_158 = arith.constant 0 : i32
      %dma_wait3A_159 = tpu.memref_slice %arg6[%add3A_140, %dma_wait3A_158] : memref<192512x128xf32, #tpu.memory_space<hbm>> -> memref<80x128xf32, #tpu.memory_space<hbm>>
      %dma_wait3A_160 = arith.constant 0 : i32
      %dma_wait3A_161 = tpu.memref_slice %arg6[%add3A_140, %dma_wait3A_160] : memref<192512x128xf32, #tpu.memory_space<hbm>> -> memref<80x128xf32, #tpu.memory_space<hbm>>
      %dma_wait3A_162 = arith.constant 0 : i32
      %dma_wait3A_163 = arith.constant 0 : i32
      %dma_wait3A_164 = tpu.memref_slice %arg10[%run_scoped3A, %dma_wait3A_162, %dma_wait3A_163] : memref<2x80x128xf32, #tpu.memory_space<vmem>> -> memref<1x80x128xf32, #tpu.memory_space<vmem>>
      %dma_wait3A_165 = tpu.memref_squeeze %dma_wait3A_164 : memref<1x80x128xf32, #tpu.memory_space<vmem>> -> memref<80x128xf32, #tpu.memory_space<vmem>>
      tpu.wait_dma2 semaphore(%run_scoped3A_141 : memref<!tpu.dma_semaphore, #tpu.memory_space<semaphore_mem>>) src(%dma_wait3A_165 : memref<80x128xf32, #tpu.memory_space<vmem>>) dst(%dma_wait3A_161 : memref<80x128xf32, #tpu.memory_space<hbm>>)
      tpu.yield
    }) : () -> ()
    "tpu.region"() ({
      %run_scoped3A_141 = tpu.sem_alloc : memref<!tpu.dma_semaphore, #tpu.memory_space<semaphore_mem>>
      %dma_start3A_142 = tpu.memref_slice %arg7[%mul3A_2] : memref<192512xf32, #tpu.memory_space<hbm>> -> memref<6000xf32, #tpu.memory_space<hbm>>
      %dma_start3A_143 = tpu.memref_slice %arg7[%mul3A_2] : memref<192512xf32, #tpu.memory_space<hbm>> -> memref<6000xf32, #tpu.memory_space<hbm>>
      tpu.enqueue_dma source(%arg13 : memref<6000xf32, #tpu.memory_space<vmem>>) target(%dma_start3A_143 : memref<6000xf32, #tpu.memory_space<hbm>>) target_semaphore(%run_scoped3A_141 : memref<!tpu.dma_semaphore, #tpu.memory_space<semaphore_mem>>)
      %dma_wait3A_144 = tpu.memref_slice %arg7[%mul3A_2] : memref<192512xf32, #tpu.memory_space<hbm>> -> memref<6000xf32, #tpu.memory_space<hbm>>
      %dma_wait3A_145 = tpu.memref_slice %arg7[%mul3A_2] : memref<192512xf32, #tpu.memory_space<hbm>> -> memref<6000xf32, #tpu.memory_space<hbm>>
      tpu.wait_dma2 semaphore(%run_scoped3A_141 : memref<!tpu.dma_semaphore, #tpu.memory_space<semaphore_mem>>) src(%arg13 : memref<6000xf32, #tpu.memory_space<vmem>>) dst(%dma_wait3A_145 : memref<6000xf32, #tpu.memory_space<hbm>>)
      tpu.yield
    }) : () -> ()
    return
  }
}

module attributes {stable_mosaic.version = 14 : i64} {
  func.func @_tc_finish_body(%arg0: memref<2x10240x128xf32, #tpu.memory_space<vmem>>, %arg1: memref<2x10240xf32, #tpu.memory_space<vmem>>, %arg2: memref<2x10240x128xf32, #tpu.memory_space<vmem>>, %arg3: memref<2x10240xf32, #tpu.memory_space<vmem>>, %arg4: memref<128x128xf32, #tpu.memory_space<vmem>>, %arg5: memref<128xf32, #tpu.memory_space<vmem>>, %arg6: memref<10240x128xf32, #tpu.memory_space<vmem>>) attributes {dimension_semantics = [], scalar_prefetch = 0 : i64, scratch_operands = 0 : i64, tpu.core_type = #tpu.core_type<tc>} {
    %get3A = arith.constant 0 : index
    %get3A_0 = arith.constant 0 : index
    %get3A_1 = arith.constant 0 : index
    %get3A_2 = vector.load %arg0[%get3A, %get3A_0, %get3A_1] : memref<2x10240x128xf32, #tpu.memory_space<vmem>>, vector<1x10240x128xf32>
    %get3A_3 = vector.shape_cast %get3A_2 : vector<1x10240x128xf32> to vector<10240x128xf32>
    %get3A_4 = arith.constant 1 : index
    %get3A_5 = arith.constant 0 : index
    %get3A_6 = arith.constant 0 : index
    %get3A_7 = vector.load %arg0[%get3A_4, %get3A_5, %get3A_6] : memref<2x10240x128xf32, #tpu.memory_space<vmem>>, vector<1x10240x128xf32>
    %get3A_8 = vector.shape_cast %get3A_7 : vector<1x10240x128xf32> to vector<10240x128xf32>
    %add3A = arith.addf %get3A_3, %get3A_8 : vector<10240x128xf32>
    %get3A_9 = arith.constant 0 : index
    %get3A_10 = arith.constant 0 : index
    %get3A_11 = arith.constant 0 : index
    %get3A_12 = vector.load %arg2[%get3A_9, %get3A_10, %get3A_11] : memref<2x10240x128xf32, #tpu.memory_space<vmem>>, vector<1x10240x128xf32>
    %get3A_13 = vector.shape_cast %get3A_12 : vector<1x10240x128xf32> to vector<10240x128xf32>
    %add3A_14 = arith.addf %add3A, %get3A_13 : vector<10240x128xf32>
    %get3A_15 = arith.constant 1 : index
    %get3A_16 = arith.constant 0 : index
    %get3A_17 = arith.constant 0 : index
    %get3A_18 = vector.load %arg2[%get3A_15, %get3A_16, %get3A_17] : memref<2x10240x128xf32, #tpu.memory_space<vmem>>, vector<1x10240x128xf32>
    %get3A_19 = vector.shape_cast %get3A_18 : vector<1x10240x128xf32> to vector<10240x128xf32>
    %add3A_20 = arith.addf %add3A_14, %get3A_19 : vector<10240x128xf32>
    %get3A_21 = arith.constant 0 : index
    %get3A_22 = arith.constant 0 : index
    %get3A_23 = vector.load %arg1[%get3A_21, %get3A_22] : memref<2x10240xf32, #tpu.memory_space<vmem>>, vector<1x10240xf32>
    %get3A_24 = vector.shape_cast %get3A_23 : vector<1x10240xf32> to vector<10240xf32>
    %get3A_25 = arith.constant 1 : index
    %get3A_26 = arith.constant 0 : index
    %get3A_27 = vector.load %arg1[%get3A_25, %get3A_26] : memref<2x10240xf32, #tpu.memory_space<vmem>>, vector<1x10240xf32>
    %get3A_28 = vector.shape_cast %get3A_27 : vector<1x10240xf32> to vector<10240xf32>
    %add3A_29 = arith.addf %get3A_24, %get3A_28 : vector<10240xf32>
    %get3A_30 = arith.constant 0 : index
    %get3A_31 = arith.constant 0 : index
    %get3A_32 = vector.load %arg3[%get3A_30, %get3A_31] : memref<2x10240xf32, #tpu.memory_space<vmem>>, vector<1x10240xf32>
    %get3A_33 = vector.shape_cast %get3A_32 : vector<1x10240xf32> to vector<10240xf32>
    %add3A_34 = arith.addf %add3A_29, %get3A_33 : vector<10240xf32>
    %get3A_35 = arith.constant 1 : index
    %get3A_36 = arith.constant 0 : index
    %get3A_37 = vector.load %arg3[%get3A_35, %get3A_36] : memref<2x10240xf32, #tpu.memory_space<vmem>>, vector<1x10240xf32>
    %get3A_38 = vector.shape_cast %get3A_37 : vector<1x10240xf32> to vector<10240xf32>
    %add3A_39 = arith.addf %add3A_34, %get3A_38 : vector<10240xf32>
    %max3A = arith.constant 1.000000e+00 : f32
    %max3A_40 = vector.broadcast %max3A : f32 to vector<10240xf32>
    %max3A_41 = arith.maximumf %add3A_39, %max3A_40 : vector<10240xf32>
    %div3A = arith.constant 1.000000e+00 : f32
    %div3A_42 = vector.broadcast %div3A : f32 to vector<10240xf32>
    %div3A_43 = arith.divf %div3A_42, %max3A_41 : vector<10240xf32>
    %broadcast_in_dim3A = vector.shape_cast %div3A_43 : vector<10240xf32> to vector<10240x1xf32>
    %mul3A = vector.broadcast %broadcast_in_dim3A : vector<10240x1xf32> to vector<10240x128xf32>
    %mul3A_44 = arith.mulf %add3A_20, %mul3A : vector<10240x128xf32>
    %get3A_45 = arith.constant 0 : index
    %get3A_46 = arith.constant 0 : index
    %get3A_47 = vector.load %arg4[%get3A_45, %get3A_46] : memref<128x128xf32, #tpu.memory_space<vmem>>, vector<128x128xf32>
    %dot_general3A = arith.constant dense<0.000000e+00> : vector<10240x128xf32>
    %dot_general3A_48 = tpu.matmul %mul3A_44, %get3A_47, %dot_general3A {dimension_numbers = #tpu.dot_dimension_numbers<[1], [1], [0], [0], [0, 0, 1, 0], [], []>, transpose_lhs_hint = false} : vector<10240x128xf32>, vector<128x128xf32>, vector<10240x128xf32> -> vector<10240x128xf32>
    %get3A_49 = arith.constant 0 : index
    %get3A_50 = vector.load %arg5[%get3A_49] : memref<128xf32, #tpu.memory_space<vmem>>, vector<128xf32>
    %broadcast_in_dim3A_51 = vector.shape_cast %get3A_50 : vector<128xf32> to vector<1x128xf32>
    %add3A_52 = vector.broadcast %broadcast_in_dim3A_51 : vector<1x128xf32> to vector<10240x128xf32>
    %add3A_53 = arith.addf %dot_general3A_48, %add3A_52 : vector<10240x128xf32>
    %mul3A_54 = arith.constant 5.000000e-01 : f32
    %mul3A_55 = vector.broadcast %mul3A_54 : f32 to vector<10240x128xf32>
    %mul3A_56 = arith.mulf %mul3A_55, %add3A_53 : vector<10240x128xf32>
    %mul3A_57 = arith.constant 0.707106769 : f32
    %mul3A_58 = vector.broadcast %mul3A_57 : f32 to vector<10240x128xf32>
    %mul3A_59 = arith.mulf %add3A_53, %mul3A_58 : vector<10240x128xf32>
    %erf3A = math.erf %mul3A_59 : vector<10240x128xf32>
    %add3A_60 = arith.constant 1.000000e+00 : f32
    %add3A_61 = vector.broadcast %add3A_60 : f32 to vector<10240x128xf32>
    %add3A_62 = arith.addf %add3A_61, %erf3A : vector<10240x128xf32>
    %mul3A_63 = arith.mulf %mul3A_56, %add3A_62 : vector<10240x128xf32>
    %swap3A = arith.constant 0 : index
    %swap3A_64 = arith.constant 0 : index
    %swap3A_65 = vector.load %arg6[%swap3A, %swap3A_64] : memref<10240x128xf32, #tpu.memory_space<vmem>>, vector<10240x128xf32>
    tpu.vector_store %arg6[%swap3A, %swap3A_64], %mul3A_63 {strides = array<i32>} : memref<10240x128xf32, #tpu.memory_space<vmem>>, vector<10240x128xf32>,
    return
  }
}

module attributes {stable_mosaic.version = 14 : i64} {
  func.func @_gate_body(%arg0: i32, %arg1: memref<2048x128xf32, #tpu.memory_space<vmem>>, %arg2: memref<2048xf32, #tpu.memory_space<vmem>>, %arg3: memref<1x128xf32, #tpu.memory_space<vmem>>, %arg4: memref<1x128xf32, #tpu.memory_space<vmem>>, %arg5: memref<2048x128xf32, #tpu.memory_space<vmem>>) attributes {dimension_semantics = [#tpu.dimension_semantics<arbitrary>], iteration_bounds = array<i64: 63>, scalar_prefetch = 0 : i64, scratch_operands = 0 : i64, tpu.core_type = #tpu.core_type<tc>, window_params = [{transform_indices = @transform_0, window_bounds = array<i64: 2048, 128>}, {transform_indices = @transform_1, window_bounds = array<i64: 2048>}, {pipeline_mode = #tpu.pipeline_mode<synchronous>, transform_indices = @transform_2, window_bounds = array<i64: 1, 128>}, {pipeline_mode = #tpu.pipeline_mode<synchronous>, transform_indices = @transform_3, window_bounds = array<i64: 1, 128>}, {transform_indices = @transform_4, window_bounds = array<i64: 2048, 128>}]} {
    %get3A = arith.constant 0 : index
    %get3A_0 = vector.load %arg2[%get3A] : memref<2048xf32, #tpu.memory_space<vmem>>, vector<2048xf32>
    %broadcast_in_dim3A = vector.shape_cast %get3A_0 : vector<2048xf32> to vector<2048x1xf32>
    %get3A_1 = arith.constant 0 : index
    %get3A_2 = arith.constant 0 : index
    %get3A_3 = vector.load %arg3[%get3A_1, %get3A_2] : memref<1x128xf32, #tpu.memory_space<vmem>>, vector<1x128xf32>
    %mul3A = vector.broadcast %broadcast_in_dim3A : vector<2048x1xf32> to vector<2048x128xf32>
    %mul3A_4 = vector.broadcast %get3A_3 : vector<1x128xf32> to vector<2048x128xf32>
    %mul3A_5 = arith.mulf %mul3A, %mul3A_4 : vector<2048x128xf32>
    %get3A_6 = arith.constant 0 : index
    %get3A_7 = arith.constant 0 : index
    %get3A_8 = vector.load %arg4[%get3A_6, %get3A_7] : memref<1x128xf32, #tpu.memory_space<vmem>>, vector<1x128xf32>
    %add3A = vector.broadcast %get3A_8 : vector<1x128xf32> to vector<2048x128xf32>
    %add3A_9 = arith.addf %mul3A_5, %add3A : vector<2048x128xf32>
    %neg3A = arith.constant 0.000000e+00 : f32
    %neg3A_10 = vector.broadcast %neg3A : f32 to vector<2048x128xf32>
    %neg3A_11 = arith.subf %neg3A_10, %add3A_9 : vector<2048x128xf32>
    %exp3A = math.exp %neg3A_11 : vector<2048x128xf32>
    %add3A_12 = arith.constant 1.000000e+00 : f32
    %add3A_13 = vector.broadcast %add3A_12 : f32 to vector<2048x128xf32>
    %add3A_14 = arith.addf %add3A_13, %exp3A : vector<2048x128xf32>
    %div3A = arith.constant 1.000000e+00 : f32
    %div3A_15 = vector.broadcast %div3A : f32 to vector<2048x128xf32>
    %div3A_16 = arith.divf %div3A_15, %add3A_14 : vector<2048x128xf32>
    %get3A_17 = arith.constant 0 : index
    %get3A_18 = arith.constant 0 : index
    %get3A_19 = vector.load %arg1[%get3A_17, %get3A_18] : memref<2048x128xf32, #tpu.memory_space<vmem>>, vector<2048x128xf32>
    %mul3A_20 = arith.mulf %get3A_19, %div3A_16 : vector<2048x128xf32>
    %swap3A = arith.constant 0 : index
    %swap3A_21 = arith.constant 0 : index
    %swap3A_22 = vector.load %arg5[%swap3A, %swap3A_21] : memref<2048x128xf32, #tpu.memory_space<vmem>>, vector<2048x128xf32>
    tpu.vector_store %arg5[%swap3A, %swap3A_21], %mul3A_20 {strides = array<i32>} : memref<2048x128xf32, #tpu.memory_space<vmem>>, vector<2048x128xf32>,
    return
  }
  func.func @transform_0(%arg0: i32) -> (i32, i32) {
    %c0_i32 = arith.constant 0 : i32
    %c0_i32_0 = arith.constant 0 : i32
    return %arg0, %c0_i32 : i32, i32
  }
  func.func @transform_1(%arg0: i32) -> i32 {
    %c0_i32 = arith.constant 0 : i32
    return %arg0 : i32
  }
  func.func @transform_2(%arg0: i32) -> (i32, i32) {
    %c0_i32 = arith.constant 0 : i32
    %c0_i32_0 = arith.constant 0 : i32
    %c0_i32_1 = arith.constant 0 : i32
    return %c0_i32, %c0_i32_0 : i32, i32
  }
  func.func @transform_3(%arg0: i32) -> (i32, i32) {
    %c0_i32 = arith.constant 0 : i32
    %c0_i32_0 = arith.constant 0 : i32
    %c0_i32_1 = arith.constant 0 : i32
    return %c0_i32, %c0_i32_0 : i32, i32
  }
  func.func @transform_4(%arg0: i32) -> (i32, i32) {
    %c0_i32 = arith.constant 0 : i32
    %c0_i32_0 = arith.constant 0 : i32
    return %arg0, %c0_i32 : i32, i32
  }
}

module attributes {stable_mosaic.version = 14 : i64} {
  func.func @_gate_body(%arg0: i32, %arg1: memref<2048x128xf32, #tpu.memory_space<vmem>>, %arg2: memref<2048xf32, #tpu.memory_space<vmem>>, %arg3: memref<1x128xf32, #tpu.memory_space<vmem>>, %arg4: memref<1x128xf32, #tpu.memory_space<vmem>>, %arg5: memref<2048x128xf32, #tpu.memory_space<vmem>>) attributes {dimension_semantics = [#tpu.dimension_semantics<arbitrary>], iteration_bounds = array<i64: 94>, scalar_prefetch = 0 : i64, scratch_operands = 0 : i64, tpu.core_type = #tpu.core_type<tc>, window_params = [{transform_indices = @transform_0, window_bounds = array<i64: 2048, 128>}, {transform_indices = @transform_1, window_bounds = array<i64: 2048>}, {pipeline_mode = #tpu.pipeline_mode<synchronous>, transform_indices = @transform_2, window_bounds = array<i64: 1, 128>}, {pipeline_mode = #tpu.pipeline_mode<synchronous>, transform_indices = @transform_3, window_bounds = array<i64: 1, 128>}, {transform_indices = @transform_4, window_bounds = array<i64: 2048, 128>}]} {
    %get3A = arith.constant 0 : index
    %get3A_0 = vector.load %arg2[%get3A] : memref<2048xf32, #tpu.memory_space<vmem>>, vector<2048xf32>
    %broadcast_in_dim3A = vector.shape_cast %get3A_0 : vector<2048xf32> to vector<2048x1xf32>
    %get3A_1 = arith.constant 0 : index
    %get3A_2 = arith.constant 0 : index
    %get3A_3 = vector.load %arg3[%get3A_1, %get3A_2] : memref<1x128xf32, #tpu.memory_space<vmem>>, vector<1x128xf32>
    %mul3A = vector.broadcast %broadcast_in_dim3A : vector<2048x1xf32> to vector<2048x128xf32>
    %mul3A_4 = vector.broadcast %get3A_3 : vector<1x128xf32> to vector<2048x128xf32>
    %mul3A_5 = arith.mulf %mul3A, %mul3A_4 : vector<2048x128xf32>
    %get3A_6 = arith.constant 0 : index
    %get3A_7 = arith.constant 0 : index
    %get3A_8 = vector.load %arg4[%get3A_6, %get3A_7] : memref<1x128xf32, #tpu.memory_space<vmem>>, vector<1x128xf32>
    %add3A = vector.broadcast %get3A_8 : vector<1x128xf32> to vector<2048x128xf32>
    %add3A_9 = arith.addf %mul3A_5, %add3A : vector<2048x128xf32>
    %neg3A = arith.constant 0.000000e+00 : f32
    %neg3A_10 = vector.broadcast %neg3A : f32 to vector<2048x128xf32>
    %neg3A_11 = arith.subf %neg3A_10, %add3A_9 : vector<2048x128xf32>
    %exp3A = math.exp %neg3A_11 : vector<2048x128xf32>
    %add3A_12 = arith.constant 1.000000e+00 : f32
    %add3A_13 = vector.broadcast %add3A_12 : f32 to vector<2048x128xf32>
    %add3A_14 = arith.addf %add3A_13, %exp3A : vector<2048x128xf32>
    %div3A = arith.constant 1.000000e+00 : f32
    %div3A_15 = vector.broadcast %div3A : f32 to vector<2048x128xf32>
    %div3A_16 = arith.divf %div3A_15, %add3A_14 : vector<2048x128xf32>
    %get3A_17 = arith.constant 0 : index
    %get3A_18 = arith.constant 0 : index
    %get3A_19 = vector.load %arg1[%get3A_17, %get3A_18] : memref<2048x128xf32, #tpu.memory_space<vmem>>, vector<2048x128xf32>
    %mul3A_20 = arith.mulf %get3A_19, %div3A_16 : vector<2048x128xf32>
    %swap3A = arith.constant 0 : index
    %swap3A_21 = arith.constant 0 : index
    %swap3A_22 = vector.load %arg5[%swap3A, %swap3A_21] : memref<2048x128xf32, #tpu.memory_space<vmem>>, vector<2048x128xf32>
    tpu.vector_store %arg5[%swap3A, %swap3A_21], %mul3A_20 {strides = array<i32>} : memref<2048x128xf32, #tpu.memory_space<vmem>>, vector<2048x128xf32>,
    return
  }
  func.func @transform_0(%arg0: i32) -> (i32, i32) {
    %c0_i32 = arith.constant 0 : i32
    %c0_i32_0 = arith.constant 0 : i32
    return %arg0, %c0_i32 : i32, i32
  }
  func.func @transform_1(%arg0: i32) -> i32 {
    %c0_i32 = arith.constant 0 : i32
    return %arg0 : i32
  }
  func.func @transform_2(%arg0: i32) -> (i32, i32) {
    %c0_i32 = arith.constant 0 : i32
    %c0_i32_0 = arith.constant 0 : i32
    %c0_i32_1 = arith.constant 0 : i32
    return %c0_i32, %c0_i32_0 : i32, i32
  }
  func.func @transform_3(%arg0: i32) -> (i32, i32) {
    %c0_i32 = arith.constant 0 : i32
    %c0_i32_0 = arith.constant 0 : i32
    %c0_i32_1 = arith.constant 0 : i32
    return %c0_i32, %c0_i32_0 : i32, i32
  }
  func.func @transform_4(%arg0: i32) -> (i32, i32) {
    %c0_i32 = arith.constant 0 : i32
    %c0_i32_0 = arith.constant 0 : i32
    return %arg0, %c0_i32 : i32, i32
  }
}

</mosaic_0001>

<sc_bundles>
// kernel: kernel.12.cloned.1.call-start
scs
__scs_entry_jumppad:
0x0: {  	(pc) =	sbr.rel $0x88, $3  }
0x1: {  	(tag) =	ssettag $0x0;
	lr =	simm.s32 $0x1  }
0x2: {  	[smem:$0x3F9A] =	sst lr;
	_ =	strace $0xD0000000  }
0x3: {  	_ = 	snop  }
0x4: {  	_ = 	snop  }
0x5: {  	_ = 	snop  }
0x6: {  	_ = 	snop  }
0x7: {  	_ = 	snop  }
__scs_overlays_trampoline_lowered:
0x8: {  	[smem:$0x3FA9] =	sst s0  }
0x9: {  	[smem:$0x3FAA] =	sst s1  }
0xa: {  	[smem:$0x3FAB] =	sst s2  }
0xb: {  	[smem:$0x3FAC] =	sst s3  }
0xc: {  	[smem:$0x3FAD] =	sst s4  }
0xd: {  	[smem:$0x3FAE] =	sst s5  }
0xe: {  	[smem:$0x3FAF] =	sst s6  }
0xf: {  	[smem:$0x3FB0] =	sst s7  }
0x10: {  	[smem:$0x3FB1] =	sst s8  }
0x11: {  	[smem:$0x3FB2] =	sst s9;
	s0 =	simm.s32 @!p0 $0x0  }
0x12: {  	s1 =	sld [smem:$0x3F98];
	s0 =	simm.s32 @p0 $0x1  }
0x13: {  	[smem:$0x3FB3] =	sst s0;
	s0 =	simm.s32 @!p1 $0x0  }
0x14: {  	s2 =	sld [smem:$0x3F97];
	s0 =	simm.s32 @p1 $0x1  }
0x15: {  	[smem:$0x3FB4] =	sst s0;
	s0 =	simm.s32 @!p2 $0x0  }
0x16: {  	s3 =	sld [smem:$0x3FDB];
	s0 =	simm.s32 @p2 $0x1  }
0x17: {  	s4 =	simm.s32 $0x1BF5;
	[smem:$0x3FB6] =	sst s0  }
0x18: {  	s0 =	sld [smem:$0x3F99];
	_ =	swait.ge [sflag:s4], $0x0  }
0x19: {  	s7 =	sld [smem:$0x3F9A]  }
0x1a: {  	s8 =	sadd.s32 $0xFFFFE003, lr  }
0x1b: {  	s9 =	sadd.s32 $0xFFFFFEF7, lr;
	s5 =	simm.s32 $0xFFFFFFFF;
	p2 =	slt.u32 s8, $0xFFFFF086  }
0x1c: {  	p1 =	slt.u32 s9, $0xF7A;
	s5 =	simm.s32 @!p2 $0x0  }
0x1d: {  	s5 =	simm.s32 @p1 $0x1;
	p0 =	seq.s32 s7, s2  }
0x1e: {  	s7 =	smul.u32 @!p0 $0xF7A, s2;
	p2 =	seq.s32 @!p0 s5, $0x0  }
0x1f: {  	s9 =	smul.u32 $0xF7A, s1;
	s8 =	simm.s32 @!p0 $0x1BF5;
	p2 =	por !p2, p0  }
0x20: {  	[sflag:s8] =	ssyncset.s32 @!p0 $0xFFFFF086;
	s6 =	sadd.s32 @!p0 s3, s7;
	s7 =	simm.s32 @!p0 $0x108  }
0x21: {  	s3 =	sadd.s32 s3, s9;
	s6 =	sadd.s32 @!p0 $0x88, s6;
	s7 =	simm.s32 @p2 $0x1082  }
0x22: {  	[simem:s7], [sflag:s8] =	dma.local @!p0 [hbm:s6], $0xF7A  }
0x23: {  	s9 =	sor.u32 $0xD0000000, s2;
	s6 =	simm.s32 $0x108;
	_ =	swait.ge @!p0 [sflag:s8], $0x0  }
0x24: {  	s3 =	sadd.s32 $0x88, s3;
	s6 =	simm.s32 @!p1 $0x1082;
	[sflag:s4] =	ssyncset.s32 $0xFFFFF086  }
0x25: {  	[simem:s6], [sflag:s4] =	dma.local [hbm:s3], $0xF7A  }
0x26: {  	[smem:$0x3F9A] =	sst s1;
	(tag) =	ssettag s2;
	_ =	strace s9  }
0x27: {  	s1 =	sld [smem:$0x3FAA]  }
0x28: {  	s2 =	sld [smem:$0x3FAB]  }
0x29: {  	s4 =	sld [smem:$0x3FAD]  }
0x2a: {  	p0 =	seq.s32 s5, $0x0;
	s5 =	sld [smem:$0x3FAE]  }
0x2b: {  	s6 =	sld [smem:$0x3FAF]  }
0x2c: {  	s7 =	sld [smem:$0x3FB0]  }
0x2d: {  	s3 =	simm.s32 $0x108;
	s8 =	sld [smem:$0x3FB1]  }
0x2e: {  	s3 =	simm.s32 @!p0 $0x1082;
	s9 =	sld [smem:$0x3FB2]  }
0x2f: {  	lr =	sadd.s32 s0, s3;
	s0 =	sld [smem:$0x3FA9]  }
0x30: {  	s3 =	sld [smem:$0x3FAC]  }
0x31: {  	[smem:$0x3FB5] =	sst s10  }
0x32: {  	s10 =	sld [smem:$0x3FB3];
	_ =	sdelay $0x3  }
0x33: {  	p0 =	seq.s32 s10, $0x1;
	s10 =	sld [smem:$0x3FB5];
	_ =	sdelay $0x3  }
0x34: {  	[smem:$0x3FB5] =	sst s10  }
0x35: {  	s10 =	sld [smem:$0x3FB4];
	_ =	sdelay $0x3  }
0x36: {  	p1 =	seq.s32 s10, $0x1;
	s10 =	sld [smem:$0x3FB5];
	_ =	sdelay $0x3  }
0x37: {  	[smem:$0x3FB5] =	sst s10  }
0x38: {  	s10 =	sld [smem:$0x3FB6]  }
0x39: {  	_ = 	snop;
	(pc) =	sbr.ind lr, $3  }
0x3a: {  	_ = 	snop  }
0x3b: {  	_ = 	snop  }
0x3c: {  	p2 =	seq.s32 s10, $0x1;
	s10 =	sld [smem:$0x3FB5]  }
0x3d: {  	_ =	shalt  }
0x3e: {  	_ =	shalt  }
0x3f: {  	_ =	shalt  }
0x40: {  	_ =	shalt  }
0x41: {  	_ =	shalt  }
0x42: {  	_ =	shalt  }
0x43: {  	_ =	shalt  }
0x44: {  	_ =	shalt  }
0x45: {  	_ =	shalt  }
0x46: {  	_ =	shalt  }
0x47: {  	_ =	shalt  }
0x48: {  	_ =	shalt  }
0x49: {  	_ =	shalt  }
0x4a: {  	_ =	shalt  }
0x4b: {  	_ =	shalt  }
0x4c: {  	_ =	shalt  }
0x4d: {  	_ =	shalt  }
0x4e: {  	_ =	shalt  }
0x4f: {  	_ =	shalt  }
0x50: {  	_ =	shalt  }
0x51: {  	_ =	shalt  }
0x52: {  	_ =	shalt  }
0x53: {  	_ =	shalt  }
0x54: {  	_ =	shalt  }
0x55: {  	_ =	shalt  }
0x56: {  	_ =	shalt  }
0x57: {  	_ =	shalt  }
0x58: {  	_ =	shalt  }
0x59: {  	_ =	shalt  }
0x5a: {  	_ =	shalt  }
0x5b: {  	_ =	shalt  }
0x5c: {  	_ =	shalt  }
0x5d: {  	_ =	shalt  }
0x5e: {  	_ =	shalt  }
0x5f: {  	_ =	shalt  }
0x60: {  	_ =	shalt  }
0x61: {  	_ =	shalt  }
0x62: {  	_ =	shalt  }
0x63: {  	_ =	shalt  }
0x64: {  	_ =	shalt  }
0x65: {  	_ =	shalt  }
0x66: {  	_ =	shalt  }
0x67: {  	_ =	shalt  }
0x68: {  	_ =	shalt  }
0x69: {  	_ =	shalt  }
0x6a: {  	_ =	shalt  }
0x6b: {  	_ =	shalt  }
0x6c: {  	_ =	shalt  }
0x6d: {  	_ =	shalt  }
0x6e: {  	_ =	shalt  }
0x6f: {  	_ =	shalt  }
0x70: {  	_ =	shalt  }
0x71: {  	_ =	shalt  }
0x72: {  	_ =	shalt  }
0x73: {  	_ =	shalt  }
0x74: {  	_ =	shalt  }
0x75: {  	_ =	shalt  }
0x76: {  	_ =	shalt  }
0x77: {  	_ =	shalt  }
0x78: {  	_ =	shalt  }
0x79: {  	_ =	shalt  }
0x7a: {  	_ =	shalt  }
0x7b: {  	_ =	shalt  }
0x7c: {  	_ =	shalt  }
0x7d: {  	_ =	shalt  }
0x7e: {  	_ =	shalt  }
0x7f: {  	_ =	shalt  }
0x80: {  	_ =	shalt  }
0x81: {  	_ =	shalt  }
0x82: {  	_ =	shalt  }
0x83: {  	_ =	shalt  }
0x84: {  	_ =	shalt  }
0x85: {  	_ =	shalt  }
0x86: {  	_ =	shalt  }
0x87: {  	_ =	shalt  }
.Lfunc_end0:
.L_simem_size_0:
called_computation.1_lowered:
.L_overlay_start_0:
0x88: {  	s2 =	sld [smem:$0x3FD9]  }
0x89: {  	s3 =	sld [smem:$0x3FFE];
	_ =	sdelay $0x1  }
0x8a: {  	s1 =	srdreg.scid  }
0x8b: {  	s0 =	sand.u32 $0x1, s1  }
0x8c: {  	s17 =	sshll.u32 s0, $0xA;
	s2 =	sadd.s32 s3, s2  }
0x8d: {  	s2 =	sadd.s32 s2, s17  }
0x8e: {  	[smem:$0x3FC1] =	sst s2  }
0x8f: {  	_ = 	snop  }
0x90: {  	s18 =	sld [smem:$0x3FC9]  }
0x91: {  	s4 =	sld [smem:$0x3FC7]  }
0x92: {  	s5 =	sld [smem:$0x3FD0];
	(tm) =	ssettm $0x1  }
0x93: {  	s19 =	sld [smem:$0x3FFB];
	_ =	sdelay $0x3  }
0x94: {  	_ =	strace s19  }
0x95: {  	s2 =	sld [smem:$0x3FFC];
	_ =	sdelay $0x3  }
0x96: {  	_ =	strace s2  }
0x97: {  	s2 =	sld [smem:$0x3FFD];
	_ =	sdelay $0x3  }
0x98: {  	_ =	strace s2  }
0x99: {  	_ =	strace $0x8FFFFFFF  }
0x9a: {  	s20 =	sld [smem:$0x3FDB];
	_ =	sdelay $0x1  }
0x9b: {  	s6 =	simm.s32 $_scs_section_size  }
0x9c: {  	s7 =	simm.s32 $_size__tile_overlayer_lowered;
	s8 =	simm.s32 $_tile_overlayer_lowered  }
0x9d: {  	s9 =	simm.s32 $0x1BFF;
	s21 =	sshll.u32 s8, $0x1;
	s6 =	sadd.s32 s6, s20  }
0x9e: {  	s22 =	simm.s32 $0x0;
	s7 =	sshll.u32 s7, $0x1;
	s8 =	sadd.s32 s21, s6  }
0x9f: {  	[timem:s22], [sflag:s9] =	dma.local [hbm:s8], s7  }
0xa0: {  	_ =	swait.ge [sflag:s9], s7  }
0xa1: {  	s7 =	ssub.s32 $0x0, s7;
	[sflag:s9] =	ssyncset.done $0x0  }
0xa2: {  	[sflag:s9] =	ssyncadd.s32 s7;
	_ =	sdelay $0x1  }
0xa3: {  	s23 =	simm.s32 $0x1B8B  }
0xa4: {  	_ =	swait.ge [sflag:s23], $0x1  }
0xa5: {  	[sflag:s23] =	ssyncset.done $0x0  }
0xa6: {  	[sflag:s23] =	ssyncadd.s32 $0xFFFFFFFF  }
0xa7: {  	s7 =	sld [smem:$0x0]  }
0xa8: {  	s8 =	sand.u32 $0xFFFFFFFE, s1  }
0xa9: {  	p0 =	sne.s32 s1, s8  }
0xaa: {  	s8 =	sshll.u32 @p0 s8, $0xE  }
0xab: {  	s8 =	sadd.s32 @p0 $0x11B8D, s8;
	s9 =	sshll.u32 @p0 s7, $0x11  }
0xac: {  	s8 =	sor.u32 @p0 s9, s8  }
0xad: {  	[sflag:s8] =	ssyncadd.remote.s32 @p0 $0x1;
	_ =	sdelay $0x1  }
0xae: {  	s8 =	simm.s32 @p0 $0x1B8D  }
0xaf: {  	_ =	swait.eq @p0 [sflag:s8], $0x1  }
0xb0: {  	[sflag:s8] =	ssyncadd.s32 @p0 $0xFFFFFFFF  }
0xb1: {  	s9 =	sshll.u32 @!p0 s1, $0xE  }
0xb2: {  	s9 =	sor.u32 @!p0 $0x4000, s9;
	s8 =	simm.s32 @!p0 $0x1B8D  }
0xb3: {  	s7 =	sshll.u32 @!p0 s7, $0x11;
	s9 =	sadd.s32 @!p0 $0x11B8D, s9;
	_ =	swait.eq @!p0 [sflag:s8], $0x1  }
0xb4: {  	s7 =	sor.u32 @!p0 s7, s9;
	[sflag:s8] =	ssyncadd.s32 @!p0 $0xFFFFFFFF  }
0xb5: {  	s25 =	simm.s32 $0x1B8E;
	s24 =	sld [smem:$0x3FFE];
	[sflag:s7] =	ssyncadd.remote.s32 @!p0 $0x1  }
0xb6: {  	s26 =	simm.s32 $execute0_lowered;
	[smem:$0x3FD2] =	sst s25  }
0xb7: {  	s8 =	sshll.u32 s26, $0x1;
	_ =	strace $0x80000049;
	[dreg:$0x1] =	wrdreg $0xFFFFFFFF  }
0xb8: {  	s28 =	simm.s32 $_size_execute0_lowered;
	s6 =	sadd.s32 s6, s8;
	[dreg:$0x0] =	wrdreg $0x0  }
0xb9: {  	s8 =	sshll.u32 s28, $0x1;
	[dreg:$0x2] =	wrdreg s6  }
0xba: {  	[dreg:$0x3] =	wrdreg s8  }
0xbb: {  	[dreg:$0x4] =	wrdreg $0xC0  }
0xbc: {  	_ =	task [dreg:s22], $0x5FFFF  }
0xbd: {  	[dreg:$0x1] =	wrdreg $0xFFFFFFFF  }
0xbe: {  	[dreg:$0x0] =	wrdreg $0x60  }
0xbf: {  	[dreg:$0x2] =	wrdreg s24  }
0xc0: {  	[dreg:$0x3] =	wrdreg s5  }
0xc1: {  	[dreg:$0x4] =	wrdreg s4  }
0xc2: {  	[dreg:$0x5] =	wrdreg s18  }
0xc3: {  	[dreg:$0x6] =	wrdreg $0x9  }
0xc4: {  	_ =	task.clear_ibuf [dreg:s22], $0x7FFFF;
	_ =	strace $0x90000049  }
0xc5: {  	s29 =	simm.s32 $0x9;
	_ =	strace $0x8000004B  }
0xc6: {  	_ =	swait.ge [sflag:s29], $0x1  }
0xc7: {  	[sflag:s29] =	ssyncadd.s32 $0xFFFFFFFF  }
0xc8: {  	_ =	strace $0x9000004B  }
0xc9: {  	_ =	sfence  }
0xca: {  	s30 =	sld [smem:$0x0];
	_ =	sdelay $0x2  }
0xcb: {  	s31 =	sshll.u32 s1, $0xD;
	s1 =	sshrl.u32 s1, $0x2  }
0xcc: {  	s4 =	sand.u32 $0x4000, s31;
	s1 =	sadd.s32 s1, s30  }
0xcd: {  	s0 =	sor.u32 s4, s0;
	s1 =	sshll.u32 s1, $0x11  }
0xce: {  	s0 =	sor.u32 s1, s0  }
0xcf: {  	s0 =	sadd.s32 $0x8F2B, s0  }
0xd0: {  	[sflag:s0] =	ssyncadd.remote.s32 $0x1  }
0xd1: {  	_ =	sfence.sel $0xFFFF  }
0xd2: {  	[dreg:$0x0] =	wrdreg $0xFFFFFFFF;
	(pc) =	sbr.abs _section_cstart, $3  }
0xd3: {  	[dreg:$0x1] =	wrdreg $0xFFFFFFFF  }
0xd4: {  	_ =	task.clear_ibuf [dreg:s22], $0x2FFFF;
	_ =	strace $0x9FFFFFFF  }
0xd5: {  	(tm) =	ssettm $0x7FFFFFFF  }
tec
execute0_lowered:
.L_overlay_start_1:
0x0: {  	(tag) =	ssettag $0x1  }
0x1: {  	s0 =	srdreg.scid;
	s1 =	rddreg [dreg:$0x0]  }
0x2: {  	s7 =	rddreg [dreg:$0x1];
	s28 =	stileid.u32  }
0x3: {  	s2 =	rddreg [dreg:$0x2];
	s4 =	simm.s32 $0x0;
	s15 =	simm.s32 $0x2000  }
0x4: {  	s16 =	simm.s32 $0x7000;
	s17 =	simm.s32 $0x7100;
	s18 =	simm.s32 $0x4800  }
0x5: {  	s19 =	simm.s32 $0x7080;
	s20 =	simm.s32 $0x7180;
	s21 =	simm.s32 $0x1  }
0x6: {  	s22 =	simm.s32 $0x2;
	s23 =	simm.s32 $0x1F50;
	s24 =	simm.s32 $0xF50  }
0x7: {  	s25 =	simm.s32 $0x7200;
	s26 =	simm.s32 $0x0;
	s6 =	sand.u32 $0x1, s0  }
0x8: {  	[smem:$0x7FF] =	sst s4;
	s31 =	smul.u32 $0xFA00, s28;
	s3 =	sshll.u32 s6, $0x4  }
0x9: {  	s14 =	sadd.s32 $0x306600, s1;
	s30 =	smul.u32 $0xFA000, s6;
	s5 =	sor.u32 s28, s3  }
0xa: {  	s10 =	ssub.s32 $0x2, s6;
	s3 =	rddreg [dreg:$0x3];
	s8 =	smul.u32 $0xFA0, s5  }
0xb: {  	_ =	strace $0x8000004A;
	s12 =	sshrl.u32 s10, $0x1;
	s13 =	smul.u32 $0x7D000, s5  }
0xc: {  	s10 =	ssub.s32 s10, s12;
	s12 =	simm.s32 $0x3;
	s8 =	sshrl.u32 s8, $0x3  }
0xd: {  	s10 =	smax.u32 s10, $0x1;
	s29 =	sshrl.u32 s13, $0x3;
	s9 =	sadd.s32 $0x5DC0, s8  }
0xe: {  	s13 =	simm.s32 $0x1000;
	s11 =	sadd.s32 s9, s1;
	s1 =	sadd.s32 s8, s1  }
0xf: {  	s6 =	sadd.s32 s7, s9;
	s8 =	sadd.s32 s14, s29;
	s5 =	sadd.s32 $0x2A00, s11  }
0x10: {  	s7 =	sadd.s32 $0xF000, s8;
	s8 =	sadd.s32 $0xF500, s8;
	s11 =	sadd.s32 s30, s14  }
0x11: {  	s9 =	sadd.s32 $0x302600, s1;
	s14 =	simm.s32 $0x50;
	s11 =	sadd.s32 s31, s11  }
.LBB2_1:
0x12: {  	[tilespmem:s4], [sflag:$0x3] =	stream.linear.gather [hbm4b:s5+s4], $0xFA0, $0x38;
	[tilespmem:$0x8200] =	vst v63  }
0x13: {  	_ =	swait.ge [sflag:s12], $0xFA0  }
0x14: {  	[sflag:s12] =	ssyncset.done $0x0  }
0x15: {  	[sflag:s12] =	ssyncadd.s32 $0xFFFFF060  }
0x16: {  	[tilespmem:s13], [sflag:$0x3] =	stream.linear.gather [hbm4b:s6+s4], $0xFA0, $0x38;
	[tilespmem:$0x8200] =	vst v63  }
0x17: {  	_ =	swait.ge [sflag:s12], $0xFA0  }
0x18: {  	[sflag:s12] =	ssyncset.done $0x0  }
0x19: {  	[sflag:s12] =	ssyncadd.s32 $0xFFFFF060  }
0x1a: {  	[tilespmem:s15], [sflag:$0x1] =	stream.indirect.gather [hbm4b:s3+s14], $0x80, s13, s14, $0xb8;
	[tilespmem:$0x8200] =	vst v63  }
0x1b: {  	_ = 	snop  }
0x1c: {  	[tilespmem:s16], [sflag:$0x1] =	stream.indirect.gather [hbm4b:s2+s14], $0x1, s4, s14, $0xb8;
	[tilespmem:$0x8200] =	vst v63  }
0x1d: {  	_ = 	snop  }
0x1e: {  	[tilespmem:s17], [sflag:$0x1] =	stream.indirect.gather [hbm4b:s2+s14], $0x1, s13, s14, $0xb8;
	[tilespmem:$0x8200] =	vst v63  }
0x1f: {  	s1 =	simm.s32 $0x1050  }
0x20: {  	[tilespmem:s18], [sflag:$0x2] =	stream.indirect.gather [hbm4b:s3+s14], $0x80, s1, s14, $0xb8;
	[tilespmem:$0x8200] =	vst v63  }
0x21: {  	s28 =	simm.s32 $0x50  }
0x22: {  	[tilespmem:s19], [sflag:$0x2] =	stream.indirect.gather [hbm4b:s2+s14], $0x1, s28, s14, $0xb8;
	[tilespmem:$0x8200] =	vst v63  }
0x23: {  	_ = 	snop  }
0x24: {  	[tilespmem:s20], [sflag:$0x2] =	stream.indirect.gather [hbm4b:s2+s14], $0x1, s1, s14, $0xb8;
	[tilespmem:$0x8200] =	vst v63  }
0x25: {  	_ =	swait.ge [sflag:s21], $0x2800  }
0x26: {  	[sflag:s21] =	ssyncset.done $0x0  }
0x27: {  	[sflag:s21] =	ssyncadd.s32 $0xFFFFD800  }
0x28: {  	_ =	swait.ge [sflag:s21], $0x50  }
0x29: {  	[sflag:s21] =	ssyncset.done $0x0  }
0x2a: {  	[sflag:s21] =	ssyncadd.s32 $0xFFFFFFB0  }
0x2b: {  	_ =	swait.ge [sflag:s21], $0x50  }
0x2c: {  	[sflag:s21] =	ssyncset.done $0x0  }
0x2d: {  	[sflag:s21] =	ssyncadd.s32 $0xFFFFFFB0  }
0x2e: {  	v0 =	vld [tilespmem:$0x7000]  }
0x2f: {  	v1 =	vld [tilespmem:$0x7100];
	_ =	sdelay $0x4  }
0x30: {  	v0 =	vsub.f32 v0, v1;
	_ =	sdelay $0x1  }
0x31: {  	s28 =	simm.s32 $0x0;
	v0 =	vand.u32 $0x7FFFFFFF, v0  }
0x32: {  	[tilespmem:s28+$0x7200] =	vst v0  }
0x33: {  	v0 =	vld [tilespmem:$0x7010]  }
0x34: {  	v1 =	vld [tilespmem:$0x7110];
	_ =	sdelay $0x4  }
0x35: {  	v0 =	vsub.f32 v0, v1;
	_ =	sdelay $0x1  }
0x36: {  	v0 =	vand.u32 $0x7FFFFFFF, v0  }
0x37: {  	[tilespmem:s28+$0x7210] =	vst v0  }
0x38: {  	v0 =	vld [tilespmem:$0x7020]  }
0x39: {  	v1 =	vld [tilespmem:$0x7120];
	_ =	sdelay $0x4  }
0x3a: {  	v0 =	vsub.f32 v0, v1;
	_ =	sdelay $0x1  }
0x3b: {  	v0 =	vand.u32 $0x7FFFFFFF, v0  }
0x3c: {  	[tilespmem:s28+$0x7220] =	vst v0  }
0x3d: {  	v0 =	vld [tilespmem:$0x7030]  }
0x3e: {  	v1 =	vld [tilespmem:$0x7130];
	_ =	sdelay $0x4  }
0x3f: {  	v0 =	vsub.f32 v0, v1;
	_ =	sdelay $0x1  }
0x40: {  	v0 =	vand.u32 $0x7FFFFFFF, v0  }
0x41: {  	[tilespmem:s28+$0x7230] =	vst v0  }
0x42: {  	v0 =	vld [tilespmem:$0x7040]  }
0x43: {  	v1 =	vld [tilespmem:$0x7140];
	_ =	sdelay $0x4  }
0x44: {  	v0 =	vsub.f32 v0, v1;
	_ =	sdelay $0x1  }
0x45: {  	v0 =	vand.u32 $0x7FFFFFFF, v0  }
0x46: {  	[tilespmem:s28+$0x7240] =	vst v0  }
0x47: {  	[hbm4b:s11+s4] =	stream.linear.scatter [tilespmem:s15], [sflag:$0x3], $0x2800, $0x38;
	[tilespmem:$0x8200] =	vst v63  }
0x48: {  	_ =	swait.ge [sflag:s12], $0x2800  }
0x49: {  	[sflag:s12] =	ssyncset.done $0x0  }
0x4a: {  	s0 =	simm.s32 $0x10A0;
	[sflag:s12] =	ssyncadd.s32 $0xFFFFD800  }
0x4b: {  	[tilespmem:s15], [sflag:$0x1] =	stream.indirect.gather [hbm4b:s3+s14], $0x80, s0, s14, $0xb8;
	[tilespmem:$0x8200] =	vst v63  }
0x4c: {  	s29 =	simm.s32 $0xA0  }
0x4d: {  	[tilespmem:s16], [sflag:$0x1] =	stream.indirect.gather [hbm4b:s2+s14], $0x1, s29, s14, $0xb8;
	[tilespmem:$0x8200] =	vst v63  }
0x4e: {  	_ = 	snop  }
0x4f: {  	[tilespmem:s17], [sflag:$0x1] =	stream.indirect.gather [hbm4b:s2+s14], $0x1, s0, s14, $0xb8;
	[tilespmem:$0x8200] =	vst v63  }
0x50: {  	_ =	swait.ge [sflag:s22], $0x2800  }
0x51: {  	[sflag:s22] =	ssyncset.done $0x0  }
0x52: {  	[sflag:s22] =	ssyncadd.s32 $0xFFFFD800  }
0x53: {  	_ =	swait.ge [sflag:s22], $0x50  }
0x54: {  	[sflag:s22] =	ssyncset.done $0x0  }
0x55: {  	[sflag:s22] =	ssyncadd.s32 $0xFFFFFFB0  }
0x56: {  	_ =	swait.ge [sflag:s22], $0x50  }
0x57: {  	[sflag:s22] =	ssyncset.done $0x0  }
0x58: {  	[sflag:s22] =	ssyncadd.s32 $0xFFFFFFB0  }
0x59: {  	v0 =	vld [tilespmem:$0x7080]  }
0x5a: {  	v1 =	vld [tilespmem:$0x7180];
	_ =	sdelay $0x4  }
0x5b: {  	v0 =	vsub.f32 v0, v1;
	_ =	sdelay $0x1  }
0x5c: {  	v0 =	vand.u32 $0x7FFFFFFF, v0  }
0x5d: {  	[tilespmem:s28+$0x7250] =	vst v0  }
0x5e: {  	v0 =	vld [tilespmem:$0x7090]  }
0x5f: {  	v1 =	vld [tilespmem:$0x7190];
	_ =	sdelay $0x4  }
0x60: {  	v0 =	vsub.f32 v0, v1;
	_ =	sdelay $0x1  }
0x61: {  	v0 =	vand.u32 $0x7FFFFFFF, v0  }
0x62: {  	[tilespmem:s28+$0x7260] =	vst v0  }
0x63: {  	v0 =	vld [tilespmem:$0x70A0]  }
0x64: {  	v1 =	vld [tilespmem:$0x71A0];
	_ =	sdelay $0x4  }
0x65: {  	v0 =	vsub.f32 v0, v1;
	_ =	sdelay $0x1  }
0x66: {  	v0 =	vand.u32 $0x7FFFFFFF, v0  }
0x67: {  	[tilespmem:s28+$0x7270] =	vst v0  }
0x68: {  	v0 =	vld [tilespmem:$0x70B0]  }
0x69: {  	v1 =	vld [tilespmem:$0x71B0];
	_ =	sdelay $0x4  }
0x6a: {  	v0 =	vsub.f32 v0, v1;
	_ =	sdelay $0x1  }
0x6b: {  	s0 =	sand.u32 $0x1FE0, s4;
	v0 =	vand.u32 $0x7FFFFFFF, v0  }
0x6c: {  	[tilespmem:s0+$0x7280] =	vst v0  }
0x6d: {  	s30 =	smov.u32 s11;
	v0 =	vld [tilespmem:$0x70C0]  }
0x6e: {  	s31 =	simm.s32 $0x0;
	s1 =	sadd.s32 $0x500, s11;
	s29 =	simm.s32 $0x280;
	v1 =	vld [tilespmem:$0x71C0]  }
.LBB2_2:
0x6f: {  	_ = 	snop  }
0x70: {  	p0 =	sne.s32 s29, $0x3980;
	s30 =	sadd.s32 $0xA00, s30;
	s31 =	sadd.s32 $0xA0, s31  }
0x71: {  	s0 =	smov.u32 s29;
	s29 =	sadd.s32 $0x280, s29;
	_ =	sdelay $0x1  }
0x72: {  	v0 =	vsub.f32 v0, v1;
	_ =	sdelay $0x1  }
0x73: {  	v0 =	vand.u32 $0x7FFFFFFF, v0  }
0x74: {  	[tilespmem:s28+$0x7290] =	vst v0  }
0x75: {  	[hbm4b:s1+s4] =	stream.linear.scatter [tilespmem:s18], [sflag:$0x3], $0x2800, $0x38;
	[tilespmem:$0x8200] =	vst v63  }
0x76: {  	_ =	swait.ge [sflag:s12], $0x2800  }
0x77: {  	s28 =	sshra.s32 s0, $0x2;
	[sflag:s12] =	ssyncset.done $0x0  }
0x78: {  	s0 =	sadd.s32 $0x1050, s28;
	[sflag:s12] =	ssyncadd.s32 $0xFFFFD800  }
0x79: {  	[tilespmem:s18], [sflag:$0x2] =	stream.indirect.gather [hbm4b:s3+s14], $0x80, s0, s14, $0xb8;
	[tilespmem:$0x8200] =	vst v63  }
0x7a: {  	s1 =	sadd.s32 $0x50, s28  }
0x7b: {  	[tilespmem:s19], [sflag:$0x2] =	stream.indirect.gather [hbm4b:s2+s14], $0x1, s1, s14, $0xb8;
	[tilespmem:$0x8200] =	vst v63  }
0x7c: {  	_ = 	snop  }
0x7d: {  	[tilespmem:s20], [sflag:$0x2] =	stream.indirect.gather [hbm4b:s2+s14], $0x1, s0, s14, $0xb8;
	[tilespmem:$0x8200] =	vst v63  }
0x7e: {  	_ =	swait.ge [sflag:s21], $0x2800  }
0x7f: {  	[sflag:s21] =	ssyncset.done $0x0  }
0x80: {  	[sflag:s21] =	ssyncadd.s32 $0xFFFFD800  }
0x81: {  	_ =	swait.ge [sflag:s21], $0x50  }
0x82: {  	[sflag:s21] =	ssyncset.done $0x0  }
0x83: {  	[sflag:s21] =	ssyncadd.s32 $0xFFFFFFB0  }
0x84: {  	_ =	swait.ge [sflag:s21], $0x50  }
0x85: {  	[sflag:s21] =	ssyncset.done $0x0  }
0x86: {  	[sflag:s21] =	ssyncadd.s32 $0xFFFFFFB0  }
0x87: {  	v0 =	vld [tilespmem:$0x7000]  }
0x88: {  	v1 =	vld [tilespmem:$0x7100];
	_ =	sdelay $0x4  }
0x89: {  	v0 =	vsub.f32 v0, v1;
	_ =	sdelay $0x1  }
0x8a: {  	v0 =	vand.u32 $0x7FFFFFFF, v0  }
0x8b: {  	[tilespmem:s28+$0x7200] =	vst v0  }
0x8c: {  	v0 =	vld [tilespmem:$0x7010]  }
0x8d: {  	v1 =	vld [tilespmem:$0x7110];
	_ =	sdelay $0x4  }
0x8e: {  	v0 =	vsub.f32 v0, v1;
	_ =	sdelay $0x1  }
0x8f: {  	v0 =	vand.u32 $0x7FFFFFFF, v0  }
0x90: {  	[tilespmem:s28+$0x7210] =	vst v0  }
0x91: {  	v0 =	vld [tilespmem:$0x7020]  }
0x92: {  	v1 =	vld [tilespmem:$0x7120];
	_ =	sdelay $0x4  }
0x93: {  	v0 =	vsub.f32 v0, v1;
	_ =	sdelay $0x1  }
0x94: {  	v0 =	vand.u32 $0x7FFFFFFF, v0  }
0x95: {  	[tilespmem:s28+$0x7220] =	vst v0  }
0x96: {  	v0 =	vld [tilespmem:$0x7030]  }
0x97: {  	v1 =	vld [tilespmem:$0x7130];
	_ =	sdelay $0x4  }
0x98: {  	v0 =	vsub.f32 v0, v1;
	_ =	sdelay $0x1  }
0x99: {  	v0 =	vand.u32 $0x7FFFFFFF, v0  }
0x9a: {  	[tilespmem:s28+$0x7230] =	vst v0  }
0x9b: {  	v0 =	vld [tilespmem:$0x7040]  }
0x9c: {  	v1 =	vld [tilespmem:$0x7140];
	_ =	sdelay $0x4  }
0x9d: {  	v0 =	vsub.f32 v0, v1;
	_ =	sdelay $0x1  }
0x9e: {  	s0 =	sadd.s32 $0x10A0, s28;
	v0 =	vand.u32 $0x7FFFFFFF, v0  }
0x9f: {  	s1 =	sadd.s32 $0xA0, s28;
	[tilespmem:s28+$0x7240] =	vst v0  }
0xa0: {  	[hbm4b:s30+s4] =	stream.linear.scatter [tilespmem:s15], [sflag:$0x3], $0x2800, $0x38;
	[tilespmem:$0x8200] =	vst v63  }
0xa1: {  	_ =	swait.ge [sflag:s12], $0x2800  }
0xa2: {  	[sflag:s12] =	ssyncset.done $0x0  }
0xa3: {  	[sflag:s12] =	ssyncadd.s32 $0xFFFFD800  }
0xa4: {  	[tilespmem:s15], [sflag:$0x1] =	stream.indirect.gather [hbm4b:s3+s14], $0x80, s0, s14, $0xb8;
	[tilespmem:$0x8200] =	vst v63  }
0xa5: {  	_ = 	snop  }
0xa6: {  	[tilespmem:s16], [sflag:$0x1] =	stream.indirect.gather [hbm4b:s2+s14], $0x1, s1, s14, $0xb8;
	[tilespmem:$0x8200] =	vst v63  }
0xa7: {  	_ = 	snop  }
0xa8: {  	[tilespmem:s17], [sflag:$0x1] =	stream.indirect.gather [hbm4b:s2+s14], $0x1, s0, s14, $0xb8;
	[tilespmem:$0x8200] =	vst v63  }
0xa9: {  	_ =	swait.ge [sflag:s22], $0x2800  }
0xaa: {  	[sflag:s22] =	ssyncset.done $0x0  }
0xab: {  	[sflag:s22] =	ssyncadd.s32 $0xFFFFD800  }
0xac: {  	_ =	swait.ge [sflag:s22], $0x50  }
0xad: {  	[sflag:s22] =	ssyncset.done $0x0  }
0xae: {  	[sflag:s22] =	ssyncadd.s32 $0xFFFFFFB0  }
0xaf: {  	_ =	swait.ge [sflag:s22], $0x50  }
0xb0: {  	[sflag:s22] =	ssyncset.done $0x0  }
0xb1: {  	[sflag:s22] =	ssyncadd.s32 $0xFFFFFFB0  }
0xb2: {  	v0 =	vld [tilespmem:$0x7080]  }
0xb3: {  	v1 =	vld [tilespmem:$0x7180];
	_ =	sdelay $0x4  }
0xb4: {  	v0 =	vsub.f32 v0, v1;
	_ =	sdelay $0x1  }
0xb5: {  	v0 =	vand.u32 $0x7FFFFFFF, v0  }
0xb6: {  	[tilespmem:s28+$0x7250] =	vst v0  }
0xb7: {  	v0 =	vld [tilespmem:$0x7090]  }
0xb8: {  	v1 =	vld [tilespmem:$0x7190];
	_ =	sdelay $0x4  }
0xb9: {  	v0 =	vsub.f32 v0, v1;
	_ =	sdelay $0x1  }
0xba: {  	v0 =	vand.u32 $0x7FFFFFFF, v0  }
0xbb: {  	[tilespmem:s28+$0x7260] =	vst v0  }
0xbc: {  	v0 =	vld [tilespmem:$0x70A0]  }
0xbd: {  	v1 =	vld [tilespmem:$0x71A0];
	_ =	sdelay $0x4  }
0xbe: {  	v0 =	vsub.f32 v0, v1;
	_ =	sdelay $0x1  }
0xbf: {  	v0 =	vand.u32 $0x7FFFFFFF, v0  }
0xc0: {  	s0 =	sand.u32 $0x1FE0, s31;
	[tilespmem:s28+$0x7270] =	vst v0  }
0xc1: {  	v0 =	vld [tilespmem:$0x70B0]  }
0xc2: {  	v1 =	vld [tilespmem:$0x71B0];
	_ =	sdelay $0x4  }
0xc3: {  	v0 =	vsub.f32 v0, v1  }
.Ltmp0:
0xc4: {  	(pc) =	sbr.rel @p0 .LBB2_2-.Ltmp0, $4  }
0xc5: {  	v0 =	vand.u32 $0x7FFFFFFF, v0  }
0xc6: {  	s1 =	sadd.s32 $0x500, s30;
	[tilespmem:s0+$0x7280] =	vst v0  }
0xc7: {  	v0 =	vld [tilespmem:$0x70C0]  }
0xc8: {  	v1 =	vld [tilespmem:$0x71C0]  }
0xc9: {  	_ =	sdelay $0x3  }
0xca: {  	v0 =	vsub.f32 v0, v1;
	_ =	sdelay $0x1  }
0xcb: {  	v0 =	vand.u32 $0x7FFFFFFF, v0  }
0xcc: {  	[tilespmem:s28+$0x7290] =	vst v0  }
0xcd: {  	[hbm4b:s1+s4] =	stream.linear.scatter [tilespmem:s18], [sflag:$0x3], $0x2800, $0x38;
	[tilespmem:$0x8200] =	vst v63  }
0xce: {  	_ =	swait.ge [sflag:s12], $0x2800  }
0xcf: {  	[sflag:s12] =	ssyncset.done $0x0  }
0xd0: {  	[sflag:s12] =	ssyncadd.s32 $0xFFFFD800  }
0xd1: {  	[tilespmem:s18], [sflag:$0x2] =	stream.indirect.gather [hbm4b:s3+s14], $0x80, s23, s14, $0xb8;
	[tilespmem:$0x8200] =	vst v63  }
0xd2: {  	_ = 	snop  }
0xd3: {  	[tilespmem:s19], [sflag:$0x2] =	stream.indirect.gather [hbm4b:s2+s14], $0x1, s24, s14, $0xb8;
	[tilespmem:$0x8200] =	vst v63  }
0xd4: {  	_ = 	snop  }
0xd5: {  	[tilespmem:s20], [sflag:$0x2] =	stream.indirect.gather [hbm4b:s2+s14], $0x1, s23, s14, $0xb8;
	[tilespmem:$0x8200] =	vst v63  }
0xd6: {  	_ =	swait.ge [sflag:s21], $0x2800  }
0xd7: {  	[sflag:s21] =	ssyncset.done $0x0  }
0xd8: {  	[sflag:s21] =	ssyncadd.s32 $0xFFFFD800  }
0xd9: {  	_ =	swait.ge [sflag:s21], $0x50  }
0xda: {  	[sflag:s21] =	ssyncset.done $0x0  }
0xdb: {  	[sflag:s21] =	ssyncadd.s32 $0xFFFFFFB0  }
0xdc: {  	_ =	swait.ge [sflag:s21], $0x50  }
0xdd: {  	[sflag:s21] =	ssyncset.done $0x0  }
0xde: {  	[sflag:s21] =	ssyncadd.s32 $0xFFFFFFB0  }
0xdf: {  	v39 =	vld [tilespmem:$0x7000]  }
0xe0: {  	v40 =	vld [tilespmem:$0x7100]  }
0xe1: {  	v2 =	vld [tilespmem:$0x7010]  }
0xe2: {  	v3 =	vld [tilespmem:$0x7110]  }
0xe3: {  	v4 =	vld [tilespmem:$0x7020]  }
0xe4: {  	v5 =	vld [tilespmem:$0x7120]  }
0xe5: {  	v6 =	vld [tilespmem:$0x7030]  }
0xe6: {  	v7 =	vld [tilespmem:$0x7130]  }
0xe7: {  	v8 =	vld [tilespmem:$0x7040]  }
0xe8: {  	v9 =	vld [tilespmem:$0x7140]  }
0xe9: {  	v0 =	vsub.f32 v39, v40  }
0xea: {  	v41 =	vsub.f32 v2, v3  }
0xeb: {  	v42 =	vsub.f32 v4, v5;
	v0 =	vand.u32 $0x7FFFFFFF, v0  }
0xec: {  	v44 =	vsub.f32 v6, v7;
	v43 =	vand.u32 $0x7FFFFFFF, v41;
	[tilespmem:$0x8100] =	vst v0  }
0xed: {  	v46 =	vsub.f32 v8, v9;
	v45 =	vand.u32 $0x7FFFFFFF, v42;
	[tilespmem:$0x8110] =	vst v43  }
0xee: {  	v47 =	vand.u32 $0x7FFFFFFF, v44;
	[tilespmem:$0x8120] =	vst v45  }
0xef: {  	v48 =	vand.u32 $0x7FFFFFFF, v46;
	[tilespmem:$0x8130] =	vst v47  }
0xf0: {  	[tilespmem:$0x8140] =	vst v48  }
0xf1: {  	[hbm4b:s7+s4] =	stream.linear.scatter [tilespmem:s15], [sflag:$0x3], $0x2800, $0x38;
	[tilespmem:$0x8200] =	vst v63  }
0xf2: {  	_ =	swait.ge [sflag:s12], $0x2800  }
0xf3: {  	[sflag:s12] =	ssyncset.done $0x0  }
0xf4: {  	[sflag:s12] =	ssyncadd.s32 $0xFFFFD800  }
0xf5: {  	_ =	swait.ge [sflag:s22], $0x2800  }
0xf6: {  	[sflag:s22] =	ssyncset.done $0x0  }
0xf7: {  	[sflag:s22] =	ssyncadd.s32 $0xFFFFD800  }
0xf8: {  	_ =	swait.ge [sflag:s22], $0x50  }
0xf9: {  	[sflag:s22] =	ssyncset.done $0x0  }
0xfa: {  	[sflag:s22] =	ssyncadd.s32 $0xFFFFFFB0  }
0xfb: {  	_ =	swait.ge [sflag:s22], $0x50  }
0xfc: {  	[sflag:s22] =	ssyncset.done $0x0  }
0xfd: {  	[sflag:s22] =	ssyncadd.s32 $0xFFFFFFB0  }
0xfe: {  	v49 =	vld [tilespmem:$0x7080]  }
0xff: {  	v50 =	vld [tilespmem:$0x7180]  }
0x100: {  	v51 =	vld [tilespmem:$0x7090]  }
0x101: {  	v52 =	vld [tilespmem:$0x7190]  }
0x102: {  	v53 =	vld [tilespmem:$0x70A0]  }
0x103: {  	v54 =	vld [tilespmem:$0x71A0]  }
0x104: {  	v55 =	vld [tilespmem:$0x70B0]  }
0x105: {  	v57 =	vld [tilespmem:$0x70C0]  }
0x106: {  	v58 =	vld [tilespmem:$0x71C0]  }
0x107: {  	v56 =	vld [tilespmem:$0x71B0]  }
0x108: {  	v0 =	vsub.f32 v49, v50  }
0x109: {  	v59 =	vsub.f32 v51, v52  }
0x10a: {  	v60 =	vsub.f32 v53, v54;
	v0 =	vand.u32 $0x7FFFFFFF, v0  }
0x10b: {  	v62 =	vsub.f32 v57, v58;
	v1 =	vand.u32 $0x7FFFFFFF, v59;
	[tilespmem:$0x8150] =	vst v0  }
0x10c: {  	v61 =	vsub.f32 v55, v56;
	v2 =	vand.u32 $0x7FFFFFFF, v60;
	[tilespmem:$0x8160] =	vst v1  }
0x10d: {  	v63 =	vand.u32 $0x7FFFFFFF, v62;
	[tilespmem:$0x8170] =	vst v2  }
0x10e: {  	v0 =	vand.u32 $0x7FFFFFFF, v61;
	[tilespmem:$0x8190] =	vst v63  }
0x10f: {  	[tilespmem:$0x8180] =	vst v0  }
0x110: {  	[hbm4b:s8+s4] =	stream.linear.scatter [tilespmem:s18], [sflag:$0x3], $0x2800, $0x38;
	[tilespmem:$0x8200] =	vst v63  }
0x111: {  	s26 =	sadd.s32 $0x1, s26;
	_ =	swait.ge [sflag:s12], $0x2800  }
0x112: {  	p0 =	sne.s32 s26, s10;
	[sflag:s12] =	ssyncset.done $0x0  }
.Ltmp1:
0x113: {  	[sflag:s12] =	ssyncadd.s32 $0xFFFFD800;
	(pc) =	sbr.rel @p0 .LBB2_1-.Ltmp1, $4  }
0x114: {  	[hbm4b:s9+s4] =	stream.linear.scatter [tilespmem:s25], [sflag:$0x3], $0xFA0, $0x38;
	[tilespmem:$0x8200] =	vst v63  }
0x115: {  	_ =	swait.ge [sflag:s12], $0xFA0  }
0x116: {  	[sflag:s12] =	ssyncset.done $0x0  }
0x117: {  	[sflag:s12] =	ssyncadd.s32 $0xFFFFF060  }
0x118: {  	_ =	sfence.sel $0x180000  }
0x119: {  	[bflag:$0x0] =	sbarrier.arrive $0xFFFF  }
0x11a: {  	_ =	strace $0x9000004A  }
0x11b: {  	s0 =	stileid.u32;
	[bflag:$0x2] =	sbarrier.arrive $0xFFFF  }
0x11c: {  	p0 =	sne.s32 s0, $0x0;
	s0 =	rddreg [dreg:$0x4]  }
0x11d: {  	s0 =	sadd.s32 @!p0 $0x100000, s0  }
0x11e: {  	[sflag:s0] =	ssyncadd.tile.s32 @!p0 $0x1;
	_ =	shalt  }
.Lfunc_end2:
_tile_overlayer_lowered:
.L_overlay_start_2:
0x11f: {  	(tag) =	ssettag $0x2  }
0x120: {  	s0 =	rddreg [dreg:$0x0];
	s2 =	stileid.u32  }
0x121: {  	s1 =	rddreg [dreg:$0x1];
	p0 =	sne.s32 s2, $0x0  }
0x122: {  	s3 =	rddreg [dreg:$0x2];
	[bflag:$0x3] =	sbarrier.arrive $0xFFFF;
	s2 =	simm.s32 @!p0 $0x1C03  }
0x123: {  	[timem:s3], [sflag:s2] =	dma.local @!p0 [hbm:s0], s1  }
0x124: {  	s0 =	simm.s32 @!p0 $0x3  }
0x125: {  	_ =	swait.ge @!p0 [sflag:s0], s1  }
0x126: {  	s1 =	ssub.s32 @!p0 $0x0, s1;
	[sflag:s0] =	ssyncset.done @!p0 $0x0  }
0x127: {  	[sflag:s0] =	ssyncadd.s32 @!p0 s1  }
0x128: {  	[bflag:$0x3] =	sbarrier.arrive $0xFFFF  }
0x129: {  	_ =	shalt  }

// kernel: kernel.15.cloned.1.call-start
scs
__scs_entry_jumppad:
0x0: {  	(pc) =	sbr.rel $0x88, $3  }
0x1: {  	(tag) =	ssettag $0x0;
	lr =	simm.s32 $0x1  }
0x2: {  	[smem:$0x3F9A] =	sst lr;
	_ =	strace $0xD0000000  }
0x3: {  	_ = 	snop  }
0x4: {  	_ = 	snop  }
0x5: {  	_ = 	snop  }
0x6: {  	_ = 	snop  }
0x7: {  	_ = 	snop  }
__scs_overlays_trampoline_lowered:
0x8: {  	[smem:$0x3FA9] =	sst s0  }
0x9: {  	[smem:$0x3FAA] =	sst s1  }
0xa: {  	[smem:$0x3FAB] =	sst s2  }
0xb: {  	[smem:$0x3FAC] =	sst s3  }
0xc: {  	[smem:$0x3FAD] =	sst s4  }
0xd: {  	[smem:$0x3FAE] =	sst s5  }
0xe: {  	[smem:$0x3FAF] =	sst s6  }
0xf: {  	[smem:$0x3FB0] =	sst s7  }
0x10: {  	[smem:$0x3FB1] =	sst s8  }
0x11: {  	[smem:$0x3FB2] =	sst s9;
	s0 =	simm.s32 @!p0 $0x0  }
0x12: {  	s1 =	sld [smem:$0x3F98];
	s0 =	simm.s32 @p0 $0x1  }
0x13: {  	[smem:$0x3FB3] =	sst s0;
	s0 =	simm.s32 @!p1 $0x0  }
0x14: {  	s2 =	sld [smem:$0x3F97];
	s0 =	simm.s32 @p1 $0x1  }
0x15: {  	[smem:$0x3FB4] =	sst s0;
	s0 =	simm.s32 @!p2 $0x0  }
0x16: {  	s3 =	sld [smem:$0x3FDB];
	s0 =	simm.s32 @p2 $0x1  }
0x17: {  	s4 =	simm.s32 $0x1BF5;
	[smem:$0x3FB6] =	sst s0  }
0x18: {  	s0 =	sld [smem:$0x3F99];
	_ =	swait.ge [sflag:s4], $0x0  }
0x19: {  	s7 =	sld [smem:$0x3F9A]  }
0x1a: {  	s8 =	sadd.s32 $0xFFFFE003, lr  }
0x1b: {  	s9 =	sadd.s32 $0xFFFFFEF7, lr;
	s5 =	simm.s32 $0xFFFFFFFF;
	p2 =	slt.u32 s8, $0xFFFFF086  }
0x1c: {  	p1 =	slt.u32 s9, $0xF7A;
	s5 =	simm.s32 @!p2 $0x0  }
0x1d: {  	s5 =	simm.s32 @p1 $0x1;
	p0 =	seq.s32 s7, s2  }
0x1e: {  	s7 =	smul.u32 @!p0 $0xF7A, s2;
	p2 =	seq.s32 @!p0 s5, $0x0  }
0x1f: {  	s9 =	smul.u32 $0xF7A, s1;
	s8 =	simm.s32 @!p0 $0x1BF5;
	p2 =	por !p2, p0  }
0x20: {  	[sflag:s8] =	ssyncset.s32 @!p0 $0xFFFFF086;
	s6 =	sadd.s32 @!p0 s3, s7;
	s7 =	simm.s32 @!p0 $0x108  }
0x21: {  	s3 =	sadd.s32 s3, s9;
	s6 =	sadd.s32 @!p0 $0x88, s6;
	s7 =	simm.s32 @p2 $0x1082  }
0x22: {  	[simem:s7], [sflag:s8] =	dma.local @!p0 [hbm:s6], $0xF7A  }
0x23: {  	s9 =	sor.u32 $0xD0000000, s2;
	s6 =	simm.s32 $0x108;
	_ =	swait.ge @!p0 [sflag:s8], $0x0  }
0x24: {  	s3 =	sadd.s32 $0x88, s3;
	s6 =	simm.s32 @!p1 $0x1082;
	[sflag:s4] =	ssyncset.s32 $0xFFFFF086  }
0x25: {  	[simem:s6], [sflag:s4] =	dma.local [hbm:s3], $0xF7A  }
0x26: {  	[smem:$0x3F9A] =	sst s1;
	(tag) =	ssettag s2;
	_ =	strace s9  }
0x27: {  	s1 =	sld [smem:$0x3FAA]  }
0x28: {  	s2 =	sld [smem:$0x3FAB]  }
0x29: {  	s4 =	sld [smem:$0x3FAD]  }
0x2a: {  	p0 =	seq.s32 s5, $0x0;
	s5 =	sld [smem:$0x3FAE]  }
0x2b: {  	s6 =	sld [smem:$0x3FAF]  }
0x2c: {  	s7 =	sld [smem:$0x3FB0]  }
0x2d: {  	s3 =	simm.s32 $0x108;
	s8 =	sld [smem:$0x3FB1]  }
0x2e: {  	s3 =	simm.s32 @!p0 $0x1082;
	s9 =	sld [smem:$0x3FB2]  }
0x2f: {  	lr =	sadd.s32 s0, s3;
	s0 =	sld [smem:$0x3FA9]  }
0x30: {  	s3 =	sld [smem:$0x3FAC]  }
0x31: {  	[smem:$0x3FB5] =	sst s10  }
0x32: {  	s10 =	sld [smem:$0x3FB3];
	_ =	sdelay $0x3  }
0x33: {  	p0 =	seq.s32 s10, $0x1;
	s10 =	sld [smem:$0x3FB5];
	_ =	sdelay $0x3  }
0x34: {  	[smem:$0x3FB5] =	sst s10  }
0x35: {  	s10 =	sld [smem:$0x3FB4];
	_ =	sdelay $0x3  }
0x36: {  	p1 =	seq.s32 s10, $0x1;
	s10 =	sld [smem:$0x3FB5];
	_ =	sdelay $0x3  }
0x37: {  	[smem:$0x3FB5] =	sst s10  }
0x38: {  	s10 =	sld [smem:$0x3FB6]  }
0x39: {  	_ = 	snop;
	(pc) =	sbr.ind lr, $3  }
0x3a: {  	_ = 	snop  }
0x3b: {  	_ = 	snop  }
0x3c: {  	p2 =	seq.s32 s10, $0x1;
	s10 =	sld [smem:$0x3FB5]  }
0x3d: {  	_ =	shalt  }
0x3e: {  	_ =	shalt  }
0x3f: {  	_ =	shalt  }
0x40: {  	_ =	shalt  }
0x41: {  	_ =	shalt  }
0x42: {  	_ =	shalt  }
0x43: {  	_ =	shalt  }
0x44: {  	_ =	shalt  }
0x45: {  	_ =	shalt  }
0x46: {  	_ =	shalt  }
0x47: {  	_ =	shalt  }
0x48: {  	_ =	shalt  }
0x49: {  	_ =	shalt  }
0x4a: {  	_ =	shalt  }
0x4b: {  	_ =	shalt  }
0x4c: {  	_ =	shalt  }
0x4d: {  	_ =	shalt  }
0x4e: {  	_ =	shalt  }
0x4f: {  	_ =	shalt  }
0x50: {  	_ =	shalt  }
0x51: {  	_ =	shalt  }
0x52: {  	_ =	shalt  }
0x53: {  	_ =	shalt  }
0x54: {  	_ =	shalt  }
0x55: {  	_ =	shalt  }
0x56: {  	_ =	shalt  }
0x57: {  	_ =	shalt  }
0x58: {  	_ =	shalt  }
0x59: {  	_ =	shalt  }
0x5a: {  	_ =	shalt  }
0x5b: {  	_ =	shalt  }
0x5c: {  	_ =	shalt  }
0x5d: {  	_ =	shalt  }
0x5e: {  	_ =	shalt  }
0x5f: {  	_ =	shalt  }
0x60: {  	_ =	shalt  }
0x61: {  	_ =	shalt  }
0x62: {  	_ =	shalt  }
0x63: {  	_ =	shalt  }
0x64: {  	_ =	shalt  }
0x65: {  	_ =	shalt  }
0x66: {  	_ =	shalt  }
0x67: {  	_ =	shalt  }
0x68: {  	_ =	shalt  }
0x69: {  	_ =	shalt  }
0x6a: {  	_ =	shalt  }
0x6b: {  	_ =	shalt  }
0x6c: {  	_ =	shalt  }
0x6d: {  	_ =	shalt  }
0x6e: {  	_ =	shalt  }
0x6f: {  	_ =	shalt  }
0x70: {  	_ =	shalt  }
0x71: {  	_ =	shalt  }
0x72: {  	_ =	shalt  }
0x73: {  	_ =	shalt  }
0x74: {  	_ =	shalt  }
0x75: {  	_ =	shalt  }
0x76: {  	_ =	shalt  }
0x77: {  	_ =	shalt  }
0x78: {  	_ =	shalt  }
0x79: {  	_ =	shalt  }
0x7a: {  	_ =	shalt  }
0x7b: {  	_ =	shalt  }
0x7c: {  	_ =	shalt  }
0x7d: {  	_ =	shalt  }
0x7e: {  	_ =	shalt  }
0x7f: {  	_ =	shalt  }
0x80: {  	_ =	shalt  }
0x81: {  	_ =	shalt  }
0x82: {  	_ =	shalt  }
0x83: {  	_ =	shalt  }
0x84: {  	_ =	shalt  }
0x85: {  	_ =	shalt  }
0x86: {  	_ =	shalt  }
0x87: {  	_ =	shalt  }
.Lfunc_end0:
.L_simem_size_0:
called_computation.2_lowered:
.L_overlay_start_0:
0x88: {  	s2 =	sld [smem:$0x3FD9]  }
0x89: {  	s3 =	sld [smem:$0x3FFE];
	_ =	sdelay $0x1  }
0x8a: {  	s1 =	srdreg.scid  }
0x8b: {  	s0 =	sand.u32 $0x1, s1  }
0x8c: {  	s17 =	sshll.u32 s0, $0xA;
	s2 =	sadd.s32 s3, s2  }
0x8d: {  	s2 =	sadd.s32 s2, s17  }
0x8e: {  	[smem:$0x3FC1] =	sst s2  }
0x8f: {  	_ = 	snop  }
0x90: {  	(tm) =	ssettm $0x1  }
0x91: {  	s18 =	sld [smem:$0x3FFB];
	_ =	sdelay $0x3  }
0x92: {  	_ =	strace s18  }
0x93: {  	s2 =	sld [smem:$0x3FFC];
	_ =	sdelay $0x3  }
0x94: {  	_ =	strace s2  }
0x95: {  	s2 =	sld [smem:$0x3FFD];
	_ =	sdelay $0x3  }
0x96: {  	_ =	strace s2  }
0x97: {  	_ =	strace $0x8FFFFFFF  }
0x98: {  	s19 =	sld [smem:$0x3FDB];
	_ =	sdelay $0x1  }
0x99: {  	s20 =	simm.s32 $_scs_section_size  }
0x9a: {  	s4 =	simm.s32 $_size__tile_overlayer_lowered;
	s5 =	simm.s32 $_tile_overlayer_lowered  }
0x9b: {  	s6 =	simm.s32 $0x1BFF;
	s21 =	sshll.u32 s5, $0x1;
	s3 =	sadd.s32 s20, s19  }
0x9c: {  	s22 =	simm.s32 $0x0;
	s4 =	sshll.u32 s4, $0x1;
	s5 =	sadd.s32 s21, s3  }
0x9d: {  	[timem:s22], [sflag:s6] =	dma.local [hbm:s5], s4  }
0x9e: {  	_ =	swait.ge [sflag:s6], s4  }
0x9f: {  	s4 =	ssub.s32 $0x0, s4;
	[sflag:s6] =	ssyncset.done $0x0  }
0xa0: {  	[sflag:s6] =	ssyncadd.s32 s4;
	_ =	sdelay $0x1  }
0xa1: {  	s23 =	simm.s32 $0x1B8B  }
0xa2: {  	_ =	swait.ge [sflag:s23], $0x1  }
0xa3: {  	[sflag:s23] =	ssyncset.done $0x0  }
0xa4: {  	[sflag:s23] =	ssyncadd.s32 $0xFFFFFFFF  }
0xa5: {  	s4 =	sld [smem:$0x0]  }
0xa6: {  	s5 =	sand.u32 $0xFFFFFFFE, s1  }
0xa7: {  	p0 =	sne.s32 s1, s5  }
0xa8: {  	s5 =	sshll.u32 @p0 s5, $0xE  }
0xa9: {  	s5 =	sadd.s32 @p0 $0x11B8D, s5;
	s6 =	sshll.u32 @p0 s4, $0x11  }
0xaa: {  	s5 =	sor.u32 @p0 s6, s5  }
0xab: {  	[sflag:s5] =	ssyncadd.remote.s32 @p0 $0x1;
	_ =	sdelay $0x1  }
0xac: {  	s5 =	simm.s32 @p0 $0x1B8D  }
0xad: {  	_ =	swait.eq @p0 [sflag:s5], $0x1  }
0xae: {  	[sflag:s5] =	ssyncadd.s32 @p0 $0xFFFFFFFF  }
0xaf: {  	s6 =	sshll.u32 @!p0 s1, $0xE  }
0xb0: {  	s6 =	sor.u32 @!p0 $0x4000, s6;
	s5 =	simm.s32 @!p0 $0x1B8D  }
0xb1: {  	s4 =	sshll.u32 @!p0 s4, $0x11;
	s6 =	sadd.s32 @!p0 $0x11B8D, s6;
	_ =	swait.eq @!p0 [sflag:s5], $0x1  }
0xb2: {  	s4 =	sor.u32 @!p0 s4, s6;
	[sflag:s5] =	ssyncadd.s32 @!p0 $0xFFFFFFFF  }
0xb3: {  	s25 =	simm.s32 $0x1B8E;
	s24 =	sld [smem:$0x3FFE];
	[sflag:s4] =	ssyncadd.remote.s32 @!p0 $0x1  }
0xb4: {  	s26 =	simm.s32 $execute0_lowered;
	[smem:$0x3FD2] =	sst s25  }
0xb5: {  	s5 =	sshll.u32 s26, $0x1;
	_ =	strace $0x8000004C;
	[dreg:$0x1] =	wrdreg $0xFFFFFFFF  }
0xb6: {  	s28 =	simm.s32 $_size_execute0_lowered;
	s3 =	sadd.s32 s3, s5;
	[dreg:$0x0] =	wrdreg $0x0  }
0xb7: {  	s5 =	sshll.u32 s28, $0x1;
	[dreg:$0x2] =	wrdreg s3  }
0xb8: {  	[dreg:$0x3] =	wrdreg s5  }
0xb9: {  	[dreg:$0x4] =	wrdreg $0xC0  }
0xba: {  	_ =	task [dreg:s22], $0x5FFFF  }
0xbb: {  	[dreg:$0x1] =	wrdreg $0xFFFFFFFF  }
0xbc: {  	[dreg:$0x0] =	wrdreg $0x60  }
0xbd: {  	[dreg:$0x2] =	wrdreg s24  }
0xbe: {  	[dreg:$0x3] =	wrdreg $0x54000  }
0xbf: {  	[dreg:$0x4] =	wrdreg $0x194000  }
0xc0: {  	[dreg:$0x5] =	wrdreg $0xA  }
0xc1: {  	_ =	task.clear_ibuf [dreg:s22], $0x6FFFF;
	_ =	strace $0x9000004C  }
0xc2: {  	s29 =	simm.s32 $0xA;
	_ =	strace $0x8000004E  }
0xc3: {  	_ =	swait.ge [sflag:s29], $0x1  }
0xc4: {  	[sflag:s29] =	ssyncadd.s32 $0xFFFFFFFF  }
0xc5: {  	_ =	strace $0x9000004E  }
0xc6: {  	_ =	sfence  }
0xc7: {  	s30 =	sld [smem:$0x0];
	_ =	sdelay $0x2  }
0xc8: {  	s31 =	sshll.u32 s1, $0xD;
	s1 =	sshrl.u32 s1, $0x2  }
0xc9: {  	s4 =	sand.u32 $0x4000, s31;
	s1 =	sadd.s32 s1, s30  }
0xca: {  	s0 =	sor.u32 s4, s0;
	s1 =	sshll.u32 s1, $0x11  }
0xcb: {  	s0 =	sor.u32 s1, s0  }
0xcc: {  	s0 =	sadd.s32 $0x8F2B, s0  }
0xcd: {  	[sflag:s0] =	ssyncadd.remote.s32 $0x1  }
0xce: {  	_ =	sfence.sel $0xFFFF  }
0xcf: {  	[dreg:$0x0] =	wrdreg $0xFFFFFFFF;
	(pc) =	sbr.abs _section_cstart, $3  }
0xd0: {  	[dreg:$0x1] =	wrdreg $0xFFFFFFFF  }
0xd1: {  	_ =	task.clear_ibuf [dreg:s22], $0x2FFFF;
	_ =	strace $0x9FFFFFFF  }
0xd2: {  	(tm) =	ssettm $0x7FFFFFFF  }
0xd3: {  	_ =	shalt  }
tec
execute0_lowered:
.L_overlay_start_1:
0x0: {  	(tag) =	ssettag $0x1  }
0x1: {  	s0 =	rddreg [dreg:$0x0]  }
0x2: {  	s2 =	rddreg [dreg:$0x1]  }
0x3: {  	s1 =	srdreg.scid;
	s20 =	stileid.u32  }
0x4: {  	s3 =	rddreg [dreg:$0x2];
	s4 =	simm.s32 $0x0;
	s7 =	smul.u32 $0x14000, s20  }
0x5: {  	s28 =	simm.s32 $0x2900;
	s29 =	simm.s32 $0x1;
	s8 =	smul.u32 $0x500, s20  }
0x6: {  	s30 =	simm.s32 $0x50;
	s31 =	simm.s32 $0x5100;
	s25 =	smul.u32 $0x50000, s20  }
0x7: {  	s1 =	sand.u32 $0x1, s1;
	[smem:$0x7FF] =	sst s4;
	s23 =	smul.u32 $0x17700, s20  }
0x8: {  	s5 =	sadd.s32 $0x2A00, s0;
	s10 =	sadd.s32 $0x4FE600, s0;
	s6 =	smul.u32 $0x140000, s1  }
0x9: {  	s9 =	sshll.u32 s1, $0x7;
	s13 =	ssub.s32 $0x2, s1;
	s11 =	sshll.u32 s1, $0x4  }
0xa: {  	s24 =	sor.u32 s9, s8;
	s14 =	sshrl.u32 s13, $0x1;
	s6 =	sadd.s32 s7, s6  }
0xb: {  	s8 =	sshrl.u32 s25, $0x2;
	s7 =	sshrl.u32 s24, $0x3;
	s6 =	sshrl.u32 s6, $0x3  }
0xc: {  	s26 =	sadd.s32 s6, s0;
	s0 =	sadd.s32 s7, s0;
	s7 =	ssub.s32 s13, s14  }
0xd: {  	s13 =	sor.u32 s20, s11;
	s6 =	sadd.s32 s8, s2;
	s14 =	smul.u32 $0xA00, s20  }
0xe: {  	_ =	strace $0x8000004D;
	s15 =	smul.u32 $0x1770, s13;
	s17 =	sadd.s32 $0x2800, s6  }
0xf: {  	s18 =	sadd.s32 $0x5000, s6;
	s19 =	sadd.s32 $0x7800, s6;
	[dreg:$0x4] =	wrdreg s17  }
0x10: {  	s21 =	sadd.s32 $0xA000, s6;
	s22 =	sadd.s32 $0xC800, s6;
	[dreg:$0x5] =	wrdreg s18  }
0x11: {  	s12 =	sadd.s32 $0xF000, s6;
	s16 =	smul.u32 $0x17700, s13;
	[dreg:$0x6] =	wrdreg s19  }
0x12: {  	s13 =	sadd.s32 $0x11800, s6;
	[dreg:$0x7] =	wrdreg s21;
	s18 =	smul.u32 $0x17700, s1  }
0x13: {  	[dreg:$0x8] =	wrdreg s22;
	s14 =	sshrl.u32 s14, $0x2;
	s19 =	smul.u32 $0x1770, s20  }
0x14: {  	s1 =	smul.u32 $0x177000, s1;
	s17 =	sadd.s32 $0xC800, s26;
	s8 =	sshrl.u32 s15, $0x3  }
0x15: {  	s14 =	sadd.s32 s14, s3;
	s16 =	sadd.s32 s10, s16;
	s15 =	sadd.s32 s5, s8  }
0x16: {  	s24 =	sadd.s32 s19, s18;
	s18 =	sadd.s32 $0x5C800, s0;
	s25 =	sadd.s32 s1, s10  }
0x17: {  	s19 =	smax.u32 s7, $0x1;
	s26 =	sadd.s32 $0x50, s24;
	s0 =	sadd.s32 s23, s25  }
0x18: {  	s21 =	sadd.s32 $0xA0, s24;
	s23 =	simm.s32 $0x100;
	s24 =	simm.s32 $0x3  }
0x19: {  	s25 =	simm.s32 $0x0;
	s1 =	sshrl.u32 s26, $0x3;
	s20 =	sadd.s32 $0xA00, s0  }
0x1a: {  	v0 =	vimm.f32 $0.0e+00;
	v1 =	vimm.f32 $1.000000000e+00;
	s26 =	simm.s32 $0x80;
	s0 =	simm.s32 $0x2;
	s22 =	sadd.s32 s1, s5  }
.LBB2_1:
0x1b: {  	s1 =	simm.s32 $0x0;
	s7 =	simm.s32 $0x200  }
.LBB2_2:
0x1c: {  	p0 =	sne.s32 s7, $0x9E00;
	[tilespmem:s1+$0x170] =	vst v0  }
0x1d: {  	[tilespmem:s1+$0x100] =	vst v0  }
0x1e: {  	[tilespmem:s1+$0x110] =	vst v0  }
.Ltmp0:
0x1f: {  	[tilespmem:s1+$0x120] =	vst v0;
	(pc) =	sbr.rel @p0 .LBB2_2-.Ltmp0, $4  }
0x20: {  	[tilespmem:s1+$0x130] =	vst v0  }
0x21: {  	[tilespmem:s1+$0x140] =	vst v0  }
0x22: {  	[tilespmem:s1+$0x150] =	vst v0  }
0x23: {  	[tilespmem:s1+$0x160] =	vst v0;
	s1 =	sshra.s32 s7, $0x2;
	s7 =	sadd.s32 $0x200, s7  }
0x24: {  	[tilespmem:s1+$0x170] =	vst v0  }
0x25: {  	[tilespmem:s1+$0x100] =	vst v0  }
0x26: {  	[tilespmem:s1+$0x110] =	vst v0  }
0x27: {  	[tilespmem:s1+$0x120] =	vst v0  }
0x28: {  	[tilespmem:s1+$0x130] =	vst v0  }
0x29: {  	[tilespmem:s1+$0x140] =	vst v0  }
0x2a: {  	[tilespmem:s1+$0x150] =	vst v0  }
0x2b: {  	[tilespmem:s1+$0x160] =	vst v0  }
0x2c: {  	[tilespmem:$0x5180] =	vst v0  }
0x2d: {  	[tilespmem:$0x5190] =	vst v0  }
0x2e: {  	[tilespmem:$0x51A0] =	vst v0  }
0x2f: {  	[tilespmem:$0x51B0] =	vst v0  }
0x30: {  	[tilespmem:$0x51C0] =	vst v0  }
0x31: {  	[tilespmem:$0x51D0] =	vst v0  }
0x32: {  	[tilespmem:$0x51E0] =	vst v0  }
0x33: {  	[tilespmem:$0x51F0] =	vst v0  }
0x34: {  	[tilespmem:$0x5200] =	vst v0  }
0x35: {  	[tilespmem:$0x5210] =	vst v0  }
0x36: {  	[tilespmem:$0x5220] =	vst v0  }
0x37: {  	[tilespmem:$0x5230] =	vst v0  }
0x38: {  	[tilespmem:$0x5240] =	vst v0  }
0x39: {  	[tilespmem:$0x5250] =	vst v0  }
0x3a: {  	[tilespmem:$0x5260] =	vst v0  }
0x3b: {  	[tilespmem:$0x5270] =	vst v0  }
0x3c: {  	[tilespmem:$0x5280] =	vst v0  }
0x3d: {  	[tilespmem:$0x5290] =	vst v0  }
0x3e: {  	[tilespmem:$0x52A0] =	vst v0  }
0x3f: {  	[tilespmem:$0x52B0] =	vst v0  }
0x40: {  	[tilespmem:$0x52C0] =	vst v0  }
0x41: {  	[tilespmem:$0x52D0] =	vst v0  }
0x42: {  	[tilespmem:$0x52E0] =	vst v0  }
0x43: {  	[tilespmem:$0x52F0] =	vst v0  }
0x44: {  	[tilespmem:$0x5300] =	vst v0  }
0x45: {  	[tilespmem:$0x5310] =	vst v0  }
0x46: {  	[tilespmem:$0x5320] =	vst v0  }
0x47: {  	[tilespmem:$0x5330] =	vst v0  }
0x48: {  	[tilespmem:$0x5340] =	vst v0  }
0x49: {  	[tilespmem:$0x5350] =	vst v0  }
0x4a: {  	[tilespmem:$0x5360] =	vst v0  }
0x4b: {  	[tilespmem:$0x5370] =	vst v0  }
0x4c: {  	[tilespmem:$0x5380] =	vst v0  }
0x4d: {  	[tilespmem:$0x5390] =	vst v0  }
0x4e: {  	[tilespmem:$0x53A0] =	vst v0  }
0x4f: {  	[tilespmem:$0x53B0] =	vst v0  }
0x50: {  	[tilespmem:$0x53C0] =	vst v0  }
0x51: {  	[tilespmem:$0x53D0] =	vst v0  }
0x52: {  	[tilespmem:$0x53E0] =	vst v0  }
0x53: {  	[tilespmem:$0x53F0] =	vst v0  }
0x54: {  	[tilespmem:$0x5100] =	vst v1  }
0x55: {  	[tilespmem:$0x5110] =	vst v1  }
0x56: {  	[tilespmem:$0x5120] =	vst v1  }
0x57: {  	[tilespmem:$0x5130] =	vst v1  }
0x58: {  	[tilespmem:$0x5140] =	vst v1  }
0x59: {  	[spmem:s6] =	stream.linear.scatter [tilespmem:s23], [sflag:$0x3], $0x2800, $0x38;
	[tilespmem:$0x19680] =	vst v63  }
0x5a: {  	_ =	swait.ge [sflag:s24], $0x2800  }
0x5b: {  	[sflag:s24] =	ssyncset.done $0x0  }
0x5c: {  	s7 =	rddreg [dreg:$0x4];
	[sflag:s24] =	ssyncadd.s32 $0xFFFFD800  }
0x5d: {  	[spmem:s7] =	stream.linear.scatter [tilespmem:s23], [sflag:$0x3], $0x2800, $0x38;
	[tilespmem:$0x19680] =	vst v63  }
0x5e: {  	_ =	swait.ge [sflag:s24], $0x2800  }
0x5f: {  	[sflag:s24] =	ssyncset.done $0x0  }
0x60: {  	s8 =	rddreg [dreg:$0x5];
	[sflag:s24] =	ssyncadd.s32 $0xFFFFD800  }
0x61: {  	[spmem:s8] =	stream.linear.scatter [tilespmem:s23], [sflag:$0x3], $0x2800, $0x38;
	[tilespmem:$0x19680] =	vst v63  }
0x62: {  	_ =	swait.ge [sflag:s24], $0x2800  }
0x63: {  	[sflag:s24] =	ssyncset.done $0x0  }
0x64: {  	s9 =	rddreg [dreg:$0x6];
	[sflag:s24] =	ssyncadd.s32 $0xFFFFD800  }
0x65: {  	[spmem:s9] =	stream.linear.scatter [tilespmem:s23], [sflag:$0x3], $0x2800, $0x38;
	[tilespmem:$0x19680] =	vst v63  }
0x66: {  	_ =	swait.ge [sflag:s24], $0x2800  }
0x67: {  	[sflag:s24] =	ssyncset.done $0x0  }
0x68: {  	s10 =	rddreg [dreg:$0x7];
	[sflag:s24] =	ssyncadd.s32 $0xFFFFD800  }
0x69: {  	[spmem:s10] =	stream.linear.scatter [tilespmem:s23], [sflag:$0x3], $0x2800, $0x38;
	[tilespmem:$0x19680] =	vst v63  }
0x6a: {  	_ =	swait.ge [sflag:s24], $0x2800  }
0x6b: {  	[sflag:s24] =	ssyncset.done $0x0  }
0x6c: {  	s11 =	rddreg [dreg:$0x8];
	[sflag:s24] =	ssyncadd.s32 $0xFFFFD800  }
0x6d: {  	[spmem:s11] =	stream.linear.scatter [tilespmem:s23], [sflag:$0x3], $0x2800, $0x38;
	[tilespmem:$0x19680] =	vst v63  }
0x6e: {  	_ =	swait.ge [sflag:s24], $0x2800  }
0x6f: {  	[sflag:s24] =	ssyncset.done $0x0  }
0x70: {  	[sflag:s24] =	ssyncadd.s32 $0xFFFFD800  }
0x71: {  	[spmem:s12] =	stream.linear.scatter [tilespmem:s23], [sflag:$0x3], $0x2800, $0x38;
	[tilespmem:$0x19680] =	vst v63  }
0x72: {  	_ =	swait.ge [sflag:s24], $0x2800  }
0x73: {  	[sflag:s24] =	ssyncset.done $0x0  }
0x74: {  	[sflag:s24] =	ssyncadd.s32 $0xFFFFD800  }
0x75: {  	[spmem:s13] =	stream.linear.scatter [tilespmem:s23], [sflag:$0x3], $0x2800, $0x38;
	[tilespmem:$0x19680] =	vst v63  }
0x76: {  	_ =	swait.ge [sflag:s24], $0x2800  }
0x77: {  	[sflag:s24] =	ssyncset.done $0x0  }
0x78: {  	s7 =	simm.s32 $0x5180;
	[sflag:s24] =	ssyncadd.s32 $0xFFFFD800  }
0x79: {  	[spmem:s14] =	stream.linear.scatter [tilespmem:s7], [sflag:$0x3], $0x280, $0x38;
	[tilespmem:$0x19680] =	vst v63  }
0x7a: {  	_ =	swait.ge [sflag:s24], $0x280  }
0x7b: {  	[sflag:s24] =	ssyncset.done $0x0  }
0x7c: {  	[sflag:s24] =	ssyncadd.s32 $0xFFFFFD80  }
0x7d: {  	s8 =	simm.s32 $0x0;
	[bflag:$0x0] =	sbarrier.arrive $0xFFFF  }
0x7e: {  	[tilespmem:s8], [sflag:$0x3] =	stream.linear.gather [hbm4b:s15+s8], $0x50, $0x38;
	[tilespmem:$0x19680] =	vst v63  }
0x7f: {  	_ =	swait.ge [sflag:s24], $0x50  }
0x80: {  	[sflag:s24] =	ssyncset.done $0x0  }
0x81: {  	[sflag:s24] =	ssyncadd.s32 $0xFFFFFFB0  }
0x82: {  	[tilespmem:s23], [sflag:$0x1] =	stream.linear.gather [hbm4b:s16+s8], $0x2800, $0x38;
	[tilespmem:$0x19680] =	vst v63  }
0x83: {  	s9 =	sadd.s32 $0x0, s22  }
0x84: {  	[tilespmem:s26], [sflag:$0x3] =	stream.linear.gather [hbm4b:s9+s4], $0x50, $0x38;
	[tilespmem:$0x19680] =	vst v63  }
0x85: {  	_ =	swait.ge [sflag:s24], $0x50  }
0x86: {  	[sflag:s24] =	ssyncset.done $0x0  }
0x87: {  	s10 =	sadd.s32 $0xFFFFFB00, s20;
	[sflag:s24] =	ssyncadd.s32 $0xFFFFFFB0  }
0x88: {  	[tilespmem:s28], [sflag:$0x2] =	stream.linear.gather [hbm4b:s10+s4], $0x2800, $0x38;
	[tilespmem:$0x19680] =	vst v63  }
0x89: {  	_ =	swait.ge [sflag:s29], $0x2800  }
0x8a: {  	[sflag:s29] =	ssyncset.done $0x0  }
0x8b: {  	[sflag:s29] =	ssyncadd.s32 $0xFFFFD800  }
0x8c: {  	[spmem:s2] =	stream.indirect.scatter.add.f32 [tilespmem:s23], [sflag:$0x3], $0x80, s4, s30, $0xb8;
	[tilespmem:$0x19680] =	vst v63  }
0x8d: {  	_ =	swait.ge [sflag:s24], $0x2800  }
0x8e: {  	[sflag:s24] =	ssyncset.done $0x0  }
0x8f: {  	[sflag:s24] =	ssyncadd.s32 $0xFFFFD800  }
0x90: {  	[spmem:s3] =	stream.indirect.scatter.add.f32 [tilespmem:s31], [sflag:$0x3], $0x1, s4, s30, $0xb8;
	[tilespmem:$0x19680] =	vst v63  }
0x91: {  	_ =	swait.ge [sflag:s24], $0x50  }
0x92: {  	s11 =	sshrl.u32 s21, $0x3;
	[sflag:s24] =	ssyncset.done $0x0  }
0x93: {  	s1 =	sadd.s32 s5, s11;
	[sflag:s24] =	ssyncadd.s32 $0xFFFFFFB0  }
0x94: {  	[tilespmem:s4], [sflag:$0x3] =	stream.linear.gather [hbm4b:s1+s4], $0x50, $0x38;
	[tilespmem:$0x19680] =	vst v63  }
0x95: {  	_ =	swait.ge [sflag:s24], $0x50  }
0x96: {  	[sflag:s24] =	ssyncset.done $0x0  }
0x97: {  	[sflag:s24] =	ssyncadd.s32 $0xFFFFFFB0  }
0x98: {  	[tilespmem:s23], [sflag:$0x1] =	stream.linear.gather [hbm4b:s20+s4], $0x2800, $0x38;
	[tilespmem:$0x19680] =	vst v63  }
0x99: {  	_ =	swait.ge [sflag:s0], $0x2800  }
0x9a: {  	[sflag:s0] =	ssyncset.done $0x0  }
0x9b: {  	[sflag:s0] =	ssyncadd.s32 $0xFFFFD800  }
0x9c: {  	[spmem:s2] =	stream.indirect.scatter.add.f32 [tilespmem:s28], [sflag:$0x3], $0x80, s26, s30, $0xb8;
	[tilespmem:$0x19680] =	vst v63  }
0x9d: {  	_ =	swait.ge [sflag:s24], $0x2800  }
0x9e: {  	[sflag:s24] =	ssyncset.done $0x0  }
0x9f: {  	[sflag:s24] =	ssyncadd.s32 $0xFFFFD800  }
0xa0: {  	[spmem:s3] =	stream.indirect.scatter.add.f32 [tilespmem:s31], [sflag:$0x3], $0x1, s26, s30, $0xb8;
	[tilespmem:$0x19680] =	vst v63  }
0xa1: {  	s7 =	sadd.s32 $0xA0, s21;
	s8 =	simm.s32 $0x14;
	_ =	swait.ge [sflag:s24], $0x50  }
0xa2: {  	s9 =	simm.s32 $0x28;
	s1 =	sadd.s32 $0xA00, s20;
	[sflag:s24] =	ssyncset.done $0x0  }
.LBB2_4:
0xa3: {  	s11 =	sadd.s32 s8, s22  }
0xa4: {  	[sflag:s24] =	ssyncadd.s32 $0xFFFFFFB0;
	s8 =	smov.u32 s9;
	s10 =	sadd.s32 $0x14, s9  }
0xa5: {  	[tilespmem:s26], [sflag:$0x3] =	stream.linear.gather [hbm4b:s11+s4], $0x50, $0x38;
	[tilespmem:$0x19680] =	vst v63  }
0xa6: {  	p0 =	sne.s32 s9, $0x2D0;
	_ =	swait.ge [sflag:s24], $0x50  }
0xa7: {  	[sflag:s24] =	ssyncset.done $0x0  }
0xa8: {  	s9 =	sadd.s32 $0xFFFFFB00, s1;
	[sflag:s24] =	ssyncadd.s32 $0xFFFFFFB0  }
0xa9: {  	[tilespmem:s28], [sflag:$0x2] =	stream.linear.gather [hbm4b:s9+s4], $0x2800, $0x38;
	[tilespmem:$0x19680] =	vst v63  }
0xaa: {  	_ =	swait.ge [sflag:s29], $0x2800  }
0xab: {  	[sflag:s29] =	ssyncset.done $0x0  }
0xac: {  	[sflag:s29] =	ssyncadd.s32 $0xFFFFD800  }
0xad: {  	[spmem:s2] =	stream.indirect.scatter.add.f32 [tilespmem:s23], [sflag:$0x3], $0x80, s4, s30, $0xb8;
	[tilespmem:$0x19680] =	vst v63  }
0xae: {  	_ =	swait.ge [sflag:s24], $0x2800  }
0xaf: {  	[sflag:s24] =	ssyncset.done $0x0  }
0xb0: {  	[sflag:s24] =	ssyncadd.s32 $0xFFFFD800  }
0xb1: {  	[spmem:s3] =	stream.indirect.scatter.add.f32 [tilespmem:s31], [sflag:$0x3], $0x1, s4, s30, $0xb8;
	[tilespmem:$0x19680] =	vst v63  }
0xb2: {  	_ =	swait.ge [sflag:s24], $0x50  }
0xb3: {  	s9 =	sshrl.u32 s7, $0x3;
	[sflag:s24] =	ssyncset.done $0x0  }
0xb4: {  	s9 =	sadd.s32 s5, s9;
	[sflag:s24] =	ssyncadd.s32 $0xFFFFFFB0  }
0xb5: {  	[tilespmem:s4], [sflag:$0x3] =	stream.linear.gather [hbm4b:s9+s4], $0x50, $0x38;
	[tilespmem:$0x19680] =	vst v63  }
0xb6: {  	_ =	swait.ge [sflag:s24], $0x50  }
0xb7: {  	[sflag:s24] =	ssyncset.done $0x0  }
0xb8: {  	[sflag:s24] =	ssyncadd.s32 $0xFFFFFFB0  }
0xb9: {  	[tilespmem:s23], [sflag:$0x1] =	stream.linear.gather [hbm4b:s1+s4], $0x2800, $0x38;
	[tilespmem:$0x19680] =	vst v63  }
0xba: {  	_ =	swait.ge [sflag:s0], $0x2800  }
0xbb: {  	[sflag:s0] =	ssyncset.done $0x0  }
0xbc: {  	[sflag:s0] =	ssyncadd.s32 $0xFFFFD800  }
0xbd: {  	[spmem:s2] =	stream.indirect.scatter.add.f32 [tilespmem:s28], [sflag:$0x3], $0x80, s26, s30, $0xb8;
	[tilespmem:$0x19680] =	vst v63  }
0xbe: {  	_ =	swait.ge [sflag:s24], $0x2800  }
.Ltmp1:
0xbf: {  	[sflag:s24] =	ssyncset.done $0x0;
	(pc) =	sbr.rel @p0 .LBB2_4-.Ltmp1, $4  }
0xc0: {  	[sflag:s24] =	ssyncadd.s32 $0xFFFFD800  }
0xc1: {  	[spmem:s3] =	stream.indirect.scatter.add.f32 [tilespmem:s31], [sflag:$0x3], $0x1, s26, s30, $0xb8;
	[tilespmem:$0x19680] =	vst v63  }
0xc2: {  	s7 =	sadd.s32 $0xA0, s7;
	_ =	swait.ge [sflag:s24], $0x50  }
0xc3: {  	s9 =	smov.u32 s10;
	s1 =	sadd.s32 $0xA00, s1;
	[sflag:s24] =	ssyncset.done $0x0  }
0xc4: {  	s8 =	sadd.s32 s8, s22;
	[sflag:s24] =	ssyncadd.s32 $0xFFFFFFB0  }
0xc5: {  	[tilespmem:s26], [sflag:$0x3] =	stream.linear.gather [hbm4b:s8+s4], $0x50, $0x38;
	[tilespmem:$0x19680] =	vst v63  }
0xc6: {  	_ =	swait.ge [sflag:s24], $0x50  }
0xc7: {  	[sflag:s24] =	ssyncset.done $0x0  }
0xc8: {  	s11 =	sadd.s32 $0xFFFFFB00, s1;
	[sflag:s24] =	ssyncadd.s32 $0xFFFFFFB0  }
0xc9: {  	[tilespmem:s28], [sflag:$0x2] =	stream.linear.gather [hbm4b:s11+s4], $0x2800, $0x38;
	[tilespmem:$0x19680] =	vst v63  }
0xca: {  	_ =	swait.ge [sflag:s29], $0x2800  }
0xcb: {  	[sflag:s29] =	ssyncset.done $0x0  }
0xcc: {  	[sflag:s29] =	ssyncadd.s32 $0xFFFFD800  }
0xcd: {  	[spmem:s2] =	stream.indirect.scatter.add.f32 [tilespmem:s23], [sflag:$0x3], $0x80, s4, s30, $0xb8;
	[tilespmem:$0x19680] =	vst v63  }
0xce: {  	_ =	swait.ge [sflag:s24], $0x2800  }
0xcf: {  	[sflag:s24] =	ssyncset.done $0x0  }
0xd0: {  	[sflag:s24] =	ssyncadd.s32 $0xFFFFD800  }
0xd1: {  	[spmem:s3] =	stream.indirect.scatter.add.f32 [tilespmem:s31], [sflag:$0x3], $0x1, s4, s30, $0xb8;
	[tilespmem:$0x19680] =	vst v63  }
0xd2: {  	_ =	swait.ge [sflag:s24], $0x50  }
0xd3: {  	s7 =	sshrl.u32 s7, $0x3;
	[sflag:s24] =	ssyncset.done $0x0  }
0xd4: {  	s7 =	sadd.s32 s5, s7;
	[sflag:s24] =	ssyncadd.s32 $0xFFFFFFB0  }
0xd5: {  	[tilespmem:s4], [sflag:$0x3] =	stream.linear.gather [hbm4b:s7+s4], $0x50, $0x38;
	[tilespmem:$0x19680] =	vst v63  }
0xd6: {  	_ =	swait.ge [sflag:s24], $0x50  }
0xd7: {  	[sflag:s24] =	ssyncset.done $0x0  }
0xd8: {  	[sflag:s24] =	ssyncadd.s32 $0xFFFFFFB0  }
0xd9: {  	[tilespmem:s23], [sflag:$0x1] =	stream.linear.gather [hbm4b:s1+s4], $0x2800, $0x38;
	[tilespmem:$0x19680] =	vst v63  }
0xda: {  	_ =	swait.ge [sflag:s0], $0x2800  }
0xdb: {  	[sflag:s0] =	ssyncset.done $0x0  }
0xdc: {  	[sflag:s0] =	ssyncadd.s32 $0xFFFFD800  }
0xdd: {  	[spmem:s2] =	stream.indirect.scatter.add.f32 [tilespmem:s28], [sflag:$0x3], $0x80, s26, s30, $0xb8;
	[tilespmem:$0x19680] =	vst v63  }
0xde: {  	_ =	swait.ge [sflag:s24], $0x2800  }
0xdf: {  	[sflag:s24] =	ssyncset.done $0x0  }
0xe0: {  	[sflag:s24] =	ssyncadd.s32 $0xFFFFD800  }
0xe1: {  	[spmem:s3] =	stream.indirect.scatter.add.f32 [tilespmem:s31], [sflag:$0x3], $0x1, s26, s30, $0xb8;
	[tilespmem:$0x19680] =	vst v63  }
0xe2: {  	_ =	swait.ge [sflag:s24], $0x50  }
0xe3: {  	[sflag:s24] =	ssyncset.done $0x0  }
0xe4: {  	[sflag:s24] =	ssyncadd.s32 $0xFFFFFFB0  }
0xe5: {  	_ =	swait.ge [sflag:s29], $0x2800  }
0xe6: {  	[sflag:s29] =	ssyncset.done $0x0  }
0xe7: {  	[sflag:s29] =	ssyncadd.s32 $0xFFFFD800  }
0xe8: {  	[spmem:s2] =	stream.indirect.scatter.add.f32 [tilespmem:s23], [sflag:$0x3], $0x80, s4, s30, $0xb8;
	[tilespmem:$0x19680] =	vst v63  }
0xe9: {  	_ =	swait.ge [sflag:s24], $0x2800  }
0xea: {  	[sflag:s24] =	ssyncset.done $0x0  }
0xeb: {  	[sflag:s24] =	ssyncadd.s32 $0xFFFFD800  }
0xec: {  	[spmem:s3] =	stream.indirect.scatter.add.f32 [tilespmem:s31], [sflag:$0x3], $0x1, s4, s30, $0xb8;
	[tilespmem:$0x19680] =	vst v63  }
0xed: {  	_ =	swait.ge [sflag:s24], $0x50  }
0xee: {  	s8 =	stileid.u32;
	[sflag:s24] =	ssyncset.done $0x0  }
0xef: {  	s1 =	sshll.u32 s8, $0x6;
	[sflag:s24] =	ssyncadd.s32 $0xFFFFFFB0  }
0xf0: {  	s9 =	sshrl.u32 s6, $0x3;
	s1 =	sor.u32 $0x1C03, s1;
	[bflag:$0x0] =	sbarrier.arrive $0xFFFF  }
0xf1: {  	[hbm:s17], [sflag:s1] =	dma.local [spmem:s9], $0x2800  }
0xf2: {  	s10 =	sshrl.u32 s14, $0x3;
	s25 =	sadd.s32 $0x1, s25;
	_ =	swait.ge [sflag:s24], $0x2800  }
0xf3: {  	p0 =	sne.s32 s25, s19;
	s11 =	simm.s32 $0x20;
	[sflag:s24] =	ssyncset.done $0x0  }
.Ltmp2:
0xf4: {  	s9 =	simm.s32 $0x10;
	[sflag:s24] =	ssyncadd.s32 $0xFFFFD800;
	(pc) =	sbr.rel @p0 .LBB2_1-.Ltmp2, $4  }
0xf5: {  	[hbm:s18@s11], [sflag:s1] =	dma.strided [spmem:s10@s9], $0x50, s29, $0x10   }
0xf6: {  	_ =	swait.ge [sflag:s24], $0x50  }
0xf7: {  	[sflag:s24] =	ssyncset.done $0x0  }
0xf8: {  	[sflag:s24] =	ssyncadd.s32 $0xFFFFFFB0  }
0xf9: {  	_ =	sfence.sel $0x180000  }
0xfa: {  	[bflag:$0x0] =	sbarrier.arrive $0xFFFF  }
0xfb: {  	_ =	strace $0x9000004D  }
0xfc: {  	s0 =	stileid.u32;
	[bflag:$0x2] =	sbarrier.arrive $0xFFFF  }
0xfd: {  	p0 =	sne.s32 s0, $0x0;
	s0 =	rddreg [dreg:$0x3]  }
0xfe: {  	s0 =	sadd.s32 @!p0 $0x100000, s0  }
0xff: {  	[sflag:s0] =	ssyncadd.tile.s32 @!p0 $0x1;
	_ =	shalt  }
.Lfunc_end2:
_tile_overlayer_lowered:
.L_overlay_start_2:
0x100: {  	(tag) =	ssettag $0x2  }
0x101: {  	s0 =	rddreg [dreg:$0x0];
	s2 =	stileid.u32  }
0x102: {  	s1 =	rddreg [dreg:$0x1];
	p0 =	sne.s32 s2, $0x0  }
0x103: {  	s3 =	rddreg [dreg:$0x2];
	[bflag:$0x3] =	sbarrier.arrive $0xFFFF;
	s2 =	simm.s32 @!p0 $0x1C03  }
0x104: {  	[timem:s3], [sflag:s2] =	dma.local @!p0 [hbm:s0], s1  }
0x105: {  	s0 =	simm.s32 @!p0 $0x3  }
0x106: {  	_ =	swait.ge @!p0 [sflag:s0], s1  }
0x107: {  	s1 =	ssub.s32 @!p0 $0x0, s1;
	[sflag:s0] =	ssyncset.done @!p0 $0x0  }
0x108: {  	[sflag:s0] =	ssyncadd.s32 @!p0 s1  }
0x109: {  	[bflag:$0x3] =	sbarrier.arrive $0xFFFF  }
0x10a: {  	_ =	shalt  }

// kernel: kernel.18.cloned.1.call-start
scs
__scs_entry_jumppad:
0x0: {  	(pc) =	sbr.rel $0x88, $3  }
0x1: {  	(tag) =	ssettag $0x0;
	lr =	simm.s32 $0x1  }
0x2: {  	[smem:$0x3F9A] =	sst lr;
	_ =	strace $0xD0000000  }
0x3: {  	_ = 	snop  }
0x4: {  	_ = 	snop  }
0x5: {  	_ = 	snop  }
0x6: {  	_ = 	snop  }
0x7: {  	_ = 	snop  }
__scs_overlays_trampoline_lowered:
0x8: {  	[smem:$0x3FA9] =	sst s0  }
0x9: {  	[smem:$0x3FAA] =	sst s1  }
0xa: {  	[smem:$0x3FAB] =	sst s2  }
0xb: {  	[smem:$0x3FAC] =	sst s3  }
0xc: {  	[smem:$0x3FAD] =	sst s4  }
0xd: {  	[smem:$0x3FAE] =	sst s5  }
0xe: {  	[smem:$0x3FAF] =	sst s6  }
0xf: {  	[smem:$0x3FB0] =	sst s7  }
0x10: {  	[smem:$0x3FB1] =	sst s8  }
0x11: {  	[smem:$0x3FB2] =	sst s9;
	s0 =	simm.s32 @!p0 $0x0  }
0x12: {  	s1 =	sld [smem:$0x3F98];
	s0 =	simm.s32 @p0 $0x1  }
0x13: {  	[smem:$0x3FB3] =	sst s0;
	s0 =	simm.s32 @!p1 $0x0  }
0x14: {  	s2 =	sld [smem:$0x3F97];
	s0 =	simm.s32 @p1 $0x1  }
0x15: {  	[smem:$0x3FB4] =	sst s0;
	s0 =	simm.s32 @!p2 $0x0  }
0x16: {  	s3 =	sld [smem:$0x3FDB];
	s0 =	simm.s32 @p2 $0x1  }
0x17: {  	s4 =	simm.s32 $0x1BF5;
	[smem:$0x3FB6] =	sst s0  }
0x18: {  	s0 =	sld [smem:$0x3F99];
	_ =	swait.ge [sflag:s4], $0x0  }
0x19: {  	s7 =	sld [smem:$0x3F9A]  }
0x1a: {  	s8 =	sadd.s32 $0xFFFFE003, lr  }
0x1b: {  	s9 =	sadd.s32 $0xFFFFFEF7, lr;
	s5 =	simm.s32 $0xFFFFFFFF;
	p2 =	slt.u32 s8, $0xFFFFF086  }
0x1c: {  	p1 =	slt.u32 s9, $0xF7A;
	s5 =	simm.s32 @!p2 $0x0  }
0x1d: {  	s5 =	simm.s32 @p1 $0x1;
	p0 =	seq.s32 s7, s2  }
0x1e: {  	s7 =	smul.u32 @!p0 $0xF7A, s2;
	p2 =	seq.s32 @!p0 s5, $0x0  }
0x1f: {  	s9 =	smul.u32 $0xF7A, s1;
	s8 =	simm.s32 @!p0 $0x1BF5;
	p2 =	por !p2, p0  }
0x20: {  	[sflag:s8] =	ssyncset.s32 @!p0 $0xFFFFF086;
	s6 =	sadd.s32 @!p0 s3, s7;
	s7 =	simm.s32 @!p0 $0x108  }
0x21: {  	s3 =	sadd.s32 s3, s9;
	s6 =	sadd.s32 @!p0 $0x88, s6;
	s7 =	simm.s32 @p2 $0x1082  }
0x22: {  	[simem:s7], [sflag:s8] =	dma.local @!p0 [hbm:s6], $0xF7A  }
0x23: {  	s9 =	sor.u32 $0xD0000000, s2;
	s6 =	simm.s32 $0x108;
	_ =	swait.ge @!p0 [sflag:s8], $0x0  }
0x24: {  	s3 =	sadd.s32 $0x88, s3;
	s6 =	simm.s32 @!p1 $0x1082;
	[sflag:s4] =	ssyncset.s32 $0xFFFFF086  }
0x25: {  	[simem:s6], [sflag:s4] =	dma.local [hbm:s3], $0xF7A  }
0x26: {  	[smem:$0x3F9A] =	sst s1;
	(tag) =	ssettag s2;
	_ =	strace s9  }
0x27: {  	s1 =	sld [smem:$0x3FAA]  }
0x28: {  	s2 =	sld [smem:$0x3FAB]  }
0x29: {  	s4 =	sld [smem:$0x3FAD]  }
0x2a: {  	p0 =	seq.s32 s5, $0x0;
	s5 =	sld [smem:$0x3FAE]  }
0x2b: {  	s6 =	sld [smem:$0x3FAF]  }
0x2c: {  	s7 =	sld [smem:$0x3FB0]  }
0x2d: {  	s3 =	simm.s32 $0x108;
	s8 =	sld [smem:$0x3FB1]  }
0x2e: {  	s3 =	simm.s32 @!p0 $0x1082;
	s9 =	sld [smem:$0x3FB2]  }
0x2f: {  	lr =	sadd.s32 s0, s3;
	s0 =	sld [smem:$0x3FA9]  }
0x30: {  	s3 =	sld [smem:$0x3FAC]  }
0x31: {  	[smem:$0x3FB5] =	sst s10  }
0x32: {  	s10 =	sld [smem:$0x3FB3];
	_ =	sdelay $0x3  }
0x33: {  	p0 =	seq.s32 s10, $0x1;
	s10 =	sld [smem:$0x3FB5];
	_ =	sdelay $0x3  }
0x34: {  	[smem:$0x3FB5] =	sst s10  }
0x35: {  	s10 =	sld [smem:$0x3FB4];
	_ =	sdelay $0x3  }
0x36: {  	p1 =	seq.s32 s10, $0x1;
	s10 =	sld [smem:$0x3FB5];
	_ =	sdelay $0x3  }
0x37: {  	[smem:$0x3FB5] =	sst s10  }
0x38: {  	s10 =	sld [smem:$0x3FB6]  }
0x39: {  	_ = 	snop;
	(pc) =	sbr.ind lr, $3  }
0x3a: {  	_ = 	snop  }
0x3b: {  	_ = 	snop  }
0x3c: {  	p2 =	seq.s32 s10, $0x1;
	s10 =	sld [smem:$0x3FB5]  }
0x3d: {  	_ =	shalt  }
0x3e: {  	_ =	shalt  }
0x3f: {  	_ =	shalt  }
0x40: {  	_ =	shalt  }
0x41: {  	_ =	shalt  }
0x42: {  	_ =	shalt  }
0x43: {  	_ =	shalt  }
0x44: {  	_ =	shalt  }
0x45: {  	_ =	shalt  }
0x46: {  	_ =	shalt  }
0x47: {  	_ =	shalt  }
0x48: {  	_ =	shalt  }
0x49: {  	_ =	shalt  }
0x4a: {  	_ =	shalt  }
0x4b: {  	_ =	shalt  }
0x4c: {  	_ =	shalt  }
0x4d: {  	_ =	shalt  }
0x4e: {  	_ =	shalt  }
0x4f: {  	_ =	shalt  }
0x50: {  	_ =	shalt  }
0x51: {  	_ =	shalt  }
0x52: {  	_ =	shalt  }
0x53: {  	_ =	shalt  }
0x54: {  	_ =	shalt  }
0x55: {  	_ =	shalt  }
0x56: {  	_ =	shalt  }
0x57: {  	_ =	shalt  }
0x58: {  	_ =	shalt  }
0x59: {  	_ =	shalt  }
0x5a: {  	_ =	shalt  }
0x5b: {  	_ =	shalt  }
0x5c: {  	_ =	shalt  }
0x5d: {  	_ =	shalt  }
0x5e: {  	_ =	shalt  }
0x5f: {  	_ =	shalt  }
0x60: {  	_ =	shalt  }
0x61: {  	_ =	shalt  }
0x62: {  	_ =	shalt  }
0x63: {  	_ =	shalt  }
0x64: {  	_ =	shalt  }
0x65: {  	_ =	shalt  }
0x66: {  	_ =	shalt  }
0x67: {  	_ =	shalt  }
0x68: {  	_ =	shalt  }
0x69: {  	_ =	shalt  }
0x6a: {  	_ =	shalt  }
0x6b: {  	_ =	shalt  }
0x6c: {  	_ =	shalt  }
0x6d: {  	_ =	shalt  }
0x6e: {  	_ =	shalt  }
0x6f: {  	_ =	shalt  }
0x70: {  	_ =	shalt  }
0x71: {  	_ =	shalt  }
0x72: {  	_ =	shalt  }
0x73: {  	_ =	shalt  }
0x74: {  	_ =	shalt  }
0x75: {  	_ =	shalt  }
0x76: {  	_ =	shalt  }
0x77: {  	_ =	shalt  }
0x78: {  	_ =	shalt  }
0x79: {  	_ =	shalt  }
0x7a: {  	_ =	shalt  }
0x7b: {  	_ =	shalt  }
0x7c: {  	_ =	shalt  }
0x7d: {  	_ =	shalt  }
0x7e: {  	_ =	shalt  }
0x7f: {  	_ =	shalt  }
0x80: {  	_ =	shalt  }
0x81: {  	_ =	shalt  }
0x82: {  	_ =	shalt  }
0x83: {  	_ =	shalt  }
0x84: {  	_ =	shalt  }
0x85: {  	_ =	shalt  }
0x86: {  	_ =	shalt  }
0x87: {  	_ =	shalt  }
.Lfunc_end0:
.L_simem_size_0:
called_computation.3_lowered:
.L_overlay_start_0:
0x88: {  	s2 =	sld [smem:$0x3FD9]  }
0x89: {  	s3 =	sld [smem:$0x3FFE];
	_ =	sdelay $0x1  }
0x8a: {  	s1 =	srdreg.scid  }
0x8b: {  	s0 =	sand.u32 $0x1, s1  }
0x8c: {  	s17 =	sshll.u32 s0, $0xA;
	s2 =	sadd.s32 s3, s2  }
0x8d: {  	s2 =	sadd.s32 s2, s17  }
0x8e: {  	[smem:$0x3FC1] =	sst s2  }
0x8f: {  	_ = 	snop  }
0x90: {  	s18 =	sld [smem:$0x3FD0];
	(tm) =	ssettm $0x1  }
0x91: {  	s19 =	sld [smem:$0x3FFB];
	_ =	sdelay $0x3  }
0x92: {  	_ =	strace s19  }
0x93: {  	s2 =	sld [smem:$0x3FFC];
	_ =	sdelay $0x3  }
0x94: {  	_ =	strace s2  }
0x95: {  	s2 =	sld [smem:$0x3FFD];
	_ =	sdelay $0x3  }
0x96: {  	_ =	strace s2  }
0x97: {  	_ =	strace $0x8FFFFFFF  }
0x98: {  	s20 =	sld [smem:$0x3FDB];
	_ =	sdelay $0x1  }
0x99: {  	s4 =	simm.s32 $_scs_section_size  }
0x9a: {  	s5 =	simm.s32 $_size__tile_overlayer_lowered;
	s6 =	simm.s32 $_tile_overlayer_lowered  }
0x9b: {  	s7 =	simm.s32 $0x1BFF;
	s21 =	sshll.u32 s6, $0x1;
	s4 =	sadd.s32 s4, s20  }
0x9c: {  	s22 =	simm.s32 $0x0;
	s5 =	sshll.u32 s5, $0x1;
	s6 =	sadd.s32 s21, s4  }
0x9d: {  	[timem:s22], [sflag:s7] =	dma.local [hbm:s6], s5  }
0x9e: {  	_ =	swait.ge [sflag:s7], s5  }
0x9f: {  	s5 =	ssub.s32 $0x0, s5;
	[sflag:s7] =	ssyncset.done $0x0  }
0xa0: {  	[sflag:s7] =	ssyncadd.s32 s5;
	_ =	sdelay $0x1  }
0xa1: {  	s23 =	simm.s32 $0x1B8B  }
0xa2: {  	_ =	swait.ge [sflag:s23], $0x1  }
0xa3: {  	[sflag:s23] =	ssyncset.done $0x0  }
0xa4: {  	[sflag:s23] =	ssyncadd.s32 $0xFFFFFFFF  }
0xa5: {  	s5 =	sld [smem:$0x0]  }
0xa6: {  	s6 =	sand.u32 $0xFFFFFFFE, s1  }
0xa7: {  	p0 =	sne.s32 s1, s6  }
0xa8: {  	s6 =	sshll.u32 @p0 s6, $0xE  }
0xa9: {  	s6 =	sadd.s32 @p0 $0x11B8D, s6;
	s7 =	sshll.u32 @p0 s5, $0x11  }
0xaa: {  	s6 =	sor.u32 @p0 s7, s6  }
0xab: {  	[sflag:s6] =	ssyncadd.remote.s32 @p0 $0x1;
	_ =	sdelay $0x1  }
0xac: {  	s6 =	simm.s32 @p0 $0x1B8D  }
0xad: {  	_ =	swait.eq @p0 [sflag:s6], $0x1  }
0xae: {  	[sflag:s6] =	ssyncadd.s32 @p0 $0xFFFFFFFF  }
0xaf: {  	s7 =	sshll.u32 @!p0 s1, $0xE  }
0xb0: {  	s7 =	sor.u32 @!p0 $0x4000, s7;
	s6 =	simm.s32 @!p0 $0x1B8D  }
0xb1: {  	s5 =	sshll.u32 @!p0 s5, $0x11;
	s7 =	sadd.s32 @!p0 $0x11B8D, s7;
	_ =	swait.eq @!p0 [sflag:s6], $0x1  }
0xb2: {  	s5 =	sor.u32 @!p0 s5, s7;
	[sflag:s6] =	ssyncadd.s32 @!p0 $0xFFFFFFFF  }
0xb3: {  	s25 =	simm.s32 $0x1B8E;
	s24 =	sld [smem:$0x3FFE];
	[sflag:s5] =	ssyncadd.remote.s32 @!p0 $0x1  }
0xb4: {  	s26 =	simm.s32 $execute0_lowered;
	[smem:$0x3FD2] =	sst s25  }
0xb5: {  	s6 =	sshll.u32 s26, $0x1;
	_ =	strace $0x8000004F;
	[dreg:$0x1] =	wrdreg $0xFFFFFFFF  }
0xb6: {  	s28 =	simm.s32 $_size_execute0_lowered;
	s4 =	sadd.s32 s4, s6;
	[dreg:$0x0] =	wrdreg $0x0  }
0xb7: {  	s6 =	sshll.u32 s28, $0x1;
	[dreg:$0x2] =	wrdreg s4  }
0xb8: {  	[dreg:$0x3] =	wrdreg s6  }
0xb9: {  	[dreg:$0x4] =	wrdreg $0xC0  }
0xba: {  	_ =	task [dreg:s22], $0x5FFFF  }
0xbb: {  	[dreg:$0x1] =	wrdreg $0xFFFFFFFF  }
0xbc: {  	[dreg:$0x0] =	wrdreg $0x60  }
0xbd: {  	[dreg:$0x2] =	wrdreg s24  }
0xbe: {  	[dreg:$0x3] =	wrdreg s18  }
0xbf: {  	[dreg:$0x4] =	wrdreg $0x54000  }
0xc0: {  	[dreg:$0x5] =	wrdreg $0x194000  }
0xc1: {  	[dreg:$0x6] =	wrdreg $0x9  }
0xc2: {  	_ =	task.clear_ibuf [dreg:s22], $0x7FFFF;
	_ =	strace $0x9000004F  }
0xc3: {  	s29 =	simm.s32 $0x9;
	_ =	strace $0x80000051  }
0xc4: {  	_ =	swait.ge [sflag:s29], $0x1  }
0xc5: {  	[sflag:s29] =	ssyncadd.s32 $0xFFFFFFFF  }
0xc6: {  	_ =	strace $0x90000051  }
0xc7: {  	_ =	sfence  }
0xc8: {  	s30 =	sld [smem:$0x0];
	_ =	sdelay $0x2  }
0xc9: {  	s31 =	sshll.u32 s1, $0xD;
	s1 =	sshrl.u32 s1, $0x2  }
0xca: {  	s4 =	sand.u32 $0x4000, s31;
	s1 =	sadd.s32 s1, s30  }
0xcb: {  	s0 =	sor.u32 s4, s0;
	s1 =	sshll.u32 s1, $0x11  }
0xcc: {  	s0 =	sor.u32 s1, s0  }
0xcd: {  	s0 =	sadd.s32 $0x8F2B, s0  }
0xce: {  	[sflag:s0] =	ssyncadd.remote.s32 $0x1  }
0xcf: {  	_ =	sfence.sel $0xFFFF  }
0xd0: {  	[dreg:$0x0] =	wrdreg $0xFFFFFFFF;
	(pc) =	sbr.abs _section_cstart, $3  }
0xd1: {  	[dreg:$0x1] =	wrdreg $0xFFFFFFFF  }
0xd2: {  	_ =	task.clear_ibuf [dreg:s22], $0x2FFFF;
	_ =	strace $0x9FFFFFFF  }
0xd3: {  	(tm) =	ssettm $0x7FFFFFFF  }
tec
execute0_lowered:
.L_overlay_start_1:
0x0: {  	(tag) =	ssettag $0x1  }
0x1: {  	s0 =	rddreg [dreg:$0x0]  }
0x2: {  	s1 =	rddreg [dreg:$0x1]  }
0x3: {  	s2 =	rddreg [dreg:$0x2];
	s4 =	srdreg.scid  }
0x4: {  	s3 =	rddreg [dreg:$0x3];
	s22 =	stileid.u32;
	s28 =	simm.s32 $0x80  }
0x5: {  	s29 =	simm.s32 $0x2900;
	s30 =	simm.s32 $0x1;
	s7 =	smul.u32 $0x14000, s22  }
0x6: {  	s31 =	simm.s32 $0x50;
	s6 =	sand.u32 $0x1, s4;
	s8 =	smul.u32 $0x50000, s22  }
0x7: {  	s4 =	simm.s32 $0x0;
	s9 =	sadd.s32 $0x5D200, s0;
	s13 =	smul.u32 $0xA00, s22  }
0x8: {  	s5 =	smul.u32 $0x140000, s6;
	[smem:$0x7FF] =	sst s4;
	s16 =	ssub.s32 $0x2, s6  }
0x9: {  	s11 =	sshll.u32 s6, $0x4;
	_ =	strace $0x80000050;
	s10 =	sshrl.u32 s16, $0x1  }
0xa: {  	s8 =	sshrl.u32 s8, $0x2;
	s15 =	sor.u32 s22, s11;
	s13 =	sshrl.u32 s13, $0x2  }
0xb: {  	s11 =	smul.u32 $0xFA0, s22;
	s5 =	sadd.s32 s7, s5;
	s7 =	sadd.s32 $0x2A00, s0  }
0xc: {  	s20 =	ssub.s32 s16, s10;
	s17 =	smul.u32 $0xFA0, s15;
	s5 =	sshrl.u32 s5, $0x3  }
0xd: {  	s16 =	smul.u32 $0xFA00, s15;
	s0 =	sadd.s32 s5, s0;
	s5 =	sadd.s32 s8, s2  }
0xe: {  	s13 =	sadd.s32 s13, s3;
	s20 =	smax.u32 s20, $0x1;
	s18 =	sadd.s32 $0x2800, s5  }
0xf: {  	s8 =	sshrl.u32 s17, $0x3;
	s19 =	sadd.s32 $0x5000, s5;
	[dreg:$0x5] =	wrdreg s18  }
0x10: {  	s17 =	smul.u32 $0x500, s22;
	s21 =	sadd.s32 $0x7800, s5;
	[dreg:$0x6] =	wrdreg s19  }
0x11: {  	s23 =	sadd.s32 $0xA000, s5;
	s24 =	sadd.s32 $0xC800, s5;
	[dreg:$0x7] =	wrdreg s21  }
0x12: {  	s25 =	sadd.s32 $0xF000, s5;
	s12 =	sadd.s32 $0x11800, s5;
	[dreg:$0x8] =	wrdreg s23  }
0x13: {  	s8 =	sadd.s32 s7, s8;
	[dreg:$0x9] =	wrdreg s24;
	s18 =	smul.u32 $0x7D000, s15  }
0x14: {  	[dreg:$0xa] =	wrdreg s25;
	s14 =	sadd.s32 $0x5DC0, s8;
	s21 =	smul.u32 $0xFA00, s6  }
0x15: {  	s19 =	sshll.u32 s6, $0x7;
	s15 =	sadd.s32 s9, s16;
	s23 =	smul.u32 $0xFA000, s6  }
0x16: {  	s16 =	sadd.s32 $0x5FAA, s8;
	s24 =	smul.u32 $0xFA00, s22;
	s26 =	sor.u32 s19, s17  }
0x17: {  	s19 =	sadd.s32 $0x255200, s0;
	s10 =	sshrl.u32 s18, $0x3;
	s8 =	sshrl.u32 s26, $0x3  }
0x18: {  	s0 =	sadd.s32 s23, s9;
	s18 =	sadd.s32 s9, s10;
	s17 =	sadd.s32 s1, s8  }
0x19: {  	s1 =	sadd.s32 s11, s21;
	s0 =	sadd.s32 s24, s0;
	s24 =	simm.s32 $0x100  }
0x1a: {  	s18 =	sadd.s32 $0xF500, s18;
	s25 =	sadd.s32 $0x2EEA0, s1;
	s1 =	sadd.s32 $0x2EE50, s1  }
0x1b: {  	s21 =	sadd.s32 $0xA00, s0;
	s0 =	simm.s32 $0x5100;
	s26 =	sshrl.u32 s25, $0x3  }
0x1c: {  	s1 =	sshrl.u32 s1, $0x3;
	s25 =	simm.s32 $0x3;
	s22 =	sadd.s32 s26, s7  }
0x1d: {  	v0 =	vimm.f32 $0.0e+00;
	v1 =	vimm.f32 $1.000000000e+00;
	s23 =	sadd.s32 s1, s7;
	s26 =	simm.s32 $0x2;
	s1 =	simm.s32 $0x0  }
.LBB2_1:
0x1e: {  	s6 =	simm.s32 $0x0;
	s7 =	simm.s32 $0x200  }
.LBB2_2:
0x1f: {  	p0 =	sne.s32 s7, $0x9E00;
	[tilespmem:s6+$0x170] =	vst v0  }
0x20: {  	[tilespmem:s6+$0x100] =	vst v0  }
0x21: {  	[tilespmem:s6+$0x110] =	vst v0  }
.Ltmp0:
0x22: {  	[tilespmem:s6+$0x120] =	vst v0;
	(pc) =	sbr.rel @p0 .LBB2_2-.Ltmp0, $4  }
0x23: {  	[tilespmem:s6+$0x130] =	vst v0  }
0x24: {  	[tilespmem:s6+$0x140] =	vst v0  }
0x25: {  	[tilespmem:s6+$0x150] =	vst v0  }
0x26: {  	[tilespmem:s6+$0x160] =	vst v0;
	s6 =	sshra.s32 s7, $0x2;
	s7 =	sadd.s32 $0x200, s7  }
0x27: {  	[tilespmem:s6+$0x170] =	vst v0  }
0x28: {  	[tilespmem:s6+$0x100] =	vst v0  }
0x29: {  	[tilespmem:s6+$0x110] =	vst v0  }
0x2a: {  	[tilespmem:s6+$0x120] =	vst v0  }
0x2b: {  	[tilespmem:s6+$0x130] =	vst v0  }
0x2c: {  	[tilespmem:s6+$0x140] =	vst v0  }
0x2d: {  	[tilespmem:s6+$0x150] =	vst v0  }
0x2e: {  	[tilespmem:s6+$0x160] =	vst v0  }
0x2f: {  	[tilespmem:$0x5180] =	vst v0  }
0x30: {  	[tilespmem:$0x5190] =	vst v0  }
0x31: {  	[tilespmem:$0x51A0] =	vst v0  }
0x32: {  	[tilespmem:$0x51B0] =	vst v0  }
0x33: {  	[tilespmem:$0x51C0] =	vst v0  }
0x34: {  	[tilespmem:$0x51D0] =	vst v0  }
0x35: {  	[tilespmem:$0x51E0] =	vst v0  }
0x36: {  	[tilespmem:$0x51F0] =	vst v0  }
0x37: {  	[tilespmem:$0x5200] =	vst v0  }
0x38: {  	[tilespmem:$0x5210] =	vst v0  }
0x39: {  	[tilespmem:$0x5220] =	vst v0  }
0x3a: {  	[tilespmem:$0x5230] =	vst v0  }
0x3b: {  	[tilespmem:$0x5240] =	vst v0  }
0x3c: {  	[tilespmem:$0x5250] =	vst v0  }
0x3d: {  	[tilespmem:$0x5260] =	vst v0  }
0x3e: {  	[tilespmem:$0x5270] =	vst v0  }
0x3f: {  	[tilespmem:$0x5280] =	vst v0  }
0x40: {  	[tilespmem:$0x5290] =	vst v0  }
0x41: {  	[tilespmem:$0x52A0] =	vst v0  }
0x42: {  	[tilespmem:$0x52B0] =	vst v0  }
0x43: {  	[tilespmem:$0x52C0] =	vst v0  }
0x44: {  	[tilespmem:$0x52D0] =	vst v0  }
0x45: {  	[tilespmem:$0x52E0] =	vst v0  }
0x46: {  	[tilespmem:$0x52F0] =	vst v0  }
0x47: {  	[tilespmem:$0x5300] =	vst v0  }
0x48: {  	[tilespmem:$0x5310] =	vst v0  }
0x49: {  	[tilespmem:$0x5320] =	vst v0  }
0x4a: {  	[tilespmem:$0x5330] =	vst v0  }
0x4b: {  	[tilespmem:$0x5340] =	vst v0  }
0x4c: {  	[tilespmem:$0x5350] =	vst v0  }
0x4d: {  	[tilespmem:$0x5360] =	vst v0  }
0x4e: {  	[tilespmem:$0x5370] =	vst v0  }
0x4f: {  	[tilespmem:$0x5380] =	vst v0  }
0x50: {  	[tilespmem:$0x5390] =	vst v0  }
0x51: {  	[tilespmem:$0x53A0] =	vst v0  }
0x52: {  	[tilespmem:$0x53B0] =	vst v0  }
0x53: {  	[tilespmem:$0x53C0] =	vst v0  }
0x54: {  	[tilespmem:$0x53D0] =	vst v0  }
0x55: {  	[tilespmem:$0x53E0] =	vst v0  }
0x56: {  	[tilespmem:$0x53F0] =	vst v0  }
0x57: {  	[tilespmem:$0x5100] =	vst v1  }
0x58: {  	[tilespmem:$0x5110] =	vst v1  }
0x59: {  	[tilespmem:$0x5120] =	vst v1  }
0x5a: {  	[tilespmem:$0x5130] =	vst v1  }
0x5b: {  	[tilespmem:$0x5140] =	vst v1  }
0x5c: {  	[spmem:s5] =	stream.linear.scatter [tilespmem:s24], [sflag:$0x3], $0x2800, $0x38;
	[tilespmem:$0x19680] =	vst v63  }
0x5d: {  	_ =	swait.ge [sflag:s25], $0x2800  }
0x5e: {  	[sflag:s25] =	ssyncset.done $0x0  }
0x5f: {  	s11 =	rddreg [dreg:$0x5];
	[sflag:s25] =	ssyncadd.s32 $0xFFFFD800  }
0x60: {  	[spmem:s11] =	stream.linear.scatter [tilespmem:s24], [sflag:$0x3], $0x2800, $0x38;
	[tilespmem:$0x19680] =	vst v63  }
0x61: {  	_ =	swait.ge [sflag:s25], $0x2800  }
0x62: {  	[sflag:s25] =	ssyncset.done $0x0  }
0x63: {  	s7 =	rddreg [dreg:$0x6];
	[sflag:s25] =	ssyncadd.s32 $0xFFFFD800  }
0x64: {  	[spmem:s7] =	stream.linear.scatter [tilespmem:s24], [sflag:$0x3], $0x2800, $0x38;
	[tilespmem:$0x19680] =	vst v63  }
0x65: {  	_ =	swait.ge [sflag:s25], $0x2800  }
0x66: {  	[sflag:s25] =	ssyncset.done $0x0  }
0x67: {  	s8 =	rddreg [dreg:$0x7];
	[sflag:s25] =	ssyncadd.s32 $0xFFFFD800  }
0x68: {  	[spmem:s8] =	stream.linear.scatter [tilespmem:s24], [sflag:$0x3], $0x2800, $0x38;
	[tilespmem:$0x19680] =	vst v63  }
0x69: {  	_ =	swait.ge [sflag:s25], $0x2800  }
0x6a: {  	[sflag:s25] =	ssyncset.done $0x0  }
0x6b: {  	s9 =	rddreg [dreg:$0x8];
	[sflag:s25] =	ssyncadd.s32 $0xFFFFD800  }
0x6c: {  	[spmem:s9] =	stream.linear.scatter [tilespmem:s24], [sflag:$0x3], $0x2800, $0x38;
	[tilespmem:$0x19680] =	vst v63  }
0x6d: {  	_ =	swait.ge [sflag:s25], $0x2800  }
0x6e: {  	[sflag:s25] =	ssyncset.done $0x0  }
0x6f: {  	s10 =	rddreg [dreg:$0x9];
	[sflag:s25] =	ssyncadd.s32 $0xFFFFD800  }
0x70: {  	[spmem:s10] =	stream.linear.scatter [tilespmem:s24], [sflag:$0x3], $0x2800, $0x38;
	[tilespmem:$0x19680] =	vst v63  }
0x71: {  	_ =	swait.ge [sflag:s25], $0x2800  }
0x72: {  	[sflag:s25] =	ssyncset.done $0x0  }
0x73: {  	s11 =	rddreg [dreg:$0xa];
	[sflag:s25] =	ssyncadd.s32 $0xFFFFD800  }
0x74: {  	[spmem:s11] =	stream.linear.scatter [tilespmem:s24], [sflag:$0x3], $0x2800, $0x38;
	[tilespmem:$0x19680] =	vst v63  }
0x75: {  	_ =	swait.ge [sflag:s25], $0x2800  }
0x76: {  	[sflag:s25] =	ssyncset.done $0x0  }
0x77: {  	[sflag:s25] =	ssyncadd.s32 $0xFFFFD800  }
0x78: {  	[spmem:s12] =	stream.linear.scatter [tilespmem:s24], [sflag:$0x3], $0x2800, $0x38;
	[tilespmem:$0x19680] =	vst v63  }
0x79: {  	_ =	swait.ge [sflag:s25], $0x2800  }
0x7a: {  	[sflag:s25] =	ssyncset.done $0x0  }
0x7b: {  	s7 =	simm.s32 $0x5180;
	[sflag:s25] =	ssyncadd.s32 $0xFFFFD800  }
0x7c: {  	[spmem:s13] =	stream.linear.scatter [tilespmem:s7], [sflag:$0x3], $0x280, $0x38;
	[tilespmem:$0x19680] =	vst v63  }
0x7d: {  	_ =	swait.ge [sflag:s25], $0x280  }
0x7e: {  	[sflag:s25] =	ssyncset.done $0x0  }
0x7f: {  	[sflag:s25] =	ssyncadd.s32 $0xFFFFFD80  }
0x80: {  	s8 =	simm.s32 $0x0;
	[bflag:$0x0] =	sbarrier.arrive $0xFFFF  }
0x81: {  	[tilespmem:s8], [sflag:$0x3] =	stream.linear.gather [hbm4b:s14+s8], $0x50, $0x38;
	[tilespmem:$0x19680] =	vst v63  }
0x82: {  	_ =	swait.ge [sflag:s25], $0x50  }
0x83: {  	[sflag:s25] =	ssyncset.done $0x0  }
0x84: {  	[sflag:s25] =	ssyncadd.s32 $0xFFFFFFB0  }
0x85: {  	[tilespmem:s24], [sflag:$0x1] =	stream.linear.gather [hbm4b:s15+s8], $0x2800, $0x38;
	[tilespmem:$0x19680] =	vst v63  }
0x86: {  	s9 =	sadd.s32 $0x0, s23  }
0x87: {  	[tilespmem:s28], [sflag:$0x3] =	stream.linear.gather [hbm4b:s9+s4], $0x50, $0x38;
	[tilespmem:$0x19680] =	vst v63  }
0x88: {  	_ =	swait.ge [sflag:s25], $0x50  }
0x89: {  	[sflag:s25] =	ssyncset.done $0x0  }
0x8a: {  	s10 =	sadd.s32 $0xFFFFFB00, s21;
	[sflag:s25] =	ssyncadd.s32 $0xFFFFFFB0  }
0x8b: {  	[tilespmem:s29], [sflag:$0x2] =	stream.linear.gather [hbm4b:s10+s4], $0x2800, $0x38;
	[tilespmem:$0x19680] =	vst v63  }
0x8c: {  	_ =	swait.ge [sflag:s30], $0x2800  }
0x8d: {  	[sflag:s30] =	ssyncset.done $0x0  }
0x8e: {  	[sflag:s30] =	ssyncadd.s32 $0xFFFFD800  }
0x8f: {  	[spmem:s2] =	stream.indirect.scatter.add.f32 [tilespmem:s24], [sflag:$0x3], $0x80, s4, s31, $0xb8;
	[tilespmem:$0x19680] =	vst v63  }
0x90: {  	_ =	swait.ge [sflag:s25], $0x2800  }
0x91: {  	[sflag:s25] =	ssyncset.done $0x0  }
0x92: {  	[sflag:s25] =	ssyncadd.s32 $0xFFFFD800  }
0x93: {  	[spmem:s3] =	stream.indirect.scatter.add.f32 [tilespmem:s0], [sflag:$0x3], $0x1, s4, s31, $0xb8;
	[tilespmem:$0x19680] =	vst v63  }
0x94: {  	_ =	swait.ge [sflag:s25], $0x50  }
0x95: {  	[sflag:s25] =	ssyncset.done $0x0  }
0x96: {  	s11 =	sadd.s32 $0x0, s22;
	[sflag:s25] =	ssyncadd.s32 $0xFFFFFFB0  }
0x97: {  	[tilespmem:s4], [sflag:$0x3] =	stream.linear.gather [hbm4b:s11+s4], $0x50, $0x38;
	[tilespmem:$0x19680] =	vst v63  }
0x98: {  	_ =	swait.ge [sflag:s25], $0x50  }
0x99: {  	[sflag:s25] =	ssyncset.done $0x0  }
0x9a: {  	[sflag:s25] =	ssyncadd.s32 $0xFFFFFFB0  }
0x9b: {  	[tilespmem:s24], [sflag:$0x1] =	stream.linear.gather [hbm4b:s21+s4], $0x2800, $0x38;
	[tilespmem:$0x19680] =	vst v63  }
0x9c: {  	_ =	swait.ge [sflag:s26], $0x2800  }
0x9d: {  	[sflag:s26] =	ssyncset.done $0x0  }
0x9e: {  	[sflag:s26] =	ssyncadd.s32 $0xFFFFD800  }
0x9f: {  	[spmem:s2] =	stream.indirect.scatter.add.f32 [tilespmem:s29], [sflag:$0x3], $0x80, s28, s31, $0xb8;
	[tilespmem:$0x19680] =	vst v63  }
0xa0: {  	_ =	swait.ge [sflag:s25], $0x2800  }
0xa1: {  	[sflag:s25] =	ssyncset.done $0x0  }
0xa2: {  	[sflag:s25] =	ssyncadd.s32 $0xFFFFD800  }
0xa3: {  	[spmem:s3] =	stream.indirect.scatter.add.f32 [tilespmem:s0], [sflag:$0x3], $0x1, s28, s31, $0xb8;
	[tilespmem:$0x19680] =	vst v63  }
0xa4: {  	s6 =	sadd.s32 $0xA00, s21;
	_ =	swait.ge [sflag:s25], $0x50  }
0xa5: {  	s7 =	simm.s32 $0x14;
	s8 =	simm.s32 $0x28;
	[sflag:s25] =	ssyncset.done $0x0  }
.LBB2_4:
0xa6: {  	s10 =	sadd.s32 s7, s23  }
0xa7: {  	[sflag:s25] =	ssyncadd.s32 $0xFFFFFFB0;
	s11 =	smov.u32 s8;
	s9 =	sadd.s32 $0x14, s8  }
0xa8: {  	[tilespmem:s28], [sflag:$0x3] =	stream.linear.gather [hbm4b:s10+s4], $0x50, $0x38;
	[tilespmem:$0x19680] =	vst v63  }
0xa9: {  	p0 =	sne.s32 s8, $0x1CC;
	_ =	swait.ge [sflag:s25], $0x50  }
0xaa: {  	[sflag:s25] =	ssyncset.done $0x0  }
0xab: {  	s8 =	sadd.s32 $0xFFFFFB00, s6;
	[sflag:s25] =	ssyncadd.s32 $0xFFFFFFB0  }
0xac: {  	[tilespmem:s29], [sflag:$0x2] =	stream.linear.gather [hbm4b:s8+s4], $0x2800, $0x38;
	[tilespmem:$0x19680] =	vst v63  }
0xad: {  	_ =	swait.ge [sflag:s30], $0x2800  }
0xae: {  	[sflag:s30] =	ssyncset.done $0x0  }
0xaf: {  	[sflag:s30] =	ssyncadd.s32 $0xFFFFD800  }
0xb0: {  	[spmem:s2] =	stream.indirect.scatter.add.f32 [tilespmem:s24], [sflag:$0x3], $0x80, s4, s31, $0xb8;
	[tilespmem:$0x19680] =	vst v63  }
0xb1: {  	_ =	swait.ge [sflag:s25], $0x2800  }
0xb2: {  	[sflag:s25] =	ssyncset.done $0x0  }
0xb3: {  	[sflag:s25] =	ssyncadd.s32 $0xFFFFD800  }
0xb4: {  	[spmem:s3] =	stream.indirect.scatter.add.f32 [tilespmem:s0], [sflag:$0x3], $0x1, s4, s31, $0xb8;
	[tilespmem:$0x19680] =	vst v63  }
0xb5: {  	_ =	swait.ge [sflag:s25], $0x50  }
0xb6: {  	[sflag:s25] =	ssyncset.done $0x0  }
0xb7: {  	s8 =	sadd.s32 s7, s22;
	s7 =	smov.u32 s11;
	[sflag:s25] =	ssyncadd.s32 $0xFFFFFFB0  }
0xb8: {  	[tilespmem:s4], [sflag:$0x3] =	stream.linear.gather [hbm4b:s8+s4], $0x50, $0x38;
	[tilespmem:$0x19680] =	vst v63  }
0xb9: {  	_ =	swait.ge [sflag:s25], $0x50  }
0xba: {  	[sflag:s25] =	ssyncset.done $0x0  }
0xbb: {  	[sflag:s25] =	ssyncadd.s32 $0xFFFFFFB0  }
0xbc: {  	[tilespmem:s24], [sflag:$0x1] =	stream.linear.gather [hbm4b:s6+s4], $0x2800, $0x38;
	[tilespmem:$0x19680] =	vst v63  }
0xbd: {  	_ =	swait.ge [sflag:s26], $0x2800  }
0xbe: {  	[sflag:s26] =	ssyncset.done $0x0  }
0xbf: {  	[sflag:s26] =	ssyncadd.s32 $0xFFFFD800  }
0xc0: {  	[spmem:s2] =	stream.indirect.scatter.add.f32 [tilespmem:s29], [sflag:$0x3], $0x80, s28, s31, $0xb8;
	[tilespmem:$0x19680] =	vst v63  }
0xc1: {  	_ =	swait.ge [sflag:s25], $0x2800  }
.Ltmp1:
0xc2: {  	[sflag:s25] =	ssyncset.done $0x0;
	(pc) =	sbr.rel @p0 .LBB2_4-.Ltmp1, $4  }
0xc3: {  	[sflag:s25] =	ssyncadd.s32 $0xFFFFD800  }
0xc4: {  	[spmem:s3] =	stream.indirect.scatter.add.f32 [tilespmem:s0], [sflag:$0x3], $0x1, s28, s31, $0xb8;
	[tilespmem:$0x19680] =	vst v63  }
0xc5: {  	_ =	swait.ge [sflag:s25], $0x50  }
0xc6: {  	s8 =	smov.u32 s9;
	s6 =	sadd.s32 $0xA00, s6;
	[sflag:s25] =	ssyncset.done $0x0  }
0xc7: {  	s8 =	sadd.s32 s7, s23;
	[sflag:s25] =	ssyncadd.s32 $0xFFFFFFB0  }
0xc8: {  	[tilespmem:s28], [sflag:$0x3] =	stream.linear.gather [hbm4b:s8+s4], $0x50, $0x38;
	[tilespmem:$0x19680] =	vst v63  }
0xc9: {  	_ =	swait.ge [sflag:s25], $0x50  }
0xca: {  	[sflag:s25] =	ssyncset.done $0x0  }
0xcb: {  	s10 =	sadd.s32 $0xFFFFFB00, s6;
	[sflag:s25] =	ssyncadd.s32 $0xFFFFFFB0  }
0xcc: {  	[tilespmem:s29], [sflag:$0x2] =	stream.linear.gather [hbm4b:s10+s4], $0x2800, $0x38;
	[tilespmem:$0x19680] =	vst v63  }
0xcd: {  	_ =	swait.ge [sflag:s30], $0x2800  }
0xce: {  	[sflag:s30] =	ssyncset.done $0x0  }
0xcf: {  	[sflag:s30] =	ssyncadd.s32 $0xFFFFD800  }
0xd0: {  	[spmem:s2] =	stream.indirect.scatter.add.f32 [tilespmem:s24], [sflag:$0x3], $0x80, s4, s31, $0xb8;
	[tilespmem:$0x19680] =	vst v63  }
0xd1: {  	_ =	swait.ge [sflag:s25], $0x2800  }
0xd2: {  	[sflag:s25] =	ssyncset.done $0x0  }
0xd3: {  	[sflag:s25] =	ssyncadd.s32 $0xFFFFD800  }
0xd4: {  	[spmem:s3] =	stream.indirect.scatter.add.f32 [tilespmem:s0], [sflag:$0x3], $0x1, s4, s31, $0xb8;
	[tilespmem:$0x19680] =	vst v63  }
0xd5: {  	_ =	swait.ge [sflag:s25], $0x50  }
0xd6: {  	[sflag:s25] =	ssyncset.done $0x0  }
0xd7: {  	s11 =	sadd.s32 s7, s22;
	[sflag:s25] =	ssyncadd.s32 $0xFFFFFFB0  }
0xd8: {  	[tilespmem:s4], [sflag:$0x3] =	stream.linear.gather [hbm4b:s11+s4], $0x50, $0x38;
	[tilespmem:$0x19680] =	vst v63  }
0xd9: {  	_ =	swait.ge [sflag:s25], $0x50  }
0xda: {  	[sflag:s25] =	ssyncset.done $0x0  }
0xdb: {  	[sflag:s25] =	ssyncadd.s32 $0xFFFFFFB0  }
0xdc: {  	[tilespmem:s24], [sflag:$0x1] =	stream.linear.gather [hbm4b:s6+s4], $0x2800, $0x38;
	[tilespmem:$0x19680] =	vst v63  }
0xdd: {  	_ =	swait.ge [sflag:s26], $0x2800  }
0xde: {  	[sflag:s26] =	ssyncset.done $0x0  }
0xdf: {  	[sflag:s26] =	ssyncadd.s32 $0xFFFFD800  }
0xe0: {  	[spmem:s2] =	stream.indirect.scatter.add.f32 [tilespmem:s29], [sflag:$0x3], $0x80, s28, s31, $0xb8;
	[tilespmem:$0x19680] =	vst v63  }
0xe1: {  	_ =	swait.ge [sflag:s25], $0x2800  }
0xe2: {  	[sflag:s25] =	ssyncset.done $0x0  }
0xe3: {  	[sflag:s25] =	ssyncadd.s32 $0xFFFFD800  }
0xe4: {  	[spmem:s3] =	stream.indirect.scatter.add.f32 [tilespmem:s0], [sflag:$0x3], $0x1, s28, s31, $0xb8;
	[tilespmem:$0x19680] =	vst v63  }
0xe5: {  	_ =	swait.ge [sflag:s25], $0x50  }
0xe6: {  	[sflag:s25] =	ssyncset.done $0x0  }
0xe7: {  	[sflag:s25] =	ssyncadd.s32 $0xFFFFFFB0  }
0xe8: {  	[tilespmem:s28], [sflag:$0x3] =	stream.linear.gather [hbm4b:s16+s4], $0x50, $0x38;
	[tilespmem:$0x19680] =	vst v63  }
0xe9: {  	_ =	swait.ge [sflag:s25], $0x50  }
0xea: {  	[sflag:s25] =	ssyncset.done $0x0  }
0xeb: {  	[sflag:s25] =	ssyncadd.s32 $0xFFFFFFB0  }
0xec: {  	[tilespmem:s29], [sflag:$0x2] =	stream.linear.gather [hbm4b:s18+s4], $0x2800, $0x38;
	[tilespmem:$0x19680] =	vst v63  }
0xed: {  	_ =	swait.ge [sflag:s30], $0x2800  }
0xee: {  	[sflag:s30] =	ssyncset.done $0x0  }
0xef: {  	[sflag:s30] =	ssyncadd.s32 $0xFFFFD800  }
0xf0: {  	[spmem:s2] =	stream.indirect.scatter.add.f32 [tilespmem:s24], [sflag:$0x3], $0x80, s4, s31, $0xb8;
	[tilespmem:$0x19680] =	vst v63  }
0xf1: {  	_ =	swait.ge [sflag:s25], $0x2800  }
0xf2: {  	[sflag:s25] =	ssyncset.done $0x0  }
0xf3: {  	[sflag:s25] =	ssyncadd.s32 $0xFFFFD800  }
0xf4: {  	[spmem:s3] =	stream.indirect.scatter.add.f32 [tilespmem:s0], [sflag:$0x3], $0x1, s4, s31, $0xb8;
	[tilespmem:$0x19680] =	vst v63  }
0xf5: {  	_ =	swait.ge [sflag:s25], $0x50  }
0xf6: {  	[sflag:s25] =	ssyncset.done $0x0  }
0xf7: {  	[sflag:s25] =	ssyncadd.s32 $0xFFFFFFB0  }
0xf8: {  	_ =	swait.ge [sflag:s26], $0x2800  }
0xf9: {  	[sflag:s26] =	ssyncset.done $0x0  }
0xfa: {  	[sflag:s26] =	ssyncadd.s32 $0xFFFFD800  }
0xfb: {  	[spmem:s2] =	stream.indirect.scatter.add.f32 [tilespmem:s29], [sflag:$0x3], $0x80, s28, s31, $0xb8;
	[tilespmem:$0x19680] =	vst v63  }
0xfc: {  	_ =	swait.ge [sflag:s25], $0x2800  }
0xfd: {  	[sflag:s25] =	ssyncset.done $0x0  }
0xfe: {  	[sflag:s25] =	ssyncadd.s32 $0xFFFFD800  }
0xff: {  	[spmem:s3] =	stream.indirect.scatter.add.f32 [tilespmem:s0], [sflag:$0x3], $0x1, s28, s31, $0xb8;
	[tilespmem:$0x19680] =	vst v63  }
0x100: {  	_ =	swait.ge [sflag:s25], $0x50  }
0x101: {  	s8 =	stileid.u32;
	[sflag:s25] =	ssyncset.done $0x0  }
0x102: {  	s9 =	sshrl.u32 s5, $0x3;
	s6 =	sshll.u32 s8, $0x6;
	[sflag:s25] =	ssyncadd.s32 $0xFFFFFFB0  }
0x103: {  	s1 =	sadd.s32 $0x1, s1;
	s6 =	sor.u32 $0x1C03, s6;
	[bflag:$0x0] =	sbarrier.arrive $0xFFFF  }
0x104: {  	[hbm:s19], [sflag:s6] =	dma.local [spmem:s9], $0x2800  }
0x105: {  	p0 =	sne.s32 s1, s20;
	_ =	swait.ge [sflag:s25], $0x2800  }
0x106: {  	s10 =	sshrl.u32 s13, $0x3;
	s11 =	simm.s32 $0x20;
	[sflag:s25] =	ssyncset.done $0x0  }
.Ltmp2:
0x107: {  	s9 =	simm.s32 $0x10;
	[sflag:s25] =	ssyncadd.s32 $0xFFFFD800;
	(pc) =	sbr.rel @p0 .LBB2_1-.Ltmp2, $4  }
0x108: {  	[hbm:s17@s11], [sflag:s6] =	dma.strided [spmem:s10@s9], $0x50, s30, $0x10   }
0x109: {  	_ =	swait.ge [sflag:s25], $0x50  }
0x10a: {  	[sflag:s25] =	ssyncset.done $0x0  }
0x10b: {  	[sflag:s25] =	ssyncadd.s32 $0xFFFFFFB0  }
0x10c: {  	_ =	sfence.sel $0x180000  }
0x10d: {  	[bflag:$0x0] =	sbarrier.arrive $0xFFFF  }
0x10e: {  	_ =	strace $0x90000050  }
0x10f: {  	s0 =	stileid.u32;
	[bflag:$0x2] =	sbarrier.arrive $0xFFFF  }
0x110: {  	p0 =	sne.s32 s0, $0x0;
	s0 =	rddreg [dreg:$0x4]  }
0x111: {  	s0 =	sadd.s32 @!p0 $0x100000, s0  }
0x112: {  	[sflag:s0] =	ssyncadd.tile.s32 @!p0 $0x1;
	_ =	shalt  }
.Lfunc_end2:
_tile_overlayer_lowered:
.L_overlay_start_2:
0x113: {  	(tag) =	ssettag $0x2  }
0x114: {  	s0 =	rddreg [dreg:$0x0];
	s2 =	stileid.u32  }
0x115: {  	s1 =	rddreg [dreg:$0x1];
	p0 =	sne.s32 s2, $0x0  }
0x116: {  	s3 =	rddreg [dreg:$0x2];
	[bflag:$0x3] =	sbarrier.arrive $0xFFFF;
	s2 =	simm.s32 @!p0 $0x1C03  }
0x117: {  	[timem:s3], [sflag:s2] =	dma.local @!p0 [hbm:s0], s1  }
0x118: {  	s0 =	simm.s32 @!p0 $0x3  }
0x119: {  	_ =	swait.ge @!p0 [sflag:s0], s1  }
0x11a: {  	s1 =	ssub.s32 @!p0 $0x0, s1;
	[sflag:s0] =	ssyncset.done @!p0 $0x0  }
0x11b: {  	[sflag:s0] =	ssyncadd.s32 @!p0 s1  }
0x11c: {  	[bflag:$0x3] =	sbarrier.arrive $0xFFFF  }
0x11d: {  	_ =	shalt  }

// kernel: kernel.9.cloned.1.call-start
scs
__scs_entry_jumppad:
0x0: {  	(pc) =	sbr.rel $0x88, $3  }
0x1: {  	(tag) =	ssettag $0x0;
	lr =	simm.s32 $0x1  }
0x2: {  	[smem:$0x3F9A] =	sst lr;
	_ =	strace $0xD0000000  }
0x3: {  	_ = 	snop  }
0x4: {  	_ = 	snop  }
0x5: {  	_ = 	snop  }
0x6: {  	_ = 	snop  }
0x7: {  	_ = 	snop  }
__scs_overlays_trampoline_lowered:
0x8: {  	[smem:$0x3FA9] =	sst s0  }
0x9: {  	[smem:$0x3FAA] =	sst s1  }
0xa: {  	[smem:$0x3FAB] =	sst s2  }
0xb: {  	[smem:$0x3FAC] =	sst s3  }
0xc: {  	[smem:$0x3FAD] =	sst s4  }
0xd: {  	[smem:$0x3FAE] =	sst s5  }
0xe: {  	[smem:$0x3FAF] =	sst s6  }
0xf: {  	[smem:$0x3FB0] =	sst s7  }
0x10: {  	[smem:$0x3FB1] =	sst s8  }
0x11: {  	[smem:$0x3FB2] =	sst s9;
	s0 =	simm.s32 @!p0 $0x0  }
0x12: {  	s1 =	sld [smem:$0x3F98];
	s0 =	simm.s32 @p0 $0x1  }
0x13: {  	[smem:$0x3FB3] =	sst s0;
	s0 =	simm.s32 @!p1 $0x0  }
0x14: {  	s2 =	sld [smem:$0x3F97];
	s0 =	simm.s32 @p1 $0x1  }
0x15: {  	[smem:$0x3FB4] =	sst s0;
	s0 =	simm.s32 @!p2 $0x0  }
0x16: {  	s3 =	sld [smem:$0x3FDB];
	s0 =	simm.s32 @p2 $0x1  }
0x17: {  	s4 =	simm.s32 $0x1BF5;
	[smem:$0x3FB6] =	sst s0  }
0x18: {  	s0 =	sld [smem:$0x3F99];
	_ =	swait.ge [sflag:s4], $0x0  }
0x19: {  	s7 =	sld [smem:$0x3F9A]  }
0x1a: {  	s8 =	sadd.s32 $0xFFFFE003, lr  }
0x1b: {  	s9 =	sadd.s32 $0xFFFFFEF7, lr;
	s5 =	simm.s32 $0xFFFFFFFF;
	p2 =	slt.u32 s8, $0xFFFFF086  }
0x1c: {  	p1 =	slt.u32 s9, $0xF7A;
	s5 =	simm.s32 @!p2 $0x0  }
0x1d: {  	s5 =	simm.s32 @p1 $0x1;
	p0 =	seq.s32 s7, s2  }
0x1e: {  	s7 =	smul.u32 @!p0 $0xF7A, s2;
	p2 =	seq.s32 @!p0 s5, $0x0  }
0x1f: {  	s9 =	smul.u32 $0xF7A, s1;
	s8 =	simm.s32 @!p0 $0x1BF5;
	p2 =	por !p2, p0  }
0x20: {  	[sflag:s8] =	ssyncset.s32 @!p0 $0xFFFFF086;
	s6 =	sadd.s32 @!p0 s3, s7;
	s7 =	simm.s32 @!p0 $0x108  }
0x21: {  	s3 =	sadd.s32 s3, s9;
	s6 =	sadd.s32 @!p0 $0x88, s6;
	s7 =	simm.s32 @p2 $0x1082  }
0x22: {  	[simem:s7], [sflag:s8] =	dma.local @!p0 [hbm:s6], $0xF7A  }
0x23: {  	s9 =	sor.u32 $0xD0000000, s2;
	s6 =	simm.s32 $0x108;
	_ =	swait.ge @!p0 [sflag:s8], $0x0  }
0x24: {  	s3 =	sadd.s32 $0x88, s3;
	s6 =	simm.s32 @!p1 $0x1082;
	[sflag:s4] =	ssyncset.s32 $0xFFFFF086  }
0x25: {  	[simem:s6], [sflag:s4] =	dma.local [hbm:s3], $0xF7A  }
0x26: {  	[smem:$0x3F9A] =	sst s1;
	(tag) =	ssettag s2;
	_ =	strace s9  }
0x27: {  	s1 =	sld [smem:$0x3FAA]  }
0x28: {  	s2 =	sld [smem:$0x3FAB]  }
0x29: {  	s4 =	sld [smem:$0x3FAD]  }
0x2a: {  	p0 =	seq.s32 s5, $0x0;
	s5 =	sld [smem:$0x3FAE]  }
0x2b: {  	s6 =	sld [smem:$0x3FAF]  }
0x2c: {  	s7 =	sld [smem:$0x3FB0]  }
0x2d: {  	s3 =	simm.s32 $0x108;
	s8 =	sld [smem:$0x3FB1]  }
0x2e: {  	s3 =	simm.s32 @!p0 $0x1082;
	s9 =	sld [smem:$0x3FB2]  }
0x2f: {  	lr =	sadd.s32 s0, s3;
	s0 =	sld [smem:$0x3FA9]  }
0x30: {  	s3 =	sld [smem:$0x3FAC]  }
0x31: {  	[smem:$0x3FB5] =	sst s10  }
0x32: {  	s10 =	sld [smem:$0x3FB3];
	_ =	sdelay $0x3  }
0x33: {  	p0 =	seq.s32 s10, $0x1;
	s10 =	sld [smem:$0x3FB5];
	_ =	sdelay $0x3  }
0x34: {  	[smem:$0x3FB5] =	sst s10  }
0x35: {  	s10 =	sld [smem:$0x3FB4];
	_ =	sdelay $0x3  }
0x36: {  	p1 =	seq.s32 s10, $0x1;
	s10 =	sld [smem:$0x3FB5];
	_ =	sdelay $0x3  }
0x37: {  	[smem:$0x3FB5] =	sst s10  }
0x38: {  	s10 =	sld [smem:$0x3FB6]  }
0x39: {  	_ = 	snop;
	(pc) =	sbr.ind lr, $3  }
0x3a: {  	_ = 	snop  }
0x3b: {  	_ = 	snop  }
0x3c: {  	p2 =	seq.s32 s10, $0x1;
	s10 =	sld [smem:$0x3FB5]  }
0x3d: {  	_ =	shalt  }
0x3e: {  	_ =	shalt  }
0x3f: {  	_ =	shalt  }
0x40: {  	_ =	shalt  }
0x41: {  	_ =	shalt  }
0x42: {  	_ =	shalt  }
0x43: {  	_ =	shalt  }
0x44: {  	_ =	shalt  }
0x45: {  	_ =	shalt  }
0x46: {  	_ =	shalt  }
0x47: {  	_ =	shalt  }
0x48: {  	_ =	shalt  }
0x49: {  	_ =	shalt  }
0x4a: {  	_ =	shalt  }
0x4b: {  	_ =	shalt  }
0x4c: {  	_ =	shalt  }
0x4d: {  	_ =	shalt  }
0x4e: {  	_ =	shalt  }
0x4f: {  	_ =	shalt  }
0x50: {  	_ =	shalt  }
0x51: {  	_ =	shalt  }
0x52: {  	_ =	shalt  }
0x53: {  	_ =	shalt  }
0x54: {  	_ =	shalt  }
0x55: {  	_ =	shalt  }
0x56: {  	_ =	shalt  }
0x57: {  	_ =	shalt  }
0x58: {  	_ =	shalt  }
0x59: {  	_ =	shalt  }
0x5a: {  	_ =	shalt  }
0x5b: {  	_ =	shalt  }
0x5c: {  	_ =	shalt  }
0x5d: {  	_ =	shalt  }
0x5e: {  	_ =	shalt  }
0x5f: {  	_ =	shalt  }
0x60: {  	_ =	shalt  }
0x61: {  	_ =	shalt  }
0x62: {  	_ =	shalt  }
0x63: {  	_ =	shalt  }
0x64: {  	_ =	shalt  }
0x65: {  	_ =	shalt  }
0x66: {  	_ =	shalt  }
0x67: {  	_ =	shalt  }
0x68: {  	_ =	shalt  }
0x69: {  	_ =	shalt  }
0x6a: {  	_ =	shalt  }
0x6b: {  	_ =	shalt  }
0x6c: {  	_ =	shalt  }
0x6d: {  	_ =	shalt  }
0x6e: {  	_ =	shalt  }
0x6f: {  	_ =	shalt  }
0x70: {  	_ =	shalt  }
0x71: {  	_ =	shalt  }
0x72: {  	_ =	shalt  }
0x73: {  	_ =	shalt  }
0x74: {  	_ =	shalt  }
0x75: {  	_ =	shalt  }
0x76: {  	_ =	shalt  }
0x77: {  	_ =	shalt  }
0x78: {  	_ =	shalt  }
0x79: {  	_ =	shalt  }
0x7a: {  	_ =	shalt  }
0x7b: {  	_ =	shalt  }
0x7c: {  	_ =	shalt  }
0x7d: {  	_ =	shalt  }
0x7e: {  	_ =	shalt  }
0x7f: {  	_ =	shalt  }
0x80: {  	_ =	shalt  }
0x81: {  	_ =	shalt  }
0x82: {  	_ =	shalt  }
0x83: {  	_ =	shalt  }
0x84: {  	_ =	shalt  }
0x85: {  	_ =	shalt  }
0x86: {  	_ =	shalt  }
0x87: {  	_ =	shalt  }
.Lfunc_end0:
.L_simem_size_0:
called_computation_lowered:
.L_overlay_start_0:
0x88: {  	s2 =	sld [smem:$0x3FD9]  }
0x89: {  	s3 =	sld [smem:$0x3FFE];
	_ =	sdelay $0x1  }
0x8a: {  	s1 =	srdreg.scid  }
0x8b: {  	s0 =	sand.u32 $0x1, s1  }
0x8c: {  	s17 =	sshll.u32 s0, $0xA;
	s2 =	sadd.s32 s3, s2  }
0x8d: {  	s2 =	sadd.s32 s2, s17  }
0x8e: {  	[smem:$0x3FC1] =	sst s2  }
0x8f: {  	_ = 	snop  }
0x90: {  	s2 =	sld [smem:$0x3FC9]  }
0x91: {  	s18 =	sld [smem:$0x3FC7]  }
0x92: {  	s4 =	sld [smem:$0x3FD0];
	(tm) =	ssettm $0x1  }
0x93: {  	s5 =	sld [smem:$0x3FFB];
	_ =	sdelay $0x3  }
0x94: {  	_ =	strace s5  }
0x95: {  	s5 =	sld [smem:$0x3FFC];
	_ =	sdelay $0x3  }
0x96: {  	_ =	strace s5  }
0x97: {  	s5 =	sld [smem:$0x3FFD];
	_ =	sdelay $0x3  }
0x98: {  	_ =	strace s5  }
0x99: {  	_ =	strace $0x8FFFFFFF  }
0x9a: {  	s19 =	sld [smem:$0x3FDB];
	_ =	sdelay $0x1  }
0x9b: {  	s6 =	simm.s32 $_scs_section_size  }
0x9c: {  	s7 =	simm.s32 $_size__tile_overlayer_lowered;
	s8 =	simm.s32 $_tile_overlayer_lowered  }
0x9d: {  	s22 =	simm.s32 $0x1BFF;
	s21 =	sshll.u32 s8, $0x1;
	s5 =	sadd.s32 s6, s19  }
0x9e: {  	s9 =	simm.s32 $0x0;
	s20 =	sshll.u32 s7, $0x1;
	s7 =	sadd.s32 s21, s5  }
0x9f: {  	[timem:s9], [sflag:s22] =	dma.local [hbm:s7], s20  }
0xa0: {  	_ =	swait.ge [sflag:s22], s20  }
0xa1: {  	s6 =	ssub.s32 $0x0, s20;
	[sflag:s22] =	ssyncset.done $0x0  }
0xa2: {  	[sflag:s22] =	ssyncadd.s32 s6;
	_ =	sdelay $0x1  }
0xa3: {  	s23 =	simm.s32 $0x1B8B  }
0xa4: {  	_ =	swait.ge [sflag:s23], $0x1  }
0xa5: {  	[sflag:s23] =	ssyncset.done $0x0  }
0xa6: {  	s25 =	simm.s32 $0x1B8E;
	s24 =	sld [smem:$0x3FFE];
	[sflag:s23] =	ssyncadd.s32 $0xFFFFFFFF  }
0xa7: {  	s26 =	simm.s32 $execute0_lowered;
	[smem:$0x3FD2] =	sst s25  }
0xa8: {  	s7 =	sshll.u32 s26, $0x1;
	_ =	strace $0x80000046;
	[dreg:$0x1] =	wrdreg $0xFFFFFFFF  }
0xa9: {  	s28 =	simm.s32 $_size_execute0_lowered;
	s5 =	sadd.s32 s5, s7;
	[dreg:$0x0] =	wrdreg $0x0  }
0xaa: {  	s7 =	sshll.u32 s28, $0x1;
	[dreg:$0x2] =	wrdreg s5  }
0xab: {  	[dreg:$0x3] =	wrdreg s7  }
0xac: {  	[dreg:$0x4] =	wrdreg $0xC0  }
0xad: {  	_ =	task [dreg:s9], $0x5FFFF  }
0xae: {  	[dreg:$0x1] =	wrdreg $0xFFFFFFFF  }
0xaf: {  	[dreg:$0x0] =	wrdreg $0x60  }
0xb0: {  	[dreg:$0x2] =	wrdreg s24  }
0xb1: {  	[dreg:$0x3] =	wrdreg s4  }
0xb2: {  	[dreg:$0x4] =	wrdreg s18  }
0xb3: {  	[dreg:$0x5] =	wrdreg s2  }
0xb4: {  	[dreg:$0x6] =	wrdreg $0xA  }
0xb5: {  	_ =	task.clear_ibuf [dreg:s9], $0x7FFFF;
	_ =	strace $0x90000046  }
0xb6: {  	s29 =	simm.s32 $0xA;
	_ =	strace $0x80000048  }
0xb7: {  	_ =	swait.ge [sflag:s29], $0x1  }
0xb8: {  	[sflag:s29] =	ssyncadd.s32 $0xFFFFFFFF  }
0xb9: {  	_ =	strace $0x90000048  }
0xba: {  	_ =	sfence  }
0xbb: {  	s30 =	sld [smem:$0x0];
	_ =	sdelay $0x2  }
0xbc: {  	s31 =	sshll.u32 s1, $0xD;
	s1 =	sshrl.u32 s1, $0x2  }
0xbd: {  	s3 =	sand.u32 $0x4000, s31;
	s1 =	sadd.s32 s1, s30  }
0xbe: {  	s0 =	sor.u32 s3, s0;
	s1 =	sshll.u32 s1, $0x11  }
0xbf: {  	s0 =	sor.u32 s1, s0  }
0xc0: {  	s0 =	sadd.s32 $0x8F2B, s0  }
0xc1: {  	[sflag:s0] =	ssyncadd.remote.s32 $0x1  }
0xc2: {  	_ =	sfence.sel $0xFFFF  }
0xc3: {  	[dreg:$0x0] =	wrdreg $0xFFFFFFFF;
	(pc) =	sbr.abs _section_cstart, $3  }
0xc4: {  	[dreg:$0x1] =	wrdreg $0xFFFFFFFF  }
0xc5: {  	_ =	task.clear_ibuf [dreg:s9], $0x2FFFF;
	_ =	strace $0x9FFFFFFF  }
0xc6: {  	(tm) =	ssettm $0x7FFFFFFF  }
0xc7: {  	_ =	shalt  }
tec
execute0_lowered:
.L_overlay_start_1:
0x0: {  	(tag) =	ssettag $0x1  }
0x1: {  	s5 =	rddreg [dreg:$0x0]  }
0x2: {  	s6 =	rddreg [dreg:$0x1]  }
0x3: {  	s0 =	srdreg.scid;
	s2 =	rddreg [dreg:$0x2]  }
0x4: {  	s3 =	rddreg [dreg:$0x3];
	s1 =	stileid.u32  }
0x5: {  	s4 =	simm.s32 $0x0;
	s15 =	simm.s32 $0x7F00;
	s16 =	simm.s32 $0x8000  }
0x6: {  	s17 =	simm.s32 $0x5700;
	s18 =	simm.s32 $0x7F80;
	s19 =	simm.s32 $0x8080  }
0x7: {  	s20 =	simm.s32 $0x1;
	s21 =	simm.s32 $0x2;
	s7 =	sand.u32 $0x1, s0  }
0x8: {  	s22 =	simm.s32 $0x8100;
	s23 =	simm.s32 $0x0;
	s8 =	sshll.u32 s7, $0x4  }
0x9: {  	s0 =	rddreg [dreg:$0x4];
	s30 =	smul.u32 $0x177000, s7;
	s8 =	sor.u32 s1, s8  }
0xa: {  	[smem:$0x7FF] =	sst s4;
	s10 =	ssub.s32 $0x2, s7;
	s9 =	smul.u32 $0x1770, s8  }
0xb: {  	s12 =	sadd.s32 $0x12600, s5;
	s11 =	sshrl.u32 s10, $0x1;
	s8 =	smul.u32 $0xBB800, s8  }
0xc: {  	s14 =	smul.u32 $0x17700, s1;
	_ =	strace $0x80000047;
	s10 =	ssub.s32 s10, s11  }
0xd: {  	s11 =	sadd.s32 s30, s12;
	s9 =	sshrl.u32 s9, $0x3;
	s8 =	sshrl.u32 s8, $0x3  }
0xe: {  	s13 =	sadd.s32 s9, s5;
	s6 =	sadd.s32 s6, s9;
	s31 =	sadd.s32 s12, s8  }
0xf: {  	s9 =	smax.u32 s10, $0x1;
	s10 =	sadd.s32 s14, s11;
	s11 =	simm.s32 $0x3  }
0x10: {  	s12 =	simm.s32 $0x1780;
	s14 =	simm.s32 $0x2F00;
	s5 =	sadd.s32 $0x2A00, s13  }
0x11: {  	s7 =	sadd.s32 $0x17200, s31;
	s8 =	sadd.s32 $0xC800, s13;
	s13 =	simm.s32 $0x50  }
.LBB2_1:
0x12: {  	[tilespmem:s4], [sflag:$0x3] =	stream.linear.gather [hbm4b:s5+s4], $0x1770, $0x38;
	[tilespmem:$0x9880] =	vst v63  }
0x13: {  	_ =	swait.ge [sflag:s11], $0x1770  }
0x14: {  	[sflag:s11] =	ssyncset.done $0x0  }
0x15: {  	[sflag:s11] =	ssyncadd.s32 $0xFFFFE890  }
0x16: {  	[tilespmem:s12], [sflag:$0x3] =	stream.linear.gather [hbm4b:s6+s4], $0x1770, $0x38;
	[tilespmem:$0x9880] =	vst v63  }
0x17: {  	_ =	swait.ge [sflag:s11], $0x1770  }
0x18: {  	[sflag:s11] =	ssyncset.done $0x0  }
0x19: {  	[sflag:s11] =	ssyncadd.s32 $0xFFFFE890  }
0x1a: {  	[tilespmem:s14], [sflag:$0x1] =	stream.indirect.gather [hbm4b:s3+s13], $0x80, s12, s13, $0xb8;
	[tilespmem:$0x9880] =	vst v63  }
0x1b: {  	_ = 	snop  }
0x1c: {  	[tilespmem:s15], [sflag:$0x1] =	stream.indirect.gather [hbm4b:s2+s13], $0x1, s4, s13, $0xb8;
	[tilespmem:$0x9880] =	vst v63  }
0x1d: {  	_ = 	snop  }
0x1e: {  	[tilespmem:s16], [sflag:$0x1] =	stream.indirect.gather [hbm4b:s2+s13], $0x1, s12, s13, $0xb8;
	[tilespmem:$0x9880] =	vst v63  }
0x1f: {  	s24 =	simm.s32 $0x17D0  }
0x20: {  	[tilespmem:s17], [sflag:$0x2] =	stream.indirect.gather [hbm4b:s3+s13], $0x80, s24, s13, $0xb8;
	[tilespmem:$0x9880] =	vst v63  }
0x21: {  	s25 =	simm.s32 $0x50  }
0x22: {  	[tilespmem:s18], [sflag:$0x2] =	stream.indirect.gather [hbm4b:s2+s13], $0x1, s25, s13, $0xb8;
	[tilespmem:$0x9880] =	vst v63  }
0x23: {  	_ = 	snop  }
0x24: {  	[tilespmem:s19], [sflag:$0x2] =	stream.indirect.gather [hbm4b:s2+s13], $0x1, s24, s13, $0xb8;
	[tilespmem:$0x9880] =	vst v63  }
0x25: {  	_ =	swait.ge [sflag:s20], $0x2800  }
0x26: {  	[sflag:s20] =	ssyncset.done $0x0  }
0x27: {  	[sflag:s20] =	ssyncadd.s32 $0xFFFFD800  }
0x28: {  	_ =	swait.ge [sflag:s20], $0x50  }
0x29: {  	[sflag:s20] =	ssyncset.done $0x0  }
0x2a: {  	[sflag:s20] =	ssyncadd.s32 $0xFFFFFFB0  }
0x2b: {  	_ =	swait.ge [sflag:s20], $0x50  }
0x2c: {  	[sflag:s20] =	ssyncset.done $0x0  }
0x2d: {  	[sflag:s20] =	ssyncadd.s32 $0xFFFFFFB0  }
0x2e: {  	v0 =	vld [tilespmem:$0x7F00]  }
0x2f: {  	v1 =	vld [tilespmem:$0x8000];
	_ =	sdelay $0x4  }
0x30: {  	v0 =	vsub.f32 v0, v1;
	_ =	sdelay $0x1  }
0x31: {  	s24 =	simm.s32 $0x0;
	v0 =	vand.u32 $0x7FFFFFFF, v0  }
0x32: {  	[tilespmem:s24+$0x8100] =	vst v0  }
0x33: {  	v0 =	vld [tilespmem:$0x7F10]  }
0x34: {  	v1 =	vld [tilespmem:$0x8010];
	_ =	sdelay $0x4  }
0x35: {  	v0 =	vsub.f32 v0, v1;
	_ =	sdelay $0x1  }
0x36: {  	v0 =	vand.u32 $0x7FFFFFFF, v0  }
0x37: {  	[tilespmem:s24+$0x8110] =	vst v0  }
0x38: {  	v0 =	vld [tilespmem:$0x7F20]  }
0x39: {  	v1 =	vld [tilespmem:$0x8020];
	_ =	sdelay $0x4  }
0x3a: {  	v0 =	vsub.f32 v0, v1;
	_ =	sdelay $0x1  }
0x3b: {  	v0 =	vand.u32 $0x7FFFFFFF, v0  }
0x3c: {  	[tilespmem:s24+$0x8120] =	vst v0  }
0x3d: {  	v0 =	vld [tilespmem:$0x7F30]  }
0x3e: {  	v1 =	vld [tilespmem:$0x8030];
	_ =	sdelay $0x4  }
0x3f: {  	v0 =	vsub.f32 v0, v1;
	_ =	sdelay $0x1  }
0x40: {  	v0 =	vand.u32 $0x7FFFFFFF, v0  }
0x41: {  	[tilespmem:s24+$0x8130] =	vst v0  }
0x42: {  	v0 =	vld [tilespmem:$0x7F40]  }
0x43: {  	v1 =	vld [tilespmem:$0x8040];
	_ =	sdelay $0x4  }
0x44: {  	v0 =	vsub.f32 v0, v1;
	_ =	sdelay $0x1  }
0x45: {  	v0 =	vand.u32 $0x7FFFFFFF, v0  }
0x46: {  	[tilespmem:s24+$0x8140] =	vst v0  }
0x47: {  	[hbm4b:s10+s4] =	stream.linear.scatter [tilespmem:s14], [sflag:$0x3], $0x2800, $0x38;
	[tilespmem:$0x9880] =	vst v63  }
0x48: {  	_ =	swait.ge [sflag:s11], $0x2800  }
0x49: {  	[sflag:s11] =	ssyncset.done $0x0  }
0x4a: {  	s30 =	simm.s32 $0x1820;
	[sflag:s11] =	ssyncadd.s32 $0xFFFFD800  }
0x4b: {  	[tilespmem:s14], [sflag:$0x1] =	stream.indirect.gather [hbm4b:s3+s13], $0x80, s30, s13, $0xb8;
	[tilespmem:$0x9880] =	vst v63  }
0x4c: {  	s26 =	simm.s32 $0xA0  }
0x4d: {  	[tilespmem:s15], [sflag:$0x1] =	stream.indirect.gather [hbm4b:s2+s13], $0x1, s26, s13, $0xb8;
	[tilespmem:$0x9880] =	vst v63  }
0x4e: {  	_ = 	snop  }
0x4f: {  	[tilespmem:s16], [sflag:$0x1] =	stream.indirect.gather [hbm4b:s2+s13], $0x1, s30, s13, $0xb8;
	[tilespmem:$0x9880] =	vst v63  }
0x50: {  	_ =	swait.ge [sflag:s21], $0x2800  }
0x51: {  	[sflag:s21] =	ssyncset.done $0x0  }
0x52: {  	[sflag:s21] =	ssyncadd.s32 $0xFFFFD800  }
0x53: {  	_ =	swait.ge [sflag:s21], $0x50  }
0x54: {  	[sflag:s21] =	ssyncset.done $0x0  }
0x55: {  	[sflag:s21] =	ssyncadd.s32 $0xFFFFFFB0  }
0x56: {  	_ =	swait.ge [sflag:s21], $0x50  }
0x57: {  	[sflag:s21] =	ssyncset.done $0x0  }
0x58: {  	[sflag:s21] =	ssyncadd.s32 $0xFFFFFFB0  }
0x59: {  	v0 =	vld [tilespmem:$0x7F80]  }
0x5a: {  	v1 =	vld [tilespmem:$0x8080];
	_ =	sdelay $0x4  }
0x5b: {  	v0 =	vsub.f32 v0, v1;
	_ =	sdelay $0x1  }
0x5c: {  	v0 =	vand.u32 $0x7FFFFFFF, v0  }
0x5d: {  	[tilespmem:s24+$0x8150] =	vst v0  }
0x5e: {  	v0 =	vld [tilespmem:$0x7F90]  }
0x5f: {  	v1 =	vld [tilespmem:$0x8090];
	_ =	sdelay $0x4  }
0x60: {  	v0 =	vsub.f32 v0, v1;
	_ =	sdelay $0x1  }
0x61: {  	v0 =	vand.u32 $0x7FFFFFFF, v0  }
0x62: {  	[tilespmem:s24+$0x8160] =	vst v0  }
0x63: {  	v0 =	vld [tilespmem:$0x7FA0]  }
0x64: {  	v1 =	vld [tilespmem:$0x80A0];
	_ =	sdelay $0x4  }
0x65: {  	v0 =	vsub.f32 v0, v1;
	_ =	sdelay $0x1  }
0x66: {  	v0 =	vand.u32 $0x7FFFFFFF, v0  }
0x67: {  	[tilespmem:s24+$0x8170] =	vst v0  }
0x68: {  	v0 =	vld [tilespmem:$0x7FB0]  }
0x69: {  	v1 =	vld [tilespmem:$0x80B0];
	_ =	sdelay $0x4  }
0x6a: {  	v0 =	vsub.f32 v0, v1;
	_ =	sdelay $0x1  }
0x6b: {  	s31 =	sand.u32 $0x3FE0, s4;
	v0 =	vand.u32 $0x7FFFFFFF, v0  }
0x6c: {  	[tilespmem:s31+$0x8180] =	vst v0  }
0x6d: {  	s29 =	sadd.s32 $0x500, s10;
	v0 =	vld [tilespmem:$0x7FC0]  }
0x6e: {  	s28 =	simm.s32 $0x0;
	s25 =	simm.s32 $0x280;
	s26 =	smov.u32 s10;
	v1 =	vld [tilespmem:$0x80C0]  }
.LBB2_2:
0x6f: {  	_ = 	snop  }
0x70: {  	p0 =	sne.s32 s25, $0x5A00;
	s26 =	sadd.s32 $0xA00, s26;
	s28 =	sadd.s32 $0xA0, s28  }
0x71: {  	s30 =	smov.u32 s25;
	s25 =	sadd.s32 $0x280, s25;
	_ =	sdelay $0x1  }
0x72: {  	v0 =	vsub.f32 v0, v1;
	_ =	sdelay $0x1  }
0x73: {  	v0 =	vand.u32 $0x7FFFFFFF, v0  }
0x74: {  	[tilespmem:s24+$0x8190] =	vst v0  }
0x75: {  	[hbm4b:s29+s4] =	stream.linear.scatter [tilespmem:s17], [sflag:$0x3], $0x2800, $0x38;
	[tilespmem:$0x9880] =	vst v63  }
0x76: {  	_ =	swait.ge [sflag:s11], $0x2800  }
0x77: {  	s24 =	sshra.s32 s30, $0x2;
	[sflag:s11] =	ssyncset.done $0x0  }
0x78: {  	s29 =	sadd.s32 $0x17D0, s24;
	[sflag:s11] =	ssyncadd.s32 $0xFFFFD800  }
0x79: {  	[tilespmem:s17], [sflag:$0x2] =	stream.indirect.gather [hbm4b:s3+s13], $0x80, s29, s13, $0xb8;
	[tilespmem:$0x9880] =	vst v63  }
0x7a: {  	s30 =	sadd.s32 $0x50, s24  }
0x7b: {  	[tilespmem:s18], [sflag:$0x2] =	stream.indirect.gather [hbm4b:s2+s13], $0x1, s30, s13, $0xb8;
	[tilespmem:$0x9880] =	vst v63  }
0x7c: {  	_ = 	snop  }
0x7d: {  	[tilespmem:s19], [sflag:$0x2] =	stream.indirect.gather [hbm4b:s2+s13], $0x1, s29, s13, $0xb8;
	[tilespmem:$0x9880] =	vst v63  }
0x7e: {  	_ =	swait.ge [sflag:s20], $0x2800  }
0x7f: {  	[sflag:s20] =	ssyncset.done $0x0  }
0x80: {  	[sflag:s20] =	ssyncadd.s32 $0xFFFFD800  }
0x81: {  	_ =	swait.ge [sflag:s20], $0x50  }
0x82: {  	[sflag:s20] =	ssyncset.done $0x0  }
0x83: {  	[sflag:s20] =	ssyncadd.s32 $0xFFFFFFB0  }
0x84: {  	_ =	swait.ge [sflag:s20], $0x50  }
0x85: {  	[sflag:s20] =	ssyncset.done $0x0  }
0x86: {  	[sflag:s20] =	ssyncadd.s32 $0xFFFFFFB0  }
0x87: {  	v0 =	vld [tilespmem:$0x7F00]  }
0x88: {  	v1 =	vld [tilespmem:$0x8000];
	_ =	sdelay $0x4  }
0x89: {  	v0 =	vsub.f32 v0, v1;
	_ =	sdelay $0x1  }
0x8a: {  	v0 =	vand.u32 $0x7FFFFFFF, v0  }
0x8b: {  	[tilespmem:s24+$0x8100] =	vst v0  }
0x8c: {  	v0 =	vld [tilespmem:$0x7F10]  }
0x8d: {  	v1 =	vld [tilespmem:$0x8010];
	_ =	sdelay $0x4  }
0x8e: {  	v0 =	vsub.f32 v0, v1;
	_ =	sdelay $0x1  }
0x8f: {  	v0 =	vand.u32 $0x7FFFFFFF, v0  }
0x90: {  	[tilespmem:s24+$0x8110] =	vst v0  }
0x91: {  	v0 =	vld [tilespmem:$0x7F20]  }
0x92: {  	v1 =	vld [tilespmem:$0x8020];
	_ =	sdelay $0x4  }
0x93: {  	v0 =	vsub.f32 v0, v1;
	_ =	sdelay $0x1  }
0x94: {  	v0 =	vand.u32 $0x7FFFFFFF, v0  }
0x95: {  	[tilespmem:s24+$0x8120] =	vst v0  }
0x96: {  	v0 =	vld [tilespmem:$0x7F30]  }
0x97: {  	v1 =	vld [tilespmem:$0x8030];
	_ =	sdelay $0x4  }
0x98: {  	v0 =	vsub.f32 v0, v1;
	_ =	sdelay $0x1  }
0x99: {  	v0 =	vand.u32 $0x7FFFFFFF, v0  }
0x9a: {  	[tilespmem:s24+$0x8130] =	vst v0  }
0x9b: {  	v0 =	vld [tilespmem:$0x7F40]  }
0x9c: {  	v1 =	vld [tilespmem:$0x8040];
	_ =	sdelay $0x4  }
0x9d: {  	v0 =	vsub.f32 v0, v1;
	_ =	sdelay $0x1  }
0x9e: {  	s29 =	sadd.s32 $0x1820, s24;
	v0 =	vand.u32 $0x7FFFFFFF, v0  }
0x9f: {  	s30 =	sadd.s32 $0xA0, s24;
	[tilespmem:s24+$0x8140] =	vst v0  }
0xa0: {  	[hbm4b:s26+s4] =	stream.linear.scatter [tilespmem:s14], [sflag:$0x3], $0x2800, $0x38;
	[tilespmem:$0x9880] =	vst v63  }
0xa1: {  	_ =	swait.ge [sflag:s11], $0x2800  }
0xa2: {  	[sflag:s11] =	ssyncset.done $0x0  }
0xa3: {  	[sflag:s11] =	ssyncadd.s32 $0xFFFFD800  }
0xa4: {  	[tilespmem:s14], [sflag:$0x1] =	stream.indirect.gather [hbm4b:s3+s13], $0x80, s29, s13, $0xb8;
	[tilespmem:$0x9880] =	vst v63  }
0xa5: {  	_ = 	snop  }
0xa6: {  	[tilespmem:s15], [sflag:$0x1] =	stream.indirect.gather [hbm4b:s2+s13], $0x1, s30, s13, $0xb8;
	[tilespmem:$0x9880] =	vst v63  }
0xa7: {  	_ = 	snop  }
0xa8: {  	[tilespmem:s16], [sflag:$0x1] =	stream.indirect.gather [hbm4b:s2+s13], $0x1, s29, s13, $0xb8;
	[tilespmem:$0x9880] =	vst v63  }
0xa9: {  	_ =	swait.ge [sflag:s21], $0x2800  }
0xaa: {  	[sflag:s21] =	ssyncset.done $0x0  }
0xab: {  	[sflag:s21] =	ssyncadd.s32 $0xFFFFD800  }
0xac: {  	_ =	swait.ge [sflag:s21], $0x50  }
0xad: {  	[sflag:s21] =	ssyncset.done $0x0  }
0xae: {  	[sflag:s21] =	ssyncadd.s32 $0xFFFFFFB0  }
0xaf: {  	_ =	swait.ge [sflag:s21], $0x50  }
0xb0: {  	[sflag:s21] =	ssyncset.done $0x0  }
0xb1: {  	[sflag:s21] =	ssyncadd.s32 $0xFFFFFFB0  }
0xb2: {  	v0 =	vld [tilespmem:$0x7F80]  }
0xb3: {  	v1 =	vld [tilespmem:$0x8080];
	_ =	sdelay $0x4  }
0xb4: {  	v0 =	vsub.f32 v0, v1;
	_ =	sdelay $0x1  }
0xb5: {  	v0 =	vand.u32 $0x7FFFFFFF, v0  }
0xb6: {  	[tilespmem:s24+$0x8150] =	vst v0  }
0xb7: {  	v0 =	vld [tilespmem:$0x7F90]  }
0xb8: {  	v1 =	vld [tilespmem:$0x8090];
	_ =	sdelay $0x4  }
0xb9: {  	v0 =	vsub.f32 v0, v1;
	_ =	sdelay $0x1  }
0xba: {  	v0 =	vand.u32 $0x7FFFFFFF, v0  }
0xbb: {  	[tilespmem:s24+$0x8160] =	vst v0  }
0xbc: {  	v0 =	vld [tilespmem:$0x7FA0]  }
0xbd: {  	v1 =	vld [tilespmem:$0x80A0];
	_ =	sdelay $0x4  }
0xbe: {  	v0 =	vsub.f32 v0, v1;
	_ =	sdelay $0x1  }
0xbf: {  	v0 =	vand.u32 $0x7FFFFFFF, v0  }
0xc0: {  	s29 =	sand.u32 $0x3FE0, s28;
	[tilespmem:s24+$0x8170] =	vst v0  }
0xc1: {  	v0 =	vld [tilespmem:$0x7FB0]  }
0xc2: {  	v1 =	vld [tilespmem:$0x80B0];
	_ =	sdelay $0x4  }
0xc3: {  	v0 =	vsub.f32 v0, v1  }
.Ltmp0:
0xc4: {  	(pc) =	sbr.rel @p0 .LBB2_2-.Ltmp0, $4  }
0xc5: {  	v0 =	vand.u32 $0x7FFFFFFF, v0  }
0xc6: {  	[tilespmem:s29+$0x8180] =	vst v0;
	s29 =	sadd.s32 $0x500, s26  }
0xc7: {  	v0 =	vld [tilespmem:$0x7FC0]  }
0xc8: {  	v1 =	vld [tilespmem:$0x80C0]  }
0xc9: {  	_ =	sdelay $0x3  }
0xca: {  	v0 =	vsub.f32 v0, v1;
	_ =	sdelay $0x1  }
0xcb: {  	v0 =	vand.u32 $0x7FFFFFFF, v0  }
0xcc: {  	[tilespmem:s24+$0x8190] =	vst v0  }
0xcd: {  	[hbm4b:s29+s4] =	stream.linear.scatter [tilespmem:s17], [sflag:$0x3], $0x2800, $0x38;
	[tilespmem:$0x9880] =	vst v63  }
0xce: {  	_ =	swait.ge [sflag:s11], $0x2800  }
0xcf: {  	[sflag:s11] =	ssyncset.done $0x0  }
0xd0: {  	[sflag:s11] =	ssyncadd.s32 $0xFFFFD800  }
0xd1: {  	_ =	swait.ge [sflag:s20], $0x2800  }
0xd2: {  	[sflag:s20] =	ssyncset.done $0x0  }
0xd3: {  	[sflag:s20] =	ssyncadd.s32 $0xFFFFD800  }
0xd4: {  	_ =	swait.ge [sflag:s20], $0x50  }
0xd5: {  	[sflag:s20] =	ssyncset.done $0x0  }
0xd6: {  	[sflag:s20] =	ssyncadd.s32 $0xFFFFFFB0  }
0xd7: {  	_ =	swait.ge [sflag:s20], $0x50  }
0xd8: {  	[sflag:s20] =	ssyncset.done $0x0  }
0xd9: {  	[sflag:s20] =	ssyncadd.s32 $0xFFFFFFB0  }
0xda: {  	v57 =	vld [tilespmem:$0x7F00]  }
0xdb: {  	v58 =	vld [tilespmem:$0x8000]  }
0xdc: {  	v2 =	vld [tilespmem:$0x7F10]  }
0xdd: {  	v3 =	vld [tilespmem:$0x8010]  }
0xde: {  	v4 =	vld [tilespmem:$0x7F20]  }
0xdf: {  	v5 =	vld [tilespmem:$0x8020]  }
0xe0: {  	v6 =	vld [tilespmem:$0x7F30]  }
0xe1: {  	v8 =	vld [tilespmem:$0x7F40]  }
0xe2: {  	v9 =	vld [tilespmem:$0x8040]  }
0xe3: {  	v7 =	vld [tilespmem:$0x8030]  }
0xe4: {  	v0 =	vsub.f32 v57, v58  }
0xe5: {  	v59 =	vsub.f32 v2, v3  }
0xe6: {  	v60 =	vsub.f32 v4, v5;
	v0 =	vand.u32 $0x7FFFFFFF, v0  }
0xe7: {  	v62 =	vsub.f32 v8, v9;
	v1 =	vand.u32 $0x7FFFFFFF, v59;
	[tilespmem:$0x9820] =	vst v0  }
0xe8: {  	v61 =	vsub.f32 v6, v7;
	v2 =	vand.u32 $0x7FFFFFFF, v60;
	[tilespmem:$0x9830] =	vst v1  }
0xe9: {  	v63 =	vand.u32 $0x7FFFFFFF, v62;
	[tilespmem:$0x9840] =	vst v2  }
0xea: {  	v0 =	vand.u32 $0x7FFFFFFF, v61;
	[tilespmem:$0x9860] =	vst v63  }
0xeb: {  	[tilespmem:$0x9850] =	vst v0  }
0xec: {  	[hbm4b:s7+s4] =	stream.linear.scatter [tilespmem:s14], [sflag:$0x3], $0x2800, $0x38;
	[tilespmem:$0x9880] =	vst v63  }
0xed: {  	s23 =	sadd.s32 $0x1, s23;
	_ =	swait.ge [sflag:s11], $0x2800  }
0xee: {  	p0 =	sne.s32 s23, s9;
	[sflag:s11] =	ssyncset.done $0x0  }
.Ltmp1:
0xef: {  	[sflag:s11] =	ssyncadd.s32 $0xFFFFD800;
	(pc) =	sbr.rel @p0 .LBB2_1-.Ltmp1, $4  }
0xf0: {  	[hbm4b:s8+s4] =	stream.linear.scatter [tilespmem:s22], [sflag:$0x3], $0x1770, $0x38;
	[tilespmem:$0x9880] =	vst v63  }
0xf1: {  	_ =	swait.ge [sflag:s11], $0x1770  }
0xf2: {  	[sflag:s11] =	ssyncset.done $0x0  }
0xf3: {  	[sflag:s11] =	ssyncadd.s32 $0xFFFFE890  }
0xf4: {  	_ =	sfence.sel $0x180000  }
0xf5: {  	[bflag:$0x0] =	sbarrier.arrive $0xFFFF  }
0xf6: {  	p0 =	sne.s32 s1, $0x0;
	_ =	strace $0x90000047  }
0xf7: {  	s0 =	sadd.s32 @!p0 $0x100000, s0;
	[bflag:$0x2] =	sbarrier.arrive $0xFFFF  }
0xf8: {  	[sflag:s0] =	ssyncadd.tile.s32 @!p0 $0x1;
	_ =	shalt  }
.Lfunc_end2:
_tile_overlayer_lowered:
.L_overlay_start_2:
0xf9: {  	(tag) =	ssettag $0x2  }
0xfa: {  	s0 =	rddreg [dreg:$0x0];
	s2 =	stileid.u32  }
0xfb: {  	s1 =	rddreg [dreg:$0x1];
	p0 =	sne.s32 s2, $0x0  }
0xfc: {  	s3 =	rddreg [dreg:$0x2];
	[bflag:$0x3] =	sbarrier.arrive $0xFFFF;
	s2 =	simm.s32 @!p0 $0x1C03  }
0xfd: {  	[timem:s3], [sflag:s2] =	dma.local @!p0 [hbm:s0], s1  }
0xfe: {  	s0 =	simm.s32 @!p0 $0x3  }
0xff: {  	_ =	swait.ge @!p0 [sflag:s0], s1  }
0x100: {  	s1 =	ssub.s32 @!p0 $0x0, s1;
	[sflag:s0] =	ssyncset.done @!p0 $0x0  }
0x101: {  	[sflag:s0] =	ssyncadd.s32 @!p0 s1  }
0x102: {  	[bflag:$0x3] =	sbarrier.arrive $0xFFFF  }
0x103: {  	_ =	shalt  }

</sc_bundles>
